<compile_context>
chip_gen: v7x
topology: tpu7x:2x2x1
jax: 0.10.2.dev20260603
libtpu: 0.0.44.dev20260713+nightly
codegen_flags: <defaults>
</compile_context>

<pallas_src>
import functools

import jax
import jax.numpy as jnp
from jax import lax
from jax.experimental import pallas as pl
from jax.experimental.pallas import tpu as pltpu
from jax.experimental.pallas import tpu_sc as plsc

_K = 64
_N = 32768
_ROWS = 128
_TC_ROWS = 112
_R = 16
_W = 512
_NS = _N // _W
_MAXIT = 16

_NV = _N // 16
_CAP = 2048
_SC_ROWS = _ROWS - _TC_ROWS



def _enc(f):
    bi = lax.bitcast_convert_type(f, jnp.int32)
    return jnp.where(bi >= 0, bi, jnp.int32(-2147483648) - bi)


def _dec(e):
    bi = jnp.where(e >= 0, e, jnp.int32(-2147483648) - e)
    return lax.bitcast_convert_type(bi, jnp.float32)


def _pass(x_ref, cand, need_mlt=True):
    inf = jnp.float32(jnp.inf)
    xs = x_ref[:, 0:_W]
    km = xs >= cand
    acc_c = km.astype(jnp.int32)
    acc_mn = jnp.where(km, xs, inf)
    acc_mx = jnp.where(km, -inf, xs) if need_mlt else None
    for k in range(1, _NS):
        xs = x_ref[:, k * _W:(k + 1) * _W]
        km = xs >= cand
        acc_c = acc_c + km.astype(jnp.int32)
        acc_mn = jnp.minimum(acc_mn, jnp.where(km, xs, inf))
        if need_mlt:
            acc_mx = jnp.maximum(acc_mx, jnp.where(km, -inf, xs))
    c = jnp.sum(acc_c, axis=1, keepdims=True)
    smin = jnp.min(acc_mn, axis=1, keepdims=True)
    mlt = (jnp.max(acc_mx, axis=1, keepdims=True) if need_mlt
           else jnp.zeros_like(smin))
    return c, smin, mlt


def _topk_mask_block(x_ref, o_ref):
    m = x_ref[:, 0:_W]
    for k in range(1, _NS):
        m = jnp.maximum(m, x_ref[:, k * _W:(k + 1) * _W])
    g = m[:, 0:64]
    for k in range(1, 8):
        g = jnp.maximum(g, m[:, k * 64:(k + 1) * 64])
    lo0 = jnp.min(g, axis=1, keepdims=True)
    hi = _dec(_enc(jnp.max(g, axis=1, keepdims=True)) + 1)

    c0, smin0, _ = _pass(x_ref, lo0, need_mlt=False)
    lo = smin0
    clo = c0
    l1 = jnp.log2(c0.astype(jnp.float32))
    v1 = smin0
    v0 = hi
    l0 = jnp.full((_R, 1), -1.0, dtype=jnp.float32)

    def _open(lo, hi, clo):
        return (_enc(hi) - _enc(lo) > 1) & (clo != _K)

    def cond(st):
        i, lo, hi, clo, v1, l1, v0, l0 = st
        return (i < _MAXIT) & jnp.any(_open(lo, hi, clo))

    def body(st):
        i, lo, hi, clo, v1, l1, v0, l0 = st
        is_open = _open(lo, hi, clo)
        el, eh = _enc(lo), _enc(hi)
        denom = l0 - l1
        degen = (jnp.abs(denom) < 1e-6) | (v0 == v1)
        cand_sec = v1 + (6.0 - l1) * (v0 - v1) / jnp.where(degen, 1.0, denom)
        ce = jnp.where(degen, el + (eh - el) // 2, _enc(cand_sec))
        ce = jnp.minimum(jnp.maximum(ce, el + 1), eh - 1)
        cand = _dec(ce)

        c, smin, mlt = _pass(x_ref, cand)
        lc = jnp.log2(jnp.maximum(c.astype(jnp.float32), 0.5))
        ge = is_open & (c >= _K)
        lt = is_open & (c < _K)
        lo = jnp.where(ge, smin, lo)
        clo = jnp.where(ge, c, clo)
        hi = jnp.where(lt, _dec(_enc(mlt) + 1), hi)
        newv = jnp.where(ge, smin, mlt)
        newl = jnp.where(ge, lc, jnp.log2((c + 1).astype(jnp.float32)))
        v0 = jnp.where(is_open, v1, v0)
        l0 = jnp.where(is_open, l1, l0)
        v1 = jnp.where(is_open, newv, v1)
        l1 = jnp.where(is_open, newl, l1)
        return i + 1, lo, hi, clo, v1, l1, v0, l0

    _, lo, hi, clo, v1, l1, v0, l0 = lax.while_loop(
        cond, body, (jnp.int32(0), lo, hi, clo, v1, l1, v0, l0))

    x = x_ref[...]
    o_ref[...] = jnp.where(x >= lo, x, jnp.float32(0.0))


def _tc_call(x):
    return pl.pallas_call(
        _topk_mask_block,
        grid=(_TC_ROWS // _R,),
        in_specs=[pl.BlockSpec((_R, _N), lambda i: (i, 0))],
        out_specs=pl.BlockSpec((_R, _N), lambda i: (i, 0)),
        out_shape=jax.ShapeDtypeStruct((_ROWS, _N), jnp.float32),
    )(x)



def _scal_max(v):
    s = v[0]
    for i in range(1, 16):
        s = jnp.maximum(s, v[i])
    return s


def _scal_min(v):
    s = v[0]
    for i in range(1, 16):
        s = jnp.minimum(s, v[i])
    return s


def _log2_approx(c):
    fl = lax.bitcast_convert_type(c.astype(jnp.float32), jnp.int32)
    return (fl - 0x3F800000).astype(jnp.float32) * jnp.float32(1.0 / (1 << 23))


def _recip(d):
    s = jnp.where(d < 0, jnp.float32(-1.0), jnp.float32(1.0))
    a = jnp.abs(d)
    r = lax.bitcast_convert_type(
        jnp.int32(0x7EF311C3) - lax.bitcast_convert_type(a, jnp.int32),
        jnp.float32)
    r = r * (2.0 - a * r)
    r = r * (2.0 - a * r)
    return s * r


def _sc_row(x_hbm, o_hbm, row_v, cand_v, sid):
    pltpu.sync_copy(x_hbm.at[_TC_ROWS + sid], row_v)

    ninf = jnp.full((16,), -jnp.inf, jnp.float32)

    def body_a(j, ms):
        m0, m1, m2, m3 = ms
        b = j * 64
        m0 = jnp.maximum(m0, row_v[pl.ds(b, 16)])
        m1 = jnp.maximum(m1, row_v[pl.ds(b + 16, 16)])
        m2 = jnp.maximum(m2, row_v[pl.ds(b + 32, 16)])
        m3 = jnp.maximum(m3, row_v[pl.ds(b + 48, 16)])
        return m0, m1, m2, m3

    m0, m1, m2, m3 = lax.fori_loop(0, _NV // 4, body_a,
                                   (ninf, ninf, ninf, ninf), unroll=4)
    mm = jnp.minimum(jnp.minimum(m0, m1), jnp.minimum(m2, m3))
    mx = jnp.maximum(jnp.maximum(m0, m1), jnp.maximum(m2, m3))
    lo0 = _scal_min(mm)
    hi0 = _dec(_enc(_scal_max(mx)) + 1)

    def body_clr(j, _):
        cand_v[pl.ds(j * 16, 16)] = ninf
        return 0

    lax.fori_loop(0, _CAP // 16, body_clr, 0, unroll=8)

    lo0_splat = jnp.full((16,), lo0, jnp.float32)

    def body_b(j, ptr):
        v = row_v[pl.ds(j * 16, 16)]
        msk = v >= lo0_splat
        pc = plsc.all_reduce_population_count(msk)
        plsc.store_compressed(
            cand_v.at[pl.ds(jnp.minimum(ptr, _CAP - 16), 16)], v, mask=msk)
        return ptr + pc[0]

    n0 = lax.fori_loop(0, _NV, body_b, jnp.int32(0), unroll=8)

    def count_pass(cand):
        cs = jnp.full((16,), cand, jnp.float32)
        inf = jnp.full((16,), jnp.inf, jnp.float32)

        def body_c(j, st):
            acc, mn, mxx = st
            v = cand_v[pl.ds(j * 16, 16)]
            km = v >= cs
            acc = acc + plsc.all_reduce_population_count(km)
            mn = jnp.minimum(mn, jnp.where(km, v, inf))
            mxx = jnp.maximum(mxx, jnp.where(km, -inf, v))
            return acc, mn, mxx

        acc, mn, mxx = lax.fori_loop(
            0, _CAP // 16, body_c,
            (jnp.zeros((16,), jnp.int32), inf, -inf), unroll=8)
        return acc[0], _scal_min(mn), _scal_max(mxx)

    def cond(st):
        it, lo, hi, clo, v1, l1, v0, l0 = st
        return ((_enc(hi) - _enc(lo) > 1) & (clo != _K) & (it < 16))

    def body_w(st):
        it, lo, hi, clo, v1, l1, v0, l0 = st
        denom = l0 - l1
        degen = (jnp.abs(denom) < 1e-6) | (v0 == v1)
        cand = v1 + (6.0 - l1) * (v0 - v1) * _recip(
            jnp.where(degen, 1.0, denom))
        el, eh = _enc(lo), _enc(hi)
        ce = jnp.where(degen, el + ((eh - el) >> 1), _enc(cand))
        ce = jnp.minimum(jnp.maximum(ce, el + 1), eh - 1)
        cand = _dec(ce)
        c, smin, mlt = count_pass(cand)
        lc = _log2_approx(jnp.maximum(c, 1))
        ge = c >= _K
        lo = jnp.where(ge, smin, lo)
        clo = jnp.where(ge, c, clo)
        hi = jnp.where(ge, hi, _dec(_enc(mlt) + 1))
        newv = jnp.where(ge, smin, mlt)
        newl = jnp.where(ge, lc, _log2_approx(c + 1))
        return it + 1, lo, hi, clo, newv, newl, v1, l1

    st0 = (jnp.int32(0), lo0, hi0, n0, lo0,
           _log2_approx(jnp.maximum(n0, 1)), hi0, jnp.float32(-1.0))
    _, t, _, _, _, _, _, _ = lax.while_loop(cond, body_w, st0)

    ts = jnp.full((16,), t, jnp.float32)
    zero = jnp.zeros((16,), jnp.float32)

    def body_d(j, _):
        v = row_v[pl.ds(j * 16, 16)]
        row_v[pl.ds(j * 16, 16)] = jnp.where(v >= ts, v, zero)
        return 0

    lax.fori_loop(0, _NV, body_d, 0, unroll=8)
    pltpu.sync_copy(row_v, o_hbm.at[sid])


def _sc_body(x_hbm, o_hbm, row_v, cand_v):
    cid = lax.axis_index("c")
    sid = lax.axis_index("s")

    @pl.when(cid == 0)
    def _():
        _sc_row(x_hbm, o_hbm, row_v, cand_v, sid)


def _sc_call(x):
    mesh = plsc.VectorSubcoreMesh(core_axis_name="c", subcore_axis_name="s")
    k = functools.partial(
        pl.kernel,
        mesh=mesh,
        out_type=jax.ShapeDtypeStruct((_SC_ROWS, _N), jnp.float32),
        scratch_types=[
            pltpu.VMEM((_N,), jnp.float32),
            pltpu.VMEM((_CAP,), jnp.float32),
        ],
        compiler_params=pltpu.CompilerParams(needs_layout_passes=False),
    )(_sc_body)
    return k(x)


def kernel(x):
    sc_part = _sc_call(x)
    out = _tc_call(x)
    return lax.dynamic_update_slice(out, sc_part, (_TC_ROWS, 0))

# --- scband reference (transcript-rebuilt; emitter-appended) ---
"""Pipeline reference for scband-top-kactivation-14577119002704 (READ-ONLY COPY).

The authoritative reference and input builder live on the scoring server;
editing this copy changes nothing except your own understanding.
"""

import jax, jax.numpy as jnp
import numpy as np

K = 64

def setup_inputs(seed: int = 0) -> dict:
    key = jax.random.key(seed)
    x = jax.random.normal(key, (128, 32768), dtype=jnp.float32)
    return {"x": x}

def reference(x) -> jnp.ndarray:
    # TopK sparsity activation: keep top-k per row, zero the rest.
    topk_values, topk_indices = jax.lax.top_k(x, K)  # [B, K], [B, K]
    rows = jnp.arange(x.shape[0])[:, None]            # [B, 1]
    sparse_x = jnp.zeros_like(x).at[rows, topk_indices].set(topk_values)
    return sparse_x

if __name__ == "__main__":
    import jax
    _d = setup_inputs()
    print(jax.jit(kernel)(*tuple(_d.values())))

</pallas_src>

<mosaic_0001>
#map = affine_map<(d0, d1) -> (0, 0)>
module attributes {stable_mosaic.version = 14 : i64} {
  func.func @_sc_body(%arg0: i32, %arg1: i32, %arg2: memref<128x32768xf32, #tpu.memory_space<hbm>>, %arg3: memref<16x32768xf32, #tpu.memory_space<hbm>>, %arg4: memref<32768xf32, #tpu.memory_space<vmem>>, %arg5: memref<2048xf32, #tpu.memory_space<vmem>>) attributes {dimension_semantics = [#tpu.dimension_semantics<core_parallel>, #tpu.dimension_semantics<subcore_parallel>], iteration_bounds = array<i64: 2, 16>, scalar_prefetch = 0 : i64, scratch_operands = 2 : i64, tpu.core_type = #tpu.core_type<sc_vector_subcore>, window_params = [{transform_indices = #map}, {transform_indices = #map}]} {
    %eq3A = arith.constant 0 : i32
    %eq3A_0 = arith.cmpi eq, %arg0, %eq3A : i32
    %convert_element_type3A = arith.extui %eq3A_0 : i1 to i32
    %cond3A = arith.constant 0 : i32
    %cond3A_1 = arith.cmpi ne, %convert_element_type3A, %cond3A : i32
    scf.if %cond3A_1 {
      %add3A = arith.constant 112 : i32
      %add3A_2 = arith.addi %add3A, %arg1 : i32
      "tpu.region"() ({
        %run_scoped3A = tpu.sem_alloc : memref<!tpu.dma_semaphore, #tpu.memory_space<semaphore_mem>>
        %dma_start3A = arith.constant 0 : i32
        %dma_start3A_150 = tpu.memref_slice %arg2[%add3A_2, %dma_start3A] : memref<128x32768xf32, #tpu.memory_space<hbm>> -> memref<1x32768xf32, #tpu.memory_space<hbm>>
        %dma_start3A_151 = tpu.memref_squeeze %dma_start3A_150 : memref<1x32768xf32, #tpu.memory_space<hbm>> -> memref<32768xf32, #tpu.memory_space<hbm>>
        %dma_start3A_152 = arith.constant 0 : i32
        %dma_start3A_153 = tpu.memref_slice %arg2[%add3A_2, %dma_start3A_152] : memref<128x32768xf32, #tpu.memory_space<hbm>> -> memref<1x32768xf32, #tpu.memory_space<hbm>>
        %dma_start3A_154 = tpu.memref_squeeze %dma_start3A_153 : memref<1x32768xf32, #tpu.memory_space<hbm>> -> memref<32768xf32, #tpu.memory_space<hbm>>
        tpu.enqueue_dma source(%dma_start3A_154 : memref<32768xf32, #tpu.memory_space<hbm>>) target(%arg4 : memref<32768xf32, #tpu.memory_space<vmem>>) target_semaphore(%run_scoped3A : memref<!tpu.dma_semaphore, #tpu.memory_space<semaphore_mem>>)
        %dma_wait3A = arith.constant 0 : i32
        %dma_wait3A_155 = tpu.memref_slice %arg2[%add3A_2, %dma_wait3A] : memref<128x32768xf32, #tpu.memory_space<hbm>> -> memref<1x32768xf32, #tpu.memory_space<hbm>>
        %dma_wait3A_156 = tpu.memref_squeeze %dma_wait3A_155 : memref<1x32768xf32, #tpu.memory_space<hbm>> -> memref<32768xf32, #tpu.memory_space<hbm>>
        %dma_wait3A_157 = arith.constant 0 : i32
        %dma_wait3A_158 = tpu.memref_slice %arg2[%add3A_2, %dma_wait3A_157] : memref<128x32768xf32, #tpu.memory_space<hbm>> -> memref<1x32768xf32, #tpu.memory_space<hbm>>
        %dma_wait3A_159 = tpu.memref_squeeze %dma_wait3A_158 : memref<1x32768xf32, #tpu.memory_space<hbm>> -> memref<32768xf32, #tpu.memory_space<hbm>>
        tpu.wait_dma2 semaphore(%run_scoped3A : memref<!tpu.dma_semaphore, #tpu.memory_space<semaphore_mem>>) src(%dma_wait3A_159 : memref<32768xf32, #tpu.memory_space<hbm>>) dst(%arg4 : memref<32768xf32, #tpu.memory_space<vmem>>)
        tpu.yield
      }) : () -> ()
      %broadcast_in_dim3A = arith.constant 0xFF800000 : f32
      %broadcast_in_dim3A_3 = vector.broadcast %broadcast_in_dim3A : f32 to vector<16xf32>
      %scan3A = arith.constant 0 : i32
      %scan3A_4 = arith.constant 512 : i32
      %scan3A_5 = arith.addi %scan3A, %scan3A_4 : i32
      %scan3A_6 = arith.constant 4 : i32
      %scan3A_7:4 = scf.for %scan3A_150 = %scan3A to %scan3A_5 step %scan3A_6 iter_args(%scan3A_151 = %broadcast_in_dim3A_3, %scan3A_152 = %broadcast_in_dim3A_3, %scan3A_153 = %broadcast_in_dim3A_3, %scan3A_154 = %broadcast_in_dim3A_3) -> (vector<16xf32>, vector<16xf32>, vector<16xf32>, vector<16xf32>)  : i32 {
        %mul3A_155 = arith.constant 64 : i32
        %mul3A_156 = arith.muli %scan3A_150, %mul3A_155 : i32
        %get3A = arith.index_cast %mul3A_156 : i32 to index
        %get3A_157 = tpu.vector_load %arg4[%get3A] {strides = array<i32>} : memref<32768xf32, #tpu.memory_space<vmem>>, vector<16xf32>,
        %max3A_158 = arith.maximumf %scan3A_151, %get3A_157 : vector<16xf32>
        %add3A_159 = arith.constant 16 : i32
        %add3A_160 = arith.addi %mul3A_156, %add3A_159 : i32
        %get3A_161 = arith.index_cast %add3A_160 : i32 to index
        %get3A_162 = tpu.vector_load %arg4[%get3A_161] {strides = array<i32>} : memref<32768xf32, #tpu.memory_space<vmem>>, vector<16xf32>,
        %max3A_163 = arith.maximumf %scan3A_152, %get3A_162 : vector<16xf32>
        %add3A_164 = arith.constant 32 : i32
        %add3A_165 = arith.addi %mul3A_156, %add3A_164 : i32
        %get3A_166 = arith.index_cast %add3A_165 : i32 to index
        %get3A_167 = tpu.vector_load %arg4[%get3A_166] {strides = array<i32>} : memref<32768xf32, #tpu.memory_space<vmem>>, vector<16xf32>,
        %max3A_168 = arith.maximumf %scan3A_153, %get3A_167 : vector<16xf32>
        %add3A_169 = arith.constant 48 : i32
        %add3A_170 = arith.addi %mul3A_156, %add3A_169 : i32
        %get3A_171 = arith.index_cast %add3A_170 : i32 to index
        %get3A_172 = tpu.vector_load %arg4[%get3A_171] {strides = array<i32>} : memref<32768xf32, #tpu.memory_space<vmem>>, vector<16xf32>,
        %max3A_173 = arith.maximumf %scan3A_154, %get3A_172 : vector<16xf32>
        %scan3A_174 = arith.constant 1 : i32
        %scan3A_175 = arith.addi %scan3A_150, %scan3A_174 : i32
        %mul3A_176 = arith.constant 64 : i32
        %mul3A_177 = arith.muli %scan3A_175, %mul3A_176 : i32
        %get3A_178 = arith.index_cast %mul3A_177 : i32 to index
        %get3A_179 = tpu.vector_load %arg4[%get3A_178] {strides = array<i32>} : memref<32768xf32, #tpu.memory_space<vmem>>, vector<16xf32>,
        %max3A_180 = arith.maximumf %max3A_158, %get3A_179 : vector<16xf32>
        %add3A_181 = arith.constant 16 : i32
        %add3A_182 = arith.addi %mul3A_177, %add3A_181 : i32
        %get3A_183 = arith.index_cast %add3A_182 : i32 to index
        %get3A_184 = tpu.vector_load %arg4[%get3A_183] {strides = array<i32>} : memref<32768xf32, #tpu.memory_space<vmem>>, vector<16xf32>,
        %max3A_185 = arith.maximumf %max3A_163, %get3A_184 : vector<16xf32>
        %add3A_186 = arith.constant 32 : i32
        %add3A_187 = arith.addi %mul3A_177, %add3A_186 : i32
        %get3A_188 = arith.index_cast %add3A_187 : i32 to index
        %get3A_189 = tpu.vector_load %arg4[%get3A_188] {strides = array<i32>} : memref<32768xf32, #tpu.memory_space<vmem>>, vector<16xf32>,
        %max3A_190 = arith.maximumf %max3A_168, %get3A_189 : vector<16xf32>
        %add3A_191 = arith.constant 48 : i32
        %add3A_192 = arith.addi %mul3A_177, %add3A_191 : i32
        %get3A_193 = arith.index_cast %add3A_192 : i32 to index
        %get3A_194 = tpu.vector_load %arg4[%get3A_193] {strides = array<i32>} : memref<32768xf32, #tpu.memory_space<vmem>>, vector<16xf32>,
        %max3A_195 = arith.maximumf %max3A_173, %get3A_194 : vector<16xf32>
        %scan3A_196 = arith.constant 2 : i32
        %scan3A_197 = arith.addi %scan3A_150, %scan3A_196 : i32
        %mul3A_198 = arith.constant 64 : i32
        %mul3A_199 = arith.muli %scan3A_197, %mul3A_198 : i32
        %get3A_200 = arith.index_cast %mul3A_199 : i32 to index
        %get3A_201 = tpu.vector_load %arg4[%get3A_200] {strides = array<i32>} : memref<32768xf32, #tpu.memory_space<vmem>>, vector<16xf32>,
        %max3A_202 = arith.maximumf %max3A_180, %get3A_201 : vector<16xf32>
        %add3A_203 = arith.constant 16 : i32
        %add3A_204 = arith.addi %mul3A_199, %add3A_203 : i32
        %get3A_205 = arith.index_cast %add3A_204 : i32 to index
        %get3A_206 = tpu.vector_load %arg4[%get3A_205] {strides = array<i32>} : memref<32768xf32, #tpu.memory_space<vmem>>, vector<16xf32>,
        %max3A_207 = arith.maximumf %max3A_185, %get3A_206 : vector<16xf32>
        %add3A_208 = arith.constant 32 : i32
        %add3A_209 = arith.addi %mul3A_199, %add3A_208 : i32
        %get3A_210 = arith.index_cast %add3A_209 : i32 to index
        %get3A_211 = tpu.vector_load %arg4[%get3A_210] {strides = array<i32>} : memref<32768xf32, #tpu.memory_space<vmem>>, vector<16xf32>,
        %max3A_212 = arith.maximumf %max3A_190, %get3A_211 : vector<16xf32>
        %add3A_213 = arith.constant 48 : i32
        %add3A_214 = arith.addi %mul3A_199, %add3A_213 : i32
        %get3A_215 = arith.index_cast %add3A_214 : i32 to index
        %get3A_216 = tpu.vector_load %arg4[%get3A_215] {strides = array<i32>} : memref<32768xf32, #tpu.memory_space<vmem>>, vector<16xf32>,
        %max3A_217 = arith.maximumf %max3A_195, %get3A_216 : vector<16xf32>
        %scan3A_218 = arith.constant 3 : i32
        %scan3A_219 = arith.addi %scan3A_150, %scan3A_218 : i32
        %mul3A_220 = arith.constant 64 : i32
        %mul3A_221 = arith.muli %scan3A_219, %mul3A_220 : i32
        %get3A_222 = arith.index_cast %mul3A_221 : i32 to index
        %get3A_223 = tpu.vector_load %arg4[%get3A_222] {strides = array<i32>} : memref<32768xf32, #tpu.memory_space<vmem>>, vector<16xf32>,
        %max3A_224 = arith.maximumf %max3A_202, %get3A_223 : vector<16xf32>
        %add3A_225 = arith.constant 16 : i32
        %add3A_226 = arith.addi %mul3A_221, %add3A_225 : i32
        %get3A_227 = arith.index_cast %add3A_226 : i32 to index
        %get3A_228 = tpu.vector_load %arg4[%get3A_227] {strides = array<i32>} : memref<32768xf32, #tpu.memory_space<vmem>>, vector<16xf32>,
        %max3A_229 = arith.maximumf %max3A_207, %get3A_228 : vector<16xf32>
        %add3A_230 = arith.constant 32 : i32
        %add3A_231 = arith.addi %mul3A_221, %add3A_230 : i32
        %get3A_232 = arith.index_cast %add3A_231 : i32 to index
        %get3A_233 = tpu.vector_load %arg4[%get3A_232] {strides = array<i32>} : memref<32768xf32, #tpu.memory_space<vmem>>, vector<16xf32>,
        %max3A_234 = arith.maximumf %max3A_212, %get3A_233 : vector<16xf32>
        %add3A_235 = arith.constant 48 : i32
        %add3A_236 = arith.addi %mul3A_221, %add3A_235 : i32
        %get3A_237 = arith.index_cast %add3A_236 : i32 to index
        %get3A_238 = tpu.vector_load %arg4[%get3A_237] {strides = array<i32>} : memref<32768xf32, #tpu.memory_space<vmem>>, vector<16xf32>,
        %max3A_239 = arith.maximumf %max3A_217, %get3A_238 : vector<16xf32>
        scf.yield %max3A_224, %max3A_229, %max3A_234, %max3A_239 : vector<16xf32>, vector<16xf32>, vector<16xf32>, vector<16xf32>
      }
      %scan3A_8 = arith.constant 512 : i32
      %min3A = arith.minimumf %scan3A_7#0, %scan3A_7#1 : vector<16xf32>
      %min3A_9 = arith.minimumf %scan3A_7#2, %scan3A_7#3 : vector<16xf32>
      %min3A_10 = arith.minimumf %min3A, %min3A_9 : vector<16xf32>
      %max3A = arith.maximumf %scan3A_7#0, %scan3A_7#1 : vector<16xf32>
      %max3A_11 = arith.maximumf %scan3A_7#2, %scan3A_7#3 : vector<16xf32>
      %max3A_12 = arith.maximumf %max3A, %max3A_11 : vector<16xf32>
      %slice3A = vector.extract_strided_slice %min3A_10 {offsets = [0], sizes = [1], strides = [1]} : vector<16xf32> to vector<1xf32>
      %squeeze3A = vector.extract %slice3A[0] : f32 from vector<1xf32>
      %slice3A_13 = vector.extract_strided_slice %min3A_10 {offsets = [1], sizes = [1], strides = [1]} : vector<16xf32> to vector<1xf32>
      %squeeze3A_14 = vector.extract %slice3A_13[0] : f32 from vector<1xf32>
      %min3A_15 = arith.minimumf %squeeze3A, %squeeze3A_14 : f32
      %slice3A_16 = vector.extract_strided_slice %min3A_10 {offsets = [2], sizes = [1], strides = [1]} : vector<16xf32> to vector<1xf32>
      %squeeze3A_17 = vector.extract %slice3A_16[0] : f32 from vector<1xf32>
      %min3A_18 = arith.minimumf %min3A_15, %squeeze3A_17 : f32
      %slice3A_19 = vector.extract_strided_slice %min3A_10 {offsets = [3], sizes = [1], strides = [1]} : vector<16xf32> to vector<1xf32>
      %squeeze3A_20 = vector.extract %slice3A_19[0] : f32 from vector<1xf32>
      %min3A_21 = arith.minimumf %min3A_18, %squeeze3A_20 : f32
      %slice3A_22 = vector.extract_strided_slice %min3A_10 {offsets = [4], sizes = [1], strides = [1]} : vector<16xf32> to vector<1xf32>
      %squeeze3A_23 = vector.extract %slice3A_22[0] : f32 from vector<1xf32>
      %min3A_24 = arith.minimumf %min3A_21, %squeeze3A_23 : f32
      %slice3A_25 = vector.extract_strided_slice %min3A_10 {offsets = [5], sizes = [1], strides = [1]} : vector<16xf32> to vector<1xf32>
      %squeeze3A_26 = vector.extract %slice3A_25[0] : f32 from vector<1xf32>
      %min3A_27 = arith.minimumf %min3A_24, %squeeze3A_26 : f32
      %slice3A_28 = vector.extract_strided_slice %min3A_10 {offsets = [6], sizes = [1], strides = [1]} : vector<16xf32> to vector<1xf32>
      %squeeze3A_29 = vector.extract %slice3A_28[0] : f32 from vector<1xf32>
      %min3A_30 = arith.minimumf %min3A_27, %squeeze3A_29 : f32
      %slice3A_31 = vector.extract_strided_slice %min3A_10 {offsets = [7], sizes = [1], strides = [1]} : vector<16xf32> to vector<1xf32>
      %squeeze3A_32 = vector.extract %slice3A_31[0] : f32 from vector<1xf32>
      %min3A_33 = arith.minimumf %min3A_30, %squeeze3A_32 : f32
      %slice3A_34 = vector.extract_strided_slice %min3A_10 {offsets = [8], sizes = [1], strides = [1]} : vector<16xf32> to vector<1xf32>
      %squeeze3A_35 = vector.extract %slice3A_34[0] : f32 from vector<1xf32>
      %min3A_36 = arith.minimumf %min3A_33, %squeeze3A_35 : f32
      %slice3A_37 = vector.extract_strided_slice %min3A_10 {offsets = [9], sizes = [1], strides = [1]} : vector<16xf32> to vector<1xf32>
      %squeeze3A_38 = vector.extract %slice3A_37[0] : f32 from vector<1xf32>
      %min3A_39 = arith.minimumf %min3A_36, %squeeze3A_38 : f32
      %slice3A_40 = vector.extract_strided_slice %min3A_10 {offsets = [10], sizes = [1], strides = [1]} : vector<16xf32> to vector<1xf32>
      %squeeze3A_41 = vector.extract %slice3A_40[0] : f32 from vector<1xf32>
      %min3A_42 = arith.minimumf %min3A_39, %squeeze3A_41 : f32
      %slice3A_43 = vector.extract_strided_slice %min3A_10 {offsets = [11], sizes = [1], strides = [1]} : vector<16xf32> to vector<1xf32>
      %squeeze3A_44 = vector.extract %slice3A_43[0] : f32 from vector<1xf32>
      %min3A_45 = arith.minimumf %min3A_42, %squeeze3A_44 : f32
      %slice3A_46 = vector.extract_strided_slice %min3A_10 {offsets = [12], sizes = [1], strides = [1]} : vector<16xf32> to vector<1xf32>
      %squeeze3A_47 = vector.extract %slice3A_46[0] : f32 from vector<1xf32>
      %min3A_48 = arith.minimumf %min3A_45, %squeeze3A_47 : f32
      %slice3A_49 = vector.extract_strided_slice %min3A_10 {offsets = [13], sizes = [1], strides = [1]} : vector<16xf32> to vector<1xf32>
      %squeeze3A_50 = vector.extract %slice3A_49[0] : f32 from vector<1xf32>
      %min3A_51 = arith.minimumf %min3A_48, %squeeze3A_50 : f32
      %slice3A_52 = vector.extract_strided_slice %min3A_10 {offsets = [14], sizes = [1], strides = [1]} : vector<16xf32> to vector<1xf32>
      %squeeze3A_53 = vector.extract %slice3A_52[0] : f32 from vector<1xf32>
      %min3A_54 = arith.minimumf %min3A_51, %squeeze3A_53 : f32
      %slice3A_55 = vector.extract_strided_slice %min3A_10 {offsets = [15], sizes = [1], strides = [1]} : vector<16xf32> to vector<1xf32>
      %squeeze3A_56 = vector.extract %slice3A_55[0] : f32 from vector<1xf32>
      %min3A_57 = arith.minimumf %min3A_54, %squeeze3A_56 : f32
      %slice3A_58 = vector.extract_strided_slice %max3A_12 {offsets = [0], sizes = [1], strides = [1]} : vector<16xf32> to vector<1xf32>
      %squeeze3A_59 = vector.extract %slice3A_58[0] : f32 from vector<1xf32>
      %slice3A_60 = vector.extract_strided_slice %max3A_12 {offsets = [1], sizes = [1], strides = [1]} : vector<16xf32> to vector<1xf32>
      %squeeze3A_61 = vector.extract %slice3A_60[0] : f32 from vector<1xf32>
      %max3A_62 = arith.maximumf %squeeze3A_59, %squeeze3A_61 : f32
      %slice3A_63 = vector.extract_strided_slice %max3A_12 {offsets = [2], sizes = [1], strides = [1]} : vector<16xf32> to vector<1xf32>
      %squeeze3A_64 = vector.extract %slice3A_63[0] : f32 from vector<1xf32>
      %max3A_65 = arith.maximumf %max3A_62, %squeeze3A_64 : f32
      %slice3A_66 = vector.extract_strided_slice %max3A_12 {offsets = [3], sizes = [1], strides = [1]} : vector<16xf32> to vector<1xf32>
      %squeeze3A_67 = vector.extract %slice3A_66[0] : f32 from vector<1xf32>
      %max3A_68 = arith.maximumf %max3A_65, %squeeze3A_67 : f32
      %slice3A_69 = vector.extract_strided_slice %max3A_12 {offsets = [4], sizes = [1], strides = [1]} : vector<16xf32> to vector<1xf32>
      %squeeze3A_70 = vector.extract %slice3A_69[0] : f32 from vector<1xf32>
      %max3A_71 = arith.maximumf %max3A_68, %squeeze3A_70 : f32
      %slice3A_72 = vector.extract_strided_slice %max3A_12 {offsets = [5], sizes = [1], strides = [1]} : vector<16xf32> to vector<1xf32>
      %squeeze3A_73 = vector.extract %slice3A_72[0] : f32 from vector<1xf32>
      %max3A_74 = arith.maximumf %max3A_71, %squeeze3A_73 : f32
      %slice3A_75 = vector.extract_strided_slice %max3A_12 {offsets = [6], sizes = [1], strides = [1]} : vector<16xf32> to vector<1xf32>
      %squeeze3A_76 = vector.extract %slice3A_75[0] : f32 from vector<1xf32>
      %max3A_77 = arith.maximumf %max3A_74, %squeeze3A_76 : f32
      %slice3A_78 = vector.extract_strided_slice %max3A_12 {offsets = [7], sizes = [1], strides = [1]} : vector<16xf32> to vector<1xf32>
      %squeeze3A_79 = vector.extract %slice3A_78[0] : f32 from vector<1xf32>
      %max3A_80 = arith.maximumf %max3A_77, %squeeze3A_79 : f32
      %slice3A_81 = vector.extract_strided_slice %max3A_12 {offsets = [8], sizes = [1], strides = [1]} : vector<16xf32> to vector<1xf32>
      %squeeze3A_82 = vector.extract %slice3A_81[0] : f32 from vector<1xf32>
      %max3A_83 = arith.maximumf %max3A_80, %squeeze3A_82 : f32
      %slice3A_84 = vector.extract_strided_slice %max3A_12 {offsets = [9], sizes = [1], strides = [1]} : vector<16xf32> to vector<1xf32>
      %squeeze3A_85 = vector.extract %slice3A_84[0] : f32 from vector<1xf32>
      %max3A_86 = arith.maximumf %max3A_83, %squeeze3A_85 : f32
      %slice3A_87 = vector.extract_strided_slice %max3A_12 {offsets = [10], sizes = [1], strides = [1]} : vector<16xf32> to vector<1xf32>
      %squeeze3A_88 = vector.extract %slice3A_87[0] : f32 from vector<1xf32>
      %max3A_89 = arith.maximumf %max3A_86, %squeeze3A_88 : f32
      %slice3A_90 = vector.extract_strided_slice %max3A_12 {offsets = [11], sizes = [1], strides = [1]} : vector<16xf32> to vector<1xf32>
      %squeeze3A_91 = vector.extract %slice3A_90[0] : f32 from vector<1xf32>
      %max3A_92 = arith.maximumf %max3A_89, %squeeze3A_91 : f32
      %slice3A_93 = vector.extract_strided_slice %max3A_12 {offsets = [12], sizes = [1], strides = [1]} : vector<16xf32> to vector<1xf32>
      %squeeze3A_94 = vector.extract %slice3A_93[0] : f32 from vector<1xf32>
      %max3A_95 = arith.maximumf %max3A_92, %squeeze3A_94 : f32
      %slice3A_96 = vector.extract_strided_slice %max3A_12 {offsets = [13], sizes = [1], strides = [1]} : vector<16xf32> to vector<1xf32>
      %squeeze3A_97 = vector.extract %slice3A_96[0] : f32 from vector<1xf32>
      %max3A_98 = arith.maximumf %max3A_95, %squeeze3A_97 : f32
      %slice3A_99 = vector.extract_strided_slice %max3A_12 {offsets = [14], sizes = [1], strides = [1]} : vector<16xf32> to vector<1xf32>
      %squeeze3A_100 = vector.extract %slice3A_99[0] : f32 from vector<1xf32>
      %max3A_101 = arith.maximumf %max3A_98, %squeeze3A_100 : f32
      %slice3A_102 = vector.extract_strided_slice %max3A_12 {offsets = [15], sizes = [1], strides = [1]} : vector<16xf32> to vector<1xf32>
      %squeeze3A_103 = vector.extract %slice3A_102[0] : f32 from vector<1xf32>
      %max3A_104 = arith.maximumf %max3A_101, %squeeze3A_103 : f32
      %bitcast_convert_type3A = arith.bitcast %max3A_104 : f32 to i32
      %ge3A = arith.constant 0 : i32
      %ge3A_105 = arith.cmpi sge, %bitcast_convert_type3A, %ge3A : i32
      %sub3A = arith.constant -2147483648 : i32
      %sub3A_106 = arith.subi %sub3A, %bitcast_convert_type3A : i32
      %select_n3A = arith.select %ge3A_105, %bitcast_convert_type3A, %sub3A_106 : i32
      %add3A_107 = arith.constant 1 : i32
      %add3A_108 = arith.addi %select_n3A, %add3A_107 : i32
      %ge3A_109 = arith.constant 0 : i32
      %ge3A_110 = arith.cmpi sge, %add3A_108, %ge3A_109 : i32
      %sub3A_111 = arith.constant -2147483648 : i32
      %sub3A_112 = arith.subi %sub3A_111, %add3A_108 : i32
      %select_n3A_113 = arith.select %ge3A_110, %add3A_108, %sub3A_112 : i32
      %bitcast_convert_type3A_114 = arith.bitcast %select_n3A_113 : i32 to f32
      %scan3A_115 = arith.constant 0 : i32
      %scan3A_116 = arith.constant 0 : i32
      %scan3A_117 = arith.constant 128 : i32
      %scan3A_118 = arith.addi %scan3A_116, %scan3A_117 : i32
      %scan3A_119 = arith.constant 8 : i32
      %scan3A_120 = scf.for %scan3A_150 = %scan3A_116 to %scan3A_118 step %scan3A_119 iter_args(%scan3A_151 = %scan3A_115) -> (i32)  : i32 {
        %mul3A_152 = arith.constant 16 : i32
        %mul3A_153 = arith.muli %scan3A_150, %mul3A_152 : i32
        %swap3A = arith.index_cast %mul3A_153 : i32 to index
        %swap3A_154 = tpu.vector_load %arg5[%swap3A] {strides = array<i32>} : memref<2048xf32, #tpu.memory_space<vmem>>, vector<16xf32>,
        tpu.vector_store %arg5[%swap3A], %broadcast_in_dim3A_3 {strides = array<i32>} : memref<2048xf32, #tpu.memory_space<vmem>>, vector<16xf32>,
        %scan3A_155 = arith.constant 0 : i32
        %scan3A_156 = arith.constant 1 : i32
        %scan3A_157 = arith.addi %scan3A_150, %scan3A_156 : i32
        %mul3A_158 = arith.constant 16 : i32
        %mul3A_159 = arith.muli %scan3A_157, %mul3A_158 : i32
        %swap3A_160 = arith.index_cast %mul3A_159 : i32 to index
        %swap3A_161 = tpu.vector_load %arg5[%swap3A_160] {strides = array<i32>} : memref<2048xf32, #tpu.memory_space<vmem>>, vector<16xf32>,
        tpu.vector_store %arg5[%swap3A_160], %broadcast_in_dim3A_3 {strides = array<i32>} : memref<2048xf32, #tpu.memory_space<vmem>>, vector<16xf32>,
        %scan3A_162 = arith.constant 0 : i32
        %scan3A_163 = arith.constant 2 : i32
        %scan3A_164 = arith.addi %scan3A_150, %scan3A_163 : i32
        %mul3A_165 = arith.constant 16 : i32
        %mul3A_166 = arith.muli %scan3A_164, %mul3A_165 : i32
        %swap3A_167 = arith.index_cast %mul3A_166 : i32 to index
        %swap3A_168 = tpu.vector_load %arg5[%swap3A_167] {strides = array<i32>} : memref<2048xf32, #tpu.memory_space<vmem>>, vector<16xf32>,
        tpu.vector_store %arg5[%swap3A_167], %broadcast_in_dim3A_3 {strides = array<i32>} : memref<2048xf32, #tpu.memory_space<vmem>>, vector<16xf32>,
        %scan3A_169 = arith.constant 0 : i32
        %scan3A_170 = arith.constant 3 : i32
        %scan3A_171 = arith.addi %scan3A_150, %scan3A_170 : i32
        %mul3A_172 = arith.constant 16 : i32
        %mul3A_173 = arith.muli %scan3A_171, %mul3A_172 : i32
        %swap3A_174 = arith.index_cast %mul3A_173 : i32 to index
        %swap3A_175 = tpu.vector_load %arg5[%swap3A_174] {strides = array<i32>} : memref<2048xf32, #tpu.memory_space<vmem>>, vector<16xf32>,
        tpu.vector_store %arg5[%swap3A_174], %broadcast_in_dim3A_3 {strides = array<i32>} : memref<2048xf32, #tpu.memory_space<vmem>>, vector<16xf32>,
        %scan3A_176 = arith.constant 0 : i32
        %scan3A_177 = arith.constant 4 : i32
        %scan3A_178 = arith.addi %scan3A_150, %scan3A_177 : i32
        %mul3A_179 = arith.constant 16 : i32
        %mul3A_180 = arith.muli %scan3A_178, %mul3A_179 : i32
        %swap3A_181 = arith.index_cast %mul3A_180 : i32 to index
        %swap3A_182 = tpu.vector_load %arg5[%swap3A_181] {strides = array<i32>} : memref<2048xf32, #tpu.memory_space<vmem>>, vector<16xf32>,
        tpu.vector_store %arg5[%swap3A_181], %broadcast_in_dim3A_3 {strides = array<i32>} : memref<2048xf32, #tpu.memory_space<vmem>>, vector<16xf32>,
        %scan3A_183 = arith.constant 0 : i32
        %scan3A_184 = arith.constant 5 : i32
        %scan3A_185 = arith.addi %scan3A_150, %scan3A_184 : i32
        %mul3A_186 = arith.constant 16 : i32
        %mul3A_187 = arith.muli %scan3A_185, %mul3A_186 : i32
        %swap3A_188 = arith.index_cast %mul3A_187 : i32 to index
        %swap3A_189 = tpu.vector_load %arg5[%swap3A_188] {strides = array<i32>} : memref<2048xf32, #tpu.memory_space<vmem>>, vector<16xf32>,
        tpu.vector_store %arg5[%swap3A_188], %broadcast_in_dim3A_3 {strides = array<i32>} : memref<2048xf32, #tpu.memory_space<vmem>>, vector<16xf32>,
        %scan3A_190 = arith.constant 0 : i32
        %scan3A_191 = arith.constant 6 : i32
        %scan3A_192 = arith.addi %scan3A_150, %scan3A_191 : i32
        %mul3A_193 = arith.constant 16 : i32
        %mul3A_194 = arith.muli %scan3A_192, %mul3A_193 : i32
        %swap3A_195 = arith.index_cast %mul3A_194 : i32 to index
        %swap3A_196 = tpu.vector_load %arg5[%swap3A_195] {strides = array<i32>} : memref<2048xf32, #tpu.memory_space<vmem>>, vector<16xf32>,
        tpu.vector_store %arg5[%swap3A_195], %broadcast_in_dim3A_3 {strides = array<i32>} : memref<2048xf32, #tpu.memory_space<vmem>>, vector<16xf32>,
        %scan3A_197 = arith.constant 0 : i32
        %scan3A_198 = arith.constant 7 : i32
        %scan3A_199 = arith.addi %scan3A_150, %scan3A_198 : i32
        %mul3A_200 = arith.constant 16 : i32
        %mul3A_201 = arith.muli %scan3A_199, %mul3A_200 : i32
        %swap3A_202 = arith.index_cast %mul3A_201 : i32 to index
        %swap3A_203 = tpu.vector_load %arg5[%swap3A_202] {strides = array<i32>} : memref<2048xf32, #tpu.memory_space<vmem>>, vector<16xf32>,
        tpu.vector_store %arg5[%swap3A_202], %broadcast_in_dim3A_3 {strides = array<i32>} : memref<2048xf32, #tpu.memory_space<vmem>>, vector<16xf32>,
        %scan3A_204 = arith.constant 0 : i32
        scf.yield %scan3A_204 : i32
      }
      %scan3A_121 = arith.constant 128 : i32
      %broadcast_in_dim3A_122 = vector.broadcast %min3A_57 : f32 to vector<16xf32>
      %scan3A_123 = arith.constant 0 : i32
      %scan3A_124 = arith.constant 0 : i32
      %scan3A_125 = arith.constant 2048 : i32
      %scan3A_126 = arith.addi %scan3A_124, %scan3A_125 : i32
      %scan3A_127 = arith.constant 8 : i32
      %scan3A_128 = scf.for %scan3A_150 = %scan3A_124 to %scan3A_126 step %scan3A_127 iter_args(%scan3A_151 = %scan3A_123) -> (i32)  : i32 {
        %mul3A_152 = arith.constant 16 : i32
        %mul3A_153 = arith.muli %scan3A_150, %mul3A_152 : i32
        %get3A = arith.index_cast %mul3A_153 : i32 to index
        %get3A_154 = tpu.vector_load %arg4[%get3A] {strides = array<i32>} : memref<32768xf32, #tpu.memory_space<vmem>>, vector<16xf32>,
        %ge3A_155 = arith.cmpf oge, %get3A_154, %broadcast_in_dim3A_122 : vector<16xf32>
        %all_reduce_population_count3A = tpu.all_reduce %ge3A_155 {dim = 0 : i64, kind = #tpu.reduction_kind<sum>} : vector<16xi1> -> vector<16xi32>
        %min3A_156 = arith.constant 2032 : i32
        %min3A_157 = arith.minsi %scan3A_151, %min3A_156 : i32
        %swap3A = arith.index_cast %min3A_157 : i32 to index
        %swap3A_158 = tpu.vector_load %arg5[%swap3A] masked %ge3A_155 {strides = array<i32>} : memref<2048xf32, #tpu.memory_space<vmem>>, vector<16xf32>, vector<16xi1>
        tpu.vector_store %arg5[%swap3A], %get3A_154 masked %ge3A_155 {strides = array<i32>} : memref<2048xf32, #tpu.memory_space<vmem>>, vector<16xf32>, vector<16xi1>
        %slice3A_159 = vector.extract_strided_slice %all_reduce_population_count3A {offsets = [0], sizes = [1], strides = [1]} : vector<16xi32> to vector<1xi32>
        %squeeze3A_160 = vector.extract %slice3A_159[0] : i32 from vector<1xi32>
        %add3A_161 = arith.addi %scan3A_151, %squeeze3A_160 : i32
        %scan3A_162 = arith.constant 1 : i32
        %scan3A_163 = arith.addi %scan3A_150, %scan3A_162 : i32
        %mul3A_164 = arith.constant 16 : i32
        %mul3A_165 = arith.muli %scan3A_163, %mul3A_164 : i32
        %get3A_166 = arith.index_cast %mul3A_165 : i32 to index
        %get3A_167 = tpu.vector_load %arg4[%get3A_166] {strides = array<i32>} : memref<32768xf32, #tpu.memory_space<vmem>>, vector<16xf32>,
        %ge3A_168 = arith.cmpf oge, %get3A_167, %broadcast_in_dim3A_122 : vector<16xf32>
        %all_reduce_population_count3A_169 = tpu.all_reduce %ge3A_168 {dim = 0 : i64, kind = #tpu.reduction_kind<sum>} : vector<16xi1> -> vector<16xi32>
        %min3A_170 = arith.constant 2032 : i32
        %min3A_171 = arith.minsi %add3A_161, %min3A_170 : i32
        %swap3A_172 = arith.index_cast %min3A_171 : i32 to index
        %swap3A_173 = tpu.vector_load %arg5[%swap3A_172] masked %ge3A_168 {strides = array<i32>} : memref<2048xf32, #tpu.memory_space<vmem>>, vector<16xf32>, vector<16xi1>
        tpu.vector_store %arg5[%swap3A_172], %get3A_167 masked %ge3A_168 {strides = array<i32>} : memref<2048xf32, #tpu.memory_space<vmem>>, vector<16xf32>, vector<16xi1>
        %slice3A_174 = vector.extract_strided_slice %all_reduce_population_count3A_169 {offsets = [0], sizes = [1], strides = [1]} : vector<16xi32> to vector<1xi32>
        %squeeze3A_175 = vector.extract %slice3A_174[0] : i32 from vector<1xi32>
        %add3A_176 = arith.addi %add3A_161, %squeeze3A_175 : i32
        %scan3A_177 = arith.constant 2 : i32
        %scan3A_178 = arith.addi %scan3A_150, %scan3A_177 : i32
        %mul3A_179 = arith.constant 16 : i32
        %mul3A_180 = arith.muli %scan3A_178, %mul3A_179 : i32
        %get3A_181 = arith.index_cast %mul3A_180 : i32 to index
        %get3A_182 = tpu.vector_load %arg4[%get3A_181] {strides = array<i32>} : memref<32768xf32, #tpu.memory_space<vmem>>, vector<16xf32>,
        %ge3A_183 = arith.cmpf oge, %get3A_182, %broadcast_in_dim3A_122 : vector<16xf32>
        %all_reduce_population_count3A_184 = tpu.all_reduce %ge3A_183 {dim = 0 : i64, kind = #tpu.reduction_kind<sum>} : vector<16xi1> -> vector<16xi32>
        %min3A_185 = arith.constant 2032 : i32
        %min3A_186 = arith.minsi %add3A_176, %min3A_185 : i32
        %swap3A_187 = arith.index_cast %min3A_186 : i32 to index
        %swap3A_188 = tpu.vector_load %arg5[%swap3A_187] masked %ge3A_183 {strides = array<i32>} : memref<2048xf32, #tpu.memory_space<vmem>>, vector<16xf32>, vector<16xi1>
        tpu.vector_store %arg5[%swap3A_187], %get3A_182 masked %ge3A_183 {strides = array<i32>} : memref<2048xf32, #tpu.memory_space<vmem>>, vector<16xf32>, vector<16xi1>
        %slice3A_189 = vector.extract_strided_slice %all_reduce_population_count3A_184 {offsets = [0], sizes = [1], strides = [1]} : vector<16xi32> to vector<1xi32>
        %squeeze3A_190 = vector.extract %slice3A_189[0] : i32 from vector<1xi32>
        %add3A_191 = arith.addi %add3A_176, %squeeze3A_190 : i32
        %scan3A_192 = arith.constant 3 : i32
        %scan3A_193 = arith.addi %scan3A_150, %scan3A_192 : i32
        %mul3A_194 = arith.constant 16 : i32
        %mul3A_195 = arith.muli %scan3A_193, %mul3A_194 : i32
        %get3A_196 = arith.index_cast %mul3A_195 : i32 to index
        %get3A_197 = tpu.vector_load %arg4[%get3A_196] {strides = array<i32>} : memref<32768xf32, #tpu.memory_space<vmem>>, vector<16xf32>,
        %ge3A_198 = arith.cmpf oge, %get3A_197, %broadcast_in_dim3A_122 : vector<16xf32>
        %all_reduce_population_count3A_199 = tpu.all_reduce %ge3A_198 {dim = 0 : i64, kind = #tpu.reduction_kind<sum>} : vector<16xi1> -> vector<16xi32>
        %min3A_200 = arith.constant 2032 : i32
        %min3A_201 = arith.minsi %add3A_191, %min3A_200 : i32
        %swap3A_202 = arith.index_cast %min3A_201 : i32 to index
        %swap3A_203 = tpu.vector_load %arg5[%swap3A_202] masked %ge3A_198 {strides = array<i32>} : memref<2048xf32, #tpu.memory_space<vmem>>, vector<16xf32>, vector<16xi1>
        tpu.vector_store %arg5[%swap3A_202], %get3A_197 masked %ge3A_198 {strides = array<i32>} : memref<2048xf32, #tpu.memory_space<vmem>>, vector<16xf32>, vector<16xi1>
        %slice3A_204 = vector.extract_strided_slice %all_reduce_population_count3A_199 {offsets = [0], sizes = [1], strides = [1]} : vector<16xi32> to vector<1xi32>
        %squeeze3A_205 = vector.extract %slice3A_204[0] : i32 from vector<1xi32>
        %add3A_206 = arith.addi %add3A_191, %squeeze3A_205 : i32
        %scan3A_207 = arith.constant 4 : i32
        %scan3A_208 = arith.addi %scan3A_150, %scan3A_207 : i32
        %mul3A_209 = arith.constant 16 : i32
        %mul3A_210 = arith.muli %scan3A_208, %mul3A_209 : i32
        %get3A_211 = arith.index_cast %mul3A_210 : i32 to index
        %get3A_212 = tpu.vector_load %arg4[%get3A_211] {strides = array<i32>} : memref<32768xf32, #tpu.memory_space<vmem>>, vector<16xf32>,
        %ge3A_213 = arith.cmpf oge, %get3A_212, %broadcast_in_dim3A_122 : vector<16xf32>
        %all_reduce_population_count3A_214 = tpu.all_reduce %ge3A_213 {dim = 0 : i64, kind = #tpu.reduction_kind<sum>} : vector<16xi1> -> vector<16xi32>
        %min3A_215 = arith.constant 2032 : i32
        %min3A_216 = arith.minsi %add3A_206, %min3A_215 : i32
        %swap3A_217 = arith.index_cast %min3A_216 : i32 to index
        %swap3A_218 = tpu.vector_load %arg5[%swap3A_217] masked %ge3A_213 {strides = array<i32>} : memref<2048xf32, #tpu.memory_space<vmem>>, vector<16xf32>, vector<16xi1>
        tpu.vector_store %arg5[%swap3A_217], %get3A_212 masked %ge3A_213 {strides = array<i32>} : memref<2048xf32, #tpu.memory_space<vmem>>, vector<16xf32>, vector<16xi1>
        %slice3A_219 = vector.extract_strided_slice %all_reduce_population_count3A_214 {offsets = [0], sizes = [1], strides = [1]} : vector<16xi32> to vector<1xi32>
        %squeeze3A_220 = vector.extract %slice3A_219[0] : i32 from vector<1xi32>
        %add3A_221 = arith.addi %add3A_206, %squeeze3A_220 : i32
        %scan3A_222 = arith.constant 5 : i32
        %scan3A_223 = arith.addi %scan3A_150, %scan3A_222 : i32
        %mul3A_224 = arith.constant 16 : i32
        %mul3A_225 = arith.muli %scan3A_223, %mul3A_224 : i32
        %get3A_226 = arith.index_cast %mul3A_225 : i32 to index
        %get3A_227 = tpu.vector_load %arg4[%get3A_226] {strides = array<i32>} : memref<32768xf32, #tpu.memory_space<vmem>>, vector<16xf32>,
        %ge3A_228 = arith.cmpf oge, %get3A_227, %broadcast_in_dim3A_122 : vector<16xf32>
        %all_reduce_population_count3A_229 = tpu.all_reduce %ge3A_228 {dim = 0 : i64, kind = #tpu.reduction_kind<sum>} : vector<16xi1> -> vector<16xi32>
        %min3A_230 = arith.constant 2032 : i32
        %min3A_231 = arith.minsi %add3A_221, %min3A_230 : i32
        %swap3A_232 = arith.index_cast %min3A_231 : i32 to index
        %swap3A_233 = tpu.vector_load %arg5[%swap3A_232] masked %ge3A_228 {strides = array<i32>} : memref<2048xf32, #tpu.memory_space<vmem>>, vector<16xf32>, vector<16xi1>
        tpu.vector_store %arg5[%swap3A_232], %get3A_227 masked %ge3A_228 {strides = array<i32>} : memref<2048xf32, #tpu.memory_space<vmem>>, vector<16xf32>, vector<16xi1>
        %slice3A_234 = vector.extract_strided_slice %all_reduce_population_count3A_229 {offsets = [0], sizes = [1], strides = [1]} : vector<16xi32> to vector<1xi32>
        %squeeze3A_235 = vector.extract %slice3A_234[0] : i32 from vector<1xi32>
        %add3A_236 = arith.addi %add3A_221, %squeeze3A_235 : i32
        %scan3A_237 = arith.constant 6 : i32
        %scan3A_238 = arith.addi %scan3A_150, %scan3A_237 : i32
        %mul3A_239 = arith.constant 16 : i32
        %mul3A_240 = arith.muli %scan3A_238, %mul3A_239 : i32
        %get3A_241 = arith.index_cast %mul3A_240 : i32 to index
        %get3A_242 = tpu.vector_load %arg4[%get3A_241] {strides = array<i32>} : memref<32768xf32, #tpu.memory_space<vmem>>, vector<16xf32>,
        %ge3A_243 = arith.cmpf oge, %get3A_242, %broadcast_in_dim3A_122 : vector<16xf32>
        %all_reduce_population_count3A_244 = tpu.all_reduce %ge3A_243 {dim = 0 : i64, kind = #tpu.reduction_kind<sum>} : vector<16xi1> -> vector<16xi32>
        %min3A_245 = arith.constant 2032 : i32
        %min3A_246 = arith.minsi %add3A_236, %min3A_245 : i32
        %swap3A_247 = arith.index_cast %min3A_246 : i32 to index
        %swap3A_248 = tpu.vector_load %arg5[%swap3A_247] masked %ge3A_243 {strides = array<i32>} : memref<2048xf32, #tpu.memory_space<vmem>>, vector<16xf32>, vector<16xi1>
        tpu.vector_store %arg5[%swap3A_247], %get3A_242 masked %ge3A_243 {strides = array<i32>} : memref<2048xf32, #tpu.memory_space<vmem>>, vector<16xf32>, vector<16xi1>
        %slice3A_249 = vector.extract_strided_slice %all_reduce_population_count3A_244 {offsets = [0], sizes = [1], strides = [1]} : vector<16xi32> to vector<1xi32>
        %squeeze3A_250 = vector.extract %slice3A_249[0] : i32 from vector<1xi32>
        %add3A_251 = arith.addi %add3A_236, %squeeze3A_250 : i32
        %scan3A_252 = arith.constant 7 : i32
        %scan3A_253 = arith.addi %scan3A_150, %scan3A_252 : i32
        %mul3A_254 = arith.constant 16 : i32
        %mul3A_255 = arith.muli %scan3A_253, %mul3A_254 : i32
        %get3A_256 = arith.index_cast %mul3A_255 : i32 to index
        %get3A_257 = tpu.vector_load %arg4[%get3A_256] {strides = array<i32>} : memref<32768xf32, #tpu.memory_space<vmem>>, vector<16xf32>,
        %ge3A_258 = arith.cmpf oge, %get3A_257, %broadcast_in_dim3A_122 : vector<16xf32>
        %all_reduce_population_count3A_259 = tpu.all_reduce %ge3A_258 {dim = 0 : i64, kind = #tpu.reduction_kind<sum>} : vector<16xi1> -> vector<16xi32>
        %min3A_260 = arith.constant 2032 : i32
        %min3A_261 = arith.minsi %add3A_251, %min3A_260 : i32
        %swap3A_262 = arith.index_cast %min3A_261 : i32 to index
        %swap3A_263 = tpu.vector_load %arg5[%swap3A_262] masked %ge3A_258 {strides = array<i32>} : memref<2048xf32, #tpu.memory_space<vmem>>, vector<16xf32>, vector<16xi1>
        tpu.vector_store %arg5[%swap3A_262], %get3A_257 masked %ge3A_258 {strides = array<i32>} : memref<2048xf32, #tpu.memory_space<vmem>>, vector<16xf32>, vector<16xi1>
        %slice3A_264 = vector.extract_strided_slice %all_reduce_population_count3A_259 {offsets = [0], sizes = [1], strides = [1]} : vector<16xi32> to vector<1xi32>
        %squeeze3A_265 = vector.extract %slice3A_264[0] : i32 from vector<1xi32>
        %add3A_266 = arith.addi %add3A_251, %squeeze3A_265 : i32
        scf.yield %add3A_266 : i32
      }
      %scan3A_129 = arith.constant 2048 : i32
      %max3A_130 = arith.constant 1 : i32
      %max3A_131 = arith.maxsi %scan3A_128, %max3A_130 : i32
      %convert_element_type3A_132 = arith.sitofp %max3A_131 : i32 to f32
      %bitcast_convert_type3A_133 = arith.bitcast %convert_element_type3A_132 : f32 to i32
      %sub3A_134 = arith.constant 1065353216 : i32
      %sub3A_135 = arith.subi %bitcast_convert_type3A_133, %sub3A_134 : i32
      %convert_element_type3A_136 = arith.sitofp %sub3A_135 : i32 to f32
      %mul3A = arith.constant 1.1920929E-7 : f32
      %mul3A_137 = arith.mulf %convert_element_type3A_136, %mul3A : f32
      %while3A = arith.constant 0 : i32
      %while3A_138 = arith.constant -1.000000e+00 : f32
      %while3A_139:8 = scf.while (%while3A_150 = %while3A, %while3A_151 = %min3A_57, %while3A_152 = %bitcast_convert_type3A_114, %while3A_153 = %scan3A_128, %while3A_154 = %min3A_57, %while3A_155 = %mul3A_137, %while3A_156 = %bitcast_convert_type3A_114, %while3A_157 = %while3A_138) : (i32, f32, f32, i32, f32, f32, f32, f32) -> (i32, f32, f32, i32, f32, f32, f32, f32) {
        %bitcast_convert_type3A_158 = arith.bitcast %while3A_152 : f32 to i32
        %ge3A_159 = arith.constant 0 : i32
        %ge3A_160 = arith.cmpi sge, %bitcast_convert_type3A_158, %ge3A_159 : i32
        %sub3A_161 = arith.constant -2147483648 : i32
        %sub3A_162 = arith.subi %sub3A_161, %bitcast_convert_type3A_158 : i32
        %select_n3A_163 = arith.select %ge3A_160, %bitcast_convert_type3A_158, %sub3A_162 : i32
        %bitcast_convert_type3A_164 = arith.bitcast %while3A_151 : f32 to i32
        %ge3A_165 = arith.constant 0 : i32
        %ge3A_166 = arith.cmpi sge, %bitcast_convert_type3A_164, %ge3A_165 : i32
        %sub3A_167 = arith.constant -2147483648 : i32
        %sub3A_168 = arith.subi %sub3A_167, %bitcast_convert_type3A_164 : i32
        %select_n3A_169 = arith.select %ge3A_166, %bitcast_convert_type3A_164, %sub3A_168 : i32
        %sub3A_170 = arith.subi %select_n3A_163, %select_n3A_169 : i32
        %gt3A = arith.constant 1 : i32
        %gt3A_171 = arith.cmpi sgt, %sub3A_170, %gt3A : i32
        %ne3A = arith.constant 64 : i32
        %ne3A_172 = arith.cmpi ne, %while3A_153, %ne3A : i32
        %and3A = arith.andi %gt3A_171, %ne3A_172 : i1
        %lt3A = arith.constant 16 : i32
        %lt3A_173 = arith.cmpi slt, %while3A_150, %lt3A : i32
        %and3A_174 = arith.andi %and3A, %lt3A_173 : i1
        scf.condition(%and3A_174) %while3A_150, %while3A_151, %while3A_152, %while3A_153, %while3A_154, %while3A_155, %while3A_156, %while3A_157 : i32, f32, f32, i32, f32, f32, f32, f32
      } do {
      ^bb0(%while3A_150: i32, %while3A_151: f32, %while3A_152: f32, %while3A_153: i32, %while3A_154: f32, %while3A_155: f32, %while3A_156: f32, %while3A_157: f32):
        %sub3A_158 = arith.subf %while3A_157, %while3A_155 : f32
        %abs3A = math.absf %sub3A_158 : f32
        %lt3A = arith.constant 9.99999997E-7 : f32
        %lt3A_159 = arith.cmpf olt, %abs3A, %lt3A : f32
        %eq3A_160 = arith.cmpf oeq, %while3A_156, %while3A_154 : f32
        %or3A = arith.ori %lt3A_159, %eq3A_160 : i1
        %sub3A_161 = arith.constant 6.000000e+00 : f32
        %sub3A_162 = arith.subf %sub3A_161, %while3A_155 : f32
        %sub3A_163 = arith.subf %while3A_156, %while3A_154 : f32
        %mul3A_164 = arith.mulf %sub3A_162, %sub3A_163 : f32
        %jit3A = arith.constant 1.000000e+00 : f32
        %select_n3A_165 = arith.select %or3A, %jit3A, %sub3A_158 : f32
        %lt3A_166 = arith.constant 0.000000e+00 : f32
        %lt3A_167 = arith.cmpf olt, %select_n3A_165, %lt3A_166 : f32
        %jit3A_168 = arith.constant -1.000000e+00 : f32
        %jit3A_169 = arith.constant 1.000000e+00 : f32
        %select_n3A_170 = arith.select %lt3A_167, %jit3A_168, %jit3A_169 : f32
        %abs3A_171 = math.absf %select_n3A_165 : f32
        %bitcast_convert_type3A_172 = arith.bitcast %abs3A_171 : f32 to i32
        %sub3A_173 = arith.constant 2129859011 : i32
        %sub3A_174 = arith.subi %sub3A_173, %bitcast_convert_type3A_172 : i32
        %bitcast_convert_type3A_175 = arith.bitcast %sub3A_174 : i32 to f32
        %mul3A_176 = arith.mulf %abs3A_171, %bitcast_convert_type3A_175 : f32
        %sub3A_177 = arith.constant 2.000000e+00 : f32
        %sub3A_178 = arith.subf %sub3A_177, %mul3A_176 : f32
        %mul3A_179 = arith.mulf %bitcast_convert_type3A_175, %sub3A_178 : f32
        %mul3A_180 = arith.mulf %abs3A_171, %mul3A_179 : f32
        %sub3A_181 = arith.constant 2.000000e+00 : f32
        %sub3A_182 = arith.subf %sub3A_181, %mul3A_180 : f32
        %mul3A_183 = arith.mulf %mul3A_179, %sub3A_182 : f32
        %mul3A_184 = arith.mulf %select_n3A_170, %mul3A_183 : f32
        %mul3A_185 = arith.mulf %mul3A_164, %mul3A_184 : f32
        %add3A_186 = arith.addf %while3A_154, %mul3A_185 : f32
        %bitcast_convert_type3A_187 = arith.bitcast %while3A_151 : f32 to i32
        %ge3A_188 = arith.constant 0 : i32
        %ge3A_189 = arith.cmpi sge, %bitcast_convert_type3A_187, %ge3A_188 : i32
        %sub3A_190 = arith.constant -2147483648 : i32
        %sub3A_191 = arith.subi %sub3A_190, %bitcast_convert_type3A_187 : i32
        %select_n3A_192 = arith.select %ge3A_189, %bitcast_convert_type3A_187, %sub3A_191 : i32
        %bitcast_convert_type3A_193 = arith.bitcast %while3A_152 : f32 to i32
        %ge3A_194 = arith.constant 0 : i32
        %ge3A_195 = arith.cmpi sge, %bitcast_convert_type3A_193, %ge3A_194 : i32
        %sub3A_196 = arith.constant -2147483648 : i32
        %sub3A_197 = arith.subi %sub3A_196, %bitcast_convert_type3A_193 : i32
        %select_n3A_198 = arith.select %ge3A_195, %bitcast_convert_type3A_193, %sub3A_197 : i32
        %sub3A_199 = arith.subi %select_n3A_198, %select_n3A_192 : i32
        %shift_right_arithmetic3A = arith.constant 1 : i32
        %shift_right_arithmetic3A_200 = arith.shrsi %sub3A_199, %shift_right_arithmetic3A : i32
        %add3A_201 = arith.addi %select_n3A_192, %shift_right_arithmetic3A_200 : i32
        %bitcast_convert_type3A_202 = arith.bitcast %add3A_186 : f32 to i32
        %ge3A_203 = arith.constant 0 : i32
        %ge3A_204 = arith.cmpi sge, %bitcast_convert_type3A_202, %ge3A_203 : i32
        %sub3A_205 = arith.constant -2147483648 : i32
        %sub3A_206 = arith.subi %sub3A_205, %bitcast_convert_type3A_202 : i32
        %select_n3A_207 = arith.select %ge3A_204, %bitcast_convert_type3A_202, %sub3A_206 : i32
        %select_n3A_208 = arith.select %or3A, %add3A_201, %select_n3A_207 : i32
        %add3A_209 = arith.constant 1 : i32
        %add3A_210 = arith.addi %select_n3A_192, %add3A_209 : i32
        %max3A_211 = arith.maxsi %select_n3A_208, %add3A_210 : i32
        %sub3A_212 = arith.constant 1 : i32
        %sub3A_213 = arith.subi %select_n3A_198, %sub3A_212 : i32
        %min3A_214 = arith.minsi %max3A_211, %sub3A_213 : i32
        %ge3A_215 = arith.constant 0 : i32
        %ge3A_216 = arith.cmpi sge, %min3A_214, %ge3A_215 : i32
        %sub3A_217 = arith.constant -2147483648 : i32
        %sub3A_218 = arith.subi %sub3A_217, %min3A_214 : i32
        %select_n3A_219 = arith.select %ge3A_216, %min3A_214, %sub3A_218 : i32
        %bitcast_convert_type3A_220 = arith.bitcast %select_n3A_219 : i32 to f32
        %broadcast_in_dim3A_221 = vector.broadcast %bitcast_convert_type3A_220 : f32 to vector<16xf32>
        %broadcast_in_dim3A_222 = arith.constant 0x7F800000 : f32
        %broadcast_in_dim3A_223 = vector.broadcast %broadcast_in_dim3A_222 : f32 to vector<16xf32>
        %broadcast_in_dim3A_224 = arith.constant 0 : i32
        %broadcast_in_dim3A_225 = vector.broadcast %broadcast_in_dim3A_224 : i32 to vector<16xi32>
        %neg3A = arith.constant 0.000000e+00 : f32
        %neg3A_226 = vector.broadcast %neg3A : f32 to vector<16xf32>
        %neg3A_227 = arith.subf %neg3A_226, %broadcast_in_dim3A_223 : vector<16xf32>
        %scan3A_228 = arith.constant 0 : i32
        %scan3A_229 = arith.constant 128 : i32
        %scan3A_230 = arith.addi %scan3A_228, %scan3A_229 : i32
        %scan3A_231 = arith.constant 8 : i32
        %scan3A_232:3 = scf.for %scan3A_371 = %scan3A_228 to %scan3A_230 step %scan3A_231 iter_args(%scan3A_372 = %broadcast_in_dim3A_225, %scan3A_373 = %broadcast_in_dim3A_223, %scan3A_374 = %neg3A_227) -> (vector<16xi32>, vector<16xf32>, vector<16xf32>)  : i32 {
          %mul3A_375 = arith.constant 16 : i32
          %mul3A_376 = arith.muli %scan3A_371, %mul3A_375 : i32
          %get3A = arith.index_cast %mul3A_376 : i32 to index
          %get3A_377 = tpu.vector_load %arg5[%get3A] {strides = array<i32>} : memref<2048xf32, #tpu.memory_space<vmem>>, vector<16xf32>,
          %ge3A_378 = arith.cmpf oge, %get3A_377, %broadcast_in_dim3A_221 : vector<16xf32>
          %all_reduce_population_count3A = tpu.all_reduce %ge3A_378 {dim = 0 : i64, kind = #tpu.reduction_kind<sum>} : vector<16xi1> -> vector<16xi32>
          %add3A_379 = arith.addi %scan3A_372, %all_reduce_population_count3A : vector<16xi32>
          %select_n3A_380 = arith.select %ge3A_378, %get3A_377, %broadcast_in_dim3A_223 : vector<16xi1>, vector<16xf32>
          %min3A_381 = arith.minimumf %scan3A_373, %select_n3A_380 : vector<16xf32>
          %neg3A_382 = arith.constant 0.000000e+00 : f32
          %neg3A_383 = vector.broadcast %neg3A_382 : f32 to vector<16xf32>
          %neg3A_384 = arith.subf %neg3A_383, %broadcast_in_dim3A_223 : vector<16xf32>
          %select_n3A_385 = arith.select %ge3A_378, %neg3A_384, %get3A_377 : vector<16xi1>, vector<16xf32>
          %max3A_386 = arith.maximumf %scan3A_374, %select_n3A_385 : vector<16xf32>
          %scan3A_387 = arith.constant 1 : i32
          %scan3A_388 = arith.addi %scan3A_371, %scan3A_387 : i32
          %mul3A_389 = arith.constant 16 : i32
          %mul3A_390 = arith.muli %scan3A_388, %mul3A_389 : i32
          %get3A_391 = arith.index_cast %mul3A_390 : i32 to index
          %get3A_392 = tpu.vector_load %arg5[%get3A_391] {strides = array<i32>} : memref<2048xf32, #tpu.memory_space<vmem>>, vector<16xf32>,
          %ge3A_393 = arith.cmpf oge, %get3A_392, %broadcast_in_dim3A_221 : vector<16xf32>
          %all_reduce_population_count3A_394 = tpu.all_reduce %ge3A_393 {dim = 0 : i64, kind = #tpu.reduction_kind<sum>} : vector<16xi1> -> vector<16xi32>
          %add3A_395 = arith.addi %add3A_379, %all_reduce_population_count3A_394 : vector<16xi32>
          %select_n3A_396 = arith.select %ge3A_393, %get3A_392, %broadcast_in_dim3A_223 : vector<16xi1>, vector<16xf32>
          %min3A_397 = arith.minimumf %min3A_381, %select_n3A_396 : vector<16xf32>
          %neg3A_398 = arith.constant 0.000000e+00 : f32
          %neg3A_399 = vector.broadcast %neg3A_398 : f32 to vector<16xf32>
          %neg3A_400 = arith.subf %neg3A_399, %broadcast_in_dim3A_223 : vector<16xf32>
          %select_n3A_401 = arith.select %ge3A_393, %neg3A_400, %get3A_392 : vector<16xi1>, vector<16xf32>
          %max3A_402 = arith.maximumf %max3A_386, %select_n3A_401 : vector<16xf32>
          %scan3A_403 = arith.constant 2 : i32
          %scan3A_404 = arith.addi %scan3A_371, %scan3A_403 : i32
          %mul3A_405 = arith.constant 16 : i32
          %mul3A_406 = arith.muli %scan3A_404, %mul3A_405 : i32
          %get3A_407 = arith.index_cast %mul3A_406 : i32 to index
          %get3A_408 = tpu.vector_load %arg5[%get3A_407] {strides = array<i32>} : memref<2048xf32, #tpu.memory_space<vmem>>, vector<16xf32>,
          %ge3A_409 = arith.cmpf oge, %get3A_408, %broadcast_in_dim3A_221 : vector<16xf32>
          %all_reduce_population_count3A_410 = tpu.all_reduce %ge3A_409 {dim = 0 : i64, kind = #tpu.reduction_kind<sum>} : vector<16xi1> -> vector<16xi32>
          %add3A_411 = arith.addi %add3A_395, %all_reduce_population_count3A_410 : vector<16xi32>
          %select_n3A_412 = arith.select %ge3A_409, %get3A_408, %broadcast_in_dim3A_223 : vector<16xi1>, vector<16xf32>
          %min3A_413 = arith.minimumf %min3A_397, %select_n3A_412 : vector<16xf32>
          %neg3A_414 = arith.constant 0.000000e+00 : f32
          %neg3A_415 = vector.broadcast %neg3A_414 : f32 to vector<16xf32>
          %neg3A_416 = arith.subf %neg3A_415, %broadcast_in_dim3A_223 : vector<16xf32>
          %select_n3A_417 = arith.select %ge3A_409, %neg3A_416, %get3A_408 : vector<16xi1>, vector<16xf32>
          %max3A_418 = arith.maximumf %max3A_402, %select_n3A_417 : vector<16xf32>
          %scan3A_419 = arith.constant 3 : i32
          %scan3A_420 = arith.addi %scan3A_371, %scan3A_419 : i32
          %mul3A_421 = arith.constant 16 : i32
          %mul3A_422 = arith.muli %scan3A_420, %mul3A_421 : i32
          %get3A_423 = arith.index_cast %mul3A_422 : i32 to index
          %get3A_424 = tpu.vector_load %arg5[%get3A_423] {strides = array<i32>} : memref<2048xf32, #tpu.memory_space<vmem>>, vector<16xf32>,
          %ge3A_425 = arith.cmpf oge, %get3A_424, %broadcast_in_dim3A_221 : vector<16xf32>
          %all_reduce_population_count3A_426 = tpu.all_reduce %ge3A_425 {dim = 0 : i64, kind = #tpu.reduction_kind<sum>} : vector<16xi1> -> vector<16xi32>
          %add3A_427 = arith.addi %add3A_411, %all_reduce_population_count3A_426 : vector<16xi32>
          %select_n3A_428 = arith.select %ge3A_425, %get3A_424, %broadcast_in_dim3A_223 : vector<16xi1>, vector<16xf32>
          %min3A_429 = arith.minimumf %min3A_413, %select_n3A_428 : vector<16xf32>
          %neg3A_430 = arith.constant 0.000000e+00 : f32
          %neg3A_431 = vector.broadcast %neg3A_430 : f32 to vector<16xf32>
          %neg3A_432 = arith.subf %neg3A_431, %broadcast_in_dim3A_223 : vector<16xf32>
          %select_n3A_433 = arith.select %ge3A_425, %neg3A_432, %get3A_424 : vector<16xi1>, vector<16xf32>
          %max3A_434 = arith.maximumf %max3A_418, %select_n3A_433 : vector<16xf32>
          %scan3A_435 = arith.constant 4 : i32
          %scan3A_436 = arith.addi %scan3A_371, %scan3A_435 : i32
          %mul3A_437 = arith.constant 16 : i32
          %mul3A_438 = arith.muli %scan3A_436, %mul3A_437 : i32
          %get3A_439 = arith.index_cast %mul3A_438 : i32 to index
          %get3A_440 = tpu.vector_load %arg5[%get3A_439] {strides = array<i32>} : memref<2048xf32, #tpu.memory_space<vmem>>, vector<16xf32>,
          %ge3A_441 = arith.cmpf oge, %get3A_440, %broadcast_in_dim3A_221 : vector<16xf32>
          %all_reduce_population_count3A_442 = tpu.all_reduce %ge3A_441 {dim = 0 : i64, kind = #tpu.reduction_kind<sum>} : vector<16xi1> -> vector<16xi32>
          %add3A_443 = arith.addi %add3A_427, %all_reduce_population_count3A_442 : vector<16xi32>
          %select_n3A_444 = arith.select %ge3A_441, %get3A_440, %broadcast_in_dim3A_223 : vector<16xi1>, vector<16xf32>
          %min3A_445 = arith.minimumf %min3A_429, %select_n3A_444 : vector<16xf32>
          %neg3A_446 = arith.constant 0.000000e+00 : f32
          %neg3A_447 = vector.broadcast %neg3A_446 : f32 to vector<16xf32>
          %neg3A_448 = arith.subf %neg3A_447, %broadcast_in_dim3A_223 : vector<16xf32>
          %select_n3A_449 = arith.select %ge3A_441, %neg3A_448, %get3A_440 : vector<16xi1>, vector<16xf32>
          %max3A_450 = arith.maximumf %max3A_434, %select_n3A_449 : vector<16xf32>
          %scan3A_451 = arith.constant 5 : i32
          %scan3A_452 = arith.addi %scan3A_371, %scan3A_451 : i32
          %mul3A_453 = arith.constant 16 : i32
          %mul3A_454 = arith.muli %scan3A_452, %mul3A_453 : i32
          %get3A_455 = arith.index_cast %mul3A_454 : i32 to index
          %get3A_456 = tpu.vector_load %arg5[%get3A_455] {strides = array<i32>} : memref<2048xf32, #tpu.memory_space<vmem>>, vector<16xf32>,
          %ge3A_457 = arith.cmpf oge, %get3A_456, %broadcast_in_dim3A_221 : vector<16xf32>
          %all_reduce_population_count3A_458 = tpu.all_reduce %ge3A_457 {dim = 0 : i64, kind = #tpu.reduction_kind<sum>} : vector<16xi1> -> vector<16xi32>
          %add3A_459 = arith.addi %add3A_443, %all_reduce_population_count3A_458 : vector<16xi32>
          %select_n3A_460 = arith.select %ge3A_457, %get3A_456, %broadcast_in_dim3A_223 : vector<16xi1>, vector<16xf32>
          %min3A_461 = arith.minimumf %min3A_445, %select_n3A_460 : vector<16xf32>
          %neg3A_462 = arith.constant 0.000000e+00 : f32
          %neg3A_463 = vector.broadcast %neg3A_462 : f32 to vector<16xf32>
          %neg3A_464 = arith.subf %neg3A_463, %broadcast_in_dim3A_223 : vector<16xf32>
          %select_n3A_465 = arith.select %ge3A_457, %neg3A_464, %get3A_456 : vector<16xi1>, vector<16xf32>
          %max3A_466 = arith.maximumf %max3A_450, %select_n3A_465 : vector<16xf32>
          %scan3A_467 = arith.constant 6 : i32
          %scan3A_468 = arith.addi %scan3A_371, %scan3A_467 : i32
          %mul3A_469 = arith.constant 16 : i32
          %mul3A_470 = arith.muli %scan3A_468, %mul3A_469 : i32
          %get3A_471 = arith.index_cast %mul3A_470 : i32 to index
          %get3A_472 = tpu.vector_load %arg5[%get3A_471] {strides = array<i32>} : memref<2048xf32, #tpu.memory_space<vmem>>, vector<16xf32>,
          %ge3A_473 = arith.cmpf oge, %get3A_472, %broadcast_in_dim3A_221 : vector<16xf32>
          %all_reduce_population_count3A_474 = tpu.all_reduce %ge3A_473 {dim = 0 : i64, kind = #tpu.reduction_kind<sum>} : vector<16xi1> -> vector<16xi32>
          %add3A_475 = arith.addi %add3A_459, %all_reduce_population_count3A_474 : vector<16xi32>
          %select_n3A_476 = arith.select %ge3A_473, %get3A_472, %broadcast_in_dim3A_223 : vector<16xi1>, vector<16xf32>
          %min3A_477 = arith.minimumf %min3A_461, %select_n3A_476 : vector<16xf32>
          %neg3A_478 = arith.constant 0.000000e+00 : f32
          %neg3A_479 = vector.broadcast %neg3A_478 : f32 to vector<16xf32>
          %neg3A_480 = arith.subf %neg3A_479, %broadcast_in_dim3A_223 : vector<16xf32>
          %select_n3A_481 = arith.select %ge3A_473, %neg3A_480, %get3A_472 : vector<16xi1>, vector<16xf32>
          %max3A_482 = arith.maximumf %max3A_466, %select_n3A_481 : vector<16xf32>
          %scan3A_483 = arith.constant 7 : i32
          %scan3A_484 = arith.addi %scan3A_371, %scan3A_483 : i32
          %mul3A_485 = arith.constant 16 : i32
          %mul3A_486 = arith.muli %scan3A_484, %mul3A_485 : i32
          %get3A_487 = arith.index_cast %mul3A_486 : i32 to index
          %get3A_488 = tpu.vector_load %arg5[%get3A_487] {strides = array<i32>} : memref<2048xf32, #tpu.memory_space<vmem>>, vector<16xf32>,
          %ge3A_489 = arith.cmpf oge, %get3A_488, %broadcast_in_dim3A_221 : vector<16xf32>
          %all_reduce_population_count3A_490 = tpu.all_reduce %ge3A_489 {dim = 0 : i64, kind = #tpu.reduction_kind<sum>} : vector<16xi1> -> vector<16xi32>
          %add3A_491 = arith.addi %add3A_475, %all_reduce_population_count3A_490 : vector<16xi32>
          %select_n3A_492 = arith.select %ge3A_489, %get3A_488, %broadcast_in_dim3A_223 : vector<16xi1>, vector<16xf32>
          %min3A_493 = arith.minimumf %min3A_477, %select_n3A_492 : vector<16xf32>
          %neg3A_494 = arith.constant 0.000000e+00 : f32
          %neg3A_495 = vector.broadcast %neg3A_494 : f32 to vector<16xf32>
          %neg3A_496 = arith.subf %neg3A_495, %broadcast_in_dim3A_223 : vector<16xf32>
          %select_n3A_497 = arith.select %ge3A_489, %neg3A_496, %get3A_488 : vector<16xi1>, vector<16xf32>
          %max3A_498 = arith.maximumf %max3A_482, %select_n3A_497 : vector<16xf32>
          scf.yield %add3A_491, %min3A_493, %max3A_498 : vector<16xi32>, vector<16xf32>, vector<16xf32>
        }
        %scan3A_233 = arith.constant 128 : i32
        %slice3A_234 = vector.extract_strided_slice %scan3A_232#0 {offsets = [0], sizes = [1], strides = [1]} : vector<16xi32> to vector<1xi32>
        %squeeze3A_235 = vector.extract %slice3A_234[0] : i32 from vector<1xi32>
        %slice3A_236 = vector.extract_strided_slice %scan3A_232#1 {offsets = [0], sizes = [1], strides = [1]} : vector<16xf32> to vector<1xf32>
        %squeeze3A_237 = vector.extract %slice3A_236[0] : f32 from vector<1xf32>
        %slice3A_238 = vector.extract_strided_slice %scan3A_232#1 {offsets = [1], sizes = [1], strides = [1]} : vector<16xf32> to vector<1xf32>
        %squeeze3A_239 = vector.extract %slice3A_238[0] : f32 from vector<1xf32>
        %min3A_240 = arith.minimumf %squeeze3A_237, %squeeze3A_239 : f32
        %slice3A_241 = vector.extract_strided_slice %scan3A_232#1 {offsets = [2], sizes = [1], strides = [1]} : vector<16xf32> to vector<1xf32>
        %squeeze3A_242 = vector.extract %slice3A_241[0] : f32 from vector<1xf32>
        %min3A_243 = arith.minimumf %min3A_240, %squeeze3A_242 : f32
        %slice3A_244 = vector.extract_strided_slice %scan3A_232#1 {offsets = [3], sizes = [1], strides = [1]} : vector<16xf32> to vector<1xf32>
        %squeeze3A_245 = vector.extract %slice3A_244[0] : f32 from vector<1xf32>
        %min3A_246 = arith.minimumf %min3A_243, %squeeze3A_245 : f32
        %slice3A_247 = vector.extract_strided_slice %scan3A_232#1 {offsets = [4], sizes = [1], strides = [1]} : vector<16xf32> to vector<1xf32>
        %squeeze3A_248 = vector.extract %slice3A_247[0] : f32 from vector<1xf32>
        %min3A_249 = arith.minimumf %min3A_246, %squeeze3A_248 : f32
        %slice3A_250 = vector.extract_strided_slice %scan3A_232#1 {offsets = [5], sizes = [1], strides = [1]} : vector<16xf32> to vector<1xf32>
        %squeeze3A_251 = vector.extract %slice3A_250[0] : f32 from vector<1xf32>
        %min3A_252 = arith.minimumf %min3A_249, %squeeze3A_251 : f32
        %slice3A_253 = vector.extract_strided_slice %scan3A_232#1 {offsets = [6], sizes = [1], strides = [1]} : vector<16xf32> to vector<1xf32>
        %squeeze3A_254 = vector.extract %slice3A_253[0] : f32 from vector<1xf32>
        %min3A_255 = arith.minimumf %min3A_252, %squeeze3A_254 : f32
        %slice3A_256 = vector.extract_strided_slice %scan3A_232#1 {offsets = [7], sizes = [1], strides = [1]} : vector<16xf32> to vector<1xf32>
        %squeeze3A_257 = vector.extract %slice3A_256[0] : f32 from vector<1xf32>
        %min3A_258 = arith.minimumf %min3A_255, %squeeze3A_257 : f32
        %slice3A_259 = vector.extract_strided_slice %scan3A_232#1 {offsets = [8], sizes = [1], strides = [1]} : vector<16xf32> to vector<1xf32>
        %squeeze3A_260 = vector.extract %slice3A_259[0] : f32 from vector<1xf32>
        %min3A_261 = arith.minimumf %min3A_258, %squeeze3A_260 : f32
        %slice3A_262 = vector.extract_strided_slice %scan3A_232#1 {offsets = [9], sizes = [1], strides = [1]} : vector<16xf32> to vector<1xf32>
        %squeeze3A_263 = vector.extract %slice3A_262[0] : f32 from vector<1xf32>
        %min3A_264 = arith.minimumf %min3A_261, %squeeze3A_263 : f32
        %slice3A_265 = vector.extract_strided_slice %scan3A_232#1 {offsets = [10], sizes = [1], strides = [1]} : vector<16xf32> to vector<1xf32>
        %squeeze3A_266 = vector.extract %slice3A_265[0] : f32 from vector<1xf32>
        %min3A_267 = arith.minimumf %min3A_264, %squeeze3A_266 : f32
        %slice3A_268 = vector.extract_strided_slice %scan3A_232#1 {offsets = [11], sizes = [1], strides = [1]} : vector<16xf32> to vector<1xf32>
        %squeeze3A_269 = vector.extract %slice3A_268[0] : f32 from vector<1xf32>
        %min3A_270 = arith.minimumf %min3A_267, %squeeze3A_269 : f32
        %slice3A_271 = vector.extract_strided_slice %scan3A_232#1 {offsets = [12], sizes = [1], strides = [1]} : vector<16xf32> to vector<1xf32>
        %squeeze3A_272 = vector.extract %slice3A_271[0] : f32 from vector<1xf32>
        %min3A_273 = arith.minimumf %min3A_270, %squeeze3A_272 : f32
        %slice3A_274 = vector.extract_strided_slice %scan3A_232#1 {offsets = [13], sizes = [1], strides = [1]} : vector<16xf32> to vector<1xf32>
        %squeeze3A_275 = vector.extract %slice3A_274[0] : f32 from vector<1xf32>
        %min3A_276 = arith.minimumf %min3A_273, %squeeze3A_275 : f32
        %slice3A_277 = vector.extract_strided_slice %scan3A_232#1 {offsets = [14], sizes = [1], strides = [1]} : vector<16xf32> to vector<1xf32>
        %squeeze3A_278 = vector.extract %slice3A_277[0] : f32 from vector<1xf32>
        %min3A_279 = arith.minimumf %min3A_276, %squeeze3A_278 : f32
        %slice3A_280 = vector.extract_strided_slice %scan3A_232#1 {offsets = [15], sizes = [1], strides = [1]} : vector<16xf32> to vector<1xf32>
        %squeeze3A_281 = vector.extract %slice3A_280[0] : f32 from vector<1xf32>
        %min3A_282 = arith.minimumf %min3A_279, %squeeze3A_281 : f32
        %slice3A_283 = vector.extract_strided_slice %scan3A_232#2 {offsets = [0], sizes = [1], strides = [1]} : vector<16xf32> to vector<1xf32>
        %squeeze3A_284 = vector.extract %slice3A_283[0] : f32 from vector<1xf32>
        %slice3A_285 = vector.extract_strided_slice %scan3A_232#2 {offsets = [1], sizes = [1], strides = [1]} : vector<16xf32> to vector<1xf32>
        %squeeze3A_286 = vector.extract %slice3A_285[0] : f32 from vector<1xf32>
        %max3A_287 = arith.maximumf %squeeze3A_284, %squeeze3A_286 : f32
        %slice3A_288 = vector.extract_strided_slice %scan3A_232#2 {offsets = [2], sizes = [1], strides = [1]} : vector<16xf32> to vector<1xf32>
        %squeeze3A_289 = vector.extract %slice3A_288[0] : f32 from vector<1xf32>
        %max3A_290 = arith.maximumf %max3A_287, %squeeze3A_289 : f32
        %slice3A_291 = vector.extract_strided_slice %scan3A_232#2 {offsets = [3], sizes = [1], strides = [1]} : vector<16xf32> to vector<1xf32>
        %squeeze3A_292 = vector.extract %slice3A_291[0] : f32 from vector<1xf32>
        %max3A_293 = arith.maximumf %max3A_290, %squeeze3A_292 : f32
        %slice3A_294 = vector.extract_strided_slice %scan3A_232#2 {offsets = [4], sizes = [1], strides = [1]} : vector<16xf32> to vector<1xf32>
        %squeeze3A_295 = vector.extract %slice3A_294[0] : f32 from vector<1xf32>
        %max3A_296 = arith.maximumf %max3A_293, %squeeze3A_295 : f32
        %slice3A_297 = vector.extract_strided_slice %scan3A_232#2 {offsets = [5], sizes = [1], strides = [1]} : vector<16xf32> to vector<1xf32>
        %squeeze3A_298 = vector.extract %slice3A_297[0] : f32 from vector<1xf32>
        %max3A_299 = arith.maximumf %max3A_296, %squeeze3A_298 : f32
        %slice3A_300 = vector.extract_strided_slice %scan3A_232#2 {offsets = [6], sizes = [1], strides = [1]} : vector<16xf32> to vector<1xf32>
        %squeeze3A_301 = vector.extract %slice3A_300[0] : f32 from vector<1xf32>
        %max3A_302 = arith.maximumf %max3A_299, %squeeze3A_301 : f32
        %slice3A_303 = vector.extract_strided_slice %scan3A_232#2 {offsets = [7], sizes = [1], strides = [1]} : vector<16xf32> to vector<1xf32>
        %squeeze3A_304 = vector.extract %slice3A_303[0] : f32 from vector<1xf32>
        %max3A_305 = arith.maximumf %max3A_302, %squeeze3A_304 : f32
        %slice3A_306 = vector.extract_strided_slice %scan3A_232#2 {offsets = [8], sizes = [1], strides = [1]} : vector<16xf32> to vector<1xf32>
        %squeeze3A_307 = vector.extract %slice3A_306[0] : f32 from vector<1xf32>
        %max3A_308 = arith.maximumf %max3A_305, %squeeze3A_307 : f32
        %slice3A_309 = vector.extract_strided_slice %scan3A_232#2 {offsets = [9], sizes = [1], strides = [1]} : vector<16xf32> to vector<1xf32>
        %squeeze3A_310 = vector.extract %slice3A_309[0] : f32 from vector<1xf32>
        %max3A_311 = arith.maximumf %max3A_308, %squeeze3A_310 : f32
        %slice3A_312 = vector.extract_strided_slice %scan3A_232#2 {offsets = [10], sizes = [1], strides = [1]} : vector<16xf32> to vector<1xf32>
        %squeeze3A_313 = vector.extract %slice3A_312[0] : f32 from vector<1xf32>
        %max3A_314 = arith.maximumf %max3A_311, %squeeze3A_313 : f32
        %slice3A_315 = vector.extract_strided_slice %scan3A_232#2 {offsets = [11], sizes = [1], strides = [1]} : vector<16xf32> to vector<1xf32>
        %squeeze3A_316 = vector.extract %slice3A_315[0] : f32 from vector<1xf32>
        %max3A_317 = arith.maximumf %max3A_314, %squeeze3A_316 : f32
        %slice3A_318 = vector.extract_strided_slice %scan3A_232#2 {offsets = [12], sizes = [1], strides = [1]} : vector<16xf32> to vector<1xf32>
        %squeeze3A_319 = vector.extract %slice3A_318[0] : f32 from vector<1xf32>
        %max3A_320 = arith.maximumf %max3A_317, %squeeze3A_319 : f32
        %slice3A_321 = vector.extract_strided_slice %scan3A_232#2 {offsets = [13], sizes = [1], strides = [1]} : vector<16xf32> to vector<1xf32>
        %squeeze3A_322 = vector.extract %slice3A_321[0] : f32 from vector<1xf32>
        %max3A_323 = arith.maximumf %max3A_320, %squeeze3A_322 : f32
        %slice3A_324 = vector.extract_strided_slice %scan3A_232#2 {offsets = [14], sizes = [1], strides = [1]} : vector<16xf32> to vector<1xf32>
        %squeeze3A_325 = vector.extract %slice3A_324[0] : f32 from vector<1xf32>
        %max3A_326 = arith.maximumf %max3A_323, %squeeze3A_325 : f32
        %slice3A_327 = vector.extract_strided_slice %scan3A_232#2 {offsets = [15], sizes = [1], strides = [1]} : vector<16xf32> to vector<1xf32>
        %squeeze3A_328 = vector.extract %slice3A_327[0] : f32 from vector<1xf32>
        %max3A_329 = arith.maximumf %max3A_326, %squeeze3A_328 : f32
        %max3A_330 = arith.constant 1 : i32
        %max3A_331 = arith.maxsi %squeeze3A_235, %max3A_330 : i32
        %convert_element_type3A_332 = arith.sitofp %max3A_331 : i32 to f32
        %bitcast_convert_type3A_333 = arith.bitcast %convert_element_type3A_332 : f32 to i32
        %sub3A_334 = arith.constant 1065353216 : i32
        %sub3A_335 = arith.subi %bitcast_convert_type3A_333, %sub3A_334 : i32
        %convert_element_type3A_336 = arith.sitofp %sub3A_335 : i32 to f32
        %mul3A_337 = arith.constant 1.1920929E-7 : f32
        %mul3A_338 = arith.mulf %convert_element_type3A_336, %mul3A_337 : f32
        %ge3A_339 = arith.constant 64 : i32
        %ge3A_340 = arith.cmpi sge, %squeeze3A_235, %ge3A_339 : i32
        %select_n3A_341 = arith.select %ge3A_340, %min3A_282, %while3A_151 : f32
        %select_n3A_342 = arith.select %ge3A_340, %squeeze3A_235, %while3A_153 : i32
        %bitcast_convert_type3A_343 = arith.bitcast %max3A_329 : f32 to i32
        %ge3A_344 = arith.constant 0 : i32
        %ge3A_345 = arith.cmpi sge, %bitcast_convert_type3A_343, %ge3A_344 : i32
        %sub3A_346 = arith.constant -2147483648 : i32
        %sub3A_347 = arith.subi %sub3A_346, %bitcast_convert_type3A_343 : i32
        %select_n3A_348 = arith.select %ge3A_345, %bitcast_convert_type3A_343, %sub3A_347 : i32
        %add3A_349 = arith.constant 1 : i32
        %add3A_350 = arith.addi %select_n3A_348, %add3A_349 : i32
        %ge3A_351 = arith.constant 0 : i32
        %ge3A_352 = arith.cmpi sge, %add3A_350, %ge3A_351 : i32
        %sub3A_353 = arith.constant -2147483648 : i32
        %sub3A_354 = arith.subi %sub3A_353, %add3A_350 : i32
        %select_n3A_355 = arith.select %ge3A_352, %add3A_350, %sub3A_354 : i32
        %bitcast_convert_type3A_356 = arith.bitcast %select_n3A_355 : i32 to f32
        %select_n3A_357 = arith.select %ge3A_340, %while3A_152, %bitcast_convert_type3A_356 : f32
        %select_n3A_358 = arith.select %ge3A_340, %min3A_282, %max3A_329 : f32
        %add3A_359 = arith.constant 1 : i32
        %add3A_360 = arith.addi %squeeze3A_235, %add3A_359 : i32
        %convert_element_type3A_361 = arith.sitofp %add3A_360 : i32 to f32
        %bitcast_convert_type3A_362 = arith.bitcast %convert_element_type3A_361 : f32 to i32
        %sub3A_363 = arith.constant 1065353216 : i32
        %sub3A_364 = arith.subi %bitcast_convert_type3A_362, %sub3A_363 : i32
        %convert_element_type3A_365 = arith.sitofp %sub3A_364 : i32 to f32
        %mul3A_366 = arith.constant 1.1920929E-7 : f32
        %mul3A_367 = arith.mulf %convert_element_type3A_365, %mul3A_366 : f32
        %select_n3A_368 = arith.select %ge3A_340, %mul3A_338, %mul3A_367 : f32
        %add3A_369 = arith.constant 1 : i32
        %add3A_370 = arith.addi %while3A_150, %add3A_369 : i32
        scf.yield %add3A_370, %select_n3A_341, %select_n3A_357, %select_n3A_342, %select_n3A_358, %select_n3A_368, %while3A_154, %while3A_155 : i32, f32, f32, i32, f32, f32, f32, f32
      }
      %broadcast_in_dim3A_140 = vector.broadcast %while3A_139#1 : f32 to vector<16xf32>
      %broadcast_in_dim3A_141 = arith.constant 0.000000e+00 : f32
      %broadcast_in_dim3A_142 = vector.broadcast %broadcast_in_dim3A_141 : f32 to vector<16xf32>
      %scan3A_143 = arith.constant 0 : i32
      %scan3A_144 = arith.constant 0 : i32
      %scan3A_145 = arith.constant 2048 : i32
      %scan3A_146 = arith.addi %scan3A_144, %scan3A_145 : i32
      %scan3A_147 = arith.constant 8 : i32
      %scan3A_148 = scf.for %scan3A_150 = %scan3A_144 to %scan3A_146 step %scan3A_147 iter_args(%scan3A_151 = %scan3A_143) -> (i32)  : i32 {
        %mul3A_152 = arith.constant 16 : i32
        %mul3A_153 = arith.muli %scan3A_150, %mul3A_152 : i32
        %get3A = arith.index_cast %mul3A_153 : i32 to index
        %get3A_154 = tpu.vector_load %arg4[%get3A] {strides = array<i32>} : memref<32768xf32, #tpu.memory_space<vmem>>, vector<16xf32>,
        %ge3A_155 = arith.cmpf oge, %get3A_154, %broadcast_in_dim3A_140 : vector<16xf32>
        %select_n3A_156 = arith.select %ge3A_155, %get3A_154, %broadcast_in_dim3A_142 : vector<16xi1>, vector<16xf32>
        %mul3A_157 = arith.constant 16 : i32
        %mul3A_158 = arith.muli %scan3A_150, %mul3A_157 : i32
        %swap3A = arith.index_cast %mul3A_158 : i32 to index
        %swap3A_159 = tpu.vector_load %arg4[%swap3A] {strides = array<i32>} : memref<32768xf32, #tpu.memory_space<vmem>>, vector<16xf32>,
        tpu.vector_store %arg4[%swap3A], %select_n3A_156 {strides = array<i32>} : memref<32768xf32, #tpu.memory_space<vmem>>, vector<16xf32>,
        %scan3A_160 = arith.constant 0 : i32
        %scan3A_161 = arith.constant 1 : i32
        %scan3A_162 = arith.addi %scan3A_150, %scan3A_161 : i32
        %mul3A_163 = arith.constant 16 : i32
        %mul3A_164 = arith.muli %scan3A_162, %mul3A_163 : i32
        %get3A_165 = arith.index_cast %mul3A_164 : i32 to index
        %get3A_166 = tpu.vector_load %arg4[%get3A_165] {strides = array<i32>} : memref<32768xf32, #tpu.memory_space<vmem>>, vector<16xf32>,
        %ge3A_167 = arith.cmpf oge, %get3A_166, %broadcast_in_dim3A_140 : vector<16xf32>
        %select_n3A_168 = arith.select %ge3A_167, %get3A_166, %broadcast_in_dim3A_142 : vector<16xi1>, vector<16xf32>
        %mul3A_169 = arith.constant 16 : i32
        %mul3A_170 = arith.muli %scan3A_162, %mul3A_169 : i32
        %swap3A_171 = arith.index_cast %mul3A_170 : i32 to index
        %swap3A_172 = tpu.vector_load %arg4[%swap3A_171] {strides = array<i32>} : memref<32768xf32, #tpu.memory_space<vmem>>, vector<16xf32>,
        tpu.vector_store %arg4[%swap3A_171], %select_n3A_168 {strides = array<i32>} : memref<32768xf32, #tpu.memory_space<vmem>>, vector<16xf32>,
        %scan3A_173 = arith.constant 0 : i32
        %scan3A_174 = arith.constant 2 : i32
        %scan3A_175 = arith.addi %scan3A_150, %scan3A_174 : i32
        %mul3A_176 = arith.constant 16 : i32
        %mul3A_177 = arith.muli %scan3A_175, %mul3A_176 : i32
        %get3A_178 = arith.index_cast %mul3A_177 : i32 to index
        %get3A_179 = tpu.vector_load %arg4[%get3A_178] {strides = array<i32>} : memref<32768xf32, #tpu.memory_space<vmem>>, vector<16xf32>,
        %ge3A_180 = arith.cmpf oge, %get3A_179, %broadcast_in_dim3A_140 : vector<16xf32>
        %select_n3A_181 = arith.select %ge3A_180, %get3A_179, %broadcast_in_dim3A_142 : vector<16xi1>, vector<16xf32>
        %mul3A_182 = arith.constant 16 : i32
        %mul3A_183 = arith.muli %scan3A_175, %mul3A_182 : i32
        %swap3A_184 = arith.index_cast %mul3A_183 : i32 to index
        %swap3A_185 = tpu.vector_load %arg4[%swap3A_184] {strides = array<i32>} : memref<32768xf32, #tpu.memory_space<vmem>>, vector<16xf32>,
        tpu.vector_store %arg4[%swap3A_184], %select_n3A_181 {strides = array<i32>} : memref<32768xf32, #tpu.memory_space<vmem>>, vector<16xf32>,
        %scan3A_186 = arith.constant 0 : i32
        %scan3A_187 = arith.constant 3 : i32
        %scan3A_188 = arith.addi %scan3A_150, %scan3A_187 : i32
        %mul3A_189 = arith.constant 16 : i32
        %mul3A_190 = arith.muli %scan3A_188, %mul3A_189 : i32
        %get3A_191 = arith.index_cast %mul3A_190 : i32 to index
        %get3A_192 = tpu.vector_load %arg4[%get3A_191] {strides = array<i32>} : memref<32768xf32, #tpu.memory_space<vmem>>, vector<16xf32>,
        %ge3A_193 = arith.cmpf oge, %get3A_192, %broadcast_in_dim3A_140 : vector<16xf32>
        %select_n3A_194 = arith.select %ge3A_193, %get3A_192, %broadcast_in_dim3A_142 : vector<16xi1>, vector<16xf32>
        %mul3A_195 = arith.constant 16 : i32
        %mul3A_196 = arith.muli %scan3A_188, %mul3A_195 : i32
        %swap3A_197 = arith.index_cast %mul3A_196 : i32 to index
        %swap3A_198 = tpu.vector_load %arg4[%swap3A_197] {strides = array<i32>} : memref<32768xf32, #tpu.memory_space<vmem>>, vector<16xf32>,
        tpu.vector_store %arg4[%swap3A_197], %select_n3A_194 {strides = array<i32>} : memref<32768xf32, #tpu.memory_space<vmem>>, vector<16xf32>,
        %scan3A_199 = arith.constant 0 : i32
        %scan3A_200 = arith.constant 4 : i32
        %scan3A_201 = arith.addi %scan3A_150, %scan3A_200 : i32
        %mul3A_202 = arith.constant 16 : i32
        %mul3A_203 = arith.muli %scan3A_201, %mul3A_202 : i32
        %get3A_204 = arith.index_cast %mul3A_203 : i32 to index
        %get3A_205 = tpu.vector_load %arg4[%get3A_204] {strides = array<i32>} : memref<32768xf32, #tpu.memory_space<vmem>>, vector<16xf32>,
        %ge3A_206 = arith.cmpf oge, %get3A_205, %broadcast_in_dim3A_140 : vector<16xf32>
        %select_n3A_207 = arith.select %ge3A_206, %get3A_205, %broadcast_in_dim3A_142 : vector<16xi1>, vector<16xf32>
        %mul3A_208 = arith.constant 16 : i32
        %mul3A_209 = arith.muli %scan3A_201, %mul3A_208 : i32
        %swap3A_210 = arith.index_cast %mul3A_209 : i32 to index
        %swap3A_211 = tpu.vector_load %arg4[%swap3A_210] {strides = array<i32>} : memref<32768xf32, #tpu.memory_space<vmem>>, vector<16xf32>,
        tpu.vector_store %arg4[%swap3A_210], %select_n3A_207 {strides = array<i32>} : memref<32768xf32, #tpu.memory_space<vmem>>, vector<16xf32>,
        %scan3A_212 = arith.constant 0 : i32
        %scan3A_213 = arith.constant 5 : i32
        %scan3A_214 = arith.addi %scan3A_150, %scan3A_213 : i32
        %mul3A_215 = arith.constant 16 : i32
        %mul3A_216 = arith.muli %scan3A_214, %mul3A_215 : i32
        %get3A_217 = arith.index_cast %mul3A_216 : i32 to index
        %get3A_218 = tpu.vector_load %arg4[%get3A_217] {strides = array<i32>} : memref<32768xf32, #tpu.memory_space<vmem>>, vector<16xf32>,
        %ge3A_219 = arith.cmpf oge, %get3A_218, %broadcast_in_dim3A_140 : vector<16xf32>
        %select_n3A_220 = arith.select %ge3A_219, %get3A_218, %broadcast_in_dim3A_142 : vector<16xi1>, vector<16xf32>
        %mul3A_221 = arith.constant 16 : i32
        %mul3A_222 = arith.muli %scan3A_214, %mul3A_221 : i32
        %swap3A_223 = arith.index_cast %mul3A_222 : i32 to index
        %swap3A_224 = tpu.vector_load %arg4[%swap3A_223] {strides = array<i32>} : memref<32768xf32, #tpu.memory_space<vmem>>, vector<16xf32>,
        tpu.vector_store %arg4[%swap3A_223], %select_n3A_220 {strides = array<i32>} : memref<32768xf32, #tpu.memory_space<vmem>>, vector<16xf32>,
        %scan3A_225 = arith.constant 0 : i32
        %scan3A_226 = arith.constant 6 : i32
        %scan3A_227 = arith.addi %scan3A_150, %scan3A_226 : i32
        %mul3A_228 = arith.constant 16 : i32
        %mul3A_229 = arith.muli %scan3A_227, %mul3A_228 : i32
        %get3A_230 = arith.index_cast %mul3A_229 : i32 to index
        %get3A_231 = tpu.vector_load %arg4[%get3A_230] {strides = array<i32>} : memref<32768xf32, #tpu.memory_space<vmem>>, vector<16xf32>,
        %ge3A_232 = arith.cmpf oge, %get3A_231, %broadcast_in_dim3A_140 : vector<16xf32>
        %select_n3A_233 = arith.select %ge3A_232, %get3A_231, %broadcast_in_dim3A_142 : vector<16xi1>, vector<16xf32>
        %mul3A_234 = arith.constant 16 : i32
        %mul3A_235 = arith.muli %scan3A_227, %mul3A_234 : i32
        %swap3A_236 = arith.index_cast %mul3A_235 : i32 to index
        %swap3A_237 = tpu.vector_load %arg4[%swap3A_236] {strides = array<i32>} : memref<32768xf32, #tpu.memory_space<vmem>>, vector<16xf32>,
        tpu.vector_store %arg4[%swap3A_236], %select_n3A_233 {strides = array<i32>} : memref<32768xf32, #tpu.memory_space<vmem>>, vector<16xf32>,
        %scan3A_238 = arith.constant 0 : i32
        %scan3A_239 = arith.constant 7 : i32
        %scan3A_240 = arith.addi %scan3A_150, %scan3A_239 : i32
        %mul3A_241 = arith.constant 16 : i32
        %mul3A_242 = arith.muli %scan3A_240, %mul3A_241 : i32
        %get3A_243 = arith.index_cast %mul3A_242 : i32 to index
        %get3A_244 = tpu.vector_load %arg4[%get3A_243] {strides = array<i32>} : memref<32768xf32, #tpu.memory_space<vmem>>, vector<16xf32>,
        %ge3A_245 = arith.cmpf oge, %get3A_244, %broadcast_in_dim3A_140 : vector<16xf32>
        %select_n3A_246 = arith.select %ge3A_245, %get3A_244, %broadcast_in_dim3A_142 : vector<16xi1>, vector<16xf32>
        %mul3A_247 = arith.constant 16 : i32
        %mul3A_248 = arith.muli %scan3A_240, %mul3A_247 : i32
        %swap3A_249 = arith.index_cast %mul3A_248 : i32 to index
        %swap3A_250 = tpu.vector_load %arg4[%swap3A_249] {strides = array<i32>} : memref<32768xf32, #tpu.memory_space<vmem>>, vector<16xf32>,
        tpu.vector_store %arg4[%swap3A_249], %select_n3A_246 {strides = array<i32>} : memref<32768xf32, #tpu.memory_space<vmem>>, vector<16xf32>,
        %scan3A_251 = arith.constant 0 : i32
        scf.yield %scan3A_251 : i32
      }
      %scan3A_149 = arith.constant 2048 : i32
      "tpu.region"() ({
        %run_scoped3A = tpu.sem_alloc : memref<!tpu.dma_semaphore, #tpu.memory_space<semaphore_mem>>
        %dma_start3A = arith.constant 0 : i32
        %dma_start3A_150 = tpu.memref_slice %arg3[%arg1, %dma_start3A] : memref<16x32768xf32, #tpu.memory_space<hbm>> -> memref<1x32768xf32, #tpu.memory_space<hbm>>
        %dma_start3A_151 = tpu.memref_squeeze %dma_start3A_150 : memref<1x32768xf32, #tpu.memory_space<hbm>> -> memref<32768xf32, #tpu.memory_space<hbm>>
        %dma_start3A_152 = arith.constant 0 : i32
        %dma_start3A_153 = tpu.memref_slice %arg3[%arg1, %dma_start3A_152] : memref<16x32768xf32, #tpu.memory_space<hbm>> -> memref<1x32768xf32, #tpu.memory_space<hbm>>
        %dma_start3A_154 = tpu.memref_squeeze %dma_start3A_153 : memref<1x32768xf32, #tpu.memory_space<hbm>> -> memref<32768xf32, #tpu.memory_space<hbm>>
        tpu.enqueue_dma source(%arg4 : memref<32768xf32, #tpu.memory_space<vmem>>) target(%dma_start3A_154 : memref<32768xf32, #tpu.memory_space<hbm>>) target_semaphore(%run_scoped3A : memref<!tpu.dma_semaphore, #tpu.memory_space<semaphore_mem>>)
        %dma_wait3A = arith.constant 0 : i32
        %dma_wait3A_155 = tpu.memref_slice %arg3[%arg1, %dma_wait3A] : memref<16x32768xf32, #tpu.memory_space<hbm>> -> memref<1x32768xf32, #tpu.memory_space<hbm>>
        %dma_wait3A_156 = tpu.memref_squeeze %dma_wait3A_155 : memref<1x32768xf32, #tpu.memory_space<hbm>> -> memref<32768xf32, #tpu.memory_space<hbm>>
        %dma_wait3A_157 = arith.constant 0 : i32
        %dma_wait3A_158 = tpu.memref_slice %arg3[%arg1, %dma_wait3A_157] : memref<16x32768xf32, #tpu.memory_space<hbm>> -> memref<1x32768xf32, #tpu.memory_space<hbm>>
        %dma_wait3A_159 = tpu.memref_squeeze %dma_wait3A_158 : memref<1x32768xf32, #tpu.memory_space<hbm>> -> memref<32768xf32, #tpu.memory_space<hbm>>
        tpu.wait_dma2 semaphore(%run_scoped3A : memref<!tpu.dma_semaphore, #tpu.memory_space<semaphore_mem>>) src(%arg4 : memref<32768xf32, #tpu.memory_space<vmem>>) dst(%dma_wait3A_159 : memref<32768xf32, #tpu.memory_space<hbm>>)
        tpu.yield
      }) : () -> ()
    } else {
    }
    return
  }
}

module attributes {stable_mosaic.version = 14 : i64} {
  func.func @_topk_mask_block(%arg0: i32, %arg1: memref<16x32768xf32, #tpu.memory_space<vmem>>, %arg2: memref<16x32768xf32, #tpu.memory_space<vmem>>) attributes {dimension_semantics = [#tpu.dimension_semantics<arbitrary>], iteration_bounds = array<i64: 7>, scalar_prefetch = 0 : i64, scratch_operands = 0 : i64, tpu.core_type = #tpu.core_type<tc>, window_params = [{transform_indices = @transform_0, window_bounds = array<i64: 16, 32768>}, {transform_indices = @transform_1, window_bounds = array<i64: 16, 32768>}]} {
    %get3A = arith.constant 0 : index
    %get3A_0 = arith.constant 0 : index
    %get3A_1 = vector.load %arg1[%get3A, %get3A_0] : memref<16x32768xf32, #tpu.memory_space<vmem>>, vector<16x512xf32>
    %get3A_2 = arith.constant 0 : index
    %get3A_3 = arith.constant 512 : index
    %get3A_4 = vector.load %arg1[%get3A_2, %get3A_3] : memref<16x32768xf32, #tpu.memory_space<vmem>>, vector<16x512xf32>
    %max3A = arith.maximumf %get3A_1, %get3A_4 : vector<16x512xf32>
    %get3A_5 = arith.constant 0 : index
    %get3A_6 = arith.constant 1024 : index
    %get3A_7 = vector.load %arg1[%get3A_5, %get3A_6] : memref<16x32768xf32, #tpu.memory_space<vmem>>, vector<16x512xf32>
    %max3A_8 = arith.maximumf %max3A, %get3A_7 : vector<16x512xf32>
    %get3A_9 = arith.constant 0 : index
    %get3A_10 = arith.constant 1536 : index
    %get3A_11 = vector.load %arg1[%get3A_9, %get3A_10] : memref<16x32768xf32, #tpu.memory_space<vmem>>, vector<16x512xf32>
    %max3A_12 = arith.maximumf %max3A_8, %get3A_11 : vector<16x512xf32>
    %get3A_13 = arith.constant 0 : index
    %get3A_14 = arith.constant 2048 : index
    %get3A_15 = vector.load %arg1[%get3A_13, %get3A_14] : memref<16x32768xf32, #tpu.memory_space<vmem>>, vector<16x512xf32>
    %max3A_16 = arith.maximumf %max3A_12, %get3A_15 : vector<16x512xf32>
    %get3A_17 = arith.constant 0 : index
    %get3A_18 = arith.constant 2560 : index
    %get3A_19 = vector.load %arg1[%get3A_17, %get3A_18] : memref<16x32768xf32, #tpu.memory_space<vmem>>, vector<16x512xf32>
    %max3A_20 = arith.maximumf %max3A_16, %get3A_19 : vector<16x512xf32>
    %get3A_21 = arith.constant 0 : index
    %get3A_22 = arith.constant 3072 : index
    %get3A_23 = vector.load %arg1[%get3A_21, %get3A_22] : memref<16x32768xf32, #tpu.memory_space<vmem>>, vector<16x512xf32>
    %max3A_24 = arith.maximumf %max3A_20, %get3A_23 : vector<16x512xf32>
    %get3A_25 = arith.constant 0 : index
    %get3A_26 = arith.constant 3584 : index
    %get3A_27 = vector.load %arg1[%get3A_25, %get3A_26] : memref<16x32768xf32, #tpu.memory_space<vmem>>, vector<16x512xf32>
    %max3A_28 = arith.maximumf %max3A_24, %get3A_27 : vector<16x512xf32>
    %get3A_29 = arith.constant 0 : index
    %get3A_30 = arith.constant 4096 : index
    %get3A_31 = vector.load %arg1[%get3A_29, %get3A_30] : memref<16x32768xf32, #tpu.memory_space<vmem>>, vector<16x512xf32>
    %max3A_32 = arith.maximumf %max3A_28, %get3A_31 : vector<16x512xf32>
    %get3A_33 = arith.constant 0 : index
    %get3A_34 = arith.constant 4608 : index
    %get3A_35 = vector.load %arg1[%get3A_33, %get3A_34] : memref<16x32768xf32, #tpu.memory_space<vmem>>, vector<16x512xf32>
    %max3A_36 = arith.maximumf %max3A_32, %get3A_35 : vector<16x512xf32>
    %get3A_37 = arith.constant 0 : index
    %get3A_38 = arith.constant 5120 : index
    %get3A_39 = vector.load %arg1[%get3A_37, %get3A_38] : memref<16x32768xf32, #tpu.memory_space<vmem>>, vector<16x512xf32>
    %max3A_40 = arith.maximumf %max3A_36, %get3A_39 : vector<16x512xf32>
    %get3A_41 = arith.constant 0 : index
    %get3A_42 = arith.constant 5632 : index
    %get3A_43 = vector.load %arg1[%get3A_41, %get3A_42] : memref<16x32768xf32, #tpu.memory_space<vmem>>, vector<16x512xf32>
    %max3A_44 = arith.maximumf %max3A_40, %get3A_43 : vector<16x512xf32>
    %get3A_45 = arith.constant 0 : index
    %get3A_46 = arith.constant 6144 : index
    %get3A_47 = vector.load %arg1[%get3A_45, %get3A_46] : memref<16x32768xf32, #tpu.memory_space<vmem>>, vector<16x512xf32>
    %max3A_48 = arith.maximumf %max3A_44, %get3A_47 : vector<16x512xf32>
    %get3A_49 = arith.constant 0 : index
    %get3A_50 = arith.constant 6656 : index
    %get3A_51 = vector.load %arg1[%get3A_49, %get3A_50] : memref<16x32768xf32, #tpu.memory_space<vmem>>, vector<16x512xf32>
    %max3A_52 = arith.maximumf %max3A_48, %get3A_51 : vector<16x512xf32>
    %get3A_53 = arith.constant 0 : index
    %get3A_54 = arith.constant 7168 : index
    %get3A_55 = vector.load %arg1[%get3A_53, %get3A_54] : memref<16x32768xf32, #tpu.memory_space<vmem>>, vector<16x512xf32>
    %max3A_56 = arith.maximumf %max3A_52, %get3A_55 : vector<16x512xf32>
    %get3A_57 = arith.constant 0 : index
    %get3A_58 = arith.constant 7680 : index
    %get3A_59 = vector.load %arg1[%get3A_57, %get3A_58] : memref<16x32768xf32, #tpu.memory_space<vmem>>, vector<16x512xf32>
    %max3A_60 = arith.maximumf %max3A_56, %get3A_59 : vector<16x512xf32>
    %get3A_61 = arith.constant 0 : index
    %get3A_62 = arith.constant 8192 : index
    %get3A_63 = vector.load %arg1[%get3A_61, %get3A_62] : memref<16x32768xf32, #tpu.memory_space<vmem>>, vector<16x512xf32>
    %max3A_64 = arith.maximumf %max3A_60, %get3A_63 : vector<16x512xf32>
    %get3A_65 = arith.constant 0 : index
    %get3A_66 = arith.constant 8704 : index
    %get3A_67 = vector.load %arg1[%get3A_65, %get3A_66] : memref<16x32768xf32, #tpu.memory_space<vmem>>, vector<16x512xf32>
    %max3A_68 = arith.maximumf %max3A_64, %get3A_67 : vector<16x512xf32>
    %get3A_69 = arith.constant 0 : index
    %get3A_70 = arith.constant 9216 : index
    %get3A_71 = vector.load %arg1[%get3A_69, %get3A_70] : memref<16x32768xf32, #tpu.memory_space<vmem>>, vector<16x512xf32>
    %max3A_72 = arith.maximumf %max3A_68, %get3A_71 : vector<16x512xf32>
    %get3A_73 = arith.constant 0 : index
    %get3A_74 = arith.constant 9728 : index
    %get3A_75 = vector.load %arg1[%get3A_73, %get3A_74] : memref<16x32768xf32, #tpu.memory_space<vmem>>, vector<16x512xf32>
    %max3A_76 = arith.maximumf %max3A_72, %get3A_75 : vector<16x512xf32>
    %get3A_77 = arith.constant 0 : index
    %get3A_78 = arith.constant 10240 : index
    %get3A_79 = vector.load %arg1[%get3A_77, %get3A_78] : memref<16x32768xf32, #tpu.memory_space<vmem>>, vector<16x512xf32>
    %max3A_80 = arith.maximumf %max3A_76, %get3A_79 : vector<16x512xf32>
    %get3A_81 = arith.constant 0 : index
    %get3A_82 = arith.constant 10752 : index
    %get3A_83 = vector.load %arg1[%get3A_81, %get3A_82] : memref<16x32768xf32, #tpu.memory_space<vmem>>, vector<16x512xf32>
    %max3A_84 = arith.maximumf %max3A_80, %get3A_83 : vector<16x512xf32>
    %get3A_85 = arith.constant 0 : index
    %get3A_86 = arith.constant 11264 : index
    %get3A_87 = vector.load %arg1[%get3A_85, %get3A_86] : memref<16x32768xf32, #tpu.memory_space<vmem>>, vector<16x512xf32>
    %max3A_88 = arith.maximumf %max3A_84, %get3A_87 : vector<16x512xf32>
    %get3A_89 = arith.constant 0 : index
    %get3A_90 = arith.constant 11776 : index
    %get3A_91 = vector.load %arg1[%get3A_89, %get3A_90] : memref<16x32768xf32, #tpu.memory_space<vmem>>, vector<16x512xf32>
    %max3A_92 = arith.maximumf %max3A_88, %get3A_91 : vector<16x512xf32>
    %get3A_93 = arith.constant 0 : index
    %get3A_94 = arith.constant 12288 : index
    %get3A_95 = vector.load %arg1[%get3A_93, %get3A_94] : memref<16x32768xf32, #tpu.memory_space<vmem>>, vector<16x512xf32>
    %max3A_96 = arith.maximumf %max3A_92, %get3A_95 : vector<16x512xf32>
    %get3A_97 = arith.constant 0 : index
    %get3A_98 = arith.constant 12800 : index
    %get3A_99 = vector.load %arg1[%get3A_97, %get3A_98] : memref<16x32768xf32, #tpu.memory_space<vmem>>, vector<16x512xf32>
    %max3A_100 = arith.maximumf %max3A_96, %get3A_99 : vector<16x512xf32>
    %get3A_101 = arith.constant 0 : index
    %get3A_102 = arith.constant 13312 : index
    %get3A_103 = vector.load %arg1[%get3A_101, %get3A_102] : memref<16x32768xf32, #tpu.memory_space<vmem>>, vector<16x512xf32>
    %max3A_104 = arith.maximumf %max3A_100, %get3A_103 : vector<16x512xf32>
    %get3A_105 = arith.constant 0 : index
    %get3A_106 = arith.constant 13824 : index
    %get3A_107 = vector.load %arg1[%get3A_105, %get3A_106] : memref<16x32768xf32, #tpu.memory_space<vmem>>, vector<16x512xf32>
    %max3A_108 = arith.maximumf %max3A_104, %get3A_107 : vector<16x512xf32>
    %get3A_109 = arith.constant 0 : index
    %get3A_110 = arith.constant 14336 : index
    %get3A_111 = vector.load %arg1[%get3A_109, %get3A_110] : memref<16x32768xf32, #tpu.memory_space<vmem>>, vector<16x512xf32>
    %max3A_112 = arith.maximumf %max3A_108, %get3A_111 : vector<16x512xf32>
    %get3A_113 = arith.constant 0 : index
    %get3A_114 = arith.constant 14848 : index
    %get3A_115 = vector.load %arg1[%get3A_113, %get3A_114] : memref<16x32768xf32, #tpu.memory_space<vmem>>, vector<16x512xf32>
    %max3A_116 = arith.maximumf %max3A_112, %get3A_115 : vector<16x512xf32>
    %get3A_117 = arith.constant 0 : index
    %get3A_118 = arith.constant 15360 : index
    %get3A_119 = vector.load %arg1[%get3A_117, %get3A_118] : memref<16x32768xf32, #tpu.memory_space<vmem>>, vector<16x512xf32>
    %max3A_120 = arith.maximumf %max3A_116, %get3A_119 : vector<16x512xf32>
    %get3A_121 = arith.constant 0 : index
    %get3A_122 = arith.constant 15872 : index
    %get3A_123 = vector.load %arg1[%get3A_121, %get3A_122] : memref<16x32768xf32, #tpu.memory_space<vmem>>, vector<16x512xf32>
    %max3A_124 = arith.maximumf %max3A_120, %get3A_123 : vector<16x512xf32>
    %get3A_125 = arith.constant 0 : index
    %get3A_126 = arith.constant 16384 : index
    %get3A_127 = vector.load %arg1[%get3A_125, %get3A_126] : memref<16x32768xf32, #tpu.memory_space<vmem>>, vector<16x512xf32>
    %max3A_128 = arith.maximumf %max3A_124, %get3A_127 : vector<16x512xf32>
    %get3A_129 = arith.constant 0 : index
    %get3A_130 = arith.constant 16896 : index
    %get3A_131 = vector.load %arg1[%get3A_129, %get3A_130] : memref<16x32768xf32, #tpu.memory_space<vmem>>, vector<16x512xf32>
    %max3A_132 = arith.maximumf %max3A_128, %get3A_131 : vector<16x512xf32>
    %get3A_133 = arith.constant 0 : index
    %get3A_134 = arith.constant 17408 : index
    %get3A_135 = vector.load %arg1[%get3A_133, %get3A_134] : memref<16x32768xf32, #tpu.memory_space<vmem>>, vector<16x512xf32>
    %max3A_136 = arith.maximumf %max3A_132, %get3A_135 : vector<16x512xf32>
    %get3A_137 = arith.constant 0 : index
    %get3A_138 = arith.constant 17920 : index
    %get3A_139 = vector.load %arg1[%get3A_137, %get3A_138] : memref<16x32768xf32, #tpu.memory_space<vmem>>, vector<16x512xf32>
    %max3A_140 = arith.maximumf %max3A_136, %get3A_139 : vector<16x512xf32>
    %get3A_141 = arith.constant 0 : index
    %get3A_142 = arith.constant 18432 : index
    %get3A_143 = vector.load %arg1[%get3A_141, %get3A_142] : memref<16x32768xf32, #tpu.memory_space<vmem>>, vector<16x512xf32>
    %max3A_144 = arith.maximumf %max3A_140, %get3A_143 : vector<16x512xf32>
    %get3A_145 = arith.constant 0 : index
    %get3A_146 = arith.constant 18944 : index
    %get3A_147 = vector.load %arg1[%get3A_145, %get3A_146] : memref<16x32768xf32, #tpu.memory_space<vmem>>, vector<16x512xf32>
    %max3A_148 = arith.maximumf %max3A_144, %get3A_147 : vector<16x512xf32>
    %get3A_149 = arith.constant 0 : index
    %get3A_150 = arith.constant 19456 : index
    %get3A_151 = vector.load %arg1[%get3A_149, %get3A_150] : memref<16x32768xf32, #tpu.memory_space<vmem>>, vector<16x512xf32>
    %max3A_152 = arith.maximumf %max3A_148, %get3A_151 : vector<16x512xf32>
    %get3A_153 = arith.constant 0 : index
    %get3A_154 = arith.constant 19968 : index
    %get3A_155 = vector.load %arg1[%get3A_153, %get3A_154] : memref<16x32768xf32, #tpu.memory_space<vmem>>, vector<16x512xf32>
    %max3A_156 = arith.maximumf %max3A_152, %get3A_155 : vector<16x512xf32>
    %get3A_157 = arith.constant 0 : index
    %get3A_158 = arith.constant 20480 : index
    %get3A_159 = vector.load %arg1[%get3A_157, %get3A_158] : memref<16x32768xf32, #tpu.memory_space<vmem>>, vector<16x512xf32>
    %max3A_160 = arith.maximumf %max3A_156, %get3A_159 : vector<16x512xf32>
    %get3A_161 = arith.constant 0 : index
    %get3A_162 = arith.constant 20992 : index
    %get3A_163 = vector.load %arg1[%get3A_161, %get3A_162] : memref<16x32768xf32, #tpu.memory_space<vmem>>, vector<16x512xf32>
    %max3A_164 = arith.maximumf %max3A_160, %get3A_163 : vector<16x512xf32>
    %get3A_165 = arith.constant 0 : index
    %get3A_166 = arith.constant 21504 : index
    %get3A_167 = vector.load %arg1[%get3A_165, %get3A_166] : memref<16x32768xf32, #tpu.memory_space<vmem>>, vector<16x512xf32>
    %max3A_168 = arith.maximumf %max3A_164, %get3A_167 : vector<16x512xf32>
    %get3A_169 = arith.constant 0 : index
    %get3A_170 = arith.constant 22016 : index
    %get3A_171 = vector.load %arg1[%get3A_169, %get3A_170] : memref<16x32768xf32, #tpu.memory_space<vmem>>, vector<16x512xf32>
    %max3A_172 = arith.maximumf %max3A_168, %get3A_171 : vector<16x512xf32>
    %get3A_173 = arith.constant 0 : index
    %get3A_174 = arith.constant 22528 : index
    %get3A_175 = vector.load %arg1[%get3A_173, %get3A_174] : memref<16x32768xf32, #tpu.memory_space<vmem>>, vector<16x512xf32>
    %max3A_176 = arith.maximumf %max3A_172, %get3A_175 : vector<16x512xf32>
    %get3A_177 = arith.constant 0 : index
    %get3A_178 = arith.constant 23040 : index
    %get3A_179 = vector.load %arg1[%get3A_177, %get3A_178] : memref<16x32768xf32, #tpu.memory_space<vmem>>, vector<16x512xf32>
    %max3A_180 = arith.maximumf %max3A_176, %get3A_179 : vector<16x512xf32>
    %get3A_181 = arith.constant 0 : index
    %get3A_182 = arith.constant 23552 : index
    %get3A_183 = vector.load %arg1[%get3A_181, %get3A_182] : memref<16x32768xf32, #tpu.memory_space<vmem>>, vector<16x512xf32>
    %max3A_184 = arith.maximumf %max3A_180, %get3A_183 : vector<16x512xf32>
    %get3A_185 = arith.constant 0 : index
    %get3A_186 = arith.constant 24064 : index
    %get3A_187 = vector.load %arg1[%get3A_185, %get3A_186] : memref<16x32768xf32, #tpu.memory_space<vmem>>, vector<16x512xf32>
    %max3A_188 = arith.maximumf %max3A_184, %get3A_187 : vector<16x512xf32>
    %get3A_189 = arith.constant 0 : index
    %get3A_190 = arith.constant 24576 : index
    %get3A_191 = vector.load %arg1[%get3A_189, %get3A_190] : memref<16x32768xf32, #tpu.memory_space<vmem>>, vector<16x512xf32>
    %max3A_192 = arith.maximumf %max3A_188, %get3A_191 : vector<16x512xf32>
    %get3A_193 = arith.constant 0 : index
    %get3A_194 = arith.constant 25088 : index
    %get3A_195 = vector.load %arg1[%get3A_193, %get3A_194] : memref<16x32768xf32, #tpu.memory_space<vmem>>, vector<16x512xf32>
    %max3A_196 = arith.maximumf %max3A_192, %get3A_195 : vector<16x512xf32>
    %get3A_197 = arith.constant 0 : index
    %get3A_198 = arith.constant 25600 : index
    %get3A_199 = vector.load %arg1[%get3A_197, %get3A_198] : memref<16x32768xf32, #tpu.memory_space<vmem>>, vector<16x512xf32>
    %max3A_200 = arith.maximumf %max3A_196, %get3A_199 : vector<16x512xf32>
    %get3A_201 = arith.constant 0 : index
    %get3A_202 = arith.constant 26112 : index
    %get3A_203 = vector.load %arg1[%get3A_201, %get3A_202] : memref<16x32768xf32, #tpu.memory_space<vmem>>, vector<16x512xf32>
    %max3A_204 = arith.maximumf %max3A_200, %get3A_203 : vector<16x512xf32>
    %get3A_205 = arith.constant 0 : index
    %get3A_206 = arith.constant 26624 : index
    %get3A_207 = vector.load %arg1[%get3A_205, %get3A_206] : memref<16x32768xf32, #tpu.memory_space<vmem>>, vector<16x512xf32>
    %max3A_208 = arith.maximumf %max3A_204, %get3A_207 : vector<16x512xf32>
    %get3A_209 = arith.constant 0 : index
    %get3A_210 = arith.constant 27136 : index
    %get3A_211 = vector.load %arg1[%get3A_209, %get3A_210] : memref<16x32768xf32, #tpu.memory_space<vmem>>, vector<16x512xf32>
    %max3A_212 = arith.maximumf %max3A_208, %get3A_211 : vector<16x512xf32>
    %get3A_213 = arith.constant 0 : index
    %get3A_214 = arith.constant 27648 : index
    %get3A_215 = vector.load %arg1[%get3A_213, %get3A_214] : memref<16x32768xf32, #tpu.memory_space<vmem>>, vector<16x512xf32>
    %max3A_216 = arith.maximumf %max3A_212, %get3A_215 : vector<16x512xf32>
    %get3A_217 = arith.constant 0 : index
    %get3A_218 = arith.constant 28160 : index
    %get3A_219 = vector.load %arg1[%get3A_217, %get3A_218] : memref<16x32768xf32, #tpu.memory_space<vmem>>, vector<16x512xf32>
    %max3A_220 = arith.maximumf %max3A_216, %get3A_219 : vector<16x512xf32>
    %get3A_221 = arith.constant 0 : index
    %get3A_222 = arith.constant 28672 : index
    %get3A_223 = vector.load %arg1[%get3A_221, %get3A_222] : memref<16x32768xf32, #tpu.memory_space<vmem>>, vector<16x512xf32>
    %max3A_224 = arith.maximumf %max3A_220, %get3A_223 : vector<16x512xf32>
    %get3A_225 = arith.constant 0 : index
    %get3A_226 = arith.constant 29184 : index
    %get3A_227 = vector.load %arg1[%get3A_225, %get3A_226] : memref<16x32768xf32, #tpu.memory_space<vmem>>, vector<16x512xf32>
    %max3A_228 = arith.maximumf %max3A_224, %get3A_227 : vector<16x512xf32>
    %get3A_229 = arith.constant 0 : index
    %get3A_230 = arith.constant 29696 : index
    %get3A_231 = vector.load %arg1[%get3A_229, %get3A_230] : memref<16x32768xf32, #tpu.memory_space<vmem>>, vector<16x512xf32>
    %max3A_232 = arith.maximumf %max3A_228, %get3A_231 : vector<16x512xf32>
    %get3A_233 = arith.constant 0 : index
    %get3A_234 = arith.constant 30208 : index
    %get3A_235 = vector.load %arg1[%get3A_233, %get3A_234] : memref<16x32768xf32, #tpu.memory_space<vmem>>, vector<16x512xf32>
    %max3A_236 = arith.maximumf %max3A_232, %get3A_235 : vector<16x512xf32>
    %get3A_237 = arith.constant 0 : index
    %get3A_238 = arith.constant 30720 : index
    %get3A_239 = vector.load %arg1[%get3A_237, %get3A_238] : memref<16x32768xf32, #tpu.memory_space<vmem>>, vector<16x512xf32>
    %max3A_240 = arith.maximumf %max3A_236, %get3A_239 : vector<16x512xf32>
    %get3A_241 = arith.constant 0 : index
    %get3A_242 = arith.constant 31232 : index
    %get3A_243 = vector.load %arg1[%get3A_241, %get3A_242] : memref<16x32768xf32, #tpu.memory_space<vmem>>, vector<16x512xf32>
    %max3A_244 = arith.maximumf %max3A_240, %get3A_243 : vector<16x512xf32>
    %get3A_245 = arith.constant 0 : index
    %get3A_246 = arith.constant 31744 : index
    %get3A_247 = vector.load %arg1[%get3A_245, %get3A_246] : memref<16x32768xf32, #tpu.memory_space<vmem>>, vector<16x512xf32>
    %max3A_248 = arith.maximumf %max3A_244, %get3A_247 : vector<16x512xf32>
    %get3A_249 = arith.constant 0 : index
    %get3A_250 = arith.constant 32256 : index
    %get3A_251 = vector.load %arg1[%get3A_249, %get3A_250] : memref<16x32768xf32, #tpu.memory_space<vmem>>, vector<16x512xf32>
    %max3A_252 = arith.maximumf %max3A_248, %get3A_251 : vector<16x512xf32>
    %slice3A = vector.extract_strided_slice %max3A_252 {offsets = [0, 0], sizes = [16, 64], strides = [1, 1]} : vector<16x512xf32> to vector<16x64xf32>
    %slice3A_253 = vector.extract_strided_slice %max3A_252 {offsets = [0, 64], sizes = [16, 64], strides = [1, 1]} : vector<16x512xf32> to vector<16x64xf32>
    %max3A_254 = arith.maximumf %slice3A, %slice3A_253 : vector<16x64xf32>
    %slice3A_255 = vector.extract_strided_slice %max3A_252 {offsets = [0, 128], sizes = [16, 64], strides = [1, 1]} : vector<16x512xf32> to vector<16x64xf32>
    %max3A_256 = arith.maximumf %max3A_254, %slice3A_255 : vector<16x64xf32>
    %slice3A_257 = vector.extract_strided_slice %max3A_252 {offsets = [0, 192], sizes = [16, 64], strides = [1, 1]} : vector<16x512xf32> to vector<16x64xf32>
    %max3A_258 = arith.maximumf %max3A_256, %slice3A_257 : vector<16x64xf32>
    %slice3A_259 = vector.extract_strided_slice %max3A_252 {offsets = [0, 256], sizes = [16, 64], strides = [1, 1]} : vector<16x512xf32> to vector<16x64xf32>
    %max3A_260 = arith.maximumf %max3A_258, %slice3A_259 : vector<16x64xf32>
    %slice3A_261 = vector.extract_strided_slice %max3A_252 {offsets = [0, 320], sizes = [16, 64], strides = [1, 1]} : vector<16x512xf32> to vector<16x64xf32>
    %max3A_262 = arith.maximumf %max3A_260, %slice3A_261 : vector<16x64xf32>
    %slice3A_263 = vector.extract_strided_slice %max3A_252 {offsets = [0, 384], sizes = [16, 64], strides = [1, 1]} : vector<16x512xf32> to vector<16x64xf32>
    %max3A_264 = arith.maximumf %max3A_262, %slice3A_263 : vector<16x64xf32>
    %slice3A_265 = vector.extract_strided_slice %max3A_252 {offsets = [0, 448], sizes = [16, 64], strides = [1, 1]} : vector<16x512xf32> to vector<16x64xf32>
    %max3A_266 = arith.maximumf %max3A_264, %slice3A_265 : vector<16x64xf32>
    %reduce_min3A = arith.constant dense<0x7F800000> : vector<16xf32>
    %reduce_min3A_267 = vector.multi_reduction <minimumf>, %max3A_266, %reduce_min3A [1] : vector<16x64xf32> to vector<16xf32>
    %broadcast_in_dim3A = vector.shape_cast %reduce_min3A_267 : vector<16xf32> to vector<16x1xf32>
    %reduce_max3A = arith.constant dense<0xFF800000> : vector<16xf32>
    %reduce_max3A_268 = vector.multi_reduction <maximumf>, %max3A_266, %reduce_max3A [1] : vector<16x64xf32> to vector<16xf32>
    %broadcast_in_dim3A_269 = vector.shape_cast %reduce_max3A_268 : vector<16xf32> to vector<16x1xf32>
    %bitcast_convert_type3A = tpu.bitcast %broadcast_in_dim3A_269 : vector<16x1xf32> -> vector<16x1xi32>
    %ge3A = arith.constant 0 : i32
    %ge3A_270 = vector.broadcast %ge3A : i32 to vector<16x1xi32>
    %ge3A_271 = arith.cmpi sge, %bitcast_convert_type3A, %ge3A_270 : vector<16x1xi32>
    %sub3A = arith.constant -2147483648 : i32
    %sub3A_272 = vector.broadcast %sub3A : i32 to vector<16x1xi32>
    %sub3A_273 = arith.subi %sub3A_272, %bitcast_convert_type3A : vector<16x1xi32>
    %select_n3A = arith.select %ge3A_271, %bitcast_convert_type3A, %sub3A_273 : vector<16x1xi1>, vector<16x1xi32>
    %add3A = arith.constant 1 : i32
    %add3A_274 = vector.broadcast %add3A : i32 to vector<16x1xi32>
    %add3A_275 = arith.addi %select_n3A, %add3A_274 : vector<16x1xi32>
    %ge3A_276 = arith.constant 0 : i32
    %ge3A_277 = vector.broadcast %ge3A_276 : i32 to vector<16x1xi32>
    %ge3A_278 = arith.cmpi sge, %add3A_275, %ge3A_277 : vector<16x1xi32>
    %sub3A_279 = arith.constant -2147483648 : i32
    %sub3A_280 = vector.broadcast %sub3A_279 : i32 to vector<16x1xi32>
    %sub3A_281 = arith.subi %sub3A_280, %add3A_275 : vector<16x1xi32>
    %select_n3A_282 = arith.select %ge3A_278, %add3A_275, %sub3A_281 : vector<16x1xi1>, vector<16x1xi32>
    %bitcast_convert_type3A_283 = tpu.bitcast %select_n3A_282 : vector<16x1xi32> -> vector<16x1xf32>
    %get3A_284 = arith.constant 0 : index
    %get3A_285 = arith.constant 0 : index
    %get3A_286 = vector.load %arg1[%get3A_284, %get3A_285] : memref<16x32768xf32, #tpu.memory_space<vmem>>, vector<16x512xf32>
    %ge3A_287 = vector.broadcast %broadcast_in_dim3A : vector<16x1xf32> to vector<16x512xf32>
    %ge3A_288 = arith.cmpf oge, %get3A_286, %ge3A_287 : vector<16x512xf32>
    %convert_element_type3A = arith.extui %ge3A_288 : vector<16x512xi1> to vector<16x512xi32>
    %jit3A = arith.constant 0x7F800000 : f32
    %broadcast_in_dim3A_289 = vector.broadcast %jit3A : f32 to vector<16x512xf32>
    %select_n3A_290 = arith.select %ge3A_288, %get3A_286, %broadcast_in_dim3A_289 : vector<16x512xi1>, vector<16x512xf32>
    %get3A_291 = arith.constant 0 : index
    %get3A_292 = arith.constant 512 : index
    %get3A_293 = vector.load %arg1[%get3A_291, %get3A_292] : memref<16x32768xf32, #tpu.memory_space<vmem>>, vector<16x512xf32>
    %ge3A_294 = vector.broadcast %broadcast_in_dim3A : vector<16x1xf32> to vector<16x512xf32>
    %ge3A_295 = arith.cmpf oge, %get3A_293, %ge3A_294 : vector<16x512xf32>
    %convert_element_type3A_296 = arith.extui %ge3A_295 : vector<16x512xi1> to vector<16x512xi32>
    %add3A_297 = arith.addi %convert_element_type3A, %convert_element_type3A_296 : vector<16x512xi32>
    %jit3A_298 = arith.constant 0x7F800000 : f32
    %broadcast_in_dim3A_299 = vector.broadcast %jit3A_298 : f32 to vector<16x512xf32>
    %select_n3A_300 = arith.select %ge3A_295, %get3A_293, %broadcast_in_dim3A_299 : vector<16x512xi1>, vector<16x512xf32>
    %min3A = arith.minimumf %select_n3A_290, %select_n3A_300 : vector<16x512xf32>
    %get3A_301 = arith.constant 0 : index
    %get3A_302 = arith.constant 1024 : index
    %get3A_303 = vector.load %arg1[%get3A_301, %get3A_302] : memref<16x32768xf32, #tpu.memory_space<vmem>>, vector<16x512xf32>
    %ge3A_304 = vector.broadcast %broadcast_in_dim3A : vector<16x1xf32> to vector<16x512xf32>
    %ge3A_305 = arith.cmpf oge, %get3A_303, %ge3A_304 : vector<16x512xf32>
    %convert_element_type3A_306 = arith.extui %ge3A_305 : vector<16x512xi1> to vector<16x512xi32>
    %add3A_307 = arith.addi %add3A_297, %convert_element_type3A_306 : vector<16x512xi32>
    %jit3A_308 = arith.constant 0x7F800000 : f32
    %broadcast_in_dim3A_309 = vector.broadcast %jit3A_308 : f32 to vector<16x512xf32>
    %select_n3A_310 = arith.select %ge3A_305, %get3A_303, %broadcast_in_dim3A_309 : vector<16x512xi1>, vector<16x512xf32>
    %min3A_311 = arith.minimumf %min3A, %select_n3A_310 : vector<16x512xf32>
    %get3A_312 = arith.constant 0 : index
    %get3A_313 = arith.constant 1536 : index
    %get3A_314 = vector.load %arg1[%get3A_312, %get3A_313] : memref<16x32768xf32, #tpu.memory_space<vmem>>, vector<16x512xf32>
    %ge3A_315 = vector.broadcast %broadcast_in_dim3A : vector<16x1xf32> to vector<16x512xf32>
    %ge3A_316 = arith.cmpf oge, %get3A_314, %ge3A_315 : vector<16x512xf32>
    %convert_element_type3A_317 = arith.extui %ge3A_316 : vector<16x512xi1> to vector<16x512xi32>
    %add3A_318 = arith.addi %add3A_307, %convert_element_type3A_317 : vector<16x512xi32>
    %jit3A_319 = arith.constant 0x7F800000 : f32
    %broadcast_in_dim3A_320 = vector.broadcast %jit3A_319 : f32 to vector<16x512xf32>
    %select_n3A_321 = arith.select %ge3A_316, %get3A_314, %broadcast_in_dim3A_320 : vector<16x512xi1>, vector<16x512xf32>
    %min3A_322 = arith.minimumf %min3A_311, %select_n3A_321 : vector<16x512xf32>
    %get3A_323 = arith.constant 0 : index
    %get3A_324 = arith.constant 2048 : index
    %get3A_325 = vector.load %arg1[%get3A_323, %get3A_324] : memref<16x32768xf32, #tpu.memory_space<vmem>>, vector<16x512xf32>
    %ge3A_326 = vector.broadcast %broadcast_in_dim3A : vector<16x1xf32> to vector<16x512xf32>
    %ge3A_327 = arith.cmpf oge, %get3A_325, %ge3A_326 : vector<16x512xf32>
    %convert_element_type3A_328 = arith.extui %ge3A_327 : vector<16x512xi1> to vector<16x512xi32>
    %add3A_329 = arith.addi %add3A_318, %convert_element_type3A_328 : vector<16x512xi32>
    %jit3A_330 = arith.constant 0x7F800000 : f32
    %broadcast_in_dim3A_331 = vector.broadcast %jit3A_330 : f32 to vector<16x512xf32>
    %select_n3A_332 = arith.select %ge3A_327, %get3A_325, %broadcast_in_dim3A_331 : vector<16x512xi1>, vector<16x512xf32>
    %min3A_333 = arith.minimumf %min3A_322, %select_n3A_332 : vector<16x512xf32>
    %get3A_334 = arith.constant 0 : index
    %get3A_335 = arith.constant 2560 : index
    %get3A_336 = vector.load %arg1[%get3A_334, %get3A_335] : memref<16x32768xf32, #tpu.memory_space<vmem>>, vector<16x512xf32>
    %ge3A_337 = vector.broadcast %broadcast_in_dim3A : vector<16x1xf32> to vector<16x512xf32>
    %ge3A_338 = arith.cmpf oge, %get3A_336, %ge3A_337 : vector<16x512xf32>
    %convert_element_type3A_339 = arith.extui %ge3A_338 : vector<16x512xi1> to vector<16x512xi32>
    %add3A_340 = arith.addi %add3A_329, %convert_element_type3A_339 : vector<16x512xi32>
    %jit3A_341 = arith.constant 0x7F800000 : f32
    %broadcast_in_dim3A_342 = vector.broadcast %jit3A_341 : f32 to vector<16x512xf32>
    %select_n3A_343 = arith.select %ge3A_338, %get3A_336, %broadcast_in_dim3A_342 : vector<16x512xi1>, vector<16x512xf32>
    %min3A_344 = arith.minimumf %min3A_333, %select_n3A_343 : vector<16x512xf32>
    %get3A_345 = arith.constant 0 : index
    %get3A_346 = arith.constant 3072 : index
    %get3A_347 = vector.load %arg1[%get3A_345, %get3A_346] : memref<16x32768xf32, #tpu.memory_space<vmem>>, vector<16x512xf32>
    %ge3A_348 = vector.broadcast %broadcast_in_dim3A : vector<16x1xf32> to vector<16x512xf32>
    %ge3A_349 = arith.cmpf oge, %get3A_347, %ge3A_348 : vector<16x512xf32>
    %convert_element_type3A_350 = arith.extui %ge3A_349 : vector<16x512xi1> to vector<16x512xi32>
    %add3A_351 = arith.addi %add3A_340, %convert_element_type3A_350 : vector<16x512xi32>
    %jit3A_352 = arith.constant 0x7F800000 : f32
    %broadcast_in_dim3A_353 = vector.broadcast %jit3A_352 : f32 to vector<16x512xf32>
    %select_n3A_354 = arith.select %ge3A_349, %get3A_347, %broadcast_in_dim3A_353 : vector<16x512xi1>, vector<16x512xf32>
    %min3A_355 = arith.minimumf %min3A_344, %select_n3A_354 : vector<16x512xf32>
    %get3A_356 = arith.constant 0 : index
    %get3A_357 = arith.constant 3584 : index
    %get3A_358 = vector.load %arg1[%get3A_356, %get3A_357] : memref<16x32768xf32, #tpu.memory_space<vmem>>, vector<16x512xf32>
    %ge3A_359 = vector.broadcast %broadcast_in_dim3A : vector<16x1xf32> to vector<16x512xf32>
    %ge3A_360 = arith.cmpf oge, %get3A_358, %ge3A_359 : vector<16x512xf32>
    %convert_element_type3A_361 = arith.extui %ge3A_360 : vector<16x512xi1> to vector<16x512xi32>
    %add3A_362 = arith.addi %add3A_351, %convert_element_type3A_361 : vector<16x512xi32>
    %jit3A_363 = arith.constant 0x7F800000 : f32
    %broadcast_in_dim3A_364 = vector.broadcast %jit3A_363 : f32 to vector<16x512xf32>
    %select_n3A_365 = arith.select %ge3A_360, %get3A_358, %broadcast_in_dim3A_364 : vector<16x512xi1>, vector<16x512xf32>
    %min3A_366 = arith.minimumf %min3A_355, %select_n3A_365 : vector<16x512xf32>
    %get3A_367 = arith.constant 0 : index
    %get3A_368 = arith.constant 4096 : index
    %get3A_369 = vector.load %arg1[%get3A_367, %get3A_368] : memref<16x32768xf32, #tpu.memory_space<vmem>>, vector<16x512xf32>
    %ge3A_370 = vector.broadcast %broadcast_in_dim3A : vector<16x1xf32> to vector<16x512xf32>
    %ge3A_371 = arith.cmpf oge, %get3A_369, %ge3A_370 : vector<16x512xf32>
    %convert_element_type3A_372 = arith.extui %ge3A_371 : vector<16x512xi1> to vector<16x512xi32>
    %add3A_373 = arith.addi %add3A_362, %convert_element_type3A_372 : vector<16x512xi32>
    %jit3A_374 = arith.constant 0x7F800000 : f32
    %broadcast_in_dim3A_375 = vector.broadcast %jit3A_374 : f32 to vector<16x512xf32>
    %select_n3A_376 = arith.select %ge3A_371, %get3A_369, %broadcast_in_dim3A_375 : vector<16x512xi1>, vector<16x512xf32>
    %min3A_377 = arith.minimumf %min3A_366, %select_n3A_376 : vector<16x512xf32>
    %get3A_378 = arith.constant 0 : index
    %get3A_379 = arith.constant 4608 : index
    %get3A_380 = vector.load %arg1[%get3A_378, %get3A_379] : memref<16x32768xf32, #tpu.memory_space<vmem>>, vector<16x512xf32>
    %ge3A_381 = vector.broadcast %broadcast_in_dim3A : vector<16x1xf32> to vector<16x512xf32>
    %ge3A_382 = arith.cmpf oge, %get3A_380, %ge3A_381 : vector<16x512xf32>
    %convert_element_type3A_383 = arith.extui %ge3A_382 : vector<16x512xi1> to vector<16x512xi32>
    %add3A_384 = arith.addi %add3A_373, %convert_element_type3A_383 : vector<16x512xi32>
    %jit3A_385 = arith.constant 0x7F800000 : f32
    %broadcast_in_dim3A_386 = vector.broadcast %jit3A_385 : f32 to vector<16x512xf32>
    %select_n3A_387 = arith.select %ge3A_382, %get3A_380, %broadcast_in_dim3A_386 : vector<16x512xi1>, vector<16x512xf32>
    %min3A_388 = arith.minimumf %min3A_377, %select_n3A_387 : vector<16x512xf32>
    %get3A_389 = arith.constant 0 : index
    %get3A_390 = arith.constant 5120 : index
    %get3A_391 = vector.load %arg1[%get3A_389, %get3A_390] : memref<16x32768xf32, #tpu.memory_space<vmem>>, vector<16x512xf32>
    %ge3A_392 = vector.broadcast %broadcast_in_dim3A : vector<16x1xf32> to vector<16x512xf32>
    %ge3A_393 = arith.cmpf oge, %get3A_391, %ge3A_392 : vector<16x512xf32>
    %convert_element_type3A_394 = arith.extui %ge3A_393 : vector<16x512xi1> to vector<16x512xi32>
    %add3A_395 = arith.addi %add3A_384, %convert_element_type3A_394 : vector<16x512xi32>
    %jit3A_396 = arith.constant 0x7F800000 : f32
    %broadcast_in_dim3A_397 = vector.broadcast %jit3A_396 : f32 to vector<16x512xf32>
    %select_n3A_398 = arith.select %ge3A_393, %get3A_391, %broadcast_in_dim3A_397 : vector<16x512xi1>, vector<16x512xf32>
    %min3A_399 = arith.minimumf %min3A_388, %select_n3A_398 : vector<16x512xf32>
    %get3A_400 = arith.constant 0 : index
    %get3A_401 = arith.constant 5632 : index
    %get3A_402 = vector.load %arg1[%get3A_400, %get3A_401] : memref<16x32768xf32, #tpu.memory_space<vmem>>, vector<16x512xf32>
    %ge3A_403 = vector.broadcast %broadcast_in_dim3A : vector<16x1xf32> to vector<16x512xf32>
    %ge3A_404 = arith.cmpf oge, %get3A_402, %ge3A_403 : vector<16x512xf32>
    %convert_element_type3A_405 = arith.extui %ge3A_404 : vector<16x512xi1> to vector<16x512xi32>
    %add3A_406 = arith.addi %add3A_395, %convert_element_type3A_405 : vector<16x512xi32>
    %jit3A_407 = arith.constant 0x7F800000 : f32
    %broadcast_in_dim3A_408 = vector.broadcast %jit3A_407 : f32 to vector<16x512xf32>
    %select_n3A_409 = arith.select %ge3A_404, %get3A_402, %broadcast_in_dim3A_408 : vector<16x512xi1>, vector<16x512xf32>
    %min3A_410 = arith.minimumf %min3A_399, %select_n3A_409 : vector<16x512xf32>
    %get3A_411 = arith.constant 0 : index
    %get3A_412 = arith.constant 6144 : index
    %get3A_413 = vector.load %arg1[%get3A_411, %get3A_412] : memref<16x32768xf32, #tpu.memory_space<vmem>>, vector<16x512xf32>
    %ge3A_414 = vector.broadcast %broadcast_in_dim3A : vector<16x1xf32> to vector<16x512xf32>
    %ge3A_415 = arith.cmpf oge, %get3A_413, %ge3A_414 : vector<16x512xf32>
    %convert_element_type3A_416 = arith.extui %ge3A_415 : vector<16x512xi1> to vector<16x512xi32>
    %add3A_417 = arith.addi %add3A_406, %convert_element_type3A_416 : vector<16x512xi32>
    %jit3A_418 = arith.constant 0x7F800000 : f32
    %broadcast_in_dim3A_419 = vector.broadcast %jit3A_418 : f32 to vector<16x512xf32>
    %select_n3A_420 = arith.select %ge3A_415, %get3A_413, %broadcast_in_dim3A_419 : vector<16x512xi1>, vector<16x512xf32>
    %min3A_421 = arith.minimumf %min3A_410, %select_n3A_420 : vector<16x512xf32>
    %get3A_422 = arith.constant 0 : index
    %get3A_423 = arith.constant 6656 : index
    %get3A_424 = vector.load %arg1[%get3A_422, %get3A_423] : memref<16x32768xf32, #tpu.memory_space<vmem>>, vector<16x512xf32>
    %ge3A_425 = vector.broadcast %broadcast_in_dim3A : vector<16x1xf32> to vector<16x512xf32>
    %ge3A_426 = arith.cmpf oge, %get3A_424, %ge3A_425 : vector<16x512xf32>
    %convert_element_type3A_427 = arith.extui %ge3A_426 : vector<16x512xi1> to vector<16x512xi32>
    %add3A_428 = arith.addi %add3A_417, %convert_element_type3A_427 : vector<16x512xi32>
    %jit3A_429 = arith.constant 0x7F800000 : f32
    %broadcast_in_dim3A_430 = vector.broadcast %jit3A_429 : f32 to vector<16x512xf32>
    %select_n3A_431 = arith.select %ge3A_426, %get3A_424, %broadcast_in_dim3A_430 : vector<16x512xi1>, vector<16x512xf32>
    %min3A_432 = arith.minimumf %min3A_421, %select_n3A_431 : vector<16x512xf32>
    %get3A_433 = arith.constant 0 : index
    %get3A_434 = arith.constant 7168 : index
    %get3A_435 = vector.load %arg1[%get3A_433, %get3A_434] : memref<16x32768xf32, #tpu.memory_space<vmem>>, vector<16x512xf32>
    %ge3A_436 = vector.broadcast %broadcast_in_dim3A : vector<16x1xf32> to vector<16x512xf32>
    %ge3A_437 = arith.cmpf oge, %get3A_435, %ge3A_436 : vector<16x512xf32>
    %convert_element_type3A_438 = arith.extui %ge3A_437 : vector<16x512xi1> to vector<16x512xi32>
    %add3A_439 = arith.addi %add3A_428, %convert_element_type3A_438 : vector<16x512xi32>
    %jit3A_440 = arith.constant 0x7F800000 : f32
    %broadcast_in_dim3A_441 = vector.broadcast %jit3A_440 : f32 to vector<16x512xf32>
    %select_n3A_442 = arith.select %ge3A_437, %get3A_435, %broadcast_in_dim3A_441 : vector<16x512xi1>, vector<16x512xf32>
    %min3A_443 = arith.minimumf %min3A_432, %select_n3A_442 : vector<16x512xf32>
    %get3A_444 = arith.constant 0 : index
    %get3A_445 = arith.constant 7680 : index
    %get3A_446 = vector.load %arg1[%get3A_444, %get3A_445] : memref<16x32768xf32, #tpu.memory_space<vmem>>, vector<16x512xf32>
    %ge3A_447 = vector.broadcast %broadcast_in_dim3A : vector<16x1xf32> to vector<16x512xf32>
    %ge3A_448 = arith.cmpf oge, %get3A_446, %ge3A_447 : vector<16x512xf32>
    %convert_element_type3A_449 = arith.extui %ge3A_448 : vector<16x512xi1> to vector<16x512xi32>
    %add3A_450 = arith.addi %add3A_439, %convert_element_type3A_449 : vector<16x512xi32>
    %jit3A_451 = arith.constant 0x7F800000 : f32
    %broadcast_in_dim3A_452 = vector.broadcast %jit3A_451 : f32 to vector<16x512xf32>
    %select_n3A_453 = arith.select %ge3A_448, %get3A_446, %broadcast_in_dim3A_452 : vector<16x512xi1>, vector<16x512xf32>
    %min3A_454 = arith.minimumf %min3A_443, %select_n3A_453 : vector<16x512xf32>
    %get3A_455 = arith.constant 0 : index
    %get3A_456 = arith.constant 8192 : index
    %get3A_457 = vector.load %arg1[%get3A_455, %get3A_456] : memref<16x32768xf32, #tpu.memory_space<vmem>>, vector<16x512xf32>
    %ge3A_458 = vector.broadcast %broadcast_in_dim3A : vector<16x1xf32> to vector<16x512xf32>
    %ge3A_459 = arith.cmpf oge, %get3A_457, %ge3A_458 : vector<16x512xf32>
    %convert_element_type3A_460 = arith.extui %ge3A_459 : vector<16x512xi1> to vector<16x512xi32>
    %add3A_461 = arith.addi %add3A_450, %convert_element_type3A_460 : vector<16x512xi32>
    %jit3A_462 = arith.constant 0x7F800000 : f32
    %broadcast_in_dim3A_463 = vector.broadcast %jit3A_462 : f32 to vector<16x512xf32>
    %select_n3A_464 = arith.select %ge3A_459, %get3A_457, %broadcast_in_dim3A_463 : vector<16x512xi1>, vector<16x512xf32>
    %min3A_465 = arith.minimumf %min3A_454, %select_n3A_464 : vector<16x512xf32>
    %get3A_466 = arith.constant 0 : index
    %get3A_467 = arith.constant 8704 : index
    %get3A_468 = vector.load %arg1[%get3A_466, %get3A_467] : memref<16x32768xf32, #tpu.memory_space<vmem>>, vector<16x512xf32>
    %ge3A_469 = vector.broadcast %broadcast_in_dim3A : vector<16x1xf32> to vector<16x512xf32>
    %ge3A_470 = arith.cmpf oge, %get3A_468, %ge3A_469 : vector<16x512xf32>
    %convert_element_type3A_471 = arith.extui %ge3A_470 : vector<16x512xi1> to vector<16x512xi32>
    %add3A_472 = arith.addi %add3A_461, %convert_element_type3A_471 : vector<16x512xi32>
    %jit3A_473 = arith.constant 0x7F800000 : f32
    %broadcast_in_dim3A_474 = vector.broadcast %jit3A_473 : f32 to vector<16x512xf32>
    %select_n3A_475 = arith.select %ge3A_470, %get3A_468, %broadcast_in_dim3A_474 : vector<16x512xi1>, vector<16x512xf32>
    %min3A_476 = arith.minimumf %min3A_465, %select_n3A_475 : vector<16x512xf32>
    %get3A_477 = arith.constant 0 : index
    %get3A_478 = arith.constant 9216 : index
    %get3A_479 = vector.load %arg1[%get3A_477, %get3A_478] : memref<16x32768xf32, #tpu.memory_space<vmem>>, vector<16x512xf32>
    %ge3A_480 = vector.broadcast %broadcast_in_dim3A : vector<16x1xf32> to vector<16x512xf32>
    %ge3A_481 = arith.cmpf oge, %get3A_479, %ge3A_480 : vector<16x512xf32>
    %convert_element_type3A_482 = arith.extui %ge3A_481 : vector<16x512xi1> to vector<16x512xi32>
    %add3A_483 = arith.addi %add3A_472, %convert_element_type3A_482 : vector<16x512xi32>
    %jit3A_484 = arith.constant 0x7F800000 : f32
    %broadcast_in_dim3A_485 = vector.broadcast %jit3A_484 : f32 to vector<16x512xf32>
    %select_n3A_486 = arith.select %ge3A_481, %get3A_479, %broadcast_in_dim3A_485 : vector<16x512xi1>, vector<16x512xf32>
    %min3A_487 = arith.minimumf %min3A_476, %select_n3A_486 : vector<16x512xf32>
    %get3A_488 = arith.constant 0 : index
    %get3A_489 = arith.constant 9728 : index
    %get3A_490 = vector.load %arg1[%get3A_488, %get3A_489] : memref<16x32768xf32, #tpu.memory_space<vmem>>, vector<16x512xf32>
    %ge3A_491 = vector.broadcast %broadcast_in_dim3A : vector<16x1xf32> to vector<16x512xf32>
    %ge3A_492 = arith.cmpf oge, %get3A_490, %ge3A_491 : vector<16x512xf32>
    %convert_element_type3A_493 = arith.extui %ge3A_492 : vector<16x512xi1> to vector<16x512xi32>
    %add3A_494 = arith.addi %add3A_483, %convert_element_type3A_493 : vector<16x512xi32>
    %jit3A_495 = arith.constant 0x7F800000 : f32
    %broadcast_in_dim3A_496 = vector.broadcast %jit3A_495 : f32 to vector<16x512xf32>
    %select_n3A_497 = arith.select %ge3A_492, %get3A_490, %broadcast_in_dim3A_496 : vector<16x512xi1>, vector<16x512xf32>
    %min3A_498 = arith.minimumf %min3A_487, %select_n3A_497 : vector<16x512xf32>
    %get3A_499 = arith.constant 0 : index
    %get3A_500 = arith.constant 10240 : index
    %get3A_501 = vector.load %arg1[%get3A_499, %get3A_500] : memref<16x32768xf32, #tpu.memory_space<vmem>>, vector<16x512xf32>
    %ge3A_502 = vector.broadcast %broadcast_in_dim3A : vector<16x1xf32> to vector<16x512xf32>
    %ge3A_503 = arith.cmpf oge, %get3A_501, %ge3A_502 : vector<16x512xf32>
    %convert_element_type3A_504 = arith.extui %ge3A_503 : vector<16x512xi1> to vector<16x512xi32>
    %add3A_505 = arith.addi %add3A_494, %convert_element_type3A_504 : vector<16x512xi32>
    %jit3A_506 = arith.constant 0x7F800000 : f32
    %broadcast_in_dim3A_507 = vector.broadcast %jit3A_506 : f32 to vector<16x512xf32>
    %select_n3A_508 = arith.select %ge3A_503, %get3A_501, %broadcast_in_dim3A_507 : vector<16x512xi1>, vector<16x512xf32>
    %min3A_509 = arith.minimumf %min3A_498, %select_n3A_508 : vector<16x512xf32>
    %get3A_510 = arith.constant 0 : index
    %get3A_511 = arith.constant 10752 : index
    %get3A_512 = vector.load %arg1[%get3A_510, %get3A_511] : memref<16x32768xf32, #tpu.memory_space<vmem>>, vector<16x512xf32>
    %ge3A_513 = vector.broadcast %broadcast_in_dim3A : vector<16x1xf32> to vector<16x512xf32>
    %ge3A_514 = arith.cmpf oge, %get3A_512, %ge3A_513 : vector<16x512xf32>
    %convert_element_type3A_515 = arith.extui %ge3A_514 : vector<16x512xi1> to vector<16x512xi32>
    %add3A_516 = arith.addi %add3A_505, %convert_element_type3A_515 : vector<16x512xi32>
    %jit3A_517 = arith.constant 0x7F800000 : f32
    %broadcast_in_dim3A_518 = vector.broadcast %jit3A_517 : f32 to vector<16x512xf32>
    %select_n3A_519 = arith.select %ge3A_514, %get3A_512, %broadcast_in_dim3A_518 : vector<16x512xi1>, vector<16x512xf32>
    %min3A_520 = arith.minimumf %min3A_509, %select_n3A_519 : vector<16x512xf32>
    %get3A_521 = arith.constant 0 : index
    %get3A_522 = arith.constant 11264 : index
    %get3A_523 = vector.load %arg1[%get3A_521, %get3A_522] : memref<16x32768xf32, #tpu.memory_space<vmem>>, vector<16x512xf32>
    %ge3A_524 = vector.broadcast %broadcast_in_dim3A : vector<16x1xf32> to vector<16x512xf32>
    %ge3A_525 = arith.cmpf oge, %get3A_523, %ge3A_524 : vector<16x512xf32>
    %convert_element_type3A_526 = arith.extui %ge3A_525 : vector<16x512xi1> to vector<16x512xi32>
    %add3A_527 = arith.addi %add3A_516, %convert_element_type3A_526 : vector<16x512xi32>
    %jit3A_528 = arith.constant 0x7F800000 : f32
    %broadcast_in_dim3A_529 = vector.broadcast %jit3A_528 : f32 to vector<16x512xf32>
    %select_n3A_530 = arith.select %ge3A_525, %get3A_523, %broadcast_in_dim3A_529 : vector<16x512xi1>, vector<16x512xf32>
    %min3A_531 = arith.minimumf %min3A_520, %select_n3A_530 : vector<16x512xf32>
    %get3A_532 = arith.constant 0 : index
    %get3A_533 = arith.constant 11776 : index
    %get3A_534 = vector.load %arg1[%get3A_532, %get3A_533] : memref<16x32768xf32, #tpu.memory_space<vmem>>, vector<16x512xf32>
    %ge3A_535 = vector.broadcast %broadcast_in_dim3A : vector<16x1xf32> to vector<16x512xf32>
    %ge3A_536 = arith.cmpf oge, %get3A_534, %ge3A_535 : vector<16x512xf32>
    %convert_element_type3A_537 = arith.extui %ge3A_536 : vector<16x512xi1> to vector<16x512xi32>
    %add3A_538 = arith.addi %add3A_527, %convert_element_type3A_537 : vector<16x512xi32>
    %jit3A_539 = arith.constant 0x7F800000 : f32
    %broadcast_in_dim3A_540 = vector.broadcast %jit3A_539 : f32 to vector<16x512xf32>
    %select_n3A_541 = arith.select %ge3A_536, %get3A_534, %broadcast_in_dim3A_540 : vector<16x512xi1>, vector<16x512xf32>
    %min3A_542 = arith.minimumf %min3A_531, %select_n3A_541 : vector<16x512xf32>
    %get3A_543 = arith.constant 0 : index
    %get3A_544 = arith.constant 12288 : index
    %get3A_545 = vector.load %arg1[%get3A_543, %get3A_544] : memref<16x32768xf32, #tpu.memory_space<vmem>>, vector<16x512xf32>
    %ge3A_546 = vector.broadcast %broadcast_in_dim3A : vector<16x1xf32> to vector<16x512xf32>
    %ge3A_547 = arith.cmpf oge, %get3A_545, %ge3A_546 : vector<16x512xf32>
    %convert_element_type3A_548 = arith.extui %ge3A_547 : vector<16x512xi1> to vector<16x512xi32>
    %add3A_549 = arith.addi %add3A_538, %convert_element_type3A_548 : vector<16x512xi32>
    %jit3A_550 = arith.constant 0x7F800000 : f32
    %broadcast_in_dim3A_551 = vector.broadcast %jit3A_550 : f32 to vector<16x512xf32>
    %select_n3A_552 = arith.select %ge3A_547, %get3A_545, %broadcast_in_dim3A_551 : vector<16x512xi1>, vector<16x512xf32>
    %min3A_553 = arith.minimumf %min3A_542, %select_n3A_552 : vector<16x512xf32>
    %get3A_554 = arith.constant 0 : index
    %get3A_555 = arith.constant 12800 : index
    %get3A_556 = vector.load %arg1[%get3A_554, %get3A_555] : memref<16x32768xf32, #tpu.memory_space<vmem>>, vector<16x512xf32>
    %ge3A_557 = vector.broadcast %broadcast_in_dim3A : vector<16x1xf32> to vector<16x512xf32>
    %ge3A_558 = arith.cmpf oge, %get3A_556, %ge3A_557 : vector<16x512xf32>
    %convert_element_type3A_559 = arith.extui %ge3A_558 : vector<16x512xi1> to vector<16x512xi32>
    %add3A_560 = arith.addi %add3A_549, %convert_element_type3A_559 : vector<16x512xi32>
    %jit3A_561 = arith.constant 0x7F800000 : f32
    %broadcast_in_dim3A_562 = vector.broadcast %jit3A_561 : f32 to vector<16x512xf32>
    %select_n3A_563 = arith.select %ge3A_558, %get3A_556, %broadcast_in_dim3A_562 : vector<16x512xi1>, vector<16x512xf32>
    %min3A_564 = arith.minimumf %min3A_553, %select_n3A_563 : vector<16x512xf32>
    %get3A_565 = arith.constant 0 : index
    %get3A_566 = arith.constant 13312 : index
    %get3A_567 = vector.load %arg1[%get3A_565, %get3A_566] : memref<16x32768xf32, #tpu.memory_space<vmem>>, vector<16x512xf32>
    %ge3A_568 = vector.broadcast %broadcast_in_dim3A : vector<16x1xf32> to vector<16x512xf32>
    %ge3A_569 = arith.cmpf oge, %get3A_567, %ge3A_568 : vector<16x512xf32>
    %convert_element_type3A_570 = arith.extui %ge3A_569 : vector<16x512xi1> to vector<16x512xi32>
    %add3A_571 = arith.addi %add3A_560, %convert_element_type3A_570 : vector<16x512xi32>
    %jit3A_572 = arith.constant 0x7F800000 : f32
    %broadcast_in_dim3A_573 = vector.broadcast %jit3A_572 : f32 to vector<16x512xf32>
    %select_n3A_574 = arith.select %ge3A_569, %get3A_567, %broadcast_in_dim3A_573 : vector<16x512xi1>, vector<16x512xf32>
    %min3A_575 = arith.minimumf %min3A_564, %select_n3A_574 : vector<16x512xf32>
    %get3A_576 = arith.constant 0 : index
    %get3A_577 = arith.constant 13824 : index
    %get3A_578 = vector.load %arg1[%get3A_576, %get3A_577] : memref<16x32768xf32, #tpu.memory_space<vmem>>, vector<16x512xf32>
    %ge3A_579 = vector.broadcast %broadcast_in_dim3A : vector<16x1xf32> to vector<16x512xf32>
    %ge3A_580 = arith.cmpf oge, %get3A_578, %ge3A_579 : vector<16x512xf32>
    %convert_element_type3A_581 = arith.extui %ge3A_580 : vector<16x512xi1> to vector<16x512xi32>
    %add3A_582 = arith.addi %add3A_571, %convert_element_type3A_581 : vector<16x512xi32>
    %jit3A_583 = arith.constant 0x7F800000 : f32
    %broadcast_in_dim3A_584 = vector.broadcast %jit3A_583 : f32 to vector<16x512xf32>
    %select_n3A_585 = arith.select %ge3A_580, %get3A_578, %broadcast_in_dim3A_584 : vector<16x512xi1>, vector<16x512xf32>
    %min3A_586 = arith.minimumf %min3A_575, %select_n3A_585 : vector<16x512xf32>
    %get3A_587 = arith.constant 0 : index
    %get3A_588 = arith.constant 14336 : index
    %get3A_589 = vector.load %arg1[%get3A_587, %get3A_588] : memref<16x32768xf32, #tpu.memory_space<vmem>>, vector<16x512xf32>
    %ge3A_590 = vector.broadcast %broadcast_in_dim3A : vector<16x1xf32> to vector<16x512xf32>
    %ge3A_591 = arith.cmpf oge, %get3A_589, %ge3A_590 : vector<16x512xf32>
    %convert_element_type3A_592 = arith.extui %ge3A_591 : vector<16x512xi1> to vector<16x512xi32>
    %add3A_593 = arith.addi %add3A_582, %convert_element_type3A_592 : vector<16x512xi32>
    %jit3A_594 = arith.constant 0x7F800000 : f32
    %broadcast_in_dim3A_595 = vector.broadcast %jit3A_594 : f32 to vector<16x512xf32>
    %select_n3A_596 = arith.select %ge3A_591, %get3A_589, %broadcast_in_dim3A_595 : vector<16x512xi1>, vector<16x512xf32>
    %min3A_597 = arith.minimumf %min3A_586, %select_n3A_596 : vector<16x512xf32>
    %get3A_598 = arith.constant 0 : index
    %get3A_599 = arith.constant 14848 : index
    %get3A_600 = vector.load %arg1[%get3A_598, %get3A_599] : memref<16x32768xf32, #tpu.memory_space<vmem>>, vector<16x512xf32>
    %ge3A_601 = vector.broadcast %broadcast_in_dim3A : vector<16x1xf32> to vector<16x512xf32>
    %ge3A_602 = arith.cmpf oge, %get3A_600, %ge3A_601 : vector<16x512xf32>
    %convert_element_type3A_603 = arith.extui %ge3A_602 : vector<16x512xi1> to vector<16x512xi32>
    %add3A_604 = arith.addi %add3A_593, %convert_element_type3A_603 : vector<16x512xi32>
    %jit3A_605 = arith.constant 0x7F800000 : f32
    %broadcast_in_dim3A_606 = vector.broadcast %jit3A_605 : f32 to vector<16x512xf32>
    %select_n3A_607 = arith.select %ge3A_602, %get3A_600, %broadcast_in_dim3A_606 : vector<16x512xi1>, vector<16x512xf32>
    %min3A_608 = arith.minimumf %min3A_597, %select_n3A_607 : vector<16x512xf32>
    %get3A_609 = arith.constant 0 : index
    %get3A_610 = arith.constant 15360 : index
    %get3A_611 = vector.load %arg1[%get3A_609, %get3A_610] : memref<16x32768xf32, #tpu.memory_space<vmem>>, vector<16x512xf32>
    %ge3A_612 = vector.broadcast %broadcast_in_dim3A : vector<16x1xf32> to vector<16x512xf32>
    %ge3A_613 = arith.cmpf oge, %get3A_611, %ge3A_612 : vector<16x512xf32>
    %convert_element_type3A_614 = arith.extui %ge3A_613 : vector<16x512xi1> to vector<16x512xi32>
    %add3A_615 = arith.addi %add3A_604, %convert_element_type3A_614 : vector<16x512xi32>
    %jit3A_616 = arith.constant 0x7F800000 : f32
    %broadcast_in_dim3A_617 = vector.broadcast %jit3A_616 : f32 to vector<16x512xf32>
    %select_n3A_618 = arith.select %ge3A_613, %get3A_611, %broadcast_in_dim3A_617 : vector<16x512xi1>, vector<16x512xf32>
    %min3A_619 = arith.minimumf %min3A_608, %select_n3A_618 : vector<16x512xf32>
    %get3A_620 = arith.constant 0 : index
    %get3A_621 = arith.constant 15872 : index
    %get3A_622 = vector.load %arg1[%get3A_620, %get3A_621] : memref<16x32768xf32, #tpu.memory_space<vmem>>, vector<16x512xf32>
    %ge3A_623 = vector.broadcast %broadcast_in_dim3A : vector<16x1xf32> to vector<16x512xf32>
    %ge3A_624 = arith.cmpf oge, %get3A_622, %ge3A_623 : vector<16x512xf32>
    %convert_element_type3A_625 = arith.extui %ge3A_624 : vector<16x512xi1> to vector<16x512xi32>
    %add3A_626 = arith.addi %add3A_615, %convert_element_type3A_625 : vector<16x512xi32>
    %jit3A_627 = arith.constant 0x7F800000 : f32
    %broadcast_in_dim3A_628 = vector.broadcast %jit3A_627 : f32 to vector<16x512xf32>
    %select_n3A_629 = arith.select %ge3A_624, %get3A_622, %broadcast_in_dim3A_628 : vector<16x512xi1>, vector<16x512xf32>
    %min3A_630 = arith.minimumf %min3A_619, %select_n3A_629 : vector<16x512xf32>
    %get3A_631 = arith.constant 0 : index
    %get3A_632 = arith.constant 16384 : index
    %get3A_633 = vector.load %arg1[%get3A_631, %get3A_632] : memref<16x32768xf32, #tpu.memory_space<vmem>>, vector<16x512xf32>
    %ge3A_634 = vector.broadcast %broadcast_in_dim3A : vector<16x1xf32> to vector<16x512xf32>
    %ge3A_635 = arith.cmpf oge, %get3A_633, %ge3A_634 : vector<16x512xf32>
    %convert_element_type3A_636 = arith.extui %ge3A_635 : vector<16x512xi1> to vector<16x512xi32>
    %add3A_637 = arith.addi %add3A_626, %convert_element_type3A_636 : vector<16x512xi32>
    %jit3A_638 = arith.constant 0x7F800000 : f32
    %broadcast_in_dim3A_639 = vector.broadcast %jit3A_638 : f32 to vector<16x512xf32>
    %select_n3A_640 = arith.select %ge3A_635, %get3A_633, %broadcast_in_dim3A_639 : vector<16x512xi1>, vector<16x512xf32>
    %min3A_641 = arith.minimumf %min3A_630, %select_n3A_640 : vector<16x512xf32>
    %get3A_642 = arith.constant 0 : index
    %get3A_643 = arith.constant 16896 : index
    %get3A_644 = vector.load %arg1[%get3A_642, %get3A_643] : memref<16x32768xf32, #tpu.memory_space<vmem>>, vector<16x512xf32>
    %ge3A_645 = vector.broadcast %broadcast_in_dim3A : vector<16x1xf32> to vector<16x512xf32>
    %ge3A_646 = arith.cmpf oge, %get3A_644, %ge3A_645 : vector<16x512xf32>
    %convert_element_type3A_647 = arith.extui %ge3A_646 : vector<16x512xi1> to vector<16x512xi32>
    %add3A_648 = arith.addi %add3A_637, %convert_element_type3A_647 : vector<16x512xi32>
    %jit3A_649 = arith.constant 0x7F800000 : f32
    %broadcast_in_dim3A_650 = vector.broadcast %jit3A_649 : f32 to vector<16x512xf32>
    %select_n3A_651 = arith.select %ge3A_646, %get3A_644, %broadcast_in_dim3A_650 : vector<16x512xi1>, vector<16x512xf32>
    %min3A_652 = arith.minimumf %min3A_641, %select_n3A_651 : vector<16x512xf32>
    %get3A_653 = arith.constant 0 : index
    %get3A_654 = arith.constant 17408 : index
    %get3A_655 = vector.load %arg1[%get3A_653, %get3A_654] : memref<16x32768xf32, #tpu.memory_space<vmem>>, vector<16x512xf32>
    %ge3A_656 = vector.broadcast %broadcast_in_dim3A : vector<16x1xf32> to vector<16x512xf32>
    %ge3A_657 = arith.cmpf oge, %get3A_655, %ge3A_656 : vector<16x512xf32>
    %convert_element_type3A_658 = arith.extui %ge3A_657 : vector<16x512xi1> to vector<16x512xi32>
    %add3A_659 = arith.addi %add3A_648, %convert_element_type3A_658 : vector<16x512xi32>
    %jit3A_660 = arith.constant 0x7F800000 : f32
    %broadcast_in_dim3A_661 = vector.broadcast %jit3A_660 : f32 to vector<16x512xf32>
    %select_n3A_662 = arith.select %ge3A_657, %get3A_655, %broadcast_in_dim3A_661 : vector<16x512xi1>, vector<16x512xf32>
    %min3A_663 = arith.minimumf %min3A_652, %select_n3A_662 : vector<16x512xf32>
    %get3A_664 = arith.constant 0 : index
    %get3A_665 = arith.constant 17920 : index
    %get3A_666 = vector.load %arg1[%get3A_664, %get3A_665] : memref<16x32768xf32, #tpu.memory_space<vmem>>, vector<16x512xf32>
    %ge3A_667 = vector.broadcast %broadcast_in_dim3A : vector<16x1xf32> to vector<16x512xf32>
    %ge3A_668 = arith.cmpf oge, %get3A_666, %ge3A_667 : vector<16x512xf32>
    %convert_element_type3A_669 = arith.extui %ge3A_668 : vector<16x512xi1> to vector<16x512xi32>
    %add3A_670 = arith.addi %add3A_659, %convert_element_type3A_669 : vector<16x512xi32>
    %jit3A_671 = arith.constant 0x7F800000 : f32
    %broadcast_in_dim3A_672 = vector.broadcast %jit3A_671 : f32 to vector<16x512xf32>
    %select_n3A_673 = arith.select %ge3A_668, %get3A_666, %broadcast_in_dim3A_672 : vector<16x512xi1>, vector<16x512xf32>
    %min3A_674 = arith.minimumf %min3A_663, %select_n3A_673 : vector<16x512xf32>
    %get3A_675 = arith.constant 0 : index
    %get3A_676 = arith.constant 18432 : index
    %get3A_677 = vector.load %arg1[%get3A_675, %get3A_676] : memref<16x32768xf32, #tpu.memory_space<vmem>>, vector<16x512xf32>
    %ge3A_678 = vector.broadcast %broadcast_in_dim3A : vector<16x1xf32> to vector<16x512xf32>
    %ge3A_679 = arith.cmpf oge, %get3A_677, %ge3A_678 : vector<16x512xf32>
    %convert_element_type3A_680 = arith.extui %ge3A_679 : vector<16x512xi1> to vector<16x512xi32>
    %add3A_681 = arith.addi %add3A_670, %convert_element_type3A_680 : vector<16x512xi32>
    %jit3A_682 = arith.constant 0x7F800000 : f32
    %broadcast_in_dim3A_683 = vector.broadcast %jit3A_682 : f32 to vector<16x512xf32>
    %select_n3A_684 = arith.select %ge3A_679, %get3A_677, %broadcast_in_dim3A_683 : vector<16x512xi1>, vector<16x512xf32>
    %min3A_685 = arith.minimumf %min3A_674, %select_n3A_684 : vector<16x512xf32>
    %get3A_686 = arith.constant 0 : index
    %get3A_687 = arith.constant 18944 : index
    %get3A_688 = vector.load %arg1[%get3A_686, %get3A_687] : memref<16x32768xf32, #tpu.memory_space<vmem>>, vector<16x512xf32>
    %ge3A_689 = vector.broadcast %broadcast_in_dim3A : vector<16x1xf32> to vector<16x512xf32>
    %ge3A_690 = arith.cmpf oge, %get3A_688, %ge3A_689 : vector<16x512xf32>
    %convert_element_type3A_691 = arith.extui %ge3A_690 : vector<16x512xi1> to vector<16x512xi32>
    %add3A_692 = arith.addi %add3A_681, %convert_element_type3A_691 : vector<16x512xi32>
    %jit3A_693 = arith.constant 0x7F800000 : f32
    %broadcast_in_dim3A_694 = vector.broadcast %jit3A_693 : f32 to vector<16x512xf32>
    %select_n3A_695 = arith.select %ge3A_690, %get3A_688, %broadcast_in_dim3A_694 : vector<16x512xi1>, vector<16x512xf32>
    %min3A_696 = arith.minimumf %min3A_685, %select_n3A_695 : vector<16x512xf32>
    %get3A_697 = arith.constant 0 : index
    %get3A_698 = arith.constant 19456 : index
    %get3A_699 = vector.load %arg1[%get3A_697, %get3A_698] : memref<16x32768xf32, #tpu.memory_space<vmem>>, vector<16x512xf32>
    %ge3A_700 = vector.broadcast %broadcast_in_dim3A : vector<16x1xf32> to vector<16x512xf32>
    %ge3A_701 = arith.cmpf oge, %get3A_699, %ge3A_700 : vector<16x512xf32>
    %convert_element_type3A_702 = arith.extui %ge3A_701 : vector<16x512xi1> to vector<16x512xi32>
    %add3A_703 = arith.addi %add3A_692, %convert_element_type3A_702 : vector<16x512xi32>
    %jit3A_704 = arith.constant 0x7F800000 : f32
    %broadcast_in_dim3A_705 = vector.broadcast %jit3A_704 : f32 to vector<16x512xf32>
    %select_n3A_706 = arith.select %ge3A_701, %get3A_699, %broadcast_in_dim3A_705 : vector<16x512xi1>, vector<16x512xf32>
    %min3A_707 = arith.minimumf %min3A_696, %select_n3A_706 : vector<16x512xf32>
    %get3A_708 = arith.constant 0 : index
    %get3A_709 = arith.constant 19968 : index
    %get3A_710 = vector.load %arg1[%get3A_708, %get3A_709] : memref<16x32768xf32, #tpu.memory_space<vmem>>, vector<16x512xf32>
    %ge3A_711 = vector.broadcast %broadcast_in_dim3A : vector<16x1xf32> to vector<16x512xf32>
    %ge3A_712 = arith.cmpf oge, %get3A_710, %ge3A_711 : vector<16x512xf32>
    %convert_element_type3A_713 = arith.extui %ge3A_712 : vector<16x512xi1> to vector<16x512xi32>
    %add3A_714 = arith.addi %add3A_703, %convert_element_type3A_713 : vector<16x512xi32>
    %jit3A_715 = arith.constant 0x7F800000 : f32
    %broadcast_in_dim3A_716 = vector.broadcast %jit3A_715 : f32 to vector<16x512xf32>
    %select_n3A_717 = arith.select %ge3A_712, %get3A_710, %broadcast_in_dim3A_716 : vector<16x512xi1>, vector<16x512xf32>
    %min3A_718 = arith.minimumf %min3A_707, %select_n3A_717 : vector<16x512xf32>
    %get3A_719 = arith.constant 0 : index
    %get3A_720 = arith.constant 20480 : index
    %get3A_721 = vector.load %arg1[%get3A_719, %get3A_720] : memref<16x32768xf32, #tpu.memory_space<vmem>>, vector<16x512xf32>
    %ge3A_722 = vector.broadcast %broadcast_in_dim3A : vector<16x1xf32> to vector<16x512xf32>
    %ge3A_723 = arith.cmpf oge, %get3A_721, %ge3A_722 : vector<16x512xf32>
    %convert_element_type3A_724 = arith.extui %ge3A_723 : vector<16x512xi1> to vector<16x512xi32>
    %add3A_725 = arith.addi %add3A_714, %convert_element_type3A_724 : vector<16x512xi32>
    %jit3A_726 = arith.constant 0x7F800000 : f32
    %broadcast_in_dim3A_727 = vector.broadcast %jit3A_726 : f32 to vector<16x512xf32>
    %select_n3A_728 = arith.select %ge3A_723, %get3A_721, %broadcast_in_dim3A_727 : vector<16x512xi1>, vector<16x512xf32>
    %min3A_729 = arith.minimumf %min3A_718, %select_n3A_728 : vector<16x512xf32>
    %get3A_730 = arith.constant 0 : index
    %get3A_731 = arith.constant 20992 : index
    %get3A_732 = vector.load %arg1[%get3A_730, %get3A_731] : memref<16x32768xf32, #tpu.memory_space<vmem>>, vector<16x512xf32>
    %ge3A_733 = vector.broadcast %broadcast_in_dim3A : vector<16x1xf32> to vector<16x512xf32>
    %ge3A_734 = arith.cmpf oge, %get3A_732, %ge3A_733 : vector<16x512xf32>
    %convert_element_type3A_735 = arith.extui %ge3A_734 : vector<16x512xi1> to vector<16x512xi32>
    %add3A_736 = arith.addi %add3A_725, %convert_element_type3A_735 : vector<16x512xi32>
    %jit3A_737 = arith.constant 0x7F800000 : f32
    %broadcast_in_dim3A_738 = vector.broadcast %jit3A_737 : f32 to vector<16x512xf32>
    %select_n3A_739 = arith.select %ge3A_734, %get3A_732, %broadcast_in_dim3A_738 : vector<16x512xi1>, vector<16x512xf32>
    %min3A_740 = arith.minimumf %min3A_729, %select_n3A_739 : vector<16x512xf32>
    %get3A_741 = arith.constant 0 : index
    %get3A_742 = arith.constant 21504 : index
    %get3A_743 = vector.load %arg1[%get3A_741, %get3A_742] : memref<16x32768xf32, #tpu.memory_space<vmem>>, vector<16x512xf32>
    %ge3A_744 = vector.broadcast %broadcast_in_dim3A : vector<16x1xf32> to vector<16x512xf32>
    %ge3A_745 = arith.cmpf oge, %get3A_743, %ge3A_744 : vector<16x512xf32>
    %convert_element_type3A_746 = arith.extui %ge3A_745 : vector<16x512xi1> to vector<16x512xi32>
    %add3A_747 = arith.addi %add3A_736, %convert_element_type3A_746 : vector<16x512xi32>
    %jit3A_748 = arith.constant 0x7F800000 : f32
    %broadcast_in_dim3A_749 = vector.broadcast %jit3A_748 : f32 to vector<16x512xf32>
    %select_n3A_750 = arith.select %ge3A_745, %get3A_743, %broadcast_in_dim3A_749 : vector<16x512xi1>, vector<16x512xf32>
    %min3A_751 = arith.minimumf %min3A_740, %select_n3A_750 : vector<16x512xf32>
    %get3A_752 = arith.constant 0 : index
    %get3A_753 = arith.constant 22016 : index
    %get3A_754 = vector.load %arg1[%get3A_752, %get3A_753] : memref<16x32768xf32, #tpu.memory_space<vmem>>, vector<16x512xf32>
    %ge3A_755 = vector.broadcast %broadcast_in_dim3A : vector<16x1xf32> to vector<16x512xf32>
    %ge3A_756 = arith.cmpf oge, %get3A_754, %ge3A_755 : vector<16x512xf32>
    %convert_element_type3A_757 = arith.extui %ge3A_756 : vector<16x512xi1> to vector<16x512xi32>
    %add3A_758 = arith.addi %add3A_747, %convert_element_type3A_757 : vector<16x512xi32>
    %jit3A_759 = arith.constant 0x7F800000 : f32
    %broadcast_in_dim3A_760 = vector.broadcast %jit3A_759 : f32 to vector<16x512xf32>
    %select_n3A_761 = arith.select %ge3A_756, %get3A_754, %broadcast_in_dim3A_760 : vector<16x512xi1>, vector<16x512xf32>
    %min3A_762 = arith.minimumf %min3A_751, %select_n3A_761 : vector<16x512xf32>
    %get3A_763 = arith.constant 0 : index
    %get3A_764 = arith.constant 22528 : index
    %get3A_765 = vector.load %arg1[%get3A_763, %get3A_764] : memref<16x32768xf32, #tpu.memory_space<vmem>>, vector<16x512xf32>
    %ge3A_766 = vector.broadcast %broadcast_in_dim3A : vector<16x1xf32> to vector<16x512xf32>
    %ge3A_767 = arith.cmpf oge, %get3A_765, %ge3A_766 : vector<16x512xf32>
    %convert_element_type3A_768 = arith.extui %ge3A_767 : vector<16x512xi1> to vector<16x512xi32>
    %add3A_769 = arith.addi %add3A_758, %convert_element_type3A_768 : vector<16x512xi32>
    %jit3A_770 = arith.constant 0x7F800000 : f32
    %broadcast_in_dim3A_771 = vector.broadcast %jit3A_770 : f32 to vector<16x512xf32>
    %select_n3A_772 = arith.select %ge3A_767, %get3A_765, %broadcast_in_dim3A_771 : vector<16x512xi1>, vector<16x512xf32>
    %min3A_773 = arith.minimumf %min3A_762, %select_n3A_772 : vector<16x512xf32>
    %get3A_774 = arith.constant 0 : index
    %get3A_775 = arith.constant 23040 : index
    %get3A_776 = vector.load %arg1[%get3A_774, %get3A_775] : memref<16x32768xf32, #tpu.memory_space<vmem>>, vector<16x512xf32>
    %ge3A_777 = vector.broadcast %broadcast_in_dim3A : vector<16x1xf32> to vector<16x512xf32>
    %ge3A_778 = arith.cmpf oge, %get3A_776, %ge3A_777 : vector<16x512xf32>
    %convert_element_type3A_779 = arith.extui %ge3A_778 : vector<16x512xi1> to vector<16x512xi32>
    %add3A_780 = arith.addi %add3A_769, %convert_element_type3A_779 : vector<16x512xi32>
    %jit3A_781 = arith.constant 0x7F800000 : f32
    %broadcast_in_dim3A_782 = vector.broadcast %jit3A_781 : f32 to vector<16x512xf32>
    %select_n3A_783 = arith.select %ge3A_778, %get3A_776, %broadcast_in_dim3A_782 : vector<16x512xi1>, vector<16x512xf32>
    %min3A_784 = arith.minimumf %min3A_773, %select_n3A_783 : vector<16x512xf32>
    %get3A_785 = arith.constant 0 : index
    %get3A_786 = arith.constant 23552 : index
    %get3A_787 = vector.load %arg1[%get3A_785, %get3A_786] : memref<16x32768xf32, #tpu.memory_space<vmem>>, vector<16x512xf32>
    %ge3A_788 = vector.broadcast %broadcast_in_dim3A : vector<16x1xf32> to vector<16x512xf32>
    %ge3A_789 = arith.cmpf oge, %get3A_787, %ge3A_788 : vector<16x512xf32>
    %convert_element_type3A_790 = arith.extui %ge3A_789 : vector<16x512xi1> to vector<16x512xi32>
    %add3A_791 = arith.addi %add3A_780, %convert_element_type3A_790 : vector<16x512xi32>
    %jit3A_792 = arith.constant 0x7F800000 : f32
    %broadcast_in_dim3A_793 = vector.broadcast %jit3A_792 : f32 to vector<16x512xf32>
    %select_n3A_794 = arith.select %ge3A_789, %get3A_787, %broadcast_in_dim3A_793 : vector<16x512xi1>, vector<16x512xf32>
    %min3A_795 = arith.minimumf %min3A_784, %select_n3A_794 : vector<16x512xf32>
    %get3A_796 = arith.constant 0 : index
    %get3A_797 = arith.constant 24064 : index
    %get3A_798 = vector.load %arg1[%get3A_796, %get3A_797] : memref<16x32768xf32, #tpu.memory_space<vmem>>, vector<16x512xf32>
    %ge3A_799 = vector.broadcast %broadcast_in_dim3A : vector<16x1xf32> to vector<16x512xf32>
    %ge3A_800 = arith.cmpf oge, %get3A_798, %ge3A_799 : vector<16x512xf32>
    %convert_element_type3A_801 = arith.extui %ge3A_800 : vector<16x512xi1> to vector<16x512xi32>
    %add3A_802 = arith.addi %add3A_791, %convert_element_type3A_801 : vector<16x512xi32>
    %jit3A_803 = arith.constant 0x7F800000 : f32
    %broadcast_in_dim3A_804 = vector.broadcast %jit3A_803 : f32 to vector<16x512xf32>
    %select_n3A_805 = arith.select %ge3A_800, %get3A_798, %broadcast_in_dim3A_804 : vector<16x512xi1>, vector<16x512xf32>
    %min3A_806 = arith.minimumf %min3A_795, %select_n3A_805 : vector<16x512xf32>
    %get3A_807 = arith.constant 0 : index
    %get3A_808 = arith.constant 24576 : index
    %get3A_809 = vector.load %arg1[%get3A_807, %get3A_808] : memref<16x32768xf32, #tpu.memory_space<vmem>>, vector<16x512xf32>
    %ge3A_810 = vector.broadcast %broadcast_in_dim3A : vector<16x1xf32> to vector<16x512xf32>
    %ge3A_811 = arith.cmpf oge, %get3A_809, %ge3A_810 : vector<16x512xf32>
    %convert_element_type3A_812 = arith.extui %ge3A_811 : vector<16x512xi1> to vector<16x512xi32>
    %add3A_813 = arith.addi %add3A_802, %convert_element_type3A_812 : vector<16x512xi32>
    %jit3A_814 = arith.constant 0x7F800000 : f32
    %broadcast_in_dim3A_815 = vector.broadcast %jit3A_814 : f32 to vector<16x512xf32>
    %select_n3A_816 = arith.select %ge3A_811, %get3A_809, %broadcast_in_dim3A_815 : vector<16x512xi1>, vector<16x512xf32>
    %min3A_817 = arith.minimumf %min3A_806, %select_n3A_816 : vector<16x512xf32>
    %get3A_818 = arith.constant 0 : index
    %get3A_819 = arith.constant 25088 : index
    %get3A_820 = vector.load %arg1[%get3A_818, %get3A_819] : memref<16x32768xf32, #tpu.memory_space<vmem>>, vector<16x512xf32>
    %ge3A_821 = vector.broadcast %broadcast_in_dim3A : vector<16x1xf32> to vector<16x512xf32>
    %ge3A_822 = arith.cmpf oge, %get3A_820, %ge3A_821 : vector<16x512xf32>
    %convert_element_type3A_823 = arith.extui %ge3A_822 : vector<16x512xi1> to vector<16x512xi32>
    %add3A_824 = arith.addi %add3A_813, %convert_element_type3A_823 : vector<16x512xi32>
    %jit3A_825 = arith.constant 0x7F800000 : f32
    %broadcast_in_dim3A_826 = vector.broadcast %jit3A_825 : f32 to vector<16x512xf32>
    %select_n3A_827 = arith.select %ge3A_822, %get3A_820, %broadcast_in_dim3A_826 : vector<16x512xi1>, vector<16x512xf32>
    %min3A_828 = arith.minimumf %min3A_817, %select_n3A_827 : vector<16x512xf32>
    %get3A_829 = arith.constant 0 : index
    %get3A_830 = arith.constant 25600 : index
    %get3A_831 = vector.load %arg1[%get3A_829, %get3A_830] : memref<16x32768xf32, #tpu.memory_space<vmem>>, vector<16x512xf32>
    %ge3A_832 = vector.broadcast %broadcast_in_dim3A : vector<16x1xf32> to vector<16x512xf32>
    %ge3A_833 = arith.cmpf oge, %get3A_831, %ge3A_832 : vector<16x512xf32>
    %convert_element_type3A_834 = arith.extui %ge3A_833 : vector<16x512xi1> to vector<16x512xi32>
    %add3A_835 = arith.addi %add3A_824, %convert_element_type3A_834 : vector<16x512xi32>
    %jit3A_836 = arith.constant 0x7F800000 : f32
    %broadcast_in_dim3A_837 = vector.broadcast %jit3A_836 : f32 to vector<16x512xf32>
    %select_n3A_838 = arith.select %ge3A_833, %get3A_831, %broadcast_in_dim3A_837 : vector<16x512xi1>, vector<16x512xf32>
    %min3A_839 = arith.minimumf %min3A_828, %select_n3A_838 : vector<16x512xf32>
    %get3A_840 = arith.constant 0 : index
    %get3A_841 = arith.constant 26112 : index
    %get3A_842 = vector.load %arg1[%get3A_840, %get3A_841] : memref<16x32768xf32, #tpu.memory_space<vmem>>, vector<16x512xf32>
    %ge3A_843 = vector.broadcast %broadcast_in_dim3A : vector<16x1xf32> to vector<16x512xf32>
    %ge3A_844 = arith.cmpf oge, %get3A_842, %ge3A_843 : vector<16x512xf32>
    %convert_element_type3A_845 = arith.extui %ge3A_844 : vector<16x512xi1> to vector<16x512xi32>
    %add3A_846 = arith.addi %add3A_835, %convert_element_type3A_845 : vector<16x512xi32>
    %jit3A_847 = arith.constant 0x7F800000 : f32
    %broadcast_in_dim3A_848 = vector.broadcast %jit3A_847 : f32 to vector<16x512xf32>
    %select_n3A_849 = arith.select %ge3A_844, %get3A_842, %broadcast_in_dim3A_848 : vector<16x512xi1>, vector<16x512xf32>
    %min3A_850 = arith.minimumf %min3A_839, %select_n3A_849 : vector<16x512xf32>
    %get3A_851 = arith.constant 0 : index
    %get3A_852 = arith.constant 26624 : index
    %get3A_853 = vector.load %arg1[%get3A_851, %get3A_852] : memref<16x32768xf32, #tpu.memory_space<vmem>>, vector<16x512xf32>
    %ge3A_854 = vector.broadcast %broadcast_in_dim3A : vector<16x1xf32> to vector<16x512xf32>
    %ge3A_855 = arith.cmpf oge, %get3A_853, %ge3A_854 : vector<16x512xf32>
    %convert_element_type3A_856 = arith.extui %ge3A_855 : vector<16x512xi1> to vector<16x512xi32>
    %add3A_857 = arith.addi %add3A_846, %convert_element_type3A_856 : vector<16x512xi32>
    %jit3A_858 = arith.constant 0x7F800000 : f32
    %broadcast_in_dim3A_859 = vector.broadcast %jit3A_858 : f32 to vector<16x512xf32>
    %select_n3A_860 = arith.select %ge3A_855, %get3A_853, %broadcast_in_dim3A_859 : vector<16x512xi1>, vector<16x512xf32>
    %min3A_861 = arith.minimumf %min3A_850, %select_n3A_860 : vector<16x512xf32>
    %get3A_862 = arith.constant 0 : index
    %get3A_863 = arith.constant 27136 : index
    %get3A_864 = vector.load %arg1[%get3A_862, %get3A_863] : memref<16x32768xf32, #tpu.memory_space<vmem>>, vector<16x512xf32>
    %ge3A_865 = vector.broadcast %broadcast_in_dim3A : vector<16x1xf32> to vector<16x512xf32>
    %ge3A_866 = arith.cmpf oge, %get3A_864, %ge3A_865 : vector<16x512xf32>
    %convert_element_type3A_867 = arith.extui %ge3A_866 : vector<16x512xi1> to vector<16x512xi32>
    %add3A_868 = arith.addi %add3A_857, %convert_element_type3A_867 : vector<16x512xi32>
    %jit3A_869 = arith.constant 0x7F800000 : f32
    %broadcast_in_dim3A_870 = vector.broadcast %jit3A_869 : f32 to vector<16x512xf32>
    %select_n3A_871 = arith.select %ge3A_866, %get3A_864, %broadcast_in_dim3A_870 : vector<16x512xi1>, vector<16x512xf32>
    %min3A_872 = arith.minimumf %min3A_861, %select_n3A_871 : vector<16x512xf32>
    %get3A_873 = arith.constant 0 : index
    %get3A_874 = arith.constant 27648 : index
    %get3A_875 = vector.load %arg1[%get3A_873, %get3A_874] : memref<16x32768xf32, #tpu.memory_space<vmem>>, vector<16x512xf32>
    %ge3A_876 = vector.broadcast %broadcast_in_dim3A : vector<16x1xf32> to vector<16x512xf32>
    %ge3A_877 = arith.cmpf oge, %get3A_875, %ge3A_876 : vector<16x512xf32>
    %convert_element_type3A_878 = arith.extui %ge3A_877 : vector<16x512xi1> to vector<16x512xi32>
    %add3A_879 = arith.addi %add3A_868, %convert_element_type3A_878 : vector<16x512xi32>
    %jit3A_880 = arith.constant 0x7F800000 : f32
    %broadcast_in_dim3A_881 = vector.broadcast %jit3A_880 : f32 to vector<16x512xf32>
    %select_n3A_882 = arith.select %ge3A_877, %get3A_875, %broadcast_in_dim3A_881 : vector<16x512xi1>, vector<16x512xf32>
    %min3A_883 = arith.minimumf %min3A_872, %select_n3A_882 : vector<16x512xf32>
    %get3A_884 = arith.constant 0 : index
    %get3A_885 = arith.constant 28160 : index
    %get3A_886 = vector.load %arg1[%get3A_884, %get3A_885] : memref<16x32768xf32, #tpu.memory_space<vmem>>, vector<16x512xf32>
    %ge3A_887 = vector.broadcast %broadcast_in_dim3A : vector<16x1xf32> to vector<16x512xf32>
    %ge3A_888 = arith.cmpf oge, %get3A_886, %ge3A_887 : vector<16x512xf32>
    %convert_element_type3A_889 = arith.extui %ge3A_888 : vector<16x512xi1> to vector<16x512xi32>
    %add3A_890 = arith.addi %add3A_879, %convert_element_type3A_889 : vector<16x512xi32>
    %jit3A_891 = arith.constant 0x7F800000 : f32
    %broadcast_in_dim3A_892 = vector.broadcast %jit3A_891 : f32 to vector<16x512xf32>
    %select_n3A_893 = arith.select %ge3A_888, %get3A_886, %broadcast_in_dim3A_892 : vector<16x512xi1>, vector<16x512xf32>
    %min3A_894 = arith.minimumf %min3A_883, %select_n3A_893 : vector<16x512xf32>
    %get3A_895 = arith.constant 0 : index
    %get3A_896 = arith.constant 28672 : index
    %get3A_897 = vector.load %arg1[%get3A_895, %get3A_896] : memref<16x32768xf32, #tpu.memory_space<vmem>>, vector<16x512xf32>
    %ge3A_898 = vector.broadcast %broadcast_in_dim3A : vector<16x1xf32> to vector<16x512xf32>
    %ge3A_899 = arith.cmpf oge, %get3A_897, %ge3A_898 : vector<16x512xf32>
    %convert_element_type3A_900 = arith.extui %ge3A_899 : vector<16x512xi1> to vector<16x512xi32>
    %add3A_901 = arith.addi %add3A_890, %convert_element_type3A_900 : vector<16x512xi32>
    %jit3A_902 = arith.constant 0x7F800000 : f32
    %broadcast_in_dim3A_903 = vector.broadcast %jit3A_902 : f32 to vector<16x512xf32>
    %select_n3A_904 = arith.select %ge3A_899, %get3A_897, %broadcast_in_dim3A_903 : vector<16x512xi1>, vector<16x512xf32>
    %min3A_905 = arith.minimumf %min3A_894, %select_n3A_904 : vector<16x512xf32>
    %get3A_906 = arith.constant 0 : index
    %get3A_907 = arith.constant 29184 : index
    %get3A_908 = vector.load %arg1[%get3A_906, %get3A_907] : memref<16x32768xf32, #tpu.memory_space<vmem>>, vector<16x512xf32>
    %ge3A_909 = vector.broadcast %broadcast_in_dim3A : vector<16x1xf32> to vector<16x512xf32>
    %ge3A_910 = arith.cmpf oge, %get3A_908, %ge3A_909 : vector<16x512xf32>
    %convert_element_type3A_911 = arith.extui %ge3A_910 : vector<16x512xi1> to vector<16x512xi32>
    %add3A_912 = arith.addi %add3A_901, %convert_element_type3A_911 : vector<16x512xi32>
    %jit3A_913 = arith.constant 0x7F800000 : f32
    %broadcast_in_dim3A_914 = vector.broadcast %jit3A_913 : f32 to vector<16x512xf32>
    %select_n3A_915 = arith.select %ge3A_910, %get3A_908, %broadcast_in_dim3A_914 : vector<16x512xi1>, vector<16x512xf32>
    %min3A_916 = arith.minimumf %min3A_905, %select_n3A_915 : vector<16x512xf32>
    %get3A_917 = arith.constant 0 : index
    %get3A_918 = arith.constant 29696 : index
    %get3A_919 = vector.load %arg1[%get3A_917, %get3A_918] : memref<16x32768xf32, #tpu.memory_space<vmem>>, vector<16x512xf32>
    %ge3A_920 = vector.broadcast %broadcast_in_dim3A : vector<16x1xf32> to vector<16x512xf32>
    %ge3A_921 = arith.cmpf oge, %get3A_919, %ge3A_920 : vector<16x512xf32>
    %convert_element_type3A_922 = arith.extui %ge3A_921 : vector<16x512xi1> to vector<16x512xi32>
    %add3A_923 = arith.addi %add3A_912, %convert_element_type3A_922 : vector<16x512xi32>
    %jit3A_924 = arith.constant 0x7F800000 : f32
    %broadcast_in_dim3A_925 = vector.broadcast %jit3A_924 : f32 to vector<16x512xf32>
    %select_n3A_926 = arith.select %ge3A_921, %get3A_919, %broadcast_in_dim3A_925 : vector<16x512xi1>, vector<16x512xf32>
    %min3A_927 = arith.minimumf %min3A_916, %select_n3A_926 : vector<16x512xf32>
    %get3A_928 = arith.constant 0 : index
    %get3A_929 = arith.constant 30208 : index
    %get3A_930 = vector.load %arg1[%get3A_928, %get3A_929] : memref<16x32768xf32, #tpu.memory_space<vmem>>, vector<16x512xf32>
    %ge3A_931 = vector.broadcast %broadcast_in_dim3A : vector<16x1xf32> to vector<16x512xf32>
    %ge3A_932 = arith.cmpf oge, %get3A_930, %ge3A_931 : vector<16x512xf32>
    %convert_element_type3A_933 = arith.extui %ge3A_932 : vector<16x512xi1> to vector<16x512xi32>
    %add3A_934 = arith.addi %add3A_923, %convert_element_type3A_933 : vector<16x512xi32>
    %jit3A_935 = arith.constant 0x7F800000 : f32
    %broadcast_in_dim3A_936 = vector.broadcast %jit3A_935 : f32 to vector<16x512xf32>
    %select_n3A_937 = arith.select %ge3A_932, %get3A_930, %broadcast_in_dim3A_936 : vector<16x512xi1>, vector<16x512xf32>
    %min3A_938 = arith.minimumf %min3A_927, %select_n3A_937 : vector<16x512xf32>
    %get3A_939 = arith.constant 0 : index
    %get3A_940 = arith.constant 30720 : index
    %get3A_941 = vector.load %arg1[%get3A_939, %get3A_940] : memref<16x32768xf32, #tpu.memory_space<vmem>>, vector<16x512xf32>
    %ge3A_942 = vector.broadcast %broadcast_in_dim3A : vector<16x1xf32> to vector<16x512xf32>
    %ge3A_943 = arith.cmpf oge, %get3A_941, %ge3A_942 : vector<16x512xf32>
    %convert_element_type3A_944 = arith.extui %ge3A_943 : vector<16x512xi1> to vector<16x512xi32>
    %add3A_945 = arith.addi %add3A_934, %convert_element_type3A_944 : vector<16x512xi32>
    %jit3A_946 = arith.constant 0x7F800000 : f32
    %broadcast_in_dim3A_947 = vector.broadcast %jit3A_946 : f32 to vector<16x512xf32>
    %select_n3A_948 = arith.select %ge3A_943, %get3A_941, %broadcast_in_dim3A_947 : vector<16x512xi1>, vector<16x512xf32>
    %min3A_949 = arith.minimumf %min3A_938, %select_n3A_948 : vector<16x512xf32>
    %get3A_950 = arith.constant 0 : index
    %get3A_951 = arith.constant 31232 : index
    %get3A_952 = vector.load %arg1[%get3A_950, %get3A_951] : memref<16x32768xf32, #tpu.memory_space<vmem>>, vector<16x512xf32>
    %ge3A_953 = vector.broadcast %broadcast_in_dim3A : vector<16x1xf32> to vector<16x512xf32>
    %ge3A_954 = arith.cmpf oge, %get3A_952, %ge3A_953 : vector<16x512xf32>
    %convert_element_type3A_955 = arith.extui %ge3A_954 : vector<16x512xi1> to vector<16x512xi32>
    %add3A_956 = arith.addi %add3A_945, %convert_element_type3A_955 : vector<16x512xi32>
    %jit3A_957 = arith.constant 0x7F800000 : f32
    %broadcast_in_dim3A_958 = vector.broadcast %jit3A_957 : f32 to vector<16x512xf32>
    %select_n3A_959 = arith.select %ge3A_954, %get3A_952, %broadcast_in_dim3A_958 : vector<16x512xi1>, vector<16x512xf32>
    %min3A_960 = arith.minimumf %min3A_949, %select_n3A_959 : vector<16x512xf32>
    %get3A_961 = arith.constant 0 : index
    %get3A_962 = arith.constant 31744 : index
    %get3A_963 = vector.load %arg1[%get3A_961, %get3A_962] : memref<16x32768xf32, #tpu.memory_space<vmem>>, vector<16x512xf32>
    %ge3A_964 = vector.broadcast %broadcast_in_dim3A : vector<16x1xf32> to vector<16x512xf32>
    %ge3A_965 = arith.cmpf oge, %get3A_963, %ge3A_964 : vector<16x512xf32>
    %convert_element_type3A_966 = arith.extui %ge3A_965 : vector<16x512xi1> to vector<16x512xi32>
    %add3A_967 = arith.addi %add3A_956, %convert_element_type3A_966 : vector<16x512xi32>
    %jit3A_968 = arith.constant 0x7F800000 : f32
    %broadcast_in_dim3A_969 = vector.broadcast %jit3A_968 : f32 to vector<16x512xf32>
    %select_n3A_970 = arith.select %ge3A_965, %get3A_963, %broadcast_in_dim3A_969 : vector<16x512xi1>, vector<16x512xf32>
    %min3A_971 = arith.minimumf %min3A_960, %select_n3A_970 : vector<16x512xf32>
    %get3A_972 = arith.constant 0 : index
    %get3A_973 = arith.constant 32256 : index
    %get3A_974 = vector.load %arg1[%get3A_972, %get3A_973] : memref<16x32768xf32, #tpu.memory_space<vmem>>, vector<16x512xf32>
    %ge3A_975 = vector.broadcast %broadcast_in_dim3A : vector<16x1xf32> to vector<16x512xf32>
    %ge3A_976 = arith.cmpf oge, %get3A_974, %ge3A_975 : vector<16x512xf32>
    %convert_element_type3A_977 = arith.extui %ge3A_976 : vector<16x512xi1> to vector<16x512xi32>
    %add3A_978 = arith.addi %add3A_967, %convert_element_type3A_977 : vector<16x512xi32>
    %jit3A_979 = arith.constant 0x7F800000 : f32
    %broadcast_in_dim3A_980 = vector.broadcast %jit3A_979 : f32 to vector<16x512xf32>
    %select_n3A_981 = arith.select %ge3A_976, %get3A_974, %broadcast_in_dim3A_980 : vector<16x512xi1>, vector<16x512xf32>
    %min3A_982 = arith.minimumf %min3A_971, %select_n3A_981 : vector<16x512xf32>
    %reduce_sum3A = arith.constant dense<0> : vector<16xi32>
    %reduce_sum3A_983 = vector.multi_reduction <add>, %add3A_978, %reduce_sum3A [1] : vector<16x512xi32> to vector<16xi32>
    %broadcast_in_dim3A_984 = vector.shape_cast %reduce_sum3A_983 : vector<16xi32> to vector<16x1xi32>
    %reduce_min3A_985 = arith.constant dense<0x7F800000> : vector<16xf32>
    %reduce_min3A_986 = vector.multi_reduction <minimumf>, %min3A_982, %reduce_min3A_985 [1] : vector<16x512xf32> to vector<16xf32>
    %broadcast_in_dim3A_987 = vector.shape_cast %reduce_min3A_986 : vector<16xf32> to vector<16x1xf32>
    %convert_element_type3A_988 = arith.sitofp %broadcast_in_dim3A_984 : vector<16x1xi32> to vector<16x1xf32>
    %log3A = math.log %convert_element_type3A_988 : vector<16x1xf32>
    %log3A_989 = arith.constant 2.000000e+00 : f32
    %log3A_990 = math.log %log3A_989 : f32
    %div3A = vector.broadcast %log3A_990 : f32 to vector<16x1xf32>
    %div3A_991 = arith.divf %log3A, %div3A : vector<16x1xf32>
    %broadcast_in_dim3A_992 = arith.constant -1.000000e+00 : f32
    %broadcast_in_dim3A_993 = vector.broadcast %broadcast_in_dim3A_992 : f32 to vector<16x1xf32>
    %while3A = arith.constant 0 : i32
    %while3A_994:8 = scf.while (%while3A_1005 = %while3A, %while3A_1006 = %broadcast_in_dim3A_987, %while3A_1007 = %bitcast_convert_type3A_283, %while3A_1008 = %broadcast_in_dim3A_984, %while3A_1009 = %broadcast_in_dim3A_987, %while3A_1010 = %div3A_991, %while3A_1011 = %bitcast_convert_type3A_283, %while3A_1012 = %broadcast_in_dim3A_993) : (i32, vector<16x1xf32>, vector<16x1xf32>, vector<16x1xi32>, vector<16x1xf32>, vector<16x1xf32>, vector<16x1xf32>, vector<16x1xf32>) -> (i32, vector<16x1xf32>, vector<16x1xf32>, vector<16x1xi32>, vector<16x1xf32>, vector<16x1xf32>, vector<16x1xf32>, vector<16x1xf32>) {
      %lt3A = arith.constant 16 : i32
      %lt3A_1013 = arith.cmpi slt, %while3A_1005, %lt3A : i32
      %bitcast_convert_type3A_1014 = tpu.bitcast %while3A_1007 : vector<16x1xf32> -> vector<16x1xi32>
      %ge3A_1015 = arith.constant 0 : i32
      %ge3A_1016 = vector.broadcast %ge3A_1015 : i32 to vector<16x1xi32>
      %ge3A_1017 = arith.cmpi sge, %bitcast_convert_type3A_1014, %ge3A_1016 : vector<16x1xi32>
      %sub3A_1018 = arith.constant -2147483648 : i32
      %sub3A_1019 = vector.broadcast %sub3A_1018 : i32 to vector<16x1xi32>
      %sub3A_1020 = arith.subi %sub3A_1019, %bitcast_convert_type3A_1014 : vector<16x1xi32>
      %select_n3A_1021 = arith.select %ge3A_1017, %bitcast_convert_type3A_1014, %sub3A_1020 : vector<16x1xi1>, vector<16x1xi32>
      %bitcast_convert_type3A_1022 = tpu.bitcast %while3A_1006 : vector<16x1xf32> -> vector<16x1xi32>
      %ge3A_1023 = arith.constant 0 : i32
      %ge3A_1024 = vector.broadcast %ge3A_1023 : i32 to vector<16x1xi32>
      %ge3A_1025 = arith.cmpi sge, %bitcast_convert_type3A_1022, %ge3A_1024 : vector<16x1xi32>
      %sub3A_1026 = arith.constant -2147483648 : i32
      %sub3A_1027 = vector.broadcast %sub3A_1026 : i32 to vector<16x1xi32>
      %sub3A_1028 = arith.subi %sub3A_1027, %bitcast_convert_type3A_1022 : vector<16x1xi32>
      %select_n3A_1029 = arith.select %ge3A_1025, %bitcast_convert_type3A_1022, %sub3A_1028 : vector<16x1xi1>, vector<16x1xi32>
      %sub3A_1030 = arith.subi %select_n3A_1021, %select_n3A_1029 : vector<16x1xi32>
      %gt3A = arith.constant 1 : i32
      %gt3A_1031 = vector.broadcast %gt3A : i32 to vector<16x1xi32>
      %gt3A_1032 = arith.cmpi sgt, %sub3A_1030, %gt3A_1031 : vector<16x1xi32>
      %ne3A = arith.constant 64 : i32
      %ne3A_1033 = vector.broadcast %ne3A : i32 to vector<16x1xi32>
      %ne3A_1034 = arith.cmpi ne, %while3A_1008, %ne3A_1033 : vector<16x1xi32>
      %and3A = arith.andi %gt3A_1032, %ne3A_1034 : vector<16x1xi1>
      %reduce_or3A = arith.constant 1.000000e+00 : f32
      %reduce_or3A_1035 = arith.constant 0.000000e+00 : f32
      %reduce_or3A_1036 = vector.broadcast %reduce_or3A : f32 to vector<16x1xf32>
      %reduce_or3A_1037 = vector.broadcast %reduce_or3A_1035 : f32 to vector<16x1xf32>
      %reduce_or3A_1038 = arith.select %and3A, %reduce_or3A_1036, %reduce_or3A_1037 : vector<16x1xi1>, vector<16x1xf32>
      %reduce_or3A_1039 = vector.shape_cast %reduce_or3A_1038 : vector<16x1xf32> to vector<1x16x1xf32>
      %reduce_or3A_1040 = arith.constant dense<0xFF800000> : vector<1xf32>
      %reduce_or3A_1041 = vector.multi_reduction <maximumf>, %reduce_or3A_1039, %reduce_or3A_1040 [1, 2] : vector<1x16x1xf32> to vector<1xf32>
      %reduce_or3A_1042 = vector.shape_cast %reduce_or3A_1041 : vector<1xf32> to vector<1x1x1xf32>
      %reduce_or3A_1043 = vector.extract %reduce_or3A_1042[0, 0, 0] : f32 from vector<1x1x1xf32>
      %reduce_or3A_1044 = arith.constant 0.000000e+00 : f32
      %reduce_or3A_1045 = arith.cmpf ogt, %reduce_or3A_1043, %reduce_or3A_1044 : f32
      %and3A_1046 = arith.andi %lt3A_1013, %reduce_or3A_1045 : i1
      scf.condition(%and3A_1046) %while3A_1005, %while3A_1006, %while3A_1007, %while3A_1008, %while3A_1009, %while3A_1010, %while3A_1011, %while3A_1012 : i32, vector<16x1xf32>, vector<16x1xf32>, vector<16x1xi32>, vector<16x1xf32>, vector<16x1xf32>, vector<16x1xf32>, vector<16x1xf32>
    } do {
    ^bb0(%while3A_1005: i32, %while3A_1006: vector<16x1xf32>, %while3A_1007: vector<16x1xf32>, %while3A_1008: vector<16x1xi32>, %while3A_1009: vector<16x1xf32>, %while3A_1010: vector<16x1xf32>, %while3A_1011: vector<16x1xf32>, %while3A_1012: vector<16x1xf32>):
      %bitcast_convert_type3A_1013 = tpu.bitcast %while3A_1007 : vector<16x1xf32> -> vector<16x1xi32>
      %ge3A_1014 = arith.constant 0 : i32
      %ge3A_1015 = vector.broadcast %ge3A_1014 : i32 to vector<16x1xi32>
      %ge3A_1016 = arith.cmpi sge, %bitcast_convert_type3A_1013, %ge3A_1015 : vector<16x1xi32>
      %sub3A_1017 = arith.constant -2147483648 : i32
      %sub3A_1018 = vector.broadcast %sub3A_1017 : i32 to vector<16x1xi32>
      %sub3A_1019 = arith.subi %sub3A_1018, %bitcast_convert_type3A_1013 : vector<16x1xi32>
      %select_n3A_1020 = arith.select %ge3A_1016, %bitcast_convert_type3A_1013, %sub3A_1019 : vector<16x1xi1>, vector<16x1xi32>
      %bitcast_convert_type3A_1021 = tpu.bitcast %while3A_1006 : vector<16x1xf32> -> vector<16x1xi32>
      %ge3A_1022 = arith.constant 0 : i32
      %ge3A_1023 = vector.broadcast %ge3A_1022 : i32 to vector<16x1xi32>
      %ge3A_1024 = arith.cmpi sge, %bitcast_convert_type3A_1021, %ge3A_1023 : vector<16x1xi32>
      %sub3A_1025 = arith.constant -2147483648 : i32
      %sub3A_1026 = vector.broadcast %sub3A_1025 : i32 to vector<16x1xi32>
      %sub3A_1027 = arith.subi %sub3A_1026, %bitcast_convert_type3A_1021 : vector<16x1xi32>
      %select_n3A_1028 = arith.select %ge3A_1024, %bitcast_convert_type3A_1021, %sub3A_1027 : vector<16x1xi1>, vector<16x1xi32>
      %sub3A_1029 = arith.subi %select_n3A_1020, %select_n3A_1028 : vector<16x1xi32>
      %gt3A = arith.constant 1 : i32
      %gt3A_1030 = vector.broadcast %gt3A : i32 to vector<16x1xi32>
      %gt3A_1031 = arith.cmpi sgt, %sub3A_1029, %gt3A_1030 : vector<16x1xi32>
      %ne3A = arith.constant 64 : i32
      %ne3A_1032 = vector.broadcast %ne3A : i32 to vector<16x1xi32>
      %ne3A_1033 = arith.cmpi ne, %while3A_1008, %ne3A_1032 : vector<16x1xi32>
      %and3A = arith.andi %gt3A_1031, %ne3A_1033 : vector<16x1xi1>
      %bitcast_convert_type3A_1034 = tpu.bitcast %while3A_1006 : vector<16x1xf32> -> vector<16x1xi32>
      %ge3A_1035 = arith.constant 0 : i32
      %ge3A_1036 = vector.broadcast %ge3A_1035 : i32 to vector<16x1xi32>
      %ge3A_1037 = arith.cmpi sge, %bitcast_convert_type3A_1034, %ge3A_1036 : vector<16x1xi32>
      %sub3A_1038 = arith.constant -2147483648 : i32
      %sub3A_1039 = vector.broadcast %sub3A_1038 : i32 to vector<16x1xi32>
      %sub3A_1040 = arith.subi %sub3A_1039, %bitcast_convert_type3A_1034 : vector<16x1xi32>
      %select_n3A_1041 = arith.select %ge3A_1037, %bitcast_convert_type3A_1034, %sub3A_1040 : vector<16x1xi1>, vector<16x1xi32>
      %bitcast_convert_type3A_1042 = tpu.bitcast %while3A_1007 : vector<16x1xf32> -> vector<16x1xi32>
      %ge3A_1043 = arith.constant 0 : i32
      %ge3A_1044 = vector.broadcast %ge3A_1043 : i32 to vector<16x1xi32>
      %ge3A_1045 = arith.cmpi sge, %bitcast_convert_type3A_1042, %ge3A_1044 : vector<16x1xi32>
      %sub3A_1046 = arith.constant -2147483648 : i32
      %sub3A_1047 = vector.broadcast %sub3A_1046 : i32 to vector<16x1xi32>
      %sub3A_1048 = arith.subi %sub3A_1047, %bitcast_convert_type3A_1042 : vector<16x1xi32>
      %select_n3A_1049 = arith.select %ge3A_1045, %bitcast_convert_type3A_1042, %sub3A_1048 : vector<16x1xi1>, vector<16x1xi32>
      %sub3A_1050 = arith.subf %while3A_1012, %while3A_1010 : vector<16x1xf32>
      %abs3A = math.absf %sub3A_1050 : vector<16x1xf32>
      %lt3A = arith.constant 9.99999997E-7 : f32
      %lt3A_1051 = vector.broadcast %lt3A : f32 to vector<16x1xf32>
      %lt3A_1052 = arith.cmpf olt, %abs3A, %lt3A_1051 : vector<16x1xf32>
      %eq3A = arith.cmpf oeq, %while3A_1011, %while3A_1009 : vector<16x1xf32>
      %or3A = arith.ori %lt3A_1052, %eq3A : vector<16x1xi1>
      %sub3A_1053 = arith.constant 6.000000e+00 : f32
      %sub3A_1054 = vector.broadcast %sub3A_1053 : f32 to vector<16x1xf32>
      %sub3A_1055 = arith.subf %sub3A_1054, %while3A_1010 : vector<16x1xf32>
      %sub3A_1056 = arith.subf %while3A_1011, %while3A_1009 : vector<16x1xf32>
      %mul3A = arith.mulf %sub3A_1055, %sub3A_1056 : vector<16x1xf32>
      %jit3A_1057 = arith.constant 1.000000e+00 : f32
      %broadcast_in_dim3A_1058 = vector.broadcast %jit3A_1057 : f32 to vector<16x1xf32>
      %select_n3A_1059 = arith.select %or3A, %broadcast_in_dim3A_1058, %sub3A_1050 : vector<16x1xi1>, vector<16x1xf32>
      %div3A_1060 = arith.divf %mul3A, %select_n3A_1059 : vector<16x1xf32>
      %add3A_1061 = arith.addf %while3A_1009, %div3A_1060 : vector<16x1xf32>
      %sub3A_1062 = arith.subi %select_n3A_1049, %select_n3A_1041 : vector<16x1xi32>
      %jit3A_1063 = arith.constant 2 : i32
      %div3A_1064 = vector.broadcast %jit3A_1063 : i32 to vector<16x1xi32>
      %div3A_1065 = arith.divsi %sub3A_1062, %div3A_1064 : vector<16x1xi32>
      %sign3A = arith.constant 0 : i32
      %sign3A_1066 = vector.broadcast %sign3A : i32 to vector<16x1xi32>
      %sign3A_1067 = arith.cmpi sgt, %sub3A_1062, %sign3A_1066 : vector<16x1xi32>
      %sign3A_1068 = arith.extui %sign3A_1067 : vector<16x1xi1> to vector<16x1xi32>
      %sign3A_1069 = arith.constant 0 : i32
      %sign3A_1070 = vector.broadcast %sign3A_1069 : i32 to vector<16x1xi32>
      %sign3A_1071 = arith.cmpi slt, %sub3A_1062, %sign3A_1070 : vector<16x1xi32>
      %sign3A_1072 = arith.extui %sign3A_1071 : vector<16x1xi1> to vector<16x1xi32>
      %sign3A_1073 = arith.subi %sign3A_1068, %sign3A_1072 : vector<16x1xi32>
      %sign3A_1074 = arith.constant 0 : i32
      %sign3A_1075 = arith.cmpi sgt, %jit3A_1063, %sign3A_1074 : i32
      %sign3A_1076 = arith.extui %sign3A_1075 : i1 to i32
      %sign3A_1077 = arith.constant 0 : i32
      %sign3A_1078 = arith.cmpi slt, %jit3A_1063, %sign3A_1077 : i32
      %sign3A_1079 = arith.extui %sign3A_1078 : i1 to i32
      %sign3A_1080 = arith.subi %sign3A_1076, %sign3A_1079 : i32
      %ne3A_1081 = vector.broadcast %sign3A_1080 : i32 to vector<16x1xi32>
      %ne3A_1082 = arith.cmpi ne, %sign3A_1073, %ne3A_1081 : vector<16x1xi32>
      %rem3A = vector.broadcast %jit3A_1063 : i32 to vector<16x1xi32>
      %rem3A_1083 = arith.remsi %sub3A_1062, %rem3A : vector<16x1xi32>
      %ne3A_1084 = arith.constant 0 : i32
      %ne3A_1085 = vector.broadcast %ne3A_1084 : i32 to vector<16x1xi32>
      %ne3A_1086 = arith.cmpi ne, %rem3A_1083, %ne3A_1085 : vector<16x1xi32>
      %and3A_1087 = arith.andi %ne3A_1082, %ne3A_1086 : vector<16x1xi1>
      %sub3A_1088 = arith.constant 1 : i32
      %sub3A_1089 = vector.broadcast %sub3A_1088 : i32 to vector<16x1xi32>
      %sub3A_1090 = arith.subi %div3A_1065, %sub3A_1089 : vector<16x1xi32>
      %select_n3A_1091 = arith.select %and3A_1087, %sub3A_1090, %div3A_1065 : vector<16x1xi1>, vector<16x1xi32>
      %add3A_1092 = arith.addi %select_n3A_1041, %select_n3A_1091 : vector<16x1xi32>
      %bitcast_convert_type3A_1093 = tpu.bitcast %add3A_1061 : vector<16x1xf32> -> vector<16x1xi32>
      %ge3A_1094 = arith.constant 0 : i32
      %ge3A_1095 = vector.broadcast %ge3A_1094 : i32 to vector<16x1xi32>
      %ge3A_1096 = arith.cmpi sge, %bitcast_convert_type3A_1093, %ge3A_1095 : vector<16x1xi32>
      %sub3A_1097 = arith.constant -2147483648 : i32
      %sub3A_1098 = vector.broadcast %sub3A_1097 : i32 to vector<16x1xi32>
      %sub3A_1099 = arith.subi %sub3A_1098, %bitcast_convert_type3A_1093 : vector<16x1xi32>
      %select_n3A_1100 = arith.select %ge3A_1096, %bitcast_convert_type3A_1093, %sub3A_1099 : vector<16x1xi1>, vector<16x1xi32>
      %select_n3A_1101 = arith.select %or3A, %add3A_1092, %select_n3A_1100 : vector<16x1xi1>, vector<16x1xi32>
      %add3A_1102 = arith.constant 1 : i32
      %add3A_1103 = vector.broadcast %add3A_1102 : i32 to vector<16x1xi32>
      %add3A_1104 = arith.addi %select_n3A_1041, %add3A_1103 : vector<16x1xi32>
      %max3A_1105 = arith.maxsi %select_n3A_1101, %add3A_1104 : vector<16x1xi32>
      %sub3A_1106 = arith.constant 1 : i32
      %sub3A_1107 = vector.broadcast %sub3A_1106 : i32 to vector<16x1xi32>
      %sub3A_1108 = arith.subi %select_n3A_1049, %sub3A_1107 : vector<16x1xi32>
      %min3A_1109 = arith.minsi %max3A_1105, %sub3A_1108 : vector<16x1xi32>
      %ge3A_1110 = arith.constant 0 : i32
      %ge3A_1111 = vector.broadcast %ge3A_1110 : i32 to vector<16x1xi32>
      %ge3A_1112 = arith.cmpi sge, %min3A_1109, %ge3A_1111 : vector<16x1xi32>
      %sub3A_1113 = arith.constant -2147483648 : i32
      %sub3A_1114 = vector.broadcast %sub3A_1113 : i32 to vector<16x1xi32>
      %sub3A_1115 = arith.subi %sub3A_1114, %min3A_1109 : vector<16x1xi32>
      %select_n3A_1116 = arith.select %ge3A_1112, %min3A_1109, %sub3A_1115 : vector<16x1xi1>, vector<16x1xi32>
      %bitcast_convert_type3A_1117 = tpu.bitcast %select_n3A_1116 : vector<16x1xi32> -> vector<16x1xf32>
      %get3A_1118 = arith.constant 0 : index
      %get3A_1119 = arith.constant 0 : index
      %get3A_1120 = vector.load %arg1[%get3A_1118, %get3A_1119] : memref<16x32768xf32, #tpu.memory_space<vmem>>, vector<16x512xf32>
      %ge3A_1121 = vector.broadcast %bitcast_convert_type3A_1117 : vector<16x1xf32> to vector<16x512xf32>
      %ge3A_1122 = arith.cmpf oge, %get3A_1120, %ge3A_1121 : vector<16x512xf32>
      %convert_element_type3A_1123 = arith.extui %ge3A_1122 : vector<16x512xi1> to vector<16x512xi32>
      %jit3A_1124 = arith.constant 0x7F800000 : f32
      %broadcast_in_dim3A_1125 = vector.broadcast %jit3A_1124 : f32 to vector<16x512xf32>
      %select_n3A_1126 = arith.select %ge3A_1122, %get3A_1120, %broadcast_in_dim3A_1125 : vector<16x512xi1>, vector<16x512xf32>
      %neg3A = arith.constant 0.000000e+00 : f32
      %neg3A_1127 = arith.constant 0x7F800000 : f32
      %neg3A_1128 = arith.subf %neg3A, %neg3A_1127 : f32
      %broadcast_in_dim3A_1129 = vector.broadcast %neg3A_1128 : f32 to vector<16x512xf32>
      %select_n3A_1130 = arith.select %ge3A_1122, %broadcast_in_dim3A_1129, %get3A_1120 : vector<16x512xi1>, vector<16x512xf32>
      %get3A_1131 = arith.constant 0 : index
      %get3A_1132 = arith.constant 512 : index
      %get3A_1133 = vector.load %arg1[%get3A_1131, %get3A_1132] : memref<16x32768xf32, #tpu.memory_space<vmem>>, vector<16x512xf32>
      %ge3A_1134 = vector.broadcast %bitcast_convert_type3A_1117 : vector<16x1xf32> to vector<16x512xf32>
      %ge3A_1135 = arith.cmpf oge, %get3A_1133, %ge3A_1134 : vector<16x512xf32>
      %convert_element_type3A_1136 = arith.extui %ge3A_1135 : vector<16x512xi1> to vector<16x512xi32>
      %add3A_1137 = arith.addi %convert_element_type3A_1123, %convert_element_type3A_1136 : vector<16x512xi32>
      %jit3A_1138 = arith.constant 0x7F800000 : f32
      %broadcast_in_dim3A_1139 = vector.broadcast %jit3A_1138 : f32 to vector<16x512xf32>
      %select_n3A_1140 = arith.select %ge3A_1135, %get3A_1133, %broadcast_in_dim3A_1139 : vector<16x512xi1>, vector<16x512xf32>
      %min3A_1141 = arith.minimumf %select_n3A_1126, %select_n3A_1140 : vector<16x512xf32>
      %neg3A_1142 = arith.constant 0.000000e+00 : f32
      %neg3A_1143 = arith.constant 0x7F800000 : f32
      %neg3A_1144 = arith.subf %neg3A_1142, %neg3A_1143 : f32
      %broadcast_in_dim3A_1145 = vector.broadcast %neg3A_1144 : f32 to vector<16x512xf32>
      %select_n3A_1146 = arith.select %ge3A_1135, %broadcast_in_dim3A_1145, %get3A_1133 : vector<16x512xi1>, vector<16x512xf32>
      %max3A_1147 = arith.maximumf %select_n3A_1130, %select_n3A_1146 : vector<16x512xf32>
      %get3A_1148 = arith.constant 0 : index
      %get3A_1149 = arith.constant 1024 : index
      %get3A_1150 = vector.load %arg1[%get3A_1148, %get3A_1149] : memref<16x32768xf32, #tpu.memory_space<vmem>>, vector<16x512xf32>
      %ge3A_1151 = vector.broadcast %bitcast_convert_type3A_1117 : vector<16x1xf32> to vector<16x512xf32>
      %ge3A_1152 = arith.cmpf oge, %get3A_1150, %ge3A_1151 : vector<16x512xf32>
      %convert_element_type3A_1153 = arith.extui %ge3A_1152 : vector<16x512xi1> to vector<16x512xi32>
      %add3A_1154 = arith.addi %add3A_1137, %convert_element_type3A_1153 : vector<16x512xi32>
      %jit3A_1155 = arith.constant 0x7F800000 : f32
      %broadcast_in_dim3A_1156 = vector.broadcast %jit3A_1155 : f32 to vector<16x512xf32>
      %select_n3A_1157 = arith.select %ge3A_1152, %get3A_1150, %broadcast_in_dim3A_1156 : vector<16x512xi1>, vector<16x512xf32>
      %min3A_1158 = arith.minimumf %min3A_1141, %select_n3A_1157 : vector<16x512xf32>
      %neg3A_1159 = arith.constant 0.000000e+00 : f32
      %neg3A_1160 = arith.constant 0x7F800000 : f32
      %neg3A_1161 = arith.subf %neg3A_1159, %neg3A_1160 : f32
      %broadcast_in_dim3A_1162 = vector.broadcast %neg3A_1161 : f32 to vector<16x512xf32>
      %select_n3A_1163 = arith.select %ge3A_1152, %broadcast_in_dim3A_1162, %get3A_1150 : vector<16x512xi1>, vector<16x512xf32>
      %max3A_1164 = arith.maximumf %max3A_1147, %select_n3A_1163 : vector<16x512xf32>
      %get3A_1165 = arith.constant 0 : index
      %get3A_1166 = arith.constant 1536 : index
      %get3A_1167 = vector.load %arg1[%get3A_1165, %get3A_1166] : memref<16x32768xf32, #tpu.memory_space<vmem>>, vector<16x512xf32>
      %ge3A_1168 = vector.broadcast %bitcast_convert_type3A_1117 : vector<16x1xf32> to vector<16x512xf32>
      %ge3A_1169 = arith.cmpf oge, %get3A_1167, %ge3A_1168 : vector<16x512xf32>
      %convert_element_type3A_1170 = arith.extui %ge3A_1169 : vector<16x512xi1> to vector<16x512xi32>
      %add3A_1171 = arith.addi %add3A_1154, %convert_element_type3A_1170 : vector<16x512xi32>
      %jit3A_1172 = arith.constant 0x7F800000 : f32
      %broadcast_in_dim3A_1173 = vector.broadcast %jit3A_1172 : f32 to vector<16x512xf32>
      %select_n3A_1174 = arith.select %ge3A_1169, %get3A_1167, %broadcast_in_dim3A_1173 : vector<16x512xi1>, vector<16x512xf32>
      %min3A_1175 = arith.minimumf %min3A_1158, %select_n3A_1174 : vector<16x512xf32>
      %neg3A_1176 = arith.constant 0.000000e+00 : f32
      %neg3A_1177 = arith.constant 0x7F800000 : f32
      %neg3A_1178 = arith.subf %neg3A_1176, %neg3A_1177 : f32
      %broadcast_in_dim3A_1179 = vector.broadcast %neg3A_1178 : f32 to vector<16x512xf32>
      %select_n3A_1180 = arith.select %ge3A_1169, %broadcast_in_dim3A_1179, %get3A_1167 : vector<16x512xi1>, vector<16x512xf32>
      %max3A_1181 = arith.maximumf %max3A_1164, %select_n3A_1180 : vector<16x512xf32>
      %get3A_1182 = arith.constant 0 : index
      %get3A_1183 = arith.constant 2048 : index
      %get3A_1184 = vector.load %arg1[%get3A_1182, %get3A_1183] : memref<16x32768xf32, #tpu.memory_space<vmem>>, vector<16x512xf32>
      %ge3A_1185 = vector.broadcast %bitcast_convert_type3A_1117 : vector<16x1xf32> to vector<16x512xf32>
      %ge3A_1186 = arith.cmpf oge, %get3A_1184, %ge3A_1185 : vector<16x512xf32>
      %convert_element_type3A_1187 = arith.extui %ge3A_1186 : vector<16x512xi1> to vector<16x512xi32>
      %add3A_1188 = arith.addi %add3A_1171, %convert_element_type3A_1187 : vector<16x512xi32>
      %jit3A_1189 = arith.constant 0x7F800000 : f32
      %broadcast_in_dim3A_1190 = vector.broadcast %jit3A_1189 : f32 to vector<16x512xf32>
      %select_n3A_1191 = arith.select %ge3A_1186, %get3A_1184, %broadcast_in_dim3A_1190 : vector<16x512xi1>, vector<16x512xf32>
      %min3A_1192 = arith.minimumf %min3A_1175, %select_n3A_1191 : vector<16x512xf32>
      %neg3A_1193 = arith.constant 0.000000e+00 : f32
      %neg3A_1194 = arith.constant 0x7F800000 : f32
      %neg3A_1195 = arith.subf %neg3A_1193, %neg3A_1194 : f32
      %broadcast_in_dim3A_1196 = vector.broadcast %neg3A_1195 : f32 to vector<16x512xf32>
      %select_n3A_1197 = arith.select %ge3A_1186, %broadcast_in_dim3A_1196, %get3A_1184 : vector<16x512xi1>, vector<16x512xf32>
      %max3A_1198 = arith.maximumf %max3A_1181, %select_n3A_1197 : vector<16x512xf32>
      %get3A_1199 = arith.constant 0 : index
      %get3A_1200 = arith.constant 2560 : index
      %get3A_1201 = vector.load %arg1[%get3A_1199, %get3A_1200] : memref<16x32768xf32, #tpu.memory_space<vmem>>, vector<16x512xf32>
      %ge3A_1202 = vector.broadcast %bitcast_convert_type3A_1117 : vector<16x1xf32> to vector<16x512xf32>
      %ge3A_1203 = arith.cmpf oge, %get3A_1201, %ge3A_1202 : vector<16x512xf32>
      %convert_element_type3A_1204 = arith.extui %ge3A_1203 : vector<16x512xi1> to vector<16x512xi32>
      %add3A_1205 = arith.addi %add3A_1188, %convert_element_type3A_1204 : vector<16x512xi32>
      %jit3A_1206 = arith.constant 0x7F800000 : f32
      %broadcast_in_dim3A_1207 = vector.broadcast %jit3A_1206 : f32 to vector<16x512xf32>
      %select_n3A_1208 = arith.select %ge3A_1203, %get3A_1201, %broadcast_in_dim3A_1207 : vector<16x512xi1>, vector<16x512xf32>
      %min3A_1209 = arith.minimumf %min3A_1192, %select_n3A_1208 : vector<16x512xf32>
      %neg3A_1210 = arith.constant 0.000000e+00 : f32
      %neg3A_1211 = arith.constant 0x7F800000 : f32
      %neg3A_1212 = arith.subf %neg3A_1210, %neg3A_1211 : f32
      %broadcast_in_dim3A_1213 = vector.broadcast %neg3A_1212 : f32 to vector<16x512xf32>
      %select_n3A_1214 = arith.select %ge3A_1203, %broadcast_in_dim3A_1213, %get3A_1201 : vector<16x512xi1>, vector<16x512xf32>
      %max3A_1215 = arith.maximumf %max3A_1198, %select_n3A_1214 : vector<16x512xf32>
      %get3A_1216 = arith.constant 0 : index
      %get3A_1217 = arith.constant 3072 : index
      %get3A_1218 = vector.load %arg1[%get3A_1216, %get3A_1217] : memref<16x32768xf32, #tpu.memory_space<vmem>>, vector<16x512xf32>
      %ge3A_1219 = vector.broadcast %bitcast_convert_type3A_1117 : vector<16x1xf32> to vector<16x512xf32>
      %ge3A_1220 = arith.cmpf oge, %get3A_1218, %ge3A_1219 : vector<16x512xf32>
      %convert_element_type3A_1221 = arith.extui %ge3A_1220 : vector<16x512xi1> to vector<16x512xi32>
      %add3A_1222 = arith.addi %add3A_1205, %convert_element_type3A_1221 : vector<16x512xi32>
      %jit3A_1223 = arith.constant 0x7F800000 : f32
      %broadcast_in_dim3A_1224 = vector.broadcast %jit3A_1223 : f32 to vector<16x512xf32>
      %select_n3A_1225 = arith.select %ge3A_1220, %get3A_1218, %broadcast_in_dim3A_1224 : vector<16x512xi1>, vector<16x512xf32>
      %min3A_1226 = arith.minimumf %min3A_1209, %select_n3A_1225 : vector<16x512xf32>
      %neg3A_1227 = arith.constant 0.000000e+00 : f32
      %neg3A_1228 = arith.constant 0x7F800000 : f32
      %neg3A_1229 = arith.subf %neg3A_1227, %neg3A_1228 : f32
      %broadcast_in_dim3A_1230 = vector.broadcast %neg3A_1229 : f32 to vector<16x512xf32>
      %select_n3A_1231 = arith.select %ge3A_1220, %broadcast_in_dim3A_1230, %get3A_1218 : vector<16x512xi1>, vector<16x512xf32>
      %max3A_1232 = arith.maximumf %max3A_1215, %select_n3A_1231 : vector<16x512xf32>
      %get3A_1233 = arith.constant 0 : index
      %get3A_1234 = arith.constant 3584 : index
      %get3A_1235 = vector.load %arg1[%get3A_1233, %get3A_1234] : memref<16x32768xf32, #tpu.memory_space<vmem>>, vector<16x512xf32>
      %ge3A_1236 = vector.broadcast %bitcast_convert_type3A_1117 : vector<16x1xf32> to vector<16x512xf32>
      %ge3A_1237 = arith.cmpf oge, %get3A_1235, %ge3A_1236 : vector<16x512xf32>
      %convert_element_type3A_1238 = arith.extui %ge3A_1237 : vector<16x512xi1> to vector<16x512xi32>
      %add3A_1239 = arith.addi %add3A_1222, %convert_element_type3A_1238 : vector<16x512xi32>
      %jit3A_1240 = arith.constant 0x7F800000 : f32
      %broadcast_in_dim3A_1241 = vector.broadcast %jit3A_1240 : f32 to vector<16x512xf32>
      %select_n3A_1242 = arith.select %ge3A_1237, %get3A_1235, %broadcast_in_dim3A_1241 : vector<16x512xi1>, vector<16x512xf32>
      %min3A_1243 = arith.minimumf %min3A_1226, %select_n3A_1242 : vector<16x512xf32>
      %neg3A_1244 = arith.constant 0.000000e+00 : f32
      %neg3A_1245 = arith.constant 0x7F800000 : f32
      %neg3A_1246 = arith.subf %neg3A_1244, %neg3A_1245 : f32
      %broadcast_in_dim3A_1247 = vector.broadcast %neg3A_1246 : f32 to vector<16x512xf32>
      %select_n3A_1248 = arith.select %ge3A_1237, %broadcast_in_dim3A_1247, %get3A_1235 : vector<16x512xi1>, vector<16x512xf32>
      %max3A_1249 = arith.maximumf %max3A_1232, %select_n3A_1248 : vector<16x512xf32>
      %get3A_1250 = arith.constant 0 : index
      %get3A_1251 = arith.constant 4096 : index
      %get3A_1252 = vector.load %arg1[%get3A_1250, %get3A_1251] : memref<16x32768xf32, #tpu.memory_space<vmem>>, vector<16x512xf32>
      %ge3A_1253 = vector.broadcast %bitcast_convert_type3A_1117 : vector<16x1xf32> to vector<16x512xf32>
      %ge3A_1254 = arith.cmpf oge, %get3A_1252, %ge3A_1253 : vector<16x512xf32>
      %convert_element_type3A_1255 = arith.extui %ge3A_1254 : vector<16x512xi1> to vector<16x512xi32>
      %add3A_1256 = arith.addi %add3A_1239, %convert_element_type3A_1255 : vector<16x512xi32>
      %jit3A_1257 = arith.constant 0x7F800000 : f32
      %broadcast_in_dim3A_1258 = vector.broadcast %jit3A_1257 : f32 to vector<16x512xf32>
      %select_n3A_1259 = arith.select %ge3A_1254, %get3A_1252, %broadcast_in_dim3A_1258 : vector<16x512xi1>, vector<16x512xf32>
      %min3A_1260 = arith.minimumf %min3A_1243, %select_n3A_1259 : vector<16x512xf32>
      %neg3A_1261 = arith.constant 0.000000e+00 : f32
      %neg3A_1262 = arith.constant 0x7F800000 : f32
      %neg3A_1263 = arith.subf %neg3A_1261, %neg3A_1262 : f32
      %broadcast_in_dim3A_1264 = vector.broadcast %neg3A_1263 : f32 to vector<16x512xf32>
      %select_n3A_1265 = arith.select %ge3A_1254, %broadcast_in_dim3A_1264, %get3A_1252 : vector<16x512xi1>, vector<16x512xf32>
      %max3A_1266 = arith.maximumf %max3A_1249, %select_n3A_1265 : vector<16x512xf32>
      %get3A_1267 = arith.constant 0 : index
      %get3A_1268 = arith.constant 4608 : index
      %get3A_1269 = vector.load %arg1[%get3A_1267, %get3A_1268] : memref<16x32768xf32, #tpu.memory_space<vmem>>, vector<16x512xf32>
      %ge3A_1270 = vector.broadcast %bitcast_convert_type3A_1117 : vector<16x1xf32> to vector<16x512xf32>
      %ge3A_1271 = arith.cmpf oge, %get3A_1269, %ge3A_1270 : vector<16x512xf32>
      %convert_element_type3A_1272 = arith.extui %ge3A_1271 : vector<16x512xi1> to vector<16x512xi32>
      %add3A_1273 = arith.addi %add3A_1256, %convert_element_type3A_1272 : vector<16x512xi32>
      %jit3A_1274 = arith.constant 0x7F800000 : f32
      %broadcast_in_dim3A_1275 = vector.broadcast %jit3A_1274 : f32 to vector<16x512xf32>
      %select_n3A_1276 = arith.select %ge3A_1271, %get3A_1269, %broadcast_in_dim3A_1275 : vector<16x512xi1>, vector<16x512xf32>
      %min3A_1277 = arith.minimumf %min3A_1260, %select_n3A_1276 : vector<16x512xf32>
      %neg3A_1278 = arith.constant 0.000000e+00 : f32
      %neg3A_1279 = arith.constant 0x7F800000 : f32
      %neg3A_1280 = arith.subf %neg3A_1278, %neg3A_1279 : f32
      %broadcast_in_dim3A_1281 = vector.broadcast %neg3A_1280 : f32 to vector<16x512xf32>
      %select_n3A_1282 = arith.select %ge3A_1271, %broadcast_in_dim3A_1281, %get3A_1269 : vector<16x512xi1>, vector<16x512xf32>
      %max3A_1283 = arith.maximumf %max3A_1266, %select_n3A_1282 : vector<16x512xf32>
      %get3A_1284 = arith.constant 0 : index
      %get3A_1285 = arith.constant 5120 : index
      %get3A_1286 = vector.load %arg1[%get3A_1284, %get3A_1285] : memref<16x32768xf32, #tpu.memory_space<vmem>>, vector<16x512xf32>
      %ge3A_1287 = vector.broadcast %bitcast_convert_type3A_1117 : vector<16x1xf32> to vector<16x512xf32>
      %ge3A_1288 = arith.cmpf oge, %get3A_1286, %ge3A_1287 : vector<16x512xf32>
      %convert_element_type3A_1289 = arith.extui %ge3A_1288 : vector<16x512xi1> to vector<16x512xi32>
      %add3A_1290 = arith.addi %add3A_1273, %convert_element_type3A_1289 : vector<16x512xi32>
      %jit3A_1291 = arith.constant 0x7F800000 : f32
      %broadcast_in_dim3A_1292 = vector.broadcast %jit3A_1291 : f32 to vector<16x512xf32>
      %select_n3A_1293 = arith.select %ge3A_1288, %get3A_1286, %broadcast_in_dim3A_1292 : vector<16x512xi1>, vector<16x512xf32>
      %min3A_1294 = arith.minimumf %min3A_1277, %select_n3A_1293 : vector<16x512xf32>
      %neg3A_1295 = arith.constant 0.000000e+00 : f32
      %neg3A_1296 = arith.constant 0x7F800000 : f32
      %neg3A_1297 = arith.subf %neg3A_1295, %neg3A_1296 : f32
      %broadcast_in_dim3A_1298 = vector.broadcast %neg3A_1297 : f32 to vector<16x512xf32>
      %select_n3A_1299 = arith.select %ge3A_1288, %broadcast_in_dim3A_1298, %get3A_1286 : vector<16x512xi1>, vector<16x512xf32>
      %max3A_1300 = arith.maximumf %max3A_1283, %select_n3A_1299 : vector<16x512xf32>
      %get3A_1301 = arith.constant 0 : index
      %get3A_1302 = arith.constant 5632 : index
      %get3A_1303 = vector.load %arg1[%get3A_1301, %get3A_1302] : memref<16x32768xf32, #tpu.memory_space<vmem>>, vector<16x512xf32>
      %ge3A_1304 = vector.broadcast %bitcast_convert_type3A_1117 : vector<16x1xf32> to vector<16x512xf32>
      %ge3A_1305 = arith.cmpf oge, %get3A_1303, %ge3A_1304 : vector<16x512xf32>
      %convert_element_type3A_1306 = arith.extui %ge3A_1305 : vector<16x512xi1> to vector<16x512xi32>
      %add3A_1307 = arith.addi %add3A_1290, %convert_element_type3A_1306 : vector<16x512xi32>
      %jit3A_1308 = arith.constant 0x7F800000 : f32
      %broadcast_in_dim3A_1309 = vector.broadcast %jit3A_1308 : f32 to vector<16x512xf32>
      %select_n3A_1310 = arith.select %ge3A_1305, %get3A_1303, %broadcast_in_dim3A_1309 : vector<16x512xi1>, vector<16x512xf32>
      %min3A_1311 = arith.minimumf %min3A_1294, %select_n3A_1310 : vector<16x512xf32>
      %neg3A_1312 = arith.constant 0.000000e+00 : f32
      %neg3A_1313 = arith.constant 0x7F800000 : f32
      %neg3A_1314 = arith.subf %neg3A_1312, %neg3A_1313 : f32
      %broadcast_in_dim3A_1315 = vector.broadcast %neg3A_1314 : f32 to vector<16x512xf32>
      %select_n3A_1316 = arith.select %ge3A_1305, %broadcast_in_dim3A_1315, %get3A_1303 : vector<16x512xi1>, vector<16x512xf32>
      %max3A_1317 = arith.maximumf %max3A_1300, %select_n3A_1316 : vector<16x512xf32>
      %get3A_1318 = arith.constant 0 : index
      %get3A_1319 = arith.constant 6144 : index
      %get3A_1320 = vector.load %arg1[%get3A_1318, %get3A_1319] : memref<16x32768xf32, #tpu.memory_space<vmem>>, vector<16x512xf32>
      %ge3A_1321 = vector.broadcast %bitcast_convert_type3A_1117 : vector<16x1xf32> to vector<16x512xf32>
      %ge3A_1322 = arith.cmpf oge, %get3A_1320, %ge3A_1321 : vector<16x512xf32>
      %convert_element_type3A_1323 = arith.extui %ge3A_1322 : vector<16x512xi1> to vector<16x512xi32>
      %add3A_1324 = arith.addi %add3A_1307, %convert_element_type3A_1323 : vector<16x512xi32>
      %jit3A_1325 = arith.constant 0x7F800000 : f32
      %broadcast_in_dim3A_1326 = vector.broadcast %jit3A_1325 : f32 to vector<16x512xf32>
      %select_n3A_1327 = arith.select %ge3A_1322, %get3A_1320, %broadcast_in_dim3A_1326 : vector<16x512xi1>, vector<16x512xf32>
      %min3A_1328 = arith.minimumf %min3A_1311, %select_n3A_1327 : vector<16x512xf32>
      %neg3A_1329 = arith.constant 0.000000e+00 : f32
      %neg3A_1330 = arith.constant 0x7F800000 : f32
      %neg3A_1331 = arith.subf %neg3A_1329, %neg3A_1330 : f32
      %broadcast_in_dim3A_1332 = vector.broadcast %neg3A_1331 : f32 to vector<16x512xf32>
      %select_n3A_1333 = arith.select %ge3A_1322, %broadcast_in_dim3A_1332, %get3A_1320 : vector<16x512xi1>, vector<16x512xf32>
      %max3A_1334 = arith.maximumf %max3A_1317, %select_n3A_1333 : vector<16x512xf32>
      %get3A_1335 = arith.constant 0 : index
      %get3A_1336 = arith.constant 6656 : index
      %get3A_1337 = vector.load %arg1[%get3A_1335, %get3A_1336] : memref<16x32768xf32, #tpu.memory_space<vmem>>, vector<16x512xf32>
      %ge3A_1338 = vector.broadcast %bitcast_convert_type3A_1117 : vector<16x1xf32> to vector<16x512xf32>
      %ge3A_1339 = arith.cmpf oge, %get3A_1337, %ge3A_1338 : vector<16x512xf32>
      %convert_element_type3A_1340 = arith.extui %ge3A_1339 : vector<16x512xi1> to vector<16x512xi32>
      %add3A_1341 = arith.addi %add3A_1324, %convert_element_type3A_1340 : vector<16x512xi32>
      %jit3A_1342 = arith.constant 0x7F800000 : f32
      %broadcast_in_dim3A_1343 = vector.broadcast %jit3A_1342 : f32 to vector<16x512xf32>
      %select_n3A_1344 = arith.select %ge3A_1339, %get3A_1337, %broadcast_in_dim3A_1343 : vector<16x512xi1>, vector<16x512xf32>
      %min3A_1345 = arith.minimumf %min3A_1328, %select_n3A_1344 : vector<16x512xf32>
      %neg3A_1346 = arith.constant 0.000000e+00 : f32
      %neg3A_1347 = arith.constant 0x7F800000 : f32
      %neg3A_1348 = arith.subf %neg3A_1346, %neg3A_1347 : f32
      %broadcast_in_dim3A_1349 = vector.broadcast %neg3A_1348 : f32 to vector<16x512xf32>
      %select_n3A_1350 = arith.select %ge3A_1339, %broadcast_in_dim3A_1349, %get3A_1337 : vector<16x512xi1>, vector<16x512xf32>
      %max3A_1351 = arith.maximumf %max3A_1334, %select_n3A_1350 : vector<16x512xf32>
      %get3A_1352 = arith.constant 0 : index
      %get3A_1353 = arith.constant 7168 : index
      %get3A_1354 = vector.load %arg1[%get3A_1352, %get3A_1353] : memref<16x32768xf32, #tpu.memory_space<vmem>>, vector<16x512xf32>
      %ge3A_1355 = vector.broadcast %bitcast_convert_type3A_1117 : vector<16x1xf32> to vector<16x512xf32>
      %ge3A_1356 = arith.cmpf oge, %get3A_1354, %ge3A_1355 : vector<16x512xf32>
      %convert_element_type3A_1357 = arith.extui %ge3A_1356 : vector<16x512xi1> to vector<16x512xi32>
      %add3A_1358 = arith.addi %add3A_1341, %convert_element_type3A_1357 : vector<16x512xi32>
      %jit3A_1359 = arith.constant 0x7F800000 : f32
      %broadcast_in_dim3A_1360 = vector.broadcast %jit3A_1359 : f32 to vector<16x512xf32>
      %select_n3A_1361 = arith.select %ge3A_1356, %get3A_1354, %broadcast_in_dim3A_1360 : vector<16x512xi1>, vector<16x512xf32>
      %min3A_1362 = arith.minimumf %min3A_1345, %select_n3A_1361 : vector<16x512xf32>
      %neg3A_1363 = arith.constant 0.000000e+00 : f32
      %neg3A_1364 = arith.constant 0x7F800000 : f32
      %neg3A_1365 = arith.subf %neg3A_1363, %neg3A_1364 : f32
      %broadcast_in_dim3A_1366 = vector.broadcast %neg3A_1365 : f32 to vector<16x512xf32>
      %select_n3A_1367 = arith.select %ge3A_1356, %broadcast_in_dim3A_1366, %get3A_1354 : vector<16x512xi1>, vector<16x512xf32>
      %max3A_1368 = arith.maximumf %max3A_1351, %select_n3A_1367 : vector<16x512xf32>
      %get3A_1369 = arith.constant 0 : index
      %get3A_1370 = arith.constant 7680 : index
      %get3A_1371 = vector.load %arg1[%get3A_1369, %get3A_1370] : memref<16x32768xf32, #tpu.memory_space<vmem>>, vector<16x512xf32>
      %ge3A_1372 = vector.broadcast %bitcast_convert_type3A_1117 : vector<16x1xf32> to vector<16x512xf32>
      %ge3A_1373 = arith.cmpf oge, %get3A_1371, %ge3A_1372 : vector<16x512xf32>
      %convert_element_type3A_1374 = arith.extui %ge3A_1373 : vector<16x512xi1> to vector<16x512xi32>
      %add3A_1375 = arith.addi %add3A_1358, %convert_element_type3A_1374 : vector<16x512xi32>
      %jit3A_1376 = arith.constant 0x7F800000 : f32
      %broadcast_in_dim3A_1377 = vector.broadcast %jit3A_1376 : f32 to vector<16x512xf32>
      %select_n3A_1378 = arith.select %ge3A_1373, %get3A_1371, %broadcast_in_dim3A_1377 : vector<16x512xi1>, vector<16x512xf32>
      %min3A_1379 = arith.minimumf %min3A_1362, %select_n3A_1378 : vector<16x512xf32>
      %neg3A_1380 = arith.constant 0.000000e+00 : f32
      %neg3A_1381 = arith.constant 0x7F800000 : f32
      %neg3A_1382 = arith.subf %neg3A_1380, %neg3A_1381 : f32
      %broadcast_in_dim3A_1383 = vector.broadcast %neg3A_1382 : f32 to vector<16x512xf32>
      %select_n3A_1384 = arith.select %ge3A_1373, %broadcast_in_dim3A_1383, %get3A_1371 : vector<16x512xi1>, vector<16x512xf32>
      %max3A_1385 = arith.maximumf %max3A_1368, %select_n3A_1384 : vector<16x512xf32>
      %get3A_1386 = arith.constant 0 : index
      %get3A_1387 = arith.constant 8192 : index
      %get3A_1388 = vector.load %arg1[%get3A_1386, %get3A_1387] : memref<16x32768xf32, #tpu.memory_space<vmem>>, vector<16x512xf32>
      %ge3A_1389 = vector.broadcast %bitcast_convert_type3A_1117 : vector<16x1xf32> to vector<16x512xf32>
      %ge3A_1390 = arith.cmpf oge, %get3A_1388, %ge3A_1389 : vector<16x512xf32>
      %convert_element_type3A_1391 = arith.extui %ge3A_1390 : vector<16x512xi1> to vector<16x512xi32>
      %add3A_1392 = arith.addi %add3A_1375, %convert_element_type3A_1391 : vector<16x512xi32>
      %jit3A_1393 = arith.constant 0x7F800000 : f32
      %broadcast_in_dim3A_1394 = vector.broadcast %jit3A_1393 : f32 to vector<16x512xf32>
      %select_n3A_1395 = arith.select %ge3A_1390, %get3A_1388, %broadcast_in_dim3A_1394 : vector<16x512xi1>, vector<16x512xf32>
      %min3A_1396 = arith.minimumf %min3A_1379, %select_n3A_1395 : vector<16x512xf32>
      %neg3A_1397 = arith.constant 0.000000e+00 : f32
      %neg3A_1398 = arith.constant 0x7F800000 : f32
      %neg3A_1399 = arith.subf %neg3A_1397, %neg3A_1398 : f32
      %broadcast_in_dim3A_1400 = vector.broadcast %neg3A_1399 : f32 to vector<16x512xf32>
      %select_n3A_1401 = arith.select %ge3A_1390, %broadcast_in_dim3A_1400, %get3A_1388 : vector<16x512xi1>, vector<16x512xf32>
      %max3A_1402 = arith.maximumf %max3A_1385, %select_n3A_1401 : vector<16x512xf32>
      %get3A_1403 = arith.constant 0 : index
      %get3A_1404 = arith.constant 8704 : index
      %get3A_1405 = vector.load %arg1[%get3A_1403, %get3A_1404] : memref<16x32768xf32, #tpu.memory_space<vmem>>, vector<16x512xf32>
      %ge3A_1406 = vector.broadcast %bitcast_convert_type3A_1117 : vector<16x1xf32> to vector<16x512xf32>
      %ge3A_1407 = arith.cmpf oge, %get3A_1405, %ge3A_1406 : vector<16x512xf32>
      %convert_element_type3A_1408 = arith.extui %ge3A_1407 : vector<16x512xi1> to vector<16x512xi32>
      %add3A_1409 = arith.addi %add3A_1392, %convert_element_type3A_1408 : vector<16x512xi32>
      %jit3A_1410 = arith.constant 0x7F800000 : f32
      %broadcast_in_dim3A_1411 = vector.broadcast %jit3A_1410 : f32 to vector<16x512xf32>
      %select_n3A_1412 = arith.select %ge3A_1407, %get3A_1405, %broadcast_in_dim3A_1411 : vector<16x512xi1>, vector<16x512xf32>
      %min3A_1413 = arith.minimumf %min3A_1396, %select_n3A_1412 : vector<16x512xf32>
      %neg3A_1414 = arith.constant 0.000000e+00 : f32
      %neg3A_1415 = arith.constant 0x7F800000 : f32
      %neg3A_1416 = arith.subf %neg3A_1414, %neg3A_1415 : f32
      %broadcast_in_dim3A_1417 = vector.broadcast %neg3A_1416 : f32 to vector<16x512xf32>
      %select_n3A_1418 = arith.select %ge3A_1407, %broadcast_in_dim3A_1417, %get3A_1405 : vector<16x512xi1>, vector<16x512xf32>
      %max3A_1419 = arith.maximumf %max3A_1402, %select_n3A_1418 : vector<16x512xf32>
      %get3A_1420 = arith.constant 0 : index
      %get3A_1421 = arith.constant 9216 : index
      %get3A_1422 = vector.load %arg1[%get3A_1420, %get3A_1421] : memref<16x32768xf32, #tpu.memory_space<vmem>>, vector<16x512xf32>
      %ge3A_1423 = vector.broadcast %bitcast_convert_type3A_1117 : vector<16x1xf32> to vector<16x512xf32>
      %ge3A_1424 = arith.cmpf oge, %get3A_1422, %ge3A_1423 : vector<16x512xf32>
      %convert_element_type3A_1425 = arith.extui %ge3A_1424 : vector<16x512xi1> to vector<16x512xi32>
      %add3A_1426 = arith.addi %add3A_1409, %convert_element_type3A_1425 : vector<16x512xi32>
      %jit3A_1427 = arith.constant 0x7F800000 : f32
      %broadcast_in_dim3A_1428 = vector.broadcast %jit3A_1427 : f32 to vector<16x512xf32>
      %select_n3A_1429 = arith.select %ge3A_1424, %get3A_1422, %broadcast_in_dim3A_1428 : vector<16x512xi1>, vector<16x512xf32>
      %min3A_1430 = arith.minimumf %min3A_1413, %select_n3A_1429 : vector<16x512xf32>
      %neg3A_1431 = arith.constant 0.000000e+00 : f32
      %neg3A_1432 = arith.constant 0x7F800000 : f32
      %neg3A_1433 = arith.subf %neg3A_1431, %neg3A_1432 : f32
      %broadcast_in_dim3A_1434 = vector.broadcast %neg3A_1433 : f32 to vector<16x512xf32>
      %select_n3A_1435 = arith.select %ge3A_1424, %broadcast_in_dim3A_1434, %get3A_1422 : vector<16x512xi1>, vector<16x512xf32>
      %max3A_1436 = arith.maximumf %max3A_1419, %select_n3A_1435 : vector<16x512xf32>
      %get3A_1437 = arith.constant 0 : index
      %get3A_1438 = arith.constant 9728 : index
      %get3A_1439 = vector.load %arg1[%get3A_1437, %get3A_1438] : memref<16x32768xf32, #tpu.memory_space<vmem>>, vector<16x512xf32>
      %ge3A_1440 = vector.broadcast %bitcast_convert_type3A_1117 : vector<16x1xf32> to vector<16x512xf32>
      %ge3A_1441 = arith.cmpf oge, %get3A_1439, %ge3A_1440 : vector<16x512xf32>
      %convert_element_type3A_1442 = arith.extui %ge3A_1441 : vector<16x512xi1> to vector<16x512xi32>
      %add3A_1443 = arith.addi %add3A_1426, %convert_element_type3A_1442 : vector<16x512xi32>
      %jit3A_1444 = arith.constant 0x7F800000 : f32
      %broadcast_in_dim3A_1445 = vector.broadcast %jit3A_1444 : f32 to vector<16x512xf32>
      %select_n3A_1446 = arith.select %ge3A_1441, %get3A_1439, %broadcast_in_dim3A_1445 : vector<16x512xi1>, vector<16x512xf32>
      %min3A_1447 = arith.minimumf %min3A_1430, %select_n3A_1446 : vector<16x512xf32>
      %neg3A_1448 = arith.constant 0.000000e+00 : f32
      %neg3A_1449 = arith.constant 0x7F800000 : f32
      %neg3A_1450 = arith.subf %neg3A_1448, %neg3A_1449 : f32
      %broadcast_in_dim3A_1451 = vector.broadcast %neg3A_1450 : f32 to vector<16x512xf32>
      %select_n3A_1452 = arith.select %ge3A_1441, %broadcast_in_dim3A_1451, %get3A_1439 : vector<16x512xi1>, vector<16x512xf32>
      %max3A_1453 = arith.maximumf %max3A_1436, %select_n3A_1452 : vector<16x512xf32>
      %get3A_1454 = arith.constant 0 : index
      %get3A_1455 = arith.constant 10240 : index
      %get3A_1456 = vector.load %arg1[%get3A_1454, %get3A_1455] : memref<16x32768xf32, #tpu.memory_space<vmem>>, vector<16x512xf32>
      %ge3A_1457 = vector.broadcast %bitcast_convert_type3A_1117 : vector<16x1xf32> to vector<16x512xf32>
      %ge3A_1458 = arith.cmpf oge, %get3A_1456, %ge3A_1457 : vector<16x512xf32>
      %convert_element_type3A_1459 = arith.extui %ge3A_1458 : vector<16x512xi1> to vector<16x512xi32>
      %add3A_1460 = arith.addi %add3A_1443, %convert_element_type3A_1459 : vector<16x512xi32>
      %jit3A_1461 = arith.constant 0x7F800000 : f32
      %broadcast_in_dim3A_1462 = vector.broadcast %jit3A_1461 : f32 to vector<16x512xf32>
      %select_n3A_1463 = arith.select %ge3A_1458, %get3A_1456, %broadcast_in_dim3A_1462 : vector<16x512xi1>, vector<16x512xf32>
      %min3A_1464 = arith.minimumf %min3A_1447, %select_n3A_1463 : vector<16x512xf32>
      %neg3A_1465 = arith.constant 0.000000e+00 : f32
      %neg3A_1466 = arith.constant 0x7F800000 : f32
      %neg3A_1467 = arith.subf %neg3A_1465, %neg3A_1466 : f32
      %broadcast_in_dim3A_1468 = vector.broadcast %neg3A_1467 : f32 to vector<16x512xf32>
      %select_n3A_1469 = arith.select %ge3A_1458, %broadcast_in_dim3A_1468, %get3A_1456 : vector<16x512xi1>, vector<16x512xf32>
      %max3A_1470 = arith.maximumf %max3A_1453, %select_n3A_1469 : vector<16x512xf32>
      %get3A_1471 = arith.constant 0 : index
      %get3A_1472 = arith.constant 10752 : index
      %get3A_1473 = vector.load %arg1[%get3A_1471, %get3A_1472] : memref<16x32768xf32, #tpu.memory_space<vmem>>, vector<16x512xf32>
      %ge3A_1474 = vector.broadcast %bitcast_convert_type3A_1117 : vector<16x1xf32> to vector<16x512xf32>
      %ge3A_1475 = arith.cmpf oge, %get3A_1473, %ge3A_1474 : vector<16x512xf32>
      %convert_element_type3A_1476 = arith.extui %ge3A_1475 : vector<16x512xi1> to vector<16x512xi32>
      %add3A_1477 = arith.addi %add3A_1460, %convert_element_type3A_1476 : vector<16x512xi32>
      %jit3A_1478 = arith.constant 0x7F800000 : f32
      %broadcast_in_dim3A_1479 = vector.broadcast %jit3A_1478 : f32 to vector<16x512xf32>
      %select_n3A_1480 = arith.select %ge3A_1475, %get3A_1473, %broadcast_in_dim3A_1479 : vector<16x512xi1>, vector<16x512xf32>
      %min3A_1481 = arith.minimumf %min3A_1464, %select_n3A_1480 : vector<16x512xf32>
      %neg3A_1482 = arith.constant 0.000000e+00 : f32
      %neg3A_1483 = arith.constant 0x7F800000 : f32
      %neg3A_1484 = arith.subf %neg3A_1482, %neg3A_1483 : f32
      %broadcast_in_dim3A_1485 = vector.broadcast %neg3A_1484 : f32 to vector<16x512xf32>
      %select_n3A_1486 = arith.select %ge3A_1475, %broadcast_in_dim3A_1485, %get3A_1473 : vector<16x512xi1>, vector<16x512xf32>
      %max3A_1487 = arith.maximumf %max3A_1470, %select_n3A_1486 : vector<16x512xf32>
      %get3A_1488 = arith.constant 0 : index
      %get3A_1489 = arith.constant 11264 : index
      %get3A_1490 = vector.load %arg1[%get3A_1488, %get3A_1489] : memref<16x32768xf32, #tpu.memory_space<vmem>>, vector<16x512xf32>
      %ge3A_1491 = vector.broadcast %bitcast_convert_type3A_1117 : vector<16x1xf32> to vector<16x512xf32>
      %ge3A_1492 = arith.cmpf oge, %get3A_1490, %ge3A_1491 : vector<16x512xf32>
      %convert_element_type3A_1493 = arith.extui %ge3A_1492 : vector<16x512xi1> to vector<16x512xi32>
      %add3A_1494 = arith.addi %add3A_1477, %convert_element_type3A_1493 : vector<16x512xi32>
      %jit3A_1495 = arith.constant 0x7F800000 : f32
      %broadcast_in_dim3A_1496 = vector.broadcast %jit3A_1495 : f32 to vector<16x512xf32>
      %select_n3A_1497 = arith.select %ge3A_1492, %get3A_1490, %broadcast_in_dim3A_1496 : vector<16x512xi1>, vector<16x512xf32>
      %min3A_1498 = arith.minimumf %min3A_1481, %select_n3A_1497 : vector<16x512xf32>
      %neg3A_1499 = arith.constant 0.000000e+00 : f32
      %neg3A_1500 = arith.constant 0x7F800000 : f32
      %neg3A_1501 = arith.subf %neg3A_1499, %neg3A_1500 : f32
      %broadcast_in_dim3A_1502 = vector.broadcast %neg3A_1501 : f32 to vector<16x512xf32>
      %select_n3A_1503 = arith.select %ge3A_1492, %broadcast_in_dim3A_1502, %get3A_1490 : vector<16x512xi1>, vector<16x512xf32>
      %max3A_1504 = arith.maximumf %max3A_1487, %select_n3A_1503 : vector<16x512xf32>
      %get3A_1505 = arith.constant 0 : index
      %get3A_1506 = arith.constant 11776 : index
      %get3A_1507 = vector.load %arg1[%get3A_1505, %get3A_1506] : memref<16x32768xf32, #tpu.memory_space<vmem>>, vector<16x512xf32>
      %ge3A_1508 = vector.broadcast %bitcast_convert_type3A_1117 : vector<16x1xf32> to vector<16x512xf32>
      %ge3A_1509 = arith.cmpf oge, %get3A_1507, %ge3A_1508 : vector<16x512xf32>
      %convert_element_type3A_1510 = arith.extui %ge3A_1509 : vector<16x512xi1> to vector<16x512xi32>
      %add3A_1511 = arith.addi %add3A_1494, %convert_element_type3A_1510 : vector<16x512xi32>
      %jit3A_1512 = arith.constant 0x7F800000 : f32
      %broadcast_in_dim3A_1513 = vector.broadcast %jit3A_1512 : f32 to vector<16x512xf32>
      %select_n3A_1514 = arith.select %ge3A_1509, %get3A_1507, %broadcast_in_dim3A_1513 : vector<16x512xi1>, vector<16x512xf32>
      %min3A_1515 = arith.minimumf %min3A_1498, %select_n3A_1514 : vector<16x512xf32>
      %neg3A_1516 = arith.constant 0.000000e+00 : f32
      %neg3A_1517 = arith.constant 0x7F800000 : f32
      %neg3A_1518 = arith.subf %neg3A_1516, %neg3A_1517 : f32
      %broadcast_in_dim3A_1519 = vector.broadcast %neg3A_1518 : f32 to vector<16x512xf32>
      %select_n3A_1520 = arith.select %ge3A_1509, %broadcast_in_dim3A_1519, %get3A_1507 : vector<16x512xi1>, vector<16x512xf32>
      %max3A_1521 = arith.maximumf %max3A_1504, %select_n3A_1520 : vector<16x512xf32>
      %get3A_1522 = arith.constant 0 : index
      %get3A_1523 = arith.constant 12288 : index
      %get3A_1524 = vector.load %arg1[%get3A_1522, %get3A_1523] : memref<16x32768xf32, #tpu.memory_space<vmem>>, vector<16x512xf32>
      %ge3A_1525 = vector.broadcast %bitcast_convert_type3A_1117 : vector<16x1xf32> to vector<16x512xf32>
      %ge3A_1526 = arith.cmpf oge, %get3A_1524, %ge3A_1525 : vector<16x512xf32>
      %convert_element_type3A_1527 = arith.extui %ge3A_1526 : vector<16x512xi1> to vector<16x512xi32>
      %add3A_1528 = arith.addi %add3A_1511, %convert_element_type3A_1527 : vector<16x512xi32>
      %jit3A_1529 = arith.constant 0x7F800000 : f32
      %broadcast_in_dim3A_1530 = vector.broadcast %jit3A_1529 : f32 to vector<16x512xf32>
      %select_n3A_1531 = arith.select %ge3A_1526, %get3A_1524, %broadcast_in_dim3A_1530 : vector<16x512xi1>, vector<16x512xf32>
      %min3A_1532 = arith.minimumf %min3A_1515, %select_n3A_1531 : vector<16x512xf32>
      %neg3A_1533 = arith.constant 0.000000e+00 : f32
      %neg3A_1534 = arith.constant 0x7F800000 : f32
      %neg3A_1535 = arith.subf %neg3A_1533, %neg3A_1534 : f32
      %broadcast_in_dim3A_1536 = vector.broadcast %neg3A_1535 : f32 to vector<16x512xf32>
      %select_n3A_1537 = arith.select %ge3A_1526, %broadcast_in_dim3A_1536, %get3A_1524 : vector<16x512xi1>, vector<16x512xf32>
      %max3A_1538 = arith.maximumf %max3A_1521, %select_n3A_1537 : vector<16x512xf32>
      %get3A_1539 = arith.constant 0 : index
      %get3A_1540 = arith.constant 12800 : index
      %get3A_1541 = vector.load %arg1[%get3A_1539, %get3A_1540] : memref<16x32768xf32, #tpu.memory_space<vmem>>, vector<16x512xf32>
      %ge3A_1542 = vector.broadcast %bitcast_convert_type3A_1117 : vector<16x1xf32> to vector<16x512xf32>
      %ge3A_1543 = arith.cmpf oge, %get3A_1541, %ge3A_1542 : vector<16x512xf32>
      %convert_element_type3A_1544 = arith.extui %ge3A_1543 : vector<16x512xi1> to vector<16x512xi32>
      %add3A_1545 = arith.addi %add3A_1528, %convert_element_type3A_1544 : vector<16x512xi32>
      %jit3A_1546 = arith.constant 0x7F800000 : f32
      %broadcast_in_dim3A_1547 = vector.broadcast %jit3A_1546 : f32 to vector<16x512xf32>
      %select_n3A_1548 = arith.select %ge3A_1543, %get3A_1541, %broadcast_in_dim3A_1547 : vector<16x512xi1>, vector<16x512xf32>
      %min3A_1549 = arith.minimumf %min3A_1532, %select_n3A_1548 : vector<16x512xf32>
      %neg3A_1550 = arith.constant 0.000000e+00 : f32
      %neg3A_1551 = arith.constant 0x7F800000 : f32
      %neg3A_1552 = arith.subf %neg3A_1550, %neg3A_1551 : f32
      %broadcast_in_dim3A_1553 = vector.broadcast %neg3A_1552 : f32 to vector<16x512xf32>
      %select_n3A_1554 = arith.select %ge3A_1543, %broadcast_in_dim3A_1553, %get3A_1541 : vector<16x512xi1>, vector<16x512xf32>
      %max3A_1555 = arith.maximumf %max3A_1538, %select_n3A_1554 : vector<16x512xf32>
      %get3A_1556 = arith.constant 0 : index
      %get3A_1557 = arith.constant 13312 : index
      %get3A_1558 = vector.load %arg1[%get3A_1556, %get3A_1557] : memref<16x32768xf32, #tpu.memory_space<vmem>>, vector<16x512xf32>
      %ge3A_1559 = vector.broadcast %bitcast_convert_type3A_1117 : vector<16x1xf32> to vector<16x512xf32>
      %ge3A_1560 = arith.cmpf oge, %get3A_1558, %ge3A_1559 : vector<16x512xf32>
      %convert_element_type3A_1561 = arith.extui %ge3A_1560 : vector<16x512xi1> to vector<16x512xi32>
      %add3A_1562 = arith.addi %add3A_1545, %convert_element_type3A_1561 : vector<16x512xi32>
      %jit3A_1563 = arith.constant 0x7F800000 : f32
      %broadcast_in_dim3A_1564 = vector.broadcast %jit3A_1563 : f32 to vector<16x512xf32>
      %select_n3A_1565 = arith.select %ge3A_1560, %get3A_1558, %broadcast_in_dim3A_1564 : vector<16x512xi1>, vector<16x512xf32>
      %min3A_1566 = arith.minimumf %min3A_1549, %select_n3A_1565 : vector<16x512xf32>
      %neg3A_1567 = arith.constant 0.000000e+00 : f32
      %neg3A_1568 = arith.constant 0x7F800000 : f32
      %neg3A_1569 = arith.subf %neg3A_1567, %neg3A_1568 : f32
      %broadcast_in_dim3A_1570 = vector.broadcast %neg3A_1569 : f32 to vector<16x512xf32>
      %select_n3A_1571 = arith.select %ge3A_1560, %broadcast_in_dim3A_1570, %get3A_1558 : vector<16x512xi1>, vector<16x512xf32>
      %max3A_1572 = arith.maximumf %max3A_1555, %select_n3A_1571 : vector<16x512xf32>
      %get3A_1573 = arith.constant 0 : index
      %get3A_1574 = arith.constant 13824 : index
      %get3A_1575 = vector.load %arg1[%get3A_1573, %get3A_1574] : memref<16x32768xf32, #tpu.memory_space<vmem>>, vector<16x512xf32>
      %ge3A_1576 = vector.broadcast %bitcast_convert_type3A_1117 : vector<16x1xf32> to vector<16x512xf32>
      %ge3A_1577 = arith.cmpf oge, %get3A_1575, %ge3A_1576 : vector<16x512xf32>
      %convert_element_type3A_1578 = arith.extui %ge3A_1577 : vector<16x512xi1> to vector<16x512xi32>
      %add3A_1579 = arith.addi %add3A_1562, %convert_element_type3A_1578 : vector<16x512xi32>
      %jit3A_1580 = arith.constant 0x7F800000 : f32
      %broadcast_in_dim3A_1581 = vector.broadcast %jit3A_1580 : f32 to vector<16x512xf32>
      %select_n3A_1582 = arith.select %ge3A_1577, %get3A_1575, %broadcast_in_dim3A_1581 : vector<16x512xi1>, vector<16x512xf32>
      %min3A_1583 = arith.minimumf %min3A_1566, %select_n3A_1582 : vector<16x512xf32>
      %neg3A_1584 = arith.constant 0.000000e+00 : f32
      %neg3A_1585 = arith.constant 0x7F800000 : f32
      %neg3A_1586 = arith.subf %neg3A_1584, %neg3A_1585 : f32
      %broadcast_in_dim3A_1587 = vector.broadcast %neg3A_1586 : f32 to vector<16x512xf32>
      %select_n3A_1588 = arith.select %ge3A_1577, %broadcast_in_dim3A_1587, %get3A_1575 : vector<16x512xi1>, vector<16x512xf32>
      %max3A_1589 = arith.maximumf %max3A_1572, %select_n3A_1588 : vector<16x512xf32>
      %get3A_1590 = arith.constant 0 : index
      %get3A_1591 = arith.constant 14336 : index
      %get3A_1592 = vector.load %arg1[%get3A_1590, %get3A_1591] : memref<16x32768xf32, #tpu.memory_space<vmem>>, vector<16x512xf32>
      %ge3A_1593 = vector.broadcast %bitcast_convert_type3A_1117 : vector<16x1xf32> to vector<16x512xf32>
      %ge3A_1594 = arith.cmpf oge, %get3A_1592, %ge3A_1593 : vector<16x512xf32>
      %convert_element_type3A_1595 = arith.extui %ge3A_1594 : vector<16x512xi1> to vector<16x512xi32>
      %add3A_1596 = arith.addi %add3A_1579, %convert_element_type3A_1595 : vector<16x512xi32>
      %jit3A_1597 = arith.constant 0x7F800000 : f32
      %broadcast_in_dim3A_1598 = vector.broadcast %jit3A_1597 : f32 to vector<16x512xf32>
      %select_n3A_1599 = arith.select %ge3A_1594, %get3A_1592, %broadcast_in_dim3A_1598 : vector<16x512xi1>, vector<16x512xf32>
      %min3A_1600 = arith.minimumf %min3A_1583, %select_n3A_1599 : vector<16x512xf32>
      %neg3A_1601 = arith.constant 0.000000e+00 : f32
      %neg3A_1602 = arith.constant 0x7F800000 : f32
      %neg3A_1603 = arith.subf %neg3A_1601, %neg3A_1602 : f32
      %broadcast_in_dim3A_1604 = vector.broadcast %neg3A_1603 : f32 to vector<16x512xf32>
      %select_n3A_1605 = arith.select %ge3A_1594, %broadcast_in_dim3A_1604, %get3A_1592 : vector<16x512xi1>, vector<16x512xf32>
      %max3A_1606 = arith.maximumf %max3A_1589, %select_n3A_1605 : vector<16x512xf32>
      %get3A_1607 = arith.constant 0 : index
      %get3A_1608 = arith.constant 14848 : index
      %get3A_1609 = vector.load %arg1[%get3A_1607, %get3A_1608] : memref<16x32768xf32, #tpu.memory_space<vmem>>, vector<16x512xf32>
      %ge3A_1610 = vector.broadcast %bitcast_convert_type3A_1117 : vector<16x1xf32> to vector<16x512xf32>
      %ge3A_1611 = arith.cmpf oge, %get3A_1609, %ge3A_1610 : vector<16x512xf32>
      %convert_element_type3A_1612 = arith.extui %ge3A_1611 : vector<16x512xi1> to vector<16x512xi32>
      %add3A_1613 = arith.addi %add3A_1596, %convert_element_type3A_1612 : vector<16x512xi32>
      %jit3A_1614 = arith.constant 0x7F800000 : f32
      %broadcast_in_dim3A_1615 = vector.broadcast %jit3A_1614 : f32 to vector<16x512xf32>
      %select_n3A_1616 = arith.select %ge3A_1611, %get3A_1609, %broadcast_in_dim3A_1615 : vector<16x512xi1>, vector<16x512xf32>
      %min3A_1617 = arith.minimumf %min3A_1600, %select_n3A_1616 : vector<16x512xf32>
      %neg3A_1618 = arith.constant 0.000000e+00 : f32
      %neg3A_1619 = arith.constant 0x7F800000 : f32
      %neg3A_1620 = arith.subf %neg3A_1618, %neg3A_1619 : f32
      %broadcast_in_dim3A_1621 = vector.broadcast %neg3A_1620 : f32 to vector<16x512xf32>
      %select_n3A_1622 = arith.select %ge3A_1611, %broadcast_in_dim3A_1621, %get3A_1609 : vector<16x512xi1>, vector<16x512xf32>
      %max3A_1623 = arith.maximumf %max3A_1606, %select_n3A_1622 : vector<16x512xf32>
      %get3A_1624 = arith.constant 0 : index
      %get3A_1625 = arith.constant 15360 : index
      %get3A_1626 = vector.load %arg1[%get3A_1624, %get3A_1625] : memref<16x32768xf32, #tpu.memory_space<vmem>>, vector<16x512xf32>
      %ge3A_1627 = vector.broadcast %bitcast_convert_type3A_1117 : vector<16x1xf32> to vector<16x512xf32>
      %ge3A_1628 = arith.cmpf oge, %get3A_1626, %ge3A_1627 : vector<16x512xf32>
      %convert_element_type3A_1629 = arith.extui %ge3A_1628 : vector<16x512xi1> to vector<16x512xi32>
      %add3A_1630 = arith.addi %add3A_1613, %convert_element_type3A_1629 : vector<16x512xi32>
      %jit3A_1631 = arith.constant 0x7F800000 : f32
      %broadcast_in_dim3A_1632 = vector.broadcast %jit3A_1631 : f32 to vector<16x512xf32>
      %select_n3A_1633 = arith.select %ge3A_1628, %get3A_1626, %broadcast_in_dim3A_1632 : vector<16x512xi1>, vector<16x512xf32>
      %min3A_1634 = arith.minimumf %min3A_1617, %select_n3A_1633 : vector<16x512xf32>
      %neg3A_1635 = arith.constant 0.000000e+00 : f32
      %neg3A_1636 = arith.constant 0x7F800000 : f32
      %neg3A_1637 = arith.subf %neg3A_1635, %neg3A_1636 : f32
      %broadcast_in_dim3A_1638 = vector.broadcast %neg3A_1637 : f32 to vector<16x512xf32>
      %select_n3A_1639 = arith.select %ge3A_1628, %broadcast_in_dim3A_1638, %get3A_1626 : vector<16x512xi1>, vector<16x512xf32>
      %max3A_1640 = arith.maximumf %max3A_1623, %select_n3A_1639 : vector<16x512xf32>
      %get3A_1641 = arith.constant 0 : index
      %get3A_1642 = arith.constant 15872 : index
      %get3A_1643 = vector.load %arg1[%get3A_1641, %get3A_1642] : memref<16x32768xf32, #tpu.memory_space<vmem>>, vector<16x512xf32>
      %ge3A_1644 = vector.broadcast %bitcast_convert_type3A_1117 : vector<16x1xf32> to vector<16x512xf32>
      %ge3A_1645 = arith.cmpf oge, %get3A_1643, %ge3A_1644 : vector<16x512xf32>
      %convert_element_type3A_1646 = arith.extui %ge3A_1645 : vector<16x512xi1> to vector<16x512xi32>
      %add3A_1647 = arith.addi %add3A_1630, %convert_element_type3A_1646 : vector<16x512xi32>
      %jit3A_1648 = arith.constant 0x7F800000 : f32
      %broadcast_in_dim3A_1649 = vector.broadcast %jit3A_1648 : f32 to vector<16x512xf32>
      %select_n3A_1650 = arith.select %ge3A_1645, %get3A_1643, %broadcast_in_dim3A_1649 : vector<16x512xi1>, vector<16x512xf32>
      %min3A_1651 = arith.minimumf %min3A_1634, %select_n3A_1650 : vector<16x512xf32>
      %neg3A_1652 = arith.constant 0.000000e+00 : f32
      %neg3A_1653 = arith.constant 0x7F800000 : f32
      %neg3A_1654 = arith.subf %neg3A_1652, %neg3A_1653 : f32
      %broadcast_in_dim3A_1655 = vector.broadcast %neg3A_1654 : f32 to vector<16x512xf32>
      %select_n3A_1656 = arith.select %ge3A_1645, %broadcast_in_dim3A_1655, %get3A_1643 : vector<16x512xi1>, vector<16x512xf32>
      %max3A_1657 = arith.maximumf %max3A_1640, %select_n3A_1656 : vector<16x512xf32>
      %get3A_1658 = arith.constant 0 : index
      %get3A_1659 = arith.constant 16384 : index
      %get3A_1660 = vector.load %arg1[%get3A_1658, %get3A_1659] : memref<16x32768xf32, #tpu.memory_space<vmem>>, vector<16x512xf32>
      %ge3A_1661 = vector.broadcast %bitcast_convert_type3A_1117 : vector<16x1xf32> to vector<16x512xf32>
      %ge3A_1662 = arith.cmpf oge, %get3A_1660, %ge3A_1661 : vector<16x512xf32>
      %convert_element_type3A_1663 = arith.extui %ge3A_1662 : vector<16x512xi1> to vector<16x512xi32>
      %add3A_1664 = arith.addi %add3A_1647, %convert_element_type3A_1663 : vector<16x512xi32>
      %jit3A_1665 = arith.constant 0x7F800000 : f32
      %broadcast_in_dim3A_1666 = vector.broadcast %jit3A_1665 : f32 to vector<16x512xf32>
      %select_n3A_1667 = arith.select %ge3A_1662, %get3A_1660, %broadcast_in_dim3A_1666 : vector<16x512xi1>, vector<16x512xf32>
      %min3A_1668 = arith.minimumf %min3A_1651, %select_n3A_1667 : vector<16x512xf32>
      %neg3A_1669 = arith.constant 0.000000e+00 : f32
      %neg3A_1670 = arith.constant 0x7F800000 : f32
      %neg3A_1671 = arith.subf %neg3A_1669, %neg3A_1670 : f32
      %broadcast_in_dim3A_1672 = vector.broadcast %neg3A_1671 : f32 to vector<16x512xf32>
      %select_n3A_1673 = arith.select %ge3A_1662, %broadcast_in_dim3A_1672, %get3A_1660 : vector<16x512xi1>, vector<16x512xf32>
      %max3A_1674 = arith.maximumf %max3A_1657, %select_n3A_1673 : vector<16x512xf32>
      %get3A_1675 = arith.constant 0 : index
      %get3A_1676 = arith.constant 16896 : index
      %get3A_1677 = vector.load %arg1[%get3A_1675, %get3A_1676] : memref<16x32768xf32, #tpu.memory_space<vmem>>, vector<16x512xf32>
      %ge3A_1678 = vector.broadcast %bitcast_convert_type3A_1117 : vector<16x1xf32> to vector<16x512xf32>
      %ge3A_1679 = arith.cmpf oge, %get3A_1677, %ge3A_1678 : vector<16x512xf32>
      %convert_element_type3A_1680 = arith.extui %ge3A_1679 : vector<16x512xi1> to vector<16x512xi32>
      %add3A_1681 = arith.addi %add3A_1664, %convert_element_type3A_1680 : vector<16x512xi32>
      %jit3A_1682 = arith.constant 0x7F800000 : f32
      %broadcast_in_dim3A_1683 = vector.broadcast %jit3A_1682 : f32 to vector<16x512xf32>
      %select_n3A_1684 = arith.select %ge3A_1679, %get3A_1677, %broadcast_in_dim3A_1683 : vector<16x512xi1>, vector<16x512xf32>
      %min3A_1685 = arith.minimumf %min3A_1668, %select_n3A_1684 : vector<16x512xf32>
      %neg3A_1686 = arith.constant 0.000000e+00 : f32
      %neg3A_1687 = arith.constant 0x7F800000 : f32
      %neg3A_1688 = arith.subf %neg3A_1686, %neg3A_1687 : f32
      %broadcast_in_dim3A_1689 = vector.broadcast %neg3A_1688 : f32 to vector<16x512xf32>
      %select_n3A_1690 = arith.select %ge3A_1679, %broadcast_in_dim3A_1689, %get3A_1677 : vector<16x512xi1>, vector<16x512xf32>
      %max3A_1691 = arith.maximumf %max3A_1674, %select_n3A_1690 : vector<16x512xf32>
      %get3A_1692 = arith.constant 0 : index
      %get3A_1693 = arith.constant 17408 : index
      %get3A_1694 = vector.load %arg1[%get3A_1692, %get3A_1693] : memref<16x32768xf32, #tpu.memory_space<vmem>>, vector<16x512xf32>
      %ge3A_1695 = vector.broadcast %bitcast_convert_type3A_1117 : vector<16x1xf32> to vector<16x512xf32>
      %ge3A_1696 = arith.cmpf oge, %get3A_1694, %ge3A_1695 : vector<16x512xf32>
      %convert_element_type3A_1697 = arith.extui %ge3A_1696 : vector<16x512xi1> to vector<16x512xi32>
      %add3A_1698 = arith.addi %add3A_1681, %convert_element_type3A_1697 : vector<16x512xi32>
      %jit3A_1699 = arith.constant 0x7F800000 : f32
      %broadcast_in_dim3A_1700 = vector.broadcast %jit3A_1699 : f32 to vector<16x512xf32>
      %select_n3A_1701 = arith.select %ge3A_1696, %get3A_1694, %broadcast_in_dim3A_1700 : vector<16x512xi1>, vector<16x512xf32>
      %min3A_1702 = arith.minimumf %min3A_1685, %select_n3A_1701 : vector<16x512xf32>
      %neg3A_1703 = arith.constant 0.000000e+00 : f32
      %neg3A_1704 = arith.constant 0x7F800000 : f32
      %neg3A_1705 = arith.subf %neg3A_1703, %neg3A_1704 : f32
      %broadcast_in_dim3A_1706 = vector.broadcast %neg3A_1705 : f32 to vector<16x512xf32>
      %select_n3A_1707 = arith.select %ge3A_1696, %broadcast_in_dim3A_1706, %get3A_1694 : vector<16x512xi1>, vector<16x512xf32>
      %max3A_1708 = arith.maximumf %max3A_1691, %select_n3A_1707 : vector<16x512xf32>
      %get3A_1709 = arith.constant 0 : index
      %get3A_1710 = arith.constant 17920 : index
      %get3A_1711 = vector.load %arg1[%get3A_1709, %get3A_1710] : memref<16x32768xf32, #tpu.memory_space<vmem>>, vector<16x512xf32>
      %ge3A_1712 = vector.broadcast %bitcast_convert_type3A_1117 : vector<16x1xf32> to vector<16x512xf32>
      %ge3A_1713 = arith.cmpf oge, %get3A_1711, %ge3A_1712 : vector<16x512xf32>
      %convert_element_type3A_1714 = arith.extui %ge3A_1713 : vector<16x512xi1> to vector<16x512xi32>
      %add3A_1715 = arith.addi %add3A_1698, %convert_element_type3A_1714 : vector<16x512xi32>
      %jit3A_1716 = arith.constant 0x7F800000 : f32
      %broadcast_in_dim3A_1717 = vector.broadcast %jit3A_1716 : f32 to vector<16x512xf32>
      %select_n3A_1718 = arith.select %ge3A_1713, %get3A_1711, %broadcast_in_dim3A_1717 : vector<16x512xi1>, vector<16x512xf32>
      %min3A_1719 = arith.minimumf %min3A_1702, %select_n3A_1718 : vector<16x512xf32>
      %neg3A_1720 = arith.constant 0.000000e+00 : f32
      %neg3A_1721 = arith.constant 0x7F800000 : f32
      %neg3A_1722 = arith.subf %neg3A_1720, %neg3A_1721 : f32
      %broadcast_in_dim3A_1723 = vector.broadcast %neg3A_1722 : f32 to vector<16x512xf32>
      %select_n3A_1724 = arith.select %ge3A_1713, %broadcast_in_dim3A_1723, %get3A_1711 : vector<16x512xi1>, vector<16x512xf32>
      %max3A_1725 = arith.maximumf %max3A_1708, %select_n3A_1724 : vector<16x512xf32>
      %get3A_1726 = arith.constant 0 : index
      %get3A_1727 = arith.constant 18432 : index
      %get3A_1728 = vector.load %arg1[%get3A_1726, %get3A_1727] : memref<16x32768xf32, #tpu.memory_space<vmem>>, vector<16x512xf32>
      %ge3A_1729 = vector.broadcast %bitcast_convert_type3A_1117 : vector<16x1xf32> to vector<16x512xf32>
      %ge3A_1730 = arith.cmpf oge, %get3A_1728, %ge3A_1729 : vector<16x512xf32>
      %convert_element_type3A_1731 = arith.extui %ge3A_1730 : vector<16x512xi1> to vector<16x512xi32>
      %add3A_1732 = arith.addi %add3A_1715, %convert_element_type3A_1731 : vector<16x512xi32>
      %jit3A_1733 = arith.constant 0x7F800000 : f32
      %broadcast_in_dim3A_1734 = vector.broadcast %jit3A_1733 : f32 to vector<16x512xf32>
      %select_n3A_1735 = arith.select %ge3A_1730, %get3A_1728, %broadcast_in_dim3A_1734 : vector<16x512xi1>, vector<16x512xf32>
      %min3A_1736 = arith.minimumf %min3A_1719, %select_n3A_1735 : vector<16x512xf32>
      %neg3A_1737 = arith.constant 0.000000e+00 : f32
      %neg3A_1738 = arith.constant 0x7F800000 : f32
      %neg3A_1739 = arith.subf %neg3A_1737, %neg3A_1738 : f32
      %broadcast_in_dim3A_1740 = vector.broadcast %neg3A_1739 : f32 to vector<16x512xf32>
      %select_n3A_1741 = arith.select %ge3A_1730, %broadcast_in_dim3A_1740, %get3A_1728 : vector<16x512xi1>, vector<16x512xf32>
      %max3A_1742 = arith.maximumf %max3A_1725, %select_n3A_1741 : vector<16x512xf32>
      %get3A_1743 = arith.constant 0 : index
      %get3A_1744 = arith.constant 18944 : index
      %get3A_1745 = vector.load %arg1[%get3A_1743, %get3A_1744] : memref<16x32768xf32, #tpu.memory_space<vmem>>, vector<16x512xf32>
      %ge3A_1746 = vector.broadcast %bitcast_convert_type3A_1117 : vector<16x1xf32> to vector<16x512xf32>
      %ge3A_1747 = arith.cmpf oge, %get3A_1745, %ge3A_1746 : vector<16x512xf32>
      %convert_element_type3A_1748 = arith.extui %ge3A_1747 : vector<16x512xi1> to vector<16x512xi32>
      %add3A_1749 = arith.addi %add3A_1732, %convert_element_type3A_1748 : vector<16x512xi32>
      %jit3A_1750 = arith.constant 0x7F800000 : f32
      %broadcast_in_dim3A_1751 = vector.broadcast %jit3A_1750 : f32 to vector<16x512xf32>
      %select_n3A_1752 = arith.select %ge3A_1747, %get3A_1745, %broadcast_in_dim3A_1751 : vector<16x512xi1>, vector<16x512xf32>
      %min3A_1753 = arith.minimumf %min3A_1736, %select_n3A_1752 : vector<16x512xf32>
      %neg3A_1754 = arith.constant 0.000000e+00 : f32
      %neg3A_1755 = arith.constant 0x7F800000 : f32
      %neg3A_1756 = arith.subf %neg3A_1754, %neg3A_1755 : f32
      %broadcast_in_dim3A_1757 = vector.broadcast %neg3A_1756 : f32 to vector<16x512xf32>
      %select_n3A_1758 = arith.select %ge3A_1747, %broadcast_in_dim3A_1757, %get3A_1745 : vector<16x512xi1>, vector<16x512xf32>
      %max3A_1759 = arith.maximumf %max3A_1742, %select_n3A_1758 : vector<16x512xf32>
      %get3A_1760 = arith.constant 0 : index
      %get3A_1761 = arith.constant 19456 : index
      %get3A_1762 = vector.load %arg1[%get3A_1760, %get3A_1761] : memref<16x32768xf32, #tpu.memory_space<vmem>>, vector<16x512xf32>
      %ge3A_1763 = vector.broadcast %bitcast_convert_type3A_1117 : vector<16x1xf32> to vector<16x512xf32>
      %ge3A_1764 = arith.cmpf oge, %get3A_1762, %ge3A_1763 : vector<16x512xf32>
      %convert_element_type3A_1765 = arith.extui %ge3A_1764 : vector<16x512xi1> to vector<16x512xi32>
      %add3A_1766 = arith.addi %add3A_1749, %convert_element_type3A_1765 : vector<16x512xi32>
      %jit3A_1767 = arith.constant 0x7F800000 : f32
      %broadcast_in_dim3A_1768 = vector.broadcast %jit3A_1767 : f32 to vector<16x512xf32>
      %select_n3A_1769 = arith.select %ge3A_1764, %get3A_1762, %broadcast_in_dim3A_1768 : vector<16x512xi1>, vector<16x512xf32>
      %min3A_1770 = arith.minimumf %min3A_1753, %select_n3A_1769 : vector<16x512xf32>
      %neg3A_1771 = arith.constant 0.000000e+00 : f32
      %neg3A_1772 = arith.constant 0x7F800000 : f32
      %neg3A_1773 = arith.subf %neg3A_1771, %neg3A_1772 : f32
      %broadcast_in_dim3A_1774 = vector.broadcast %neg3A_1773 : f32 to vector<16x512xf32>
      %select_n3A_1775 = arith.select %ge3A_1764, %broadcast_in_dim3A_1774, %get3A_1762 : vector<16x512xi1>, vector<16x512xf32>
      %max3A_1776 = arith.maximumf %max3A_1759, %select_n3A_1775 : vector<16x512xf32>
      %get3A_1777 = arith.constant 0 : index
      %get3A_1778 = arith.constant 19968 : index
      %get3A_1779 = vector.load %arg1[%get3A_1777, %get3A_1778] : memref<16x32768xf32, #tpu.memory_space<vmem>>, vector<16x512xf32>
      %ge3A_1780 = vector.broadcast %bitcast_convert_type3A_1117 : vector<16x1xf32> to vector<16x512xf32>
      %ge3A_1781 = arith.cmpf oge, %get3A_1779, %ge3A_1780 : vector<16x512xf32>
      %convert_element_type3A_1782 = arith.extui %ge3A_1781 : vector<16x512xi1> to vector<16x512xi32>
      %add3A_1783 = arith.addi %add3A_1766, %convert_element_type3A_1782 : vector<16x512xi32>
      %jit3A_1784 = arith.constant 0x7F800000 : f32
      %broadcast_in_dim3A_1785 = vector.broadcast %jit3A_1784 : f32 to vector<16x512xf32>
      %select_n3A_1786 = arith.select %ge3A_1781, %get3A_1779, %broadcast_in_dim3A_1785 : vector<16x512xi1>, vector<16x512xf32>
      %min3A_1787 = arith.minimumf %min3A_1770, %select_n3A_1786 : vector<16x512xf32>
      %neg3A_1788 = arith.constant 0.000000e+00 : f32
      %neg3A_1789 = arith.constant 0x7F800000 : f32
      %neg3A_1790 = arith.subf %neg3A_1788, %neg3A_1789 : f32
      %broadcast_in_dim3A_1791 = vector.broadcast %neg3A_1790 : f32 to vector<16x512xf32>
      %select_n3A_1792 = arith.select %ge3A_1781, %broadcast_in_dim3A_1791, %get3A_1779 : vector<16x512xi1>, vector<16x512xf32>
      %max3A_1793 = arith.maximumf %max3A_1776, %select_n3A_1792 : vector<16x512xf32>
      %get3A_1794 = arith.constant 0 : index
      %get3A_1795 = arith.constant 20480 : index
      %get3A_1796 = vector.load %arg1[%get3A_1794, %get3A_1795] : memref<16x32768xf32, #tpu.memory_space<vmem>>, vector<16x512xf32>
      %ge3A_1797 = vector.broadcast %bitcast_convert_type3A_1117 : vector<16x1xf32> to vector<16x512xf32>
      %ge3A_1798 = arith.cmpf oge, %get3A_1796, %ge3A_1797 : vector<16x512xf32>
      %convert_element_type3A_1799 = arith.extui %ge3A_1798 : vector<16x512xi1> to vector<16x512xi32>
      %add3A_1800 = arith.addi %add3A_1783, %convert_element_type3A_1799 : vector<16x512xi32>
      %jit3A_1801 = arith.constant 0x7F800000 : f32
      %broadcast_in_dim3A_1802 = vector.broadcast %jit3A_1801 : f32 to vector<16x512xf32>
      %select_n3A_1803 = arith.select %ge3A_1798, %get3A_1796, %broadcast_in_dim3A_1802 : vector<16x512xi1>, vector<16x512xf32>
      %min3A_1804 = arith.minimumf %min3A_1787, %select_n3A_1803 : vector<16x512xf32>
      %neg3A_1805 = arith.constant 0.000000e+00 : f32
      %neg3A_1806 = arith.constant 0x7F800000 : f32
      %neg3A_1807 = arith.subf %neg3A_1805, %neg3A_1806 : f32
      %broadcast_in_dim3A_1808 = vector.broadcast %neg3A_1807 : f32 to vector<16x512xf32>
      %select_n3A_1809 = arith.select %ge3A_1798, %broadcast_in_dim3A_1808, %get3A_1796 : vector<16x512xi1>, vector<16x512xf32>
      %max3A_1810 = arith.maximumf %max3A_1793, %select_n3A_1809 : vector<16x512xf32>
      %get3A_1811 = arith.constant 0 : index
      %get3A_1812 = arith.constant 20992 : index
      %get3A_1813 = vector.load %arg1[%get3A_1811, %get3A_1812] : memref<16x32768xf32, #tpu.memory_space<vmem>>, vector<16x512xf32>
      %ge3A_1814 = vector.broadcast %bitcast_convert_type3A_1117 : vector<16x1xf32> to vector<16x512xf32>
      %ge3A_1815 = arith.cmpf oge, %get3A_1813, %ge3A_1814 : vector<16x512xf32>
      %convert_element_type3A_1816 = arith.extui %ge3A_1815 : vector<16x512xi1> to vector<16x512xi32>
      %add3A_1817 = arith.addi %add3A_1800, %convert_element_type3A_1816 : vector<16x512xi32>
      %jit3A_1818 = arith.constant 0x7F800000 : f32
      %broadcast_in_dim3A_1819 = vector.broadcast %jit3A_1818 : f32 to vector<16x512xf32>
      %select_n3A_1820 = arith.select %ge3A_1815, %get3A_1813, %broadcast_in_dim3A_1819 : vector<16x512xi1>, vector<16x512xf32>
      %min3A_1821 = arith.minimumf %min3A_1804, %select_n3A_1820 : vector<16x512xf32>
      %neg3A_1822 = arith.constant 0.000000e+00 : f32
      %neg3A_1823 = arith.constant 0x7F800000 : f32
      %neg3A_1824 = arith.subf %neg3A_1822, %neg3A_1823 : f32
      %broadcast_in_dim3A_1825 = vector.broadcast %neg3A_1824 : f32 to vector<16x512xf32>
      %select_n3A_1826 = arith.select %ge3A_1815, %broadcast_in_dim3A_1825, %get3A_1813 : vector<16x512xi1>, vector<16x512xf32>
      %max3A_1827 = arith.maximumf %max3A_1810, %select_n3A_1826 : vector<16x512xf32>
      %get3A_1828 = arith.constant 0 : index
      %get3A_1829 = arith.constant 21504 : index
      %get3A_1830 = vector.load %arg1[%get3A_1828, %get3A_1829] : memref<16x32768xf32, #tpu.memory_space<vmem>>, vector<16x512xf32>
      %ge3A_1831 = vector.broadcast %bitcast_convert_type3A_1117 : vector<16x1xf32> to vector<16x512xf32>
      %ge3A_1832 = arith.cmpf oge, %get3A_1830, %ge3A_1831 : vector<16x512xf32>
      %convert_element_type3A_1833 = arith.extui %ge3A_1832 : vector<16x512xi1> to vector<16x512xi32>
      %add3A_1834 = arith.addi %add3A_1817, %convert_element_type3A_1833 : vector<16x512xi32>
      %jit3A_1835 = arith.constant 0x7F800000 : f32
      %broadcast_in_dim3A_1836 = vector.broadcast %jit3A_1835 : f32 to vector<16x512xf32>
      %select_n3A_1837 = arith.select %ge3A_1832, %get3A_1830, %broadcast_in_dim3A_1836 : vector<16x512xi1>, vector<16x512xf32>
      %min3A_1838 = arith.minimumf %min3A_1821, %select_n3A_1837 : vector<16x512xf32>
      %neg3A_1839 = arith.constant 0.000000e+00 : f32
      %neg3A_1840 = arith.constant 0x7F800000 : f32
      %neg3A_1841 = arith.subf %neg3A_1839, %neg3A_1840 : f32
      %broadcast_in_dim3A_1842 = vector.broadcast %neg3A_1841 : f32 to vector<16x512xf32>
      %select_n3A_1843 = arith.select %ge3A_1832, %broadcast_in_dim3A_1842, %get3A_1830 : vector<16x512xi1>, vector<16x512xf32>
      %max3A_1844 = arith.maximumf %max3A_1827, %select_n3A_1843 : vector<16x512xf32>
      %get3A_1845 = arith.constant 0 : index
      %get3A_1846 = arith.constant 22016 : index
      %get3A_1847 = vector.load %arg1[%get3A_1845, %get3A_1846] : memref<16x32768xf32, #tpu.memory_space<vmem>>, vector<16x512xf32>
      %ge3A_1848 = vector.broadcast %bitcast_convert_type3A_1117 : vector<16x1xf32> to vector<16x512xf32>
      %ge3A_1849 = arith.cmpf oge, %get3A_1847, %ge3A_1848 : vector<16x512xf32>
      %convert_element_type3A_1850 = arith.extui %ge3A_1849 : vector<16x512xi1> to vector<16x512xi32>
      %add3A_1851 = arith.addi %add3A_1834, %convert_element_type3A_1850 : vector<16x512xi32>
      %jit3A_1852 = arith.constant 0x7F800000 : f32
      %broadcast_in_dim3A_1853 = vector.broadcast %jit3A_1852 : f32 to vector<16x512xf32>
      %select_n3A_1854 = arith.select %ge3A_1849, %get3A_1847, %broadcast_in_dim3A_1853 : vector<16x512xi1>, vector<16x512xf32>
      %min3A_1855 = arith.minimumf %min3A_1838, %select_n3A_1854 : vector<16x512xf32>
      %neg3A_1856 = arith.constant 0.000000e+00 : f32
      %neg3A_1857 = arith.constant 0x7F800000 : f32
      %neg3A_1858 = arith.subf %neg3A_1856, %neg3A_1857 : f32
      %broadcast_in_dim3A_1859 = vector.broadcast %neg3A_1858 : f32 to vector<16x512xf32>
      %select_n3A_1860 = arith.select %ge3A_1849, %broadcast_in_dim3A_1859, %get3A_1847 : vector<16x512xi1>, vector<16x512xf32>
      %max3A_1861 = arith.maximumf %max3A_1844, %select_n3A_1860 : vector<16x512xf32>
      %get3A_1862 = arith.constant 0 : index
      %get3A_1863 = arith.constant 22528 : index
      %get3A_1864 = vector.load %arg1[%get3A_1862, %get3A_1863] : memref<16x32768xf32, #tpu.memory_space<vmem>>, vector<16x512xf32>
      %ge3A_1865 = vector.broadcast %bitcast_convert_type3A_1117 : vector<16x1xf32> to vector<16x512xf32>
      %ge3A_1866 = arith.cmpf oge, %get3A_1864, %ge3A_1865 : vector<16x512xf32>
      %convert_element_type3A_1867 = arith.extui %ge3A_1866 : vector<16x512xi1> to vector<16x512xi32>
      %add3A_1868 = arith.addi %add3A_1851, %convert_element_type3A_1867 : vector<16x512xi32>
      %jit3A_1869 = arith.constant 0x7F800000 : f32
      %broadcast_in_dim3A_1870 = vector.broadcast %jit3A_1869 : f32 to vector<16x512xf32>
      %select_n3A_1871 = arith.select %ge3A_1866, %get3A_1864, %broadcast_in_dim3A_1870 : vector<16x512xi1>, vector<16x512xf32>
      %min3A_1872 = arith.minimumf %min3A_1855, %select_n3A_1871 : vector<16x512xf32>
      %neg3A_1873 = arith.constant 0.000000e+00 : f32
      %neg3A_1874 = arith.constant 0x7F800000 : f32
      %neg3A_1875 = arith.subf %neg3A_1873, %neg3A_1874 : f32
      %broadcast_in_dim3A_1876 = vector.broadcast %neg3A_1875 : f32 to vector<16x512xf32>
      %select_n3A_1877 = arith.select %ge3A_1866, %broadcast_in_dim3A_1876, %get3A_1864 : vector<16x512xi1>, vector<16x512xf32>
      %max3A_1878 = arith.maximumf %max3A_1861, %select_n3A_1877 : vector<16x512xf32>
      %get3A_1879 = arith.constant 0 : index
      %get3A_1880 = arith.constant 23040 : index
      %get3A_1881 = vector.load %arg1[%get3A_1879, %get3A_1880] : memref<16x32768xf32, #tpu.memory_space<vmem>>, vector<16x512xf32>
      %ge3A_1882 = vector.broadcast %bitcast_convert_type3A_1117 : vector<16x1xf32> to vector<16x512xf32>
      %ge3A_1883 = arith.cmpf oge, %get3A_1881, %ge3A_1882 : vector<16x512xf32>
      %convert_element_type3A_1884 = arith.extui %ge3A_1883 : vector<16x512xi1> to vector<16x512xi32>
      %add3A_1885 = arith.addi %add3A_1868, %convert_element_type3A_1884 : vector<16x512xi32>
      %jit3A_1886 = arith.constant 0x7F800000 : f32
      %broadcast_in_dim3A_1887 = vector.broadcast %jit3A_1886 : f32 to vector<16x512xf32>
      %select_n3A_1888 = arith.select %ge3A_1883, %get3A_1881, %broadcast_in_dim3A_1887 : vector<16x512xi1>, vector<16x512xf32>
      %min3A_1889 = arith.minimumf %min3A_1872, %select_n3A_1888 : vector<16x512xf32>
      %neg3A_1890 = arith.constant 0.000000e+00 : f32
      %neg3A_1891 = arith.constant 0x7F800000 : f32
      %neg3A_1892 = arith.subf %neg3A_1890, %neg3A_1891 : f32
      %broadcast_in_dim3A_1893 = vector.broadcast %neg3A_1892 : f32 to vector<16x512xf32>
      %select_n3A_1894 = arith.select %ge3A_1883, %broadcast_in_dim3A_1893, %get3A_1881 : vector<16x512xi1>, vector<16x512xf32>
      %max3A_1895 = arith.maximumf %max3A_1878, %select_n3A_1894 : vector<16x512xf32>
      %get3A_1896 = arith.constant 0 : index
      %get3A_1897 = arith.constant 23552 : index
      %get3A_1898 = vector.load %arg1[%get3A_1896, %get3A_1897] : memref<16x32768xf32, #tpu.memory_space<vmem>>, vector<16x512xf32>
      %ge3A_1899 = vector.broadcast %bitcast_convert_type3A_1117 : vector<16x1xf32> to vector<16x512xf32>
      %ge3A_1900 = arith.cmpf oge, %get3A_1898, %ge3A_1899 : vector<16x512xf32>
      %convert_element_type3A_1901 = arith.extui %ge3A_1900 : vector<16x512xi1> to vector<16x512xi32>
      %add3A_1902 = arith.addi %add3A_1885, %convert_element_type3A_1901 : vector<16x512xi32>
      %jit3A_1903 = arith.constant 0x7F800000 : f32
      %broadcast_in_dim3A_1904 = vector.broadcast %jit3A_1903 : f32 to vector<16x512xf32>
      %select_n3A_1905 = arith.select %ge3A_1900, %get3A_1898, %broadcast_in_dim3A_1904 : vector<16x512xi1>, vector<16x512xf32>
      %min3A_1906 = arith.minimumf %min3A_1889, %select_n3A_1905 : vector<16x512xf32>
      %neg3A_1907 = arith.constant 0.000000e+00 : f32
      %neg3A_1908 = arith.constant 0x7F800000 : f32
      %neg3A_1909 = arith.subf %neg3A_1907, %neg3A_1908 : f32
      %broadcast_in_dim3A_1910 = vector.broadcast %neg3A_1909 : f32 to vector<16x512xf32>
      %select_n3A_1911 = arith.select %ge3A_1900, %broadcast_in_dim3A_1910, %get3A_1898 : vector<16x512xi1>, vector<16x512xf32>
      %max3A_1912 = arith.maximumf %max3A_1895, %select_n3A_1911 : vector<16x512xf32>
      %get3A_1913 = arith.constant 0 : index
      %get3A_1914 = arith.constant 24064 : index
      %get3A_1915 = vector.load %arg1[%get3A_1913, %get3A_1914] : memref<16x32768xf32, #tpu.memory_space<vmem>>, vector<16x512xf32>
      %ge3A_1916 = vector.broadcast %bitcast_convert_type3A_1117 : vector<16x1xf32> to vector<16x512xf32>
      %ge3A_1917 = arith.cmpf oge, %get3A_1915, %ge3A_1916 : vector<16x512xf32>
      %convert_element_type3A_1918 = arith.extui %ge3A_1917 : vector<16x512xi1> to vector<16x512xi32>
      %add3A_1919 = arith.addi %add3A_1902, %convert_element_type3A_1918 : vector<16x512xi32>
      %jit3A_1920 = arith.constant 0x7F800000 : f32
      %broadcast_in_dim3A_1921 = vector.broadcast %jit3A_1920 : f32 to vector<16x512xf32>
      %select_n3A_1922 = arith.select %ge3A_1917, %get3A_1915, %broadcast_in_dim3A_1921 : vector<16x512xi1>, vector<16x512xf32>
      %min3A_1923 = arith.minimumf %min3A_1906, %select_n3A_1922 : vector<16x512xf32>
      %neg3A_1924 = arith.constant 0.000000e+00 : f32
      %neg3A_1925 = arith.constant 0x7F800000 : f32
      %neg3A_1926 = arith.subf %neg3A_1924, %neg3A_1925 : f32
      %broadcast_in_dim3A_1927 = vector.broadcast %neg3A_1926 : f32 to vector<16x512xf32>
      %select_n3A_1928 = arith.select %ge3A_1917, %broadcast_in_dim3A_1927, %get3A_1915 : vector<16x512xi1>, vector<16x512xf32>
      %max3A_1929 = arith.maximumf %max3A_1912, %select_n3A_1928 : vector<16x512xf32>
      %get3A_1930 = arith.constant 0 : index
      %get3A_1931 = arith.constant 24576 : index
      %get3A_1932 = vector.load %arg1[%get3A_1930, %get3A_1931] : memref<16x32768xf32, #tpu.memory_space<vmem>>, vector<16x512xf32>
      %ge3A_1933 = vector.broadcast %bitcast_convert_type3A_1117 : vector<16x1xf32> to vector<16x512xf32>
      %ge3A_1934 = arith.cmpf oge, %get3A_1932, %ge3A_1933 : vector<16x512xf32>
      %convert_element_type3A_1935 = arith.extui %ge3A_1934 : vector<16x512xi1> to vector<16x512xi32>
      %add3A_1936 = arith.addi %add3A_1919, %convert_element_type3A_1935 : vector<16x512xi32>
      %jit3A_1937 = arith.constant 0x7F800000 : f32
      %broadcast_in_dim3A_1938 = vector.broadcast %jit3A_1937 : f32 to vector<16x512xf32>
      %select_n3A_1939 = arith.select %ge3A_1934, %get3A_1932, %broadcast_in_dim3A_1938 : vector<16x512xi1>, vector<16x512xf32>
      %min3A_1940 = arith.minimumf %min3A_1923, %select_n3A_1939 : vector<16x512xf32>
      %neg3A_1941 = arith.constant 0.000000e+00 : f32
      %neg3A_1942 = arith.constant 0x7F800000 : f32
      %neg3A_1943 = arith.subf %neg3A_1941, %neg3A_1942 : f32
      %broadcast_in_dim3A_1944 = vector.broadcast %neg3A_1943 : f32 to vector<16x512xf32>
      %select_n3A_1945 = arith.select %ge3A_1934, %broadcast_in_dim3A_1944, %get3A_1932 : vector<16x512xi1>, vector<16x512xf32>
      %max3A_1946 = arith.maximumf %max3A_1929, %select_n3A_1945 : vector<16x512xf32>
      %get3A_1947 = arith.constant 0 : index
      %get3A_1948 = arith.constant 25088 : index
      %get3A_1949 = vector.load %arg1[%get3A_1947, %get3A_1948] : memref<16x32768xf32, #tpu.memory_space<vmem>>, vector<16x512xf32>
      %ge3A_1950 = vector.broadcast %bitcast_convert_type3A_1117 : vector<16x1xf32> to vector<16x512xf32>
      %ge3A_1951 = arith.cmpf oge, %get3A_1949, %ge3A_1950 : vector<16x512xf32>
      %convert_element_type3A_1952 = arith.extui %ge3A_1951 : vector<16x512xi1> to vector<16x512xi32>
      %add3A_1953 = arith.addi %add3A_1936, %convert_element_type3A_1952 : vector<16x512xi32>
      %jit3A_1954 = arith.constant 0x7F800000 : f32
      %broadcast_in_dim3A_1955 = vector.broadcast %jit3A_1954 : f32 to vector<16x512xf32>
      %select_n3A_1956 = arith.select %ge3A_1951, %get3A_1949, %broadcast_in_dim3A_1955 : vector<16x512xi1>, vector<16x512xf32>
      %min3A_1957 = arith.minimumf %min3A_1940, %select_n3A_1956 : vector<16x512xf32>
      %neg3A_1958 = arith.constant 0.000000e+00 : f32
      %neg3A_1959 = arith.constant 0x7F800000 : f32
      %neg3A_1960 = arith.subf %neg3A_1958, %neg3A_1959 : f32
      %broadcast_in_dim3A_1961 = vector.broadcast %neg3A_1960 : f32 to vector<16x512xf32>
      %select_n3A_1962 = arith.select %ge3A_1951, %broadcast_in_dim3A_1961, %get3A_1949 : vector<16x512xi1>, vector<16x512xf32>
      %max3A_1963 = arith.maximumf %max3A_1946, %select_n3A_1962 : vector<16x512xf32>
      %get3A_1964 = arith.constant 0 : index
      %get3A_1965 = arith.constant 25600 : index
      %get3A_1966 = vector.load %arg1[%get3A_1964, %get3A_1965] : memref<16x32768xf32, #tpu.memory_space<vmem>>, vector<16x512xf32>
      %ge3A_1967 = vector.broadcast %bitcast_convert_type3A_1117 : vector<16x1xf32> to vector<16x512xf32>
      %ge3A_1968 = arith.cmpf oge, %get3A_1966, %ge3A_1967 : vector<16x512xf32>
      %convert_element_type3A_1969 = arith.extui %ge3A_1968 : vector<16x512xi1> to vector<16x512xi32>
      %add3A_1970 = arith.addi %add3A_1953, %convert_element_type3A_1969 : vector<16x512xi32>
      %jit3A_1971 = arith.constant 0x7F800000 : f32
      %broadcast_in_dim3A_1972 = vector.broadcast %jit3A_1971 : f32 to vector<16x512xf32>
      %select_n3A_1973 = arith.select %ge3A_1968, %get3A_1966, %broadcast_in_dim3A_1972 : vector<16x512xi1>, vector<16x512xf32>
      %min3A_1974 = arith.minimumf %min3A_1957, %select_n3A_1973 : vector<16x512xf32>
      %neg3A_1975 = arith.constant 0.000000e+00 : f32
      %neg3A_1976 = arith.constant 0x7F800000 : f32
      %neg3A_1977 = arith.subf %neg3A_1975, %neg3A_1976 : f32
      %broadcast_in_dim3A_1978 = vector.broadcast %neg3A_1977 : f32 to vector<16x512xf32>
      %select_n3A_1979 = arith.select %ge3A_1968, %broadcast_in_dim3A_1978, %get3A_1966 : vector<16x512xi1>, vector<16x512xf32>
      %max3A_1980 = arith.maximumf %max3A_1963, %select_n3A_1979 : vector<16x512xf32>
      %get3A_1981 = arith.constant 0 : index
      %get3A_1982 = arith.constant 26112 : index
      %get3A_1983 = vector.load %arg1[%get3A_1981, %get3A_1982] : memref<16x32768xf32, #tpu.memory_space<vmem>>, vector<16x512xf32>
      %ge3A_1984 = vector.broadcast %bitcast_convert_type3A_1117 : vector<16x1xf32> to vector<16x512xf32>
      %ge3A_1985 = arith.cmpf oge, %get3A_1983, %ge3A_1984 : vector<16x512xf32>
      %convert_element_type3A_1986 = arith.extui %ge3A_1985 : vector<16x512xi1> to vector<16x512xi32>
      %add3A_1987 = arith.addi %add3A_1970, %convert_element_type3A_1986 : vector<16x512xi32>
      %jit3A_1988 = arith.constant 0x7F800000 : f32
      %broadcast_in_dim3A_1989 = vector.broadcast %jit3A_1988 : f32 to vector<16x512xf32>
      %select_n3A_1990 = arith.select %ge3A_1985, %get3A_1983, %broadcast_in_dim3A_1989 : vector<16x512xi1>, vector<16x512xf32>
      %min3A_1991 = arith.minimumf %min3A_1974, %select_n3A_1990 : vector<16x512xf32>
      %neg3A_1992 = arith.constant 0.000000e+00 : f32
      %neg3A_1993 = arith.constant 0x7F800000 : f32
      %neg3A_1994 = arith.subf %neg3A_1992, %neg3A_1993 : f32
      %broadcast_in_dim3A_1995 = vector.broadcast %neg3A_1994 : f32 to vector<16x512xf32>
      %select_n3A_1996 = arith.select %ge3A_1985, %broadcast_in_dim3A_1995, %get3A_1983 : vector<16x512xi1>, vector<16x512xf32>
      %max3A_1997 = arith.maximumf %max3A_1980, %select_n3A_1996 : vector<16x512xf32>
      %get3A_1998 = arith.constant 0 : index
      %get3A_1999 = arith.constant 26624 : index
      %get3A_2000 = vector.load %arg1[%get3A_1998, %get3A_1999] : memref<16x32768xf32, #tpu.memory_space<vmem>>, vector<16x512xf32>
      %ge3A_2001 = vector.broadcast %bitcast_convert_type3A_1117 : vector<16x1xf32> to vector<16x512xf32>
      %ge3A_2002 = arith.cmpf oge, %get3A_2000, %ge3A_2001 : vector<16x512xf32>
      %convert_element_type3A_2003 = arith.extui %ge3A_2002 : vector<16x512xi1> to vector<16x512xi32>
      %add3A_2004 = arith.addi %add3A_1987, %convert_element_type3A_2003 : vector<16x512xi32>
      %jit3A_2005 = arith.constant 0x7F800000 : f32
      %broadcast_in_dim3A_2006 = vector.broadcast %jit3A_2005 : f32 to vector<16x512xf32>
      %select_n3A_2007 = arith.select %ge3A_2002, %get3A_2000, %broadcast_in_dim3A_2006 : vector<16x512xi1>, vector<16x512xf32>
      %min3A_2008 = arith.minimumf %min3A_1991, %select_n3A_2007 : vector<16x512xf32>
      %neg3A_2009 = arith.constant 0.000000e+00 : f32
      %neg3A_2010 = arith.constant 0x7F800000 : f32
      %neg3A_2011 = arith.subf %neg3A_2009, %neg3A_2010 : f32
      %broadcast_in_dim3A_2012 = vector.broadcast %neg3A_2011 : f32 to vector<16x512xf32>
      %select_n3A_2013 = arith.select %ge3A_2002, %broadcast_in_dim3A_2012, %get3A_2000 : vector<16x512xi1>, vector<16x512xf32>
      %max3A_2014 = arith.maximumf %max3A_1997, %select_n3A_2013 : vector<16x512xf32>
      %get3A_2015 = arith.constant 0 : index
      %get3A_2016 = arith.constant 27136 : index
      %get3A_2017 = vector.load %arg1[%get3A_2015, %get3A_2016] : memref<16x32768xf32, #tpu.memory_space<vmem>>, vector<16x512xf32>
      %ge3A_2018 = vector.broadcast %bitcast_convert_type3A_1117 : vector<16x1xf32> to vector<16x512xf32>
      %ge3A_2019 = arith.cmpf oge, %get3A_2017, %ge3A_2018 : vector<16x512xf32>
      %convert_element_type3A_2020 = arith.extui %ge3A_2019 : vector<16x512xi1> to vector<16x512xi32>
      %add3A_2021 = arith.addi %add3A_2004, %convert_element_type3A_2020 : vector<16x512xi32>
      %jit3A_2022 = arith.constant 0x7F800000 : f32
      %broadcast_in_dim3A_2023 = vector.broadcast %jit3A_2022 : f32 to vector<16x512xf32>
      %select_n3A_2024 = arith.select %ge3A_2019, %get3A_2017, %broadcast_in_dim3A_2023 : vector<16x512xi1>, vector<16x512xf32>
      %min3A_2025 = arith.minimumf %min3A_2008, %select_n3A_2024 : vector<16x512xf32>
      %neg3A_2026 = arith.constant 0.000000e+00 : f32
      %neg3A_2027 = arith.constant 0x7F800000 : f32
      %neg3A_2028 = arith.subf %neg3A_2026, %neg3A_2027 : f32
      %broadcast_in_dim3A_2029 = vector.broadcast %neg3A_2028 : f32 to vector<16x512xf32>
      %select_n3A_2030 = arith.select %ge3A_2019, %broadcast_in_dim3A_2029, %get3A_2017 : vector<16x512xi1>, vector<16x512xf32>
      %max3A_2031 = arith.maximumf %max3A_2014, %select_n3A_2030 : vector<16x512xf32>
      %get3A_2032 = arith.constant 0 : index
      %get3A_2033 = arith.constant 27648 : index
      %get3A_2034 = vector.load %arg1[%get3A_2032, %get3A_2033] : memref<16x32768xf32, #tpu.memory_space<vmem>>, vector<16x512xf32>
      %ge3A_2035 = vector.broadcast %bitcast_convert_type3A_1117 : vector<16x1xf32> to vector<16x512xf32>
      %ge3A_2036 = arith.cmpf oge, %get3A_2034, %ge3A_2035 : vector<16x512xf32>
      %convert_element_type3A_2037 = arith.extui %ge3A_2036 : vector<16x512xi1> to vector<16x512xi32>
      %add3A_2038 = arith.addi %add3A_2021, %convert_element_type3A_2037 : vector<16x512xi32>
      %jit3A_2039 = arith.constant 0x7F800000 : f32
      %broadcast_in_dim3A_2040 = vector.broadcast %jit3A_2039 : f32 to vector<16x512xf32>
      %select_n3A_2041 = arith.select %ge3A_2036, %get3A_2034, %broadcast_in_dim3A_2040 : vector<16x512xi1>, vector<16x512xf32>
      %min3A_2042 = arith.minimumf %min3A_2025, %select_n3A_2041 : vector<16x512xf32>
      %neg3A_2043 = arith.constant 0.000000e+00 : f32
      %neg3A_2044 = arith.constant 0x7F800000 : f32
      %neg3A_2045 = arith.subf %neg3A_2043, %neg3A_2044 : f32
      %broadcast_in_dim3A_2046 = vector.broadcast %neg3A_2045 : f32 to vector<16x512xf32>
      %select_n3A_2047 = arith.select %ge3A_2036, %broadcast_in_dim3A_2046, %get3A_2034 : vector<16x512xi1>, vector<16x512xf32>
      %max3A_2048 = arith.maximumf %max3A_2031, %select_n3A_2047 : vector<16x512xf32>
      %get3A_2049 = arith.constant 0 : index
      %get3A_2050 = arith.constant 28160 : index
      %get3A_2051 = vector.load %arg1[%get3A_2049, %get3A_2050] : memref<16x32768xf32, #tpu.memory_space<vmem>>, vector<16x512xf32>
      %ge3A_2052 = vector.broadcast %bitcast_convert_type3A_1117 : vector<16x1xf32> to vector<16x512xf32>
      %ge3A_2053 = arith.cmpf oge, %get3A_2051, %ge3A_2052 : vector<16x512xf32>
      %convert_element_type3A_2054 = arith.extui %ge3A_2053 : vector<16x512xi1> to vector<16x512xi32>
      %add3A_2055 = arith.addi %add3A_2038, %convert_element_type3A_2054 : vector<16x512xi32>
      %jit3A_2056 = arith.constant 0x7F800000 : f32
      %broadcast_in_dim3A_2057 = vector.broadcast %jit3A_2056 : f32 to vector<16x512xf32>
      %select_n3A_2058 = arith.select %ge3A_2053, %get3A_2051, %broadcast_in_dim3A_2057 : vector<16x512xi1>, vector<16x512xf32>
      %min3A_2059 = arith.minimumf %min3A_2042, %select_n3A_2058 : vector<16x512xf32>
      %neg3A_2060 = arith.constant 0.000000e+00 : f32
      %neg3A_2061 = arith.constant 0x7F800000 : f32
      %neg3A_2062 = arith.subf %neg3A_2060, %neg3A_2061 : f32
      %broadcast_in_dim3A_2063 = vector.broadcast %neg3A_2062 : f32 to vector<16x512xf32>
      %select_n3A_2064 = arith.select %ge3A_2053, %broadcast_in_dim3A_2063, %get3A_2051 : vector<16x512xi1>, vector<16x512xf32>
      %max3A_2065 = arith.maximumf %max3A_2048, %select_n3A_2064 : vector<16x512xf32>
      %get3A_2066 = arith.constant 0 : index
      %get3A_2067 = arith.constant 28672 : index
      %get3A_2068 = vector.load %arg1[%get3A_2066, %get3A_2067] : memref<16x32768xf32, #tpu.memory_space<vmem>>, vector<16x512xf32>
      %ge3A_2069 = vector.broadcast %bitcast_convert_type3A_1117 : vector<16x1xf32> to vector<16x512xf32>
      %ge3A_2070 = arith.cmpf oge, %get3A_2068, %ge3A_2069 : vector<16x512xf32>
      %convert_element_type3A_2071 = arith.extui %ge3A_2070 : vector<16x512xi1> to vector<16x512xi32>
      %add3A_2072 = arith.addi %add3A_2055, %convert_element_type3A_2071 : vector<16x512xi32>
      %jit3A_2073 = arith.constant 0x7F800000 : f32
      %broadcast_in_dim3A_2074 = vector.broadcast %jit3A_2073 : f32 to vector<16x512xf32>
      %select_n3A_2075 = arith.select %ge3A_2070, %get3A_2068, %broadcast_in_dim3A_2074 : vector<16x512xi1>, vector<16x512xf32>
      %min3A_2076 = arith.minimumf %min3A_2059, %select_n3A_2075 : vector<16x512xf32>
      %neg3A_2077 = arith.constant 0.000000e+00 : f32
      %neg3A_2078 = arith.constant 0x7F800000 : f32
      %neg3A_2079 = arith.subf %neg3A_2077, %neg3A_2078 : f32
      %broadcast_in_dim3A_2080 = vector.broadcast %neg3A_2079 : f32 to vector<16x512xf32>
      %select_n3A_2081 = arith.select %ge3A_2070, %broadcast_in_dim3A_2080, %get3A_2068 : vector<16x512xi1>, vector<16x512xf32>
      %max3A_2082 = arith.maximumf %max3A_2065, %select_n3A_2081 : vector<16x512xf32>
      %get3A_2083 = arith.constant 0 : index
      %get3A_2084 = arith.constant 29184 : index
      %get3A_2085 = vector.load %arg1[%get3A_2083, %get3A_2084] : memref<16x32768xf32, #tpu.memory_space<vmem>>, vector<16x512xf32>
      %ge3A_2086 = vector.broadcast %bitcast_convert_type3A_1117 : vector<16x1xf32> to vector<16x512xf32>
      %ge3A_2087 = arith.cmpf oge, %get3A_2085, %ge3A_2086 : vector<16x512xf32>
      %convert_element_type3A_2088 = arith.extui %ge3A_2087 : vector<16x512xi1> to vector<16x512xi32>
      %add3A_2089 = arith.addi %add3A_2072, %convert_element_type3A_2088 : vector<16x512xi32>
      %jit3A_2090 = arith.constant 0x7F800000 : f32
      %broadcast_in_dim3A_2091 = vector.broadcast %jit3A_2090 : f32 to vector<16x512xf32>
      %select_n3A_2092 = arith.select %ge3A_2087, %get3A_2085, %broadcast_in_dim3A_2091 : vector<16x512xi1>, vector<16x512xf32>
      %min3A_2093 = arith.minimumf %min3A_2076, %select_n3A_2092 : vector<16x512xf32>
      %neg3A_2094 = arith.constant 0.000000e+00 : f32
      %neg3A_2095 = arith.constant 0x7F800000 : f32
      %neg3A_2096 = arith.subf %neg3A_2094, %neg3A_2095 : f32
      %broadcast_in_dim3A_2097 = vector.broadcast %neg3A_2096 : f32 to vector<16x512xf32>
      %select_n3A_2098 = arith.select %ge3A_2087, %broadcast_in_dim3A_2097, %get3A_2085 : vector<16x512xi1>, vector<16x512xf32>
      %max3A_2099 = arith.maximumf %max3A_2082, %select_n3A_2098 : vector<16x512xf32>
      %get3A_2100 = arith.constant 0 : index
      %get3A_2101 = arith.constant 29696 : index
      %get3A_2102 = vector.load %arg1[%get3A_2100, %get3A_2101] : memref<16x32768xf32, #tpu.memory_space<vmem>>, vector<16x512xf32>
      %ge3A_2103 = vector.broadcast %bitcast_convert_type3A_1117 : vector<16x1xf32> to vector<16x512xf32>
      %ge3A_2104 = arith.cmpf oge, %get3A_2102, %ge3A_2103 : vector<16x512xf32>
      %convert_element_type3A_2105 = arith.extui %ge3A_2104 : vector<16x512xi1> to vector<16x512xi32>
      %add3A_2106 = arith.addi %add3A_2089, %convert_element_type3A_2105 : vector<16x512xi32>
      %jit3A_2107 = arith.constant 0x7F800000 : f32
      %broadcast_in_dim3A_2108 = vector.broadcast %jit3A_2107 : f32 to vector<16x512xf32>
      %select_n3A_2109 = arith.select %ge3A_2104, %get3A_2102, %broadcast_in_dim3A_2108 : vector<16x512xi1>, vector<16x512xf32>
      %min3A_2110 = arith.minimumf %min3A_2093, %select_n3A_2109 : vector<16x512xf32>
      %neg3A_2111 = arith.constant 0.000000e+00 : f32
      %neg3A_2112 = arith.constant 0x7F800000 : f32
      %neg3A_2113 = arith.subf %neg3A_2111, %neg3A_2112 : f32
      %broadcast_in_dim3A_2114 = vector.broadcast %neg3A_2113 : f32 to vector<16x512xf32>
      %select_n3A_2115 = arith.select %ge3A_2104, %broadcast_in_dim3A_2114, %get3A_2102 : vector<16x512xi1>, vector<16x512xf32>
      %max3A_2116 = arith.maximumf %max3A_2099, %select_n3A_2115 : vector<16x512xf32>
      %get3A_2117 = arith.constant 0 : index
      %get3A_2118 = arith.constant 30208 : index
      %get3A_2119 = vector.load %arg1[%get3A_2117, %get3A_2118] : memref<16x32768xf32, #tpu.memory_space<vmem>>, vector<16x512xf32>
      %ge3A_2120 = vector.broadcast %bitcast_convert_type3A_1117 : vector<16x1xf32> to vector<16x512xf32>
      %ge3A_2121 = arith.cmpf oge, %get3A_2119, %ge3A_2120 : vector<16x512xf32>
      %convert_element_type3A_2122 = arith.extui %ge3A_2121 : vector<16x512xi1> to vector<16x512xi32>
      %add3A_2123 = arith.addi %add3A_2106, %convert_element_type3A_2122 : vector<16x512xi32>
      %jit3A_2124 = arith.constant 0x7F800000 : f32
      %broadcast_in_dim3A_2125 = vector.broadcast %jit3A_2124 : f32 to vector<16x512xf32>
      %select_n3A_2126 = arith.select %ge3A_2121, %get3A_2119, %broadcast_in_dim3A_2125 : vector<16x512xi1>, vector<16x512xf32>
      %min3A_2127 = arith.minimumf %min3A_2110, %select_n3A_2126 : vector<16x512xf32>
      %neg3A_2128 = arith.constant 0.000000e+00 : f32
      %neg3A_2129 = arith.constant 0x7F800000 : f32
      %neg3A_2130 = arith.subf %neg3A_2128, %neg3A_2129 : f32
      %broadcast_in_dim3A_2131 = vector.broadcast %neg3A_2130 : f32 to vector<16x512xf32>
      %select_n3A_2132 = arith.select %ge3A_2121, %broadcast_in_dim3A_2131, %get3A_2119 : vector<16x512xi1>, vector<16x512xf32>
      %max3A_2133 = arith.maximumf %max3A_2116, %select_n3A_2132 : vector<16x512xf32>
      %get3A_2134 = arith.constant 0 : index
      %get3A_2135 = arith.constant 30720 : index
      %get3A_2136 = vector.load %arg1[%get3A_2134, %get3A_2135] : memref<16x32768xf32, #tpu.memory_space<vmem>>, vector<16x512xf32>
      %ge3A_2137 = vector.broadcast %bitcast_convert_type3A_1117 : vector<16x1xf32> to vector<16x512xf32>
      %ge3A_2138 = arith.cmpf oge, %get3A_2136, %ge3A_2137 : vector<16x512xf32>
      %convert_element_type3A_2139 = arith.extui %ge3A_2138 : vector<16x512xi1> to vector<16x512xi32>
      %add3A_2140 = arith.addi %add3A_2123, %convert_element_type3A_2139 : vector<16x512xi32>
      %jit3A_2141 = arith.constant 0x7F800000 : f32
      %broadcast_in_dim3A_2142 = vector.broadcast %jit3A_2141 : f32 to vector<16x512xf32>
      %select_n3A_2143 = arith.select %ge3A_2138, %get3A_2136, %broadcast_in_dim3A_2142 : vector<16x512xi1>, vector<16x512xf32>
      %min3A_2144 = arith.minimumf %min3A_2127, %select_n3A_2143 : vector<16x512xf32>
      %neg3A_2145 = arith.constant 0.000000e+00 : f32
      %neg3A_2146 = arith.constant 0x7F800000 : f32
      %neg3A_2147 = arith.subf %neg3A_2145, %neg3A_2146 : f32
      %broadcast_in_dim3A_2148 = vector.broadcast %neg3A_2147 : f32 to vector<16x512xf32>
      %select_n3A_2149 = arith.select %ge3A_2138, %broadcast_in_dim3A_2148, %get3A_2136 : vector<16x512xi1>, vector<16x512xf32>
      %max3A_2150 = arith.maximumf %max3A_2133, %select_n3A_2149 : vector<16x512xf32>
      %get3A_2151 = arith.constant 0 : index
      %get3A_2152 = arith.constant 31232 : index
      %get3A_2153 = vector.load %arg1[%get3A_2151, %get3A_2152] : memref<16x32768xf32, #tpu.memory_space<vmem>>, vector<16x512xf32>
      %ge3A_2154 = vector.broadcast %bitcast_convert_type3A_1117 : vector<16x1xf32> to vector<16x512xf32>
      %ge3A_2155 = arith.cmpf oge, %get3A_2153, %ge3A_2154 : vector<16x512xf32>
      %convert_element_type3A_2156 = arith.extui %ge3A_2155 : vector<16x512xi1> to vector<16x512xi32>
      %add3A_2157 = arith.addi %add3A_2140, %convert_element_type3A_2156 : vector<16x512xi32>
      %jit3A_2158 = arith.constant 0x7F800000 : f32
      %broadcast_in_dim3A_2159 = vector.broadcast %jit3A_2158 : f32 to vector<16x512xf32>
      %select_n3A_2160 = arith.select %ge3A_2155, %get3A_2153, %broadcast_in_dim3A_2159 : vector<16x512xi1>, vector<16x512xf32>
      %min3A_2161 = arith.minimumf %min3A_2144, %select_n3A_2160 : vector<16x512xf32>
      %neg3A_2162 = arith.constant 0.000000e+00 : f32
      %neg3A_2163 = arith.constant 0x7F800000 : f32
      %neg3A_2164 = arith.subf %neg3A_2162, %neg3A_2163 : f32
      %broadcast_in_dim3A_2165 = vector.broadcast %neg3A_2164 : f32 to vector<16x512xf32>
      %select_n3A_2166 = arith.select %ge3A_2155, %broadcast_in_dim3A_2165, %get3A_2153 : vector<16x512xi1>, vector<16x512xf32>
      %max3A_2167 = arith.maximumf %max3A_2150, %select_n3A_2166 : vector<16x512xf32>
      %get3A_2168 = arith.constant 0 : index
      %get3A_2169 = arith.constant 31744 : index
      %get3A_2170 = vector.load %arg1[%get3A_2168, %get3A_2169] : memref<16x32768xf32, #tpu.memory_space<vmem>>, vector<16x512xf32>
      %ge3A_2171 = vector.broadcast %bitcast_convert_type3A_1117 : vector<16x1xf32> to vector<16x512xf32>
      %ge3A_2172 = arith.cmpf oge, %get3A_2170, %ge3A_2171 : vector<16x512xf32>
      %convert_element_type3A_2173 = arith.extui %ge3A_2172 : vector<16x512xi1> to vector<16x512xi32>
      %add3A_2174 = arith.addi %add3A_2157, %convert_element_type3A_2173 : vector<16x512xi32>
      %jit3A_2175 = arith.constant 0x7F800000 : f32
      %broadcast_in_dim3A_2176 = vector.broadcast %jit3A_2175 : f32 to vector<16x512xf32>
      %select_n3A_2177 = arith.select %ge3A_2172, %get3A_2170, %broadcast_in_dim3A_2176 : vector<16x512xi1>, vector<16x512xf32>
      %min3A_2178 = arith.minimumf %min3A_2161, %select_n3A_2177 : vector<16x512xf32>
      %neg3A_2179 = arith.constant 0.000000e+00 : f32
      %neg3A_2180 = arith.constant 0x7F800000 : f32
      %neg3A_2181 = arith.subf %neg3A_2179, %neg3A_2180 : f32
      %broadcast_in_dim3A_2182 = vector.broadcast %neg3A_2181 : f32 to vector<16x512xf32>
      %select_n3A_2183 = arith.select %ge3A_2172, %broadcast_in_dim3A_2182, %get3A_2170 : vector<16x512xi1>, vector<16x512xf32>
      %max3A_2184 = arith.maximumf %max3A_2167, %select_n3A_2183 : vector<16x512xf32>
      %get3A_2185 = arith.constant 0 : index
      %get3A_2186 = arith.constant 32256 : index
      %get3A_2187 = vector.load %arg1[%get3A_2185, %get3A_2186] : memref<16x32768xf32, #tpu.memory_space<vmem>>, vector<16x512xf32>
      %ge3A_2188 = vector.broadcast %bitcast_convert_type3A_1117 : vector<16x1xf32> to vector<16x512xf32>
      %ge3A_2189 = arith.cmpf oge, %get3A_2187, %ge3A_2188 : vector<16x512xf32>
      %convert_element_type3A_2190 = arith.extui %ge3A_2189 : vector<16x512xi1> to vector<16x512xi32>
      %add3A_2191 = arith.addi %add3A_2174, %convert_element_type3A_2190 : vector<16x512xi32>
      %jit3A_2192 = arith.constant 0x7F800000 : f32
      %broadcast_in_dim3A_2193 = vector.broadcast %jit3A_2192 : f32 to vector<16x512xf32>
      %select_n3A_2194 = arith.select %ge3A_2189, %get3A_2187, %broadcast_in_dim3A_2193 : vector<16x512xi1>, vector<16x512xf32>
      %min3A_2195 = arith.minimumf %min3A_2178, %select_n3A_2194 : vector<16x512xf32>
      %neg3A_2196 = arith.constant 0.000000e+00 : f32
      %neg3A_2197 = arith.constant 0x7F800000 : f32
      %neg3A_2198 = arith.subf %neg3A_2196, %neg3A_2197 : f32
      %broadcast_in_dim3A_2199 = vector.broadcast %neg3A_2198 : f32 to vector<16x512xf32>
      %select_n3A_2200 = arith.select %ge3A_2189, %broadcast_in_dim3A_2199, %get3A_2187 : vector<16x512xi1>, vector<16x512xf32>
      %max3A_2201 = arith.maximumf %max3A_2184, %select_n3A_2200 : vector<16x512xf32>
      %reduce_sum3A_2202 = arith.constant dense<0> : vector<16xi32>
      %reduce_sum3A_2203 = vector.multi_reduction <add>, %add3A_2191, %reduce_sum3A_2202 [1] : vector<16x512xi32> to vector<16xi32>
      %broadcast_in_dim3A_2204 = vector.shape_cast %reduce_sum3A_2203 : vector<16xi32> to vector<16x1xi32>
      %reduce_min3A_2205 = arith.constant dense<0x7F800000> : vector<16xf32>
      %reduce_min3A_2206 = vector.multi_reduction <minimumf>, %min3A_2195, %reduce_min3A_2205 [1] : vector<16x512xf32> to vector<16xf32>
      %broadcast_in_dim3A_2207 = vector.shape_cast %reduce_min3A_2206 : vector<16xf32> to vector<16x1xf32>
      %reduce_max3A_2208 = arith.constant dense<0xFF800000> : vector<16xf32>
      %reduce_max3A_2209 = vector.multi_reduction <maximumf>, %max3A_2201, %reduce_max3A_2208 [1] : vector<16x512xf32> to vector<16xf32>
      %broadcast_in_dim3A_2210 = vector.shape_cast %reduce_max3A_2209 : vector<16xf32> to vector<16x1xf32>
      %convert_element_type3A_2211 = arith.sitofp %broadcast_in_dim3A_2204 : vector<16x1xi32> to vector<16x1xf32>
      %max3A_2212 = arith.constant 5.000000e-01 : f32
      %max3A_2213 = vector.broadcast %max3A_2212 : f32 to vector<16x1xf32>
      %max3A_2214 = arith.maximumf %convert_element_type3A_2211, %max3A_2213 : vector<16x1xf32>
      %log3A_2215 = math.log %max3A_2214 : vector<16x1xf32>
      %log3A_2216 = arith.constant 2.000000e+00 : f32
      %log3A_2217 = math.log %log3A_2216 : f32
      %div3A_2218 = vector.broadcast %log3A_2217 : f32 to vector<16x1xf32>
      %div3A_2219 = arith.divf %log3A_2215, %div3A_2218 : vector<16x1xf32>
      %ge3A_2220 = arith.constant 64 : i32
      %ge3A_2221 = vector.broadcast %ge3A_2220 : i32 to vector<16x1xi32>
      %ge3A_2222 = arith.cmpi sge, %broadcast_in_dim3A_2204, %ge3A_2221 : vector<16x1xi32>
      %and3A_2223 = arith.andi %and3A, %ge3A_2222 : vector<16x1xi1>
      %lt3A_2224 = arith.constant 64 : i32
      %lt3A_2225 = vector.broadcast %lt3A_2224 : i32 to vector<16x1xi32>
      %lt3A_2226 = arith.cmpi slt, %broadcast_in_dim3A_2204, %lt3A_2225 : vector<16x1xi32>
      %and3A_2227 = arith.andi %and3A, %lt3A_2226 : vector<16x1xi1>
      %select_n3A_2228 = arith.select %and3A_2223, %broadcast_in_dim3A_2207, %while3A_1006 : vector<16x1xi1>, vector<16x1xf32>
      %select_n3A_2229 = arith.select %and3A_2223, %broadcast_in_dim3A_2204, %while3A_1008 : vector<16x1xi1>, vector<16x1xi32>
      %bitcast_convert_type3A_2230 = tpu.bitcast %broadcast_in_dim3A_2210 : vector<16x1xf32> -> vector<16x1xi32>
      %ge3A_2231 = arith.constant 0 : i32
      %ge3A_2232 = vector.broadcast %ge3A_2231 : i32 to vector<16x1xi32>
      %ge3A_2233 = arith.cmpi sge, %bitcast_convert_type3A_2230, %ge3A_2232 : vector<16x1xi32>
      %sub3A_2234 = arith.constant -2147483648 : i32
      %sub3A_2235 = vector.broadcast %sub3A_2234 : i32 to vector<16x1xi32>
      %sub3A_2236 = arith.subi %sub3A_2235, %bitcast_convert_type3A_2230 : vector<16x1xi32>
      %select_n3A_2237 = arith.select %ge3A_2233, %bitcast_convert_type3A_2230, %sub3A_2236 : vector<16x1xi1>, vector<16x1xi32>
      %add3A_2238 = arith.constant 1 : i32
      %add3A_2239 = vector.broadcast %add3A_2238 : i32 to vector<16x1xi32>
      %add3A_2240 = arith.addi %select_n3A_2237, %add3A_2239 : vector<16x1xi32>
      %ge3A_2241 = arith.constant 0 : i32
      %ge3A_2242 = vector.broadcast %ge3A_2241 : i32 to vector<16x1xi32>
      %ge3A_2243 = arith.cmpi sge, %add3A_2240, %ge3A_2242 : vector<16x1xi32>
      %sub3A_2244 = arith.constant -2147483648 : i32
      %sub3A_2245 = vector.broadcast %sub3A_2244 : i32 to vector<16x1xi32>
      %sub3A_2246 = arith.subi %sub3A_2245, %add3A_2240 : vector<16x1xi32>
      %select_n3A_2247 = arith.select %ge3A_2243, %add3A_2240, %sub3A_2246 : vector<16x1xi1>, vector<16x1xi32>
      %bitcast_convert_type3A_2248 = tpu.bitcast %select_n3A_2247 : vector<16x1xi32> -> vector<16x1xf32>
      %select_n3A_2249 = arith.select %and3A_2227, %bitcast_convert_type3A_2248, %while3A_1007 : vector<16x1xi1>, vector<16x1xf32>
      %select_n3A_2250 = arith.select %and3A_2223, %broadcast_in_dim3A_2207, %broadcast_in_dim3A_2210 : vector<16x1xi1>, vector<16x1xf32>
      %add3A_2251 = arith.constant 1 : i32
      %add3A_2252 = vector.broadcast %add3A_2251 : i32 to vector<16x1xi32>
      %add3A_2253 = arith.addi %broadcast_in_dim3A_2204, %add3A_2252 : vector<16x1xi32>
      %convert_element_type3A_2254 = arith.sitofp %add3A_2253 : vector<16x1xi32> to vector<16x1xf32>
      %log3A_2255 = math.log %convert_element_type3A_2254 : vector<16x1xf32>
      %log3A_2256 = arith.constant 2.000000e+00 : f32
      %log3A_2257 = math.log %log3A_2256 : f32
      %div3A_2258 = vector.broadcast %log3A_2257 : f32 to vector<16x1xf32>
      %div3A_2259 = arith.divf %log3A_2255, %div3A_2258 : vector<16x1xf32>
      %select_n3A_2260 = arith.select %and3A_2223, %div3A_2219, %div3A_2259 : vector<16x1xi1>, vector<16x1xf32>
      %select_n3A_2261 = arith.select %and3A, %while3A_1009, %while3A_1011 : vector<16x1xi1>, vector<16x1xf32>
      %select_n3A_2262 = arith.select %and3A, %while3A_1010, %while3A_1012 : vector<16x1xi1>, vector<16x1xf32>
      %select_n3A_2263 = arith.select %and3A, %select_n3A_2250, %while3A_1009 : vector<16x1xi1>, vector<16x1xf32>
      %select_n3A_2264 = arith.select %and3A, %select_n3A_2260, %while3A_1010 : vector<16x1xi1>, vector<16x1xf32>
      %add3A_2265 = arith.constant 1 : i32
      %add3A_2266 = arith.addi %while3A_1005, %add3A_2265 : i32
      scf.yield %add3A_2266, %select_n3A_2228, %select_n3A_2249, %select_n3A_2229, %select_n3A_2263, %select_n3A_2264, %select_n3A_2261, %select_n3A_2262 : i32, vector<16x1xf32>, vector<16x1xf32>, vector<16x1xi32>, vector<16x1xf32>, vector<16x1xf32>, vector<16x1xf32>, vector<16x1xf32>
    }
    %get3A_995 = arith.constant 0 : index
    %get3A_996 = arith.constant 0 : index
    %get3A_997 = vector.load %arg1[%get3A_995, %get3A_996] : memref<16x32768xf32, #tpu.memory_space<vmem>>, vector<16x32768xf32>
    %ge3A_998 = vector.broadcast %while3A_994#1 : vector<16x1xf32> to vector<16x32768xf32>
    %ge3A_999 = arith.cmpf oge, %get3A_997, %ge3A_998 : vector<16x32768xf32>
    %jit3A_1000 = arith.constant 0.000000e+00 : f32
    %broadcast_in_dim3A_1001 = vector.broadcast %jit3A_1000 : f32 to vector<16x32768xf32>
    %select_n3A_1002 = arith.select %ge3A_999, %get3A_997, %broadcast_in_dim3A_1001 : vector<16x32768xi1>, vector<16x32768xf32>
    %swap3A = arith.constant 0 : index
    %swap3A_1003 = arith.constant 0 : index
    %swap3A_1004 = vector.load %arg2[%swap3A, %swap3A_1003] : memref<16x32768xf32, #tpu.memory_space<vmem>>, vector<16x32768xf32>
    tpu.vector_store %arg2[%swap3A, %swap3A_1003], %select_n3A_1002 {strides = array<i32>} : memref<16x32768xf32, #tpu.memory_space<vmem>>, vector<16x32768xf32>,
    return
  }
  func.func @transform_0(%arg0: i32) -> (i32, i32) {
    %c0_i32 = arith.constant 0 : i32
    %c0_i32_0 = arith.constant 0 : i32
    return %arg0, %c0_i32 : i32, i32
  }
  func.func @transform_1(%arg0: i32) -> (i32, i32) {
    %c0_i32 = arith.constant 0 : i32
    %c0_i32_0 = arith.constant 0 : i32
    return %arg0, %c0_i32 : i32, i32
  }
}

</mosaic_0001>

<sc_bundles>
// kernel: kernel.4.cloned.1.call-start
scs
__scs_entry_jumppad:
0x0: {  	(pc) =	sbr.rel $0x88, $3  }
0x1: {  	(tag) =	ssettag $0x0;
	lr =	simm.s32 $0x1  }
0x2: {  	[smem:$0x3FA0] =	sst lr;
	_ =	strace $0xD0000000  }
0x3: {  	_ = 	snop  }
0x4: {  	_ = 	snop  }
0x5: {  	_ = 	snop  }
0x6: {  	_ = 	snop  }
0x7: {  	_ = 	snop  }
__scs_overlays_trampoline_lowered:
0x8: {  	[smem:$0x3FAF] =	sst s0  }
0x9: {  	[smem:$0x3FB0] =	sst s1  }
0xa: {  	[smem:$0x3FB1] =	sst s2  }
0xb: {  	[smem:$0x3FB2] =	sst s3  }
0xc: {  	[smem:$0x3FB3] =	sst s4  }
0xd: {  	[smem:$0x3FB4] =	sst s5  }
0xe: {  	[smem:$0x3FB5] =	sst s6  }
0xf: {  	[smem:$0x3FB6] =	sst s7  }
0x10: {  	[smem:$0x3FB7] =	sst s8  }
0x11: {  	[smem:$0x3FB8] =	sst s9;
	s0 =	simm.s32 @!p0 $0x0  }
0x12: {  	s1 =	sld [smem:$0x3F9E];
	s0 =	simm.s32 @p0 $0x1  }
0x13: {  	[smem:$0x3FB9] =	sst s0;
	s0 =	simm.s32 @!p1 $0x0  }
0x14: {  	s2 =	sld [smem:$0x3F9D];
	s0 =	simm.s32 @p1 $0x1  }
0x15: {  	[smem:$0x3FBA] =	sst s0;
	s0 =	simm.s32 @!p2 $0x0  }
0x16: {  	s3 =	sld [smem:$0x3FDB];
	s0 =	simm.s32 @p2 $0x1  }
0x17: {  	s4 =	simm.s32 $0x1BF5;
	[smem:$0x3FBC] =	sst s0  }
0x18: {  	s0 =	sld [smem:$0x3F9F];
	_ =	swait.ge [sflag:s4], $0x0  }
0x19: {  	s7 =	sld [smem:$0x3FA0]  }
0x1a: {  	s8 =	sadd.s32 $0xFFFFE003, lr  }
0x1b: {  	s9 =	sadd.s32 $0xFFFFFEF7, lr;
	s5 =	simm.s32 $0xFFFFFFFF;
	p2 =	slt.u32 s8, $0xFFFFF086  }
0x1c: {  	p1 =	slt.u32 s9, $0xF7A;
	s5 =	simm.s32 @!p2 $0x0  }
0x1d: {  	s5 =	simm.s32 @p1 $0x1;
	p0 =	seq.s32 s7, s2  }
0x1e: {  	s7 =	smul.u32 @!p0 $0xF7A, s2;
	p2 =	seq.s32 @!p0 s5, $0x0  }
0x1f: {  	s9 =	smul.u32 $0xF7A, s1;
	s8 =	simm.s32 @!p0 $0x1BF5;
	p2 =	por !p2, p0  }
0x20: {  	[sflag:s8] =	ssyncset.s32 @!p0 $0xFFFFF086;
	s6 =	sadd.s32 @!p0 s3, s7;
	s7 =	simm.s32 @!p0 $0x108  }
0x21: {  	s3 =	sadd.s32 s3, s9;
	s6 =	sadd.s32 @!p0 $0x88, s6;
	s7 =	simm.s32 @p2 $0x1082  }
0x22: {  	[simem:s7], [sflag:s8] =	dma.local @!p0 [hbm:s6], $0xF7A  }
0x23: {  	s9 =	sor.u32 $0xD0000000, s2;
	s6 =	simm.s32 $0x108;
	_ =	swait.ge @!p0 [sflag:s8], $0x0  }
0x24: {  	s3 =	sadd.s32 $0x88, s3;
	s6 =	simm.s32 @!p1 $0x1082;
	[sflag:s4] =	ssyncset.s32 $0xFFFFF086  }
0x25: {  	[simem:s6], [sflag:s4] =	dma.local [hbm:s3], $0xF7A  }
0x26: {  	[smem:$0x3FA0] =	sst s1;
	(tag) =	ssettag s2;
	_ =	strace s9  }
0x27: {  	s1 =	sld [smem:$0x3FB0]  }
0x28: {  	s2 =	sld [smem:$0x3FB1]  }
0x29: {  	s4 =	sld [smem:$0x3FB3]  }
0x2a: {  	p0 =	seq.s32 s5, $0x0;
	s5 =	sld [smem:$0x3FB4]  }
0x2b: {  	s6 =	sld [smem:$0x3FB5]  }
0x2c: {  	s7 =	sld [smem:$0x3FB6]  }
0x2d: {  	s3 =	simm.s32 $0x108;
	s8 =	sld [smem:$0x3FB7]  }
0x2e: {  	s3 =	simm.s32 @!p0 $0x1082;
	s9 =	sld [smem:$0x3FB8]  }
0x2f: {  	lr =	sadd.s32 s0, s3;
	s0 =	sld [smem:$0x3FAF]  }
0x30: {  	s3 =	sld [smem:$0x3FB2]  }
0x31: {  	[smem:$0x3FBB] =	sst s10  }
0x32: {  	s10 =	sld [smem:$0x3FB9];
	_ =	sdelay $0x3  }
0x33: {  	p0 =	seq.s32 s10, $0x1;
	s10 =	sld [smem:$0x3FBB];
	_ =	sdelay $0x3  }
0x34: {  	[smem:$0x3FBB] =	sst s10  }
0x35: {  	s10 =	sld [smem:$0x3FBA];
	_ =	sdelay $0x3  }
0x36: {  	p1 =	seq.s32 s10, $0x1;
	s10 =	sld [smem:$0x3FBB];
	_ =	sdelay $0x3  }
0x37: {  	[smem:$0x3FBB] =	sst s10  }
0x38: {  	s10 =	sld [smem:$0x3FBC]  }
0x39: {  	_ = 	snop;
	(pc) =	sbr.ind lr, $3  }
0x3a: {  	_ = 	snop  }
0x3b: {  	_ = 	snop  }
0x3c: {  	p2 =	seq.s32 s10, $0x1;
	s10 =	sld [smem:$0x3FBB]  }
0x3d: {  	_ =	shalt  }
0x3e: {  	_ =	shalt  }
0x3f: {  	_ =	shalt  }
0x40: {  	_ =	shalt  }
0x41: {  	_ =	shalt  }
0x42: {  	_ =	shalt  }
0x43: {  	_ =	shalt  }
0x44: {  	_ =	shalt  }
0x45: {  	_ =	shalt  }
0x46: {  	_ =	shalt  }
0x47: {  	_ =	shalt  }
0x48: {  	_ =	shalt  }
0x49: {  	_ =	shalt  }
0x4a: {  	_ =	shalt  }
0x4b: {  	_ =	shalt  }
0x4c: {  	_ =	shalt  }
0x4d: {  	_ =	shalt  }
0x4e: {  	_ =	shalt  }
0x4f: {  	_ =	shalt  }
0x50: {  	_ =	shalt  }
0x51: {  	_ =	shalt  }
0x52: {  	_ =	shalt  }
0x53: {  	_ =	shalt  }
0x54: {  	_ =	shalt  }
0x55: {  	_ =	shalt  }
0x56: {  	_ =	shalt  }
0x57: {  	_ =	shalt  }
0x58: {  	_ =	shalt  }
0x59: {  	_ =	shalt  }
0x5a: {  	_ =	shalt  }
0x5b: {  	_ =	shalt  }
0x5c: {  	_ =	shalt  }
0x5d: {  	_ =	shalt  }
0x5e: {  	_ =	shalt  }
0x5f: {  	_ =	shalt  }
0x60: {  	_ =	shalt  }
0x61: {  	_ =	shalt  }
0x62: {  	_ =	shalt  }
0x63: {  	_ =	shalt  }
0x64: {  	_ =	shalt  }
0x65: {  	_ =	shalt  }
0x66: {  	_ =	shalt  }
0x67: {  	_ =	shalt  }
0x68: {  	_ =	shalt  }
0x69: {  	_ =	shalt  }
0x6a: {  	_ =	shalt  }
0x6b: {  	_ =	shalt  }
0x6c: {  	_ =	shalt  }
0x6d: {  	_ =	shalt  }
0x6e: {  	_ =	shalt  }
0x6f: {  	_ =	shalt  }
0x70: {  	_ =	shalt  }
0x71: {  	_ =	shalt  }
0x72: {  	_ =	shalt  }
0x73: {  	_ =	shalt  }
0x74: {  	_ =	shalt  }
0x75: {  	_ =	shalt  }
0x76: {  	_ =	shalt  }
0x77: {  	_ =	shalt  }
0x78: {  	_ =	shalt  }
0x79: {  	_ =	shalt  }
0x7a: {  	_ =	shalt  }
0x7b: {  	_ =	shalt  }
0x7c: {  	_ =	shalt  }
0x7d: {  	_ =	shalt  }
0x7e: {  	_ =	shalt  }
0x7f: {  	_ =	shalt  }
0x80: {  	_ =	shalt  }
0x81: {  	_ =	shalt  }
0x82: {  	_ =	shalt  }
0x83: {  	_ =	shalt  }
0x84: {  	_ =	shalt  }
0x85: {  	_ =	shalt  }
0x86: {  	_ =	shalt  }
0x87: {  	_ =	shalt  }
.Lfunc_end0:
.L_simem_size_0:
called_computation_lowered:
.L_overlay_start_0:
0x88: {  	s2 =	sld [smem:$0x3FD9]  }
0x89: {  	s3 =	sld [smem:$0x3FFE];
	_ =	sdelay $0x1  }
0x8a: {  	s1 =	srdreg.scid  }
0x8b: {  	s0 =	sand.u32 $0x1, s1  }
0x8c: {  	s17 =	sshll.u32 s0, $0xA;
	s2 =	sadd.s32 s3, s2  }
0x8d: {  	s2 =	sadd.s32 s2, s17  }
0x8e: {  	[smem:$0x3FC7] =	sst s2  }
0x8f: {  	_ = 	snop  }
0x90: {  	s2 =	sld [smem:$0x3FC9];
	(tm) =	ssettm $0x1  }
0x91: {  	s18 =	sld [smem:$0x3FFB];
	_ =	sdelay $0x3  }
0x92: {  	_ =	strace s18  }
0x93: {  	s3 =	sld [smem:$0x3FFC];
	_ =	sdelay $0x3  }
0x94: {  	_ =	strace s3  }
0x95: {  	s3 =	sld [smem:$0x3FFD];
	_ =	sdelay $0x3  }
0x96: {  	_ =	strace s3  }
0x97: {  	_ =	strace $0x8FFFFFFF  }
0x98: {  	s19 =	sld [smem:$0x3FDB];
	_ =	sdelay $0x1  }
0x99: {  	s4 =	simm.s32 $_scs_section_size  }
0x9a: {  	s5 =	simm.s32 $_size__tile_overlayer_lowered;
	s6 =	simm.s32 $_tile_overlayer_lowered  }
0x9b: {  	s22 =	simm.s32 $0x1BFF;
	s21 =	sshll.u32 s6, $0x1;
	s3 =	sadd.s32 s4, s19  }
0x9c: {  	s7 =	simm.s32 $0x0;
	s20 =	sshll.u32 s5, $0x1;
	s5 =	sadd.s32 s21, s3  }
0x9d: {  	[timem:s7], [sflag:s22] =	dma.local [hbm:s5], s20  }
0x9e: {  	_ =	swait.ge [sflag:s22], s20  }
0x9f: {  	s4 =	ssub.s32 $0x0, s20;
	[sflag:s22] =	ssyncset.done $0x0  }
0xa0: {  	[sflag:s22] =	ssyncadd.s32 s4;
	_ =	sdelay $0x1  }
0xa1: {  	s23 =	simm.s32 $0x1B8B  }
0xa2: {  	_ =	swait.ge [sflag:s23], $0x1  }
0xa3: {  	[sflag:s23] =	ssyncset.done $0x0  }
0xa4: {  	s25 =	simm.s32 $0x1B8E;
	s24 =	sld [smem:$0x3FFE];
	[sflag:s23] =	ssyncadd.s32 $0xFFFFFFFF  }
0xa5: {  	s26 =	simm.s32 $execute0_lowered;
	[smem:$0x3FD2] =	sst s25  }
0xa6: {  	s5 =	sshll.u32 s26, $0x1;
	_ =	strace $0x80000046;
	[dreg:$0x1] =	wrdreg $0xFFFFFFFF  }
0xa7: {  	s28 =	simm.s32 $_size_execute0_lowered;
	s3 =	sadd.s32 s3, s5;
	[dreg:$0x0] =	wrdreg $0x0  }
0xa8: {  	s5 =	sshll.u32 s28, $0x1;
	[dreg:$0x2] =	wrdreg s3  }
0xa9: {  	[dreg:$0x3] =	wrdreg s5  }
0xaa: {  	[dreg:$0x4] =	wrdreg $0xC0  }
0xab: {  	_ =	task [dreg:s7], $0x5FFFF  }
0xac: {  	[dreg:$0x1] =	wrdreg $0xFFFFFFFF  }
0xad: {  	[dreg:$0x0] =	wrdreg $0x60  }
0xae: {  	[dreg:$0x2] =	wrdreg s2  }
0xaf: {  	[dreg:$0x3] =	wrdreg s24  }
0xb0: {  	[dreg:$0x4] =	wrdreg $0x9  }
0xb1: {  	_ =	task.clear_ibuf [dreg:s7], $0x5FFFF;
	_ =	strace $0x90000046  }
0xb2: {  	s29 =	simm.s32 $0x9;
	_ =	strace $0x80000048  }
0xb3: {  	_ =	swait.ge [sflag:s29], $0x1  }
0xb4: {  	[sflag:s29] =	ssyncadd.s32 $0xFFFFFFFF  }
0xb5: {  	_ =	strace $0x90000048  }
0xb6: {  	_ =	sfence  }
0xb7: {  	s30 =	sld [smem:$0x0];
	_ =	sdelay $0x2  }
0xb8: {  	s31 =	sshll.u32 s1, $0xD;
	s1 =	sshrl.u32 s1, $0x2  }
0xb9: {  	s3 =	sand.u32 $0x4000, s31;
	s1 =	sadd.s32 s1, s30  }
0xba: {  	s0 =	sor.u32 s3, s0;
	s1 =	sshll.u32 s1, $0x11  }
0xbb: {  	s0 =	sor.u32 s1, s0  }
0xbc: {  	s0 =	sadd.s32 $0x8F2B, s0  }
0xbd: {  	[sflag:s0] =	ssyncadd.remote.s32 $0x1  }
0xbe: {  	_ =	sfence.sel $0xFFFF  }
0xbf: {  	[dreg:$0x0] =	wrdreg $0xFFFFFFFF;
	(pc) =	sbr.abs _section_cstart, $3  }
0xc0: {  	[dreg:$0x1] =	wrdreg $0xFFFFFFFF  }
0xc1: {  	_ =	task.clear_ibuf [dreg:s7], $0x2FFFF;
	_ =	strace $0x9FFFFFFF  }
0xc2: {  	(tm) =	ssettm $0x7FFFFFFF  }
0xc3: {  	_ =	shalt  }
tec
execute0_lowered:
.L_overlay_start_1:
0x0: {  	(tag) =	ssettag $0x1  }
0x1: {  	s1 =	srdreg.scid  }
0x2: {  	s1 =	sand.u32 $0x1, s1  }
0x3: {  	p0 =	seq.s32 s1, $0x1  }
.Ltmp0:
0x4: {  	_ = 	snop;
	(pc) =	sbr.rel @p0 .LBB2_15-.Ltmp0, $4  }
0x5: {  	s3 =	rddreg [dreg:$0x0]  }
0x6: {  	s2 =	rddreg [dreg:$0x1];
	s4 =	simm.s32 $0x0  }
0x7: {  	[smem:$0x7FF] =	sst s4  }
0x8: {  	s0 =	rddreg [dreg:$0x2];
	_ =	strace $0x80000047;
	s1 =	stileid.u32  }
0x9: {  	s5 =	sshll.u32 s1, $0xC;
	s6 =	sshll.u32 s1, $0x4  }
0xa: {  	s5 =	sor.u32 s6, s5  }
0xb: {  	s5 =	sand.u32 $0x8070, s5  }
0xc: {  	s30 =	simm.s32 $0x80;
	s3 =	sadd.s32 s5, s3  }
0xd: {  	s7 =	simm.s32 $0x400;
	s31 =	simm.s32 $0x1;
	s3 =	sadd.s32 $0x70000, s3  }
0xe: {  	[tilespmem:s4], [sflag:$0x1] =	stream.strided.gather [hbm4b:s3+s30], $0x8000, s7, s30, $0x38;
	[tilespmem:$0x8800] =	vst v63  }
0xf: {  	_ =	swait.ge [sflag:s31], $0x8000  }
0x10: {  	[sflag:s31] =	ssyncset.done $0x0  }
0x11: {  	[sflag:s31] =	ssyncadd.s32 $0xFFFF8000  }
0x12: {  	v0 =	vld [tilespmem:s30+$0x40]  }
0x13: {  	v1 =	vld [tilespmem:s30+$0x50]  }
0x14: {  	v2 =	vld [tilespmem:s30+$0x60]  }
0x15: {  	v4 =	vld [tilespmem:s30+$0x0]  }
0x16: {  	v3 =	vld [tilespmem:s30+$0x10]  }
0x17: {  	v5 =	vld [tilespmem:s30+$0x20]  }
0x18: {  	v9 =	vld [tilespmem:s30+$0xFFFFFFC0]  }
0x19: {  	v6 =	vld [tilespmem:s30+$0xFFFFFFD0]  }
0x1a: {  	v10 =	vld [tilespmem:s30+$0xFFFFFF80]  }
0x1b: {  	v8 =	vld [tilespmem:s30+$0xFFFFFFE0]  }
0x1c: {  	v13 =	vld [tilespmem:s30+$0xFFFFFF90]  }
0x1d: {  	v15 =	vld [tilespmem:s30+$0xFFFFFFA0]  }
0x1e: {  	v7 =	vimm.f32 $-Inf;
	v16 =	vld [tilespmem:s30+$0xFFFFFFB0]  }
0x1f: {  	v14 =	vld [tilespmem:s30+$0xFFFFFFF0];
	v10 =	vmax.f32 v7, v10  }
0x20: {  	s2 =	sadd.s32 s5, s2;
	v12 =	vld [tilespmem:s30+$0x30];
	v9 =	vmax.f32 v10, v9  }
0x21: {  	v11 =	vimm.f32 $-Inf;
	s2 =	sadd.s32 $0x600, s2;
	s3 =	simm.s32 $0x0;
	s4 =	simm.s32 $0x180;
	v10 =	vimm.f32 $-Inf;
	v17 =	vmax.f32 v9, v4;
	v9 =	vld [tilespmem:s30+$0x70]  }
.LBB2_2:
0x22: {  	v4 =	vmax.f32 v17, v0;
	v0 =	vld [tilespmem:s4+$0x40]  }
0x23: {  	v7 =	vmax.f32 v7, v13;
	v10 =	vmax.f32 v10, v15;
	v17 =	vld [tilespmem:s4+$0x50];
	v11 =	vmax.f32 v11, v16  }
0x24: {  	v6 =	vmax.f32 v7, v6;
	v7 =	vmax.f32 v10, v8;
	v13 =	vld [tilespmem:s4+$0x60];
	v8 =	vmax.f32 v11, v14  }
0x25: {  	v6 =	vmax.f32 v6, v3;
	v5 =	vmax.f32 v7, v5;
	v18 =	vld [tilespmem:s4+$0x0];
	v8 =	vmax.f32 v8, v12  }
0x26: {  	v7 =	vmax.f32 v6, v1;
	v10 =	vmax.f32 v5, v2;
	v3 =	vld [tilespmem:s4+$0x10];
	v11 =	vmax.f32 v8, v9  }
0x27: {  	v5 =	vld [tilespmem:s4+$0x20]  }
0x28: {  	v9 =	vld [tilespmem:s4+$0xFFFFFFC0];
	v1 =	vmov v17  }
0x29: {  	v6 =	vld [tilespmem:s4+$0xFFFFFFD0];
	v2 =	vmov v13  }
0x2a: {  	v12 =	vld [tilespmem:s4+$0xFFFFFF80]  }
0x2b: {  	s3 =	sadd.s32 $0x4, s3;
	v8 =	vld [tilespmem:s4+$0xFFFFFFE0]  }
0x2c: {  	p0 =	slt.u32 s3, $0x1FC;
	v13 =	vld [tilespmem:s4+$0xFFFFFF90]  }
.Ltmp1:
0x2d: {  	v15 =	vld [tilespmem:s4+$0xFFFFFFA0];
	(pc) =	sbr.rel @p0 .LBB2_2-.Ltmp1, $4  }
0x2e: {  	v16 =	vld [tilespmem:s4+$0xFFFFFFB0]  }
0x2f: {  	v4 =	vmax.f32 v4, v12;
	v14 =	vld [tilespmem:s4+$0xFFFFFFF0]  }
0x30: {  	v4 =	vmax.f32 v4, v9;
	v12 =	vld [tilespmem:s4+$0x30]  }
0x31: {  	v17 =	vmax.f32 v4, v18;
	v9 =	vld [tilespmem:s4+$0x70];
	s4 =	sadd.s32 $0x100, s4  }
0x32: {  	s3 =	simm.s32 $0x8040;
	v4 =	vimm.f32 $-Inf  }
0x33: {  	[tilespmem:s3+$0xFFFFFFC0] =	vst v4  }
0x34: {  	[tilespmem:s3+$0x30] =	vst v4  }
0x35: {  	v0 =	vmax.f32 v17, v0;
	[tilespmem:s3+$0x20] =	vst v4  }
0x36: {  	v7 =	vmax.f32 v7, v13;
	v10 =	vmax.f32 v10, v15;
	v11 =	vmax.f32 v11, v16;
	[tilespmem:s3+$0x10] =	vst v4  }
0x37: {  	v6 =	vmax.f32 v7, v6;
	v7 =	vmax.f32 v10, v8;
	[tilespmem:s3+$0x0] =	vst v4;
	v63 =	vmax.f32 v11, v14  }
0x38: {  	[tilespmem:s3+$0xFFFFFFF0] =	vst v4;
	v3 =	vmax.f32 v6, v3;
	v5 =	vmax.f32 v7, v5;
	v6 =	vmax.f32 v63, v12  }
0x39: {  	s4 =	simm.s32 $0x0;
	[tilespmem:s3+$0xFFFFFFE0] =	vst v4;
	v1 =	vmax.f32 v3, v1;
	v2 =	vmax.f32 v5, v2;
	v3 =	vmax.f32 v6, v9  }
.LBB2_4:
0x3a: {  	s4 =	sadd.s32 $0x8, s4;
	[tilespmem:s3+$0xFFFFFFD0] =	vst v4;
	s3 =	sadd.s32 $0x80, s3  }
0x3b: {  	[tilespmem:s3+$0xFFFFFFC0] =	vst v4;
	p0 =	slt.u32 s4, $0x78  }
0x3c: {  	[tilespmem:s3+$0x30] =	vst v4  }
.Ltmp2:
0x3d: {  	[tilespmem:s3+$0x20] =	vst v4;
	(pc) =	sbr.rel @p0 .LBB2_4-.Ltmp2, $4  }
0x3e: {  	[tilespmem:s3+$0x10] =	vst v4  }
0x3f: {  	[tilespmem:s3+$0x0] =	vst v4  }
0x40: {  	[tilespmem:s3+$0xFFFFFFF0] =	vst v4  }
0x41: {  	[tilespmem:s3+$0xFFFFFFE0] =	vst v4  }
0x42: {  	v5 =	vmin.f32 v0, v1;
	v6 =	vmin.f32 v2, v3  }
0x43: {  	v5 =	vmin.f32 v5, v6  }
0x44: {  	(v2sf) =	vpush v5, $0x0  }
0x45: {  	(v2sf) =	vpush v5, $0x1  }
0x46: {  	(v2sf) =	vpush v5, $0x2  }
0x47: {  	(v2sf) =	vpush v5, $0x3  }
0x48: {  	(v2sf) =	vpush v5, $0x4  }
0x49: {  	(v2sf) =	vpush v5, $0x5  }
0x4a: {  	(v2sf) =	vpush v5, $0x6  }
0x4b: {  	(v2sf) =	vpush v5, $0x7  }
0x4c: {  	(v2sf) =	vpush v5, $0x8  }
0x4d: {  	(v2sf) =	vpush v5, $0x9  }
0x4e: {  	(v2sf) =	vpush v5, $0xA  }
0x4f: {  	(v2sf) =	vpush v5, $0xB  }
0x50: {  	(v2sf) =	vpush v5, $0xC  }
0x51: {  	(v2sf) =	vpush v5, $0xD  }
0x52: {  	(v2sf) =	vpush v5, $0xE  }
0x53: {  	s4 =	spop (v2sf);
	(v2sf) =	vpush v5, $0xF  }
0x54: {  	s5 =	spop (v2sf)  }
0x55: {  	s6 =	spop (v2sf);
	s4 =	smin.f32 s4, s5  }
0x56: {  	s9 =	spop (v2sf);
	s4 =	smin.f32 s4, s6  }
0x57: {  	s10 =	spop (v2sf);
	s4 =	smin.f32 s4, s9  }
0x58: {  	s11 =	spop (v2sf);
	s4 =	smin.f32 s4, s10  }
0x59: {  	s12 =	spop (v2sf);
	s4 =	smin.f32 s4, s11  }
0x5a: {  	s13 =	spop (v2sf);
	s4 =	smin.f32 s4, s12  }
0x5b: {  	s14 =	spop (v2sf);
	s4 =	smin.f32 s4, s13  }
0x5c: {  	s15 =	spop (v2sf);
	s4 =	smin.f32 s4, s14  }
0x5d: {  	s16 =	spop (v2sf);
	s4 =	smin.f32 s4, s15  }
0x5e: {  	s17 =	spop (v2sf);
	s4 =	smin.f32 s4, s16  }
0x5f: {  	[tilespmem:s3+$0xFFFFFFD0] =	vst v4;
	s20 =	simm.s32 $0x40;
	s18 =	spop (v2sf);
	s19 =	smin.f32 s4, s17  }
0x60: {  	v5 =	vld [tilespmem:s20+$0xFFFFFFC0];
	s21 =	spop (v2sf);
	s3 =	smin.f32 s19, s18  }
0x61: {  	s3 =	smin.f32 s3, s21;
	s22 =	spop (v2sf)  }
0x62: {  	s3 =	smin.f32 s3, s22;
	s23 =	spop (v2sf)  }
0x63: {  	s3 =	smin.f32 s3, s23  }
0x64: {  	p0 =	por $0x1, $0x1;
	s5 =	simm.s32 $0x0;
	v4 =	vmov s3  }
0x65: {  	s5 =	simm.s32 @!p0 $0x7F0;
	vm0 =	vge.f32 v5, v4  }
0x66: {  	v6 =	vmpcnt.ones.xlane vm0;
	[tilespmem:s5+$0x8000] =	vst.msk vm0, v5  }
0x67: {  	v5 =	vld [tilespmem:s20+$0xFFFFFFD0]  }
0x68: {  	(v2sf) =	vpush v6, $0x0;
	_ =	sdelay $0x3  }
0x69: {  	vm9 =	vge.f32 v5, v4  }
0x6a: {  	v6 =	vmpcnt.ones.xlane vm9;
	_ =	sdelay $0x1  }
0x6b: {  	(v2sf) =	vpush v6, $0x0;
	_ =	sdelay $0x7  }
0x6c: {  	s24 =	spop (v2sf)  }
0x6d: {  	s5 =	sadd.s32 $0x0, s24  }
0x6e: {  	p0 =	slt.s32 s5, $0x7F0;
	s6 =	smov.u32 s5  }
0x6f: {  	s6 =	simm.s32 @!p0 $0x7F0  }
0x70: {  	[tilespmem:s6+$0x8000] =	vst.msk vm9, v5  }
0x71: {  	v5 =	vld [tilespmem:s20+$0xFFFFFFE0];
	_ =	sdelay $0x1  }
0x72: {  	s25 =	spop (v2sf)  }
0x73: {  	s5 =	sadd.s32 s5, s25  }
0x74: {  	p0 =	slt.s32 s5, $0x7F0;
	s6 =	smov.u32 s5  }
0x75: {  	vm10 =	vge.f32 v5, v4;
	s6 =	simm.s32 @!p0 $0x7F0  }
0x76: {  	v6 =	vmpcnt.ones.xlane vm10;
	[tilespmem:s6+$0x8000] =	vst.msk vm10, v5  }
0x77: {  	v5 =	vld [tilespmem:s20+$0xFFFFFFF0]  }
0x78: {  	(v2sf) =	vpush v6, $0x0;
	_ =	sdelay $0x3  }
0x79: {  	vm11 =	vge.f32 v5, v4  }
0x7a: {  	v6 =	vmpcnt.ones.xlane vm11;
	_ =	sdelay $0x1  }
0x7b: {  	(v2sf) =	vpush v6, $0x0;
	_ =	sdelay $0x7  }
0x7c: {  	s26 =	spop (v2sf)  }
0x7d: {  	s5 =	sadd.s32 s5, s26  }
0x7e: {  	p0 =	slt.s32 s5, $0x7F0;
	s6 =	smov.u32 s5  }
0x7f: {  	s6 =	simm.s32 @!p0 $0x7F0  }
0x80: {  	[tilespmem:s6+$0x8000] =	vst.msk vm11, v5  }
0x81: {  	v5 =	vld [tilespmem:s20+$0x0];
	_ =	sdelay $0x1  }
0x82: {  	s28 =	spop (v2sf)  }
0x83: {  	s5 =	sadd.s32 s5, s28  }
0x84: {  	p0 =	slt.s32 s5, $0x7F0;
	s6 =	smov.u32 s5  }
0x85: {  	vm12 =	vge.f32 v5, v4;
	s6 =	simm.s32 @!p0 $0x7F0  }
0x86: {  	v6 =	vmpcnt.ones.xlane vm12;
	[tilespmem:s6+$0x8000] =	vst.msk vm12, v5  }
0x87: {  	v5 =	vld [tilespmem:s20+$0x10]  }
0x88: {  	(v2sf) =	vpush v6, $0x0;
	_ =	sdelay $0x3  }
0x89: {  	vm13 =	vge.f32 v5, v4  }
0x8a: {  	v6 =	vmpcnt.ones.xlane vm13;
	_ =	sdelay $0x1  }
0x8b: {  	(v2sf) =	vpush v6, $0x0;
	_ =	sdelay $0x7  }
0x8c: {  	s29 =	spop (v2sf)  }
0x8d: {  	s5 =	sadd.s32 s5, s29  }
0x8e: {  	p0 =	slt.s32 s5, $0x7F0;
	s6 =	smov.u32 s5  }
0x8f: {  	s6 =	simm.s32 @!p0 $0x7F0  }
0x90: {  	[tilespmem:s6+$0x8000] =	vst.msk vm13, v5  }
0x91: {  	v5 =	vld [tilespmem:s20+$0x20];
	_ =	sdelay $0x1  }
0x92: {  	s30 =	spop (v2sf)  }
0x93: {  	s5 =	sadd.s32 s5, s30  }
0x94: {  	p0 =	slt.s32 s5, $0x7F0;
	s6 =	smov.u32 s5  }
0x95: {  	vm14 =	vge.f32 v5, v4;
	s6 =	simm.s32 @!p0 $0x7F0  }
0x96: {  	[tilespmem:s6+$0x8000] =	vst.msk vm14, v5;
	v6 =	vmpcnt.ones.xlane vm14  }
0x97: {  	v5 =	vld [tilespmem:s20+$0x30]  }
0x98: {  	(v2sf) =	vpush v6, $0x0;
	_ =	sdelay $0x3  }
0x99: {  	vm15 =	vge.f32 v5, v4  }
0x9a: {  	v6 =	vmpcnt.ones.xlane vm15;
	_ =	sdelay $0x1  }
0x9b: {  	(v2sf) =	vpush v6, $0x0;
	_ =	sdelay $0x7  }
0x9c: {  	s31 =	spop (v2sf)  }
0x9d: {  	s6 =	sadd.s32 s5, s31  }
0x9e: {  	p0 =	slt.s32 s6, $0x7F0;
	s4 =	smov.u32 s6  }
0x9f: {  	s4 =	simm.s32 @!p0 $0x7F0  }
0xa0: {  	[tilespmem:s4+$0x8000] =	vst.msk vm15, v5;
	s4 =	simm.s32 $0xC0  }
0xa1: {  	v5 =	vld [tilespmem:s4+$0xFFFFFFC0];
	_ =	sdelay $0x1  }
0xa2: {  	s5 =	simm.s32 $0x8;
	s7 =	spop (v2sf)  }
.LBB2_6:
0xa3: {  	s5 =	sadd.s32 $0x8, s5;
	s6 =	sadd.s32 s6, s7  }
0xa4: {  	p0 =	slt.u32 s5, $0x7F8;
	p1 =	slt.s32 s6, $0x7F0;
	s7 =	smov.u32 s6  }
0xa5: {  	vm0 =	vge.f32 v5, v4;
	s7 =	simm.s32 @!p1 $0x7F0  }
0xa6: {  	v6 =	vmpcnt.ones.xlane vm0;
	[tilespmem:s7+$0x8000] =	vst.msk vm0, v5  }
0xa7: {  	v5 =	vld [tilespmem:s4+$0xFFFFFFD0]  }
0xa8: {  	(v2sf) =	vpush v6, $0x0;
	_ =	sdelay $0x3  }
0xa9: {  	vm0 =	vge.f32 v5, v4  }
0xaa: {  	v6 =	vmpcnt.ones.xlane vm0;
	_ =	sdelay $0x1  }
0xab: {  	(v2sf) =	vpush v6, $0x0;
	_ =	sdelay $0x7  }
0xac: {  	s7 =	spop (v2sf)  }
0xad: {  	s6 =	sadd.s32 s6, s7  }
0xae: {  	p1 =	slt.s32 s6, $0x7F0;
	s7 =	smov.u32 s6  }
0xaf: {  	s7 =	simm.s32 @!p1 $0x7F0  }
0xb0: {  	[tilespmem:s7+$0x8000] =	vst.msk vm0, v5  }
0xb1: {  	v5 =	vld [tilespmem:s4+$0xFFFFFFE0];
	_ =	sdelay $0x1  }
0xb2: {  	s7 =	spop (v2sf)  }
0xb3: {  	s6 =	sadd.s32 s6, s7  }
0xb4: {  	p1 =	slt.s32 s6, $0x7F0;
	s7 =	smov.u32 s6  }
0xb5: {  	vm0 =	vge.f32 v5, v4;
	s7 =	simm.s32 @!p1 $0x7F0  }
0xb6: {  	v6 =	vmpcnt.ones.xlane vm0;
	[tilespmem:s7+$0x8000] =	vst.msk vm0, v5  }
0xb7: {  	v5 =	vld [tilespmem:s4+$0xFFFFFFF0]  }
0xb8: {  	(v2sf) =	vpush v6, $0x0;
	_ =	sdelay $0x3  }
0xb9: {  	vm0 =	vge.f32 v5, v4  }
0xba: {  	v6 =	vmpcnt.ones.xlane vm0;
	_ =	sdelay $0x1  }
0xbb: {  	(v2sf) =	vpush v6, $0x0;
	_ =	sdelay $0x7  }
0xbc: {  	s7 =	spop (v2sf)  }
0xbd: {  	s6 =	sadd.s32 s6, s7  }
0xbe: {  	p1 =	slt.s32 s6, $0x7F0;
	s7 =	smov.u32 s6  }
0xbf: {  	s7 =	simm.s32 @!p1 $0x7F0  }
0xc0: {  	[tilespmem:s7+$0x8000] =	vst.msk vm0, v5  }
0xc1: {  	v5 =	vld [tilespmem:s4+$0x0];
	_ =	sdelay $0x1  }
0xc2: {  	s7 =	spop (v2sf)  }
0xc3: {  	s6 =	sadd.s32 s6, s7  }
0xc4: {  	p1 =	slt.s32 s6, $0x7F0;
	s7 =	smov.u32 s6  }
0xc5: {  	vm0 =	vge.f32 v5, v4;
	s7 =	simm.s32 @!p1 $0x7F0  }
0xc6: {  	v6 =	vmpcnt.ones.xlane vm0;
	[tilespmem:s7+$0x8000] =	vst.msk vm0, v5  }
0xc7: {  	v5 =	vld [tilespmem:s4+$0x10]  }
0xc8: {  	(v2sf) =	vpush v6, $0x0;
	_ =	sdelay $0x3  }
0xc9: {  	vm0 =	vge.f32 v5, v4  }
0xca: {  	v6 =	vmpcnt.ones.xlane vm0;
	_ =	sdelay $0x1  }
0xcb: {  	(v2sf) =	vpush v6, $0x0;
	_ =	sdelay $0x7  }
0xcc: {  	s7 =	spop (v2sf)  }
0xcd: {  	s6 =	sadd.s32 s6, s7  }
0xce: {  	p1 =	slt.s32 s6, $0x7F0;
	s7 =	smov.u32 s6  }
0xcf: {  	s7 =	simm.s32 @!p1 $0x7F0  }
0xd0: {  	[tilespmem:s7+$0x8000] =	vst.msk vm0, v5  }
0xd1: {  	v5 =	vld [tilespmem:s4+$0x20];
	_ =	sdelay $0x1  }
0xd2: {  	s7 =	spop (v2sf)  }
0xd3: {  	s6 =	sadd.s32 s6, s7  }
0xd4: {  	p1 =	slt.s32 s6, $0x7F0;
	s7 =	smov.u32 s6  }
0xd5: {  	vm0 =	vge.f32 v5, v4;
	s7 =	simm.s32 @!p1 $0x7F0  }
0xd6: {  	v6 =	vmpcnt.ones.xlane vm0;
	[tilespmem:s7+$0x8000] =	vst.msk vm0, v5  }
0xd7: {  	v5 =	vld [tilespmem:s4+$0x30]  }
0xd8: {  	(v2sf) =	vpush v6, $0x0;
	_ =	sdelay $0x3  }
0xd9: {  	vm0 =	vge.f32 v5, v4  }
0xda: {  	v6 =	vmpcnt.ones.xlane vm0;
	_ =	sdelay $0x1  }
0xdb: {  	(v2sf) =	vpush v6, $0x0;
	_ =	sdelay $0x7  }
0xdc: {  	s7 =	spop (v2sf)  }
0xdd: {  	s6 =	sadd.s32 s6, s7  }
0xde: {  	p1 =	slt.s32 s6, $0x7F0;
	s7 =	smov.u32 s6  }
.Ltmp3:
0xdf: {  	s7 =	simm.s32 @!p1 $0x7F0;
	(pc) =	sbr.rel @p0 .LBB2_6-.Ltmp3, $3  }
0xe0: {  	s4 =	sadd.s32 $0x80, s4;
	[tilespmem:s7+$0x8000] =	vst.msk vm0, v5  }
0xe1: {  	v5 =	vld [tilespmem:s4+$0xFFFFFFC0];
	_ =	sdelay $0x1  }
0xe2: {  	s7 =	spop (v2sf)  }
0xe3: {  	s5 =	sadd.s32 s6, s7  }
0xe4: {  	p0 =	slt.s32 s5, $0x7F0;
	s6 =	smov.u32 s5  }
0xe5: {  	vm0 =	vge.f32 v5, v4;
	s6 =	simm.s32 @!p0 $0x7F0  }
0xe6: {  	v6 =	vmpcnt.ones.xlane vm0;
	[tilespmem:s6+$0x8000] =	vst.msk vm0, v5  }
0xe7: {  	v5 =	vld [tilespmem:s4+$0xFFFFFFD0]  }
0xe8: {  	(v2sf) =	vpush v6, $0x0;
	_ =	sdelay $0x3  }
0xe9: {  	vm9 =	vge.f32 v5, v4  }
0xea: {  	v57 =	vmpcnt.ones.xlane vm9;
	_ =	sdelay $0x1  }
0xeb: {  	(v2sf) =	vpush v57, $0x0;
	_ =	sdelay $0x7  }
0xec: {  	s9 =	spop (v2sf)  }
0xed: {  	s5 =	sadd.s32 s5, s9  }
0xee: {  	p0 =	slt.s32 s5, $0x7F0;
	s6 =	smov.u32 s5  }
0xef: {  	s6 =	simm.s32 @!p0 $0x7F0  }
0xf0: {  	[tilespmem:s6+$0x8000] =	vst.msk vm9, v5  }
0xf1: {  	v5 =	vld [tilespmem:s4+$0xFFFFFFE0];
	_ =	sdelay $0x1  }
0xf2: {  	s10 =	spop (v2sf)  }
0xf3: {  	s5 =	sadd.s32 s5, s10  }
0xf4: {  	p0 =	slt.s32 s5, $0x7F0;
	s6 =	smov.u32 s5  }
0xf5: {  	vm10 =	vge.f32 v5, v4;
	s6 =	simm.s32 @!p0 $0x7F0  }
0xf6: {  	v58 =	vmpcnt.ones.xlane vm10;
	[tilespmem:s6+$0x8000] =	vst.msk vm10, v5  }
0xf7: {  	v5 =	vld [tilespmem:s4+$0xFFFFFFF0]  }
0xf8: {  	(v2sf) =	vpush v58, $0x0;
	_ =	sdelay $0x3  }
0xf9: {  	vm11 =	vge.f32 v5, v4  }
0xfa: {  	v59 =	vmpcnt.ones.xlane vm11;
	_ =	sdelay $0x1  }
0xfb: {  	(v2sf) =	vpush v59, $0x0;
	_ =	sdelay $0x7  }
0xfc: {  	s11 =	spop (v2sf)  }
0xfd: {  	s5 =	sadd.s32 s5, s11  }
0xfe: {  	p0 =	slt.s32 s5, $0x7F0;
	s6 =	smov.u32 s5  }
0xff: {  	s6 =	simm.s32 @!p0 $0x7F0  }
0x100: {  	[tilespmem:s6+$0x8000] =	vst.msk vm11, v5  }
0x101: {  	v5 =	vld [tilespmem:s4+$0x0];
	_ =	sdelay $0x1  }
0x102: {  	s12 =	spop (v2sf)  }
0x103: {  	s5 =	sadd.s32 s5, s12  }
0x104: {  	p0 =	slt.s32 s5, $0x7F0;
	s6 =	smov.u32 s5  }
0x105: {  	vm12 =	vge.f32 v5, v4;
	s6 =	simm.s32 @!p0 $0x7F0  }
0x106: {  	v60 =	vmpcnt.ones.xlane vm12;
	[tilespmem:s6+$0x8000] =	vst.msk vm12, v5  }
0x107: {  	v5 =	vld [tilespmem:s4+$0x10]  }
0x108: {  	(v2sf) =	vpush v60, $0x0;
	_ =	sdelay $0x3  }
0x109: {  	vm13 =	vge.f32 v5, v4  }
0x10a: {  	v61 =	vmpcnt.ones.xlane vm13;
	_ =	sdelay $0x1  }
0x10b: {  	(v2sf) =	vpush v61, $0x0;
	_ =	sdelay $0x7  }
0x10c: {  	s13 =	spop (v2sf)  }
0x10d: {  	s5 =	sadd.s32 s5, s13  }
0x10e: {  	p0 =	slt.s32 s5, $0x7F0;
	s6 =	smov.u32 s5  }
0x10f: {  	s6 =	simm.s32 @!p0 $0x7F0  }
0x110: {  	[tilespmem:s6+$0x8000] =	vst.msk vm13, v5  }
0x111: {  	v5 =	vld [tilespmem:s4+$0x20];
	_ =	sdelay $0x1  }
0x112: {  	s14 =	spop (v2sf)  }
0x113: {  	s5 =	sadd.s32 s5, s14  }
0x114: {  	p0 =	slt.s32 s5, $0x7F0;
	s6 =	smov.u32 s5  }
0x115: {  	vm14 =	vge.f32 v5, v4;
	s6 =	simm.s32 @!p0 $0x7F0  }
0x116: {  	[tilespmem:s6+$0x8000] =	vst.msk vm14, v5  }
0x117: {  	v5 =	vld [tilespmem:s4+$0x30];
	_ =	sdelay $0x4  }
0x118: {  	v62 =	vmpcnt.ones.xlane vm14;
	vm15 =	vge.f32 v5, v4  }
0x119: {  	v4 =	vmpcnt.ones.xlane vm15  }
0x11a: {  	v0 =	vmax.f32 v0, v1;
	v63 =	vmax.f32 v2, v3;
	(v2sf) =	vpush v62, $0x0  }
0x11b: {  	v0 =	vmax.f32 v0, v63;
	(v2sf) =	vpush v4, $0x0  }
0x11c: {  	(v2sf) =	vpush v0, $0x0  }
0x11d: {  	(v2sf) =	vpush v0, $0x1  }
0x11e: {  	(v2sf) =	vpush v0, $0x2  }
0x11f: {  	(v2sf) =	vpush v0, $0x3  }
0x120: {  	(v2sf) =	vpush v0, $0x4  }
0x121: {  	(v2sf) =	vpush v0, $0x5  }
0x122: {  	(v2sf) =	vpush v0, $0x6  }
0x123: {  	(v2sf) =	vpush v0, $0x7  }
0x124: {  	(v2sf) =	vpush v0, $0x8  }
0x125: {  	(v2sf) =	vpush v0, $0x9  }
0x126: {  	(v2sf) =	vpush v0, $0xA  }
0x127: {  	(v2sf) =	vpush v0, $0xB  }
0x128: {  	(v2sf) =	vpush v0, $0xC  }
0x129: {  	s15 =	spop (v2sf);
	(v2sf) =	vpush v0, $0xD  }
0x12a: {  	s16 =	spop (v2sf);
	(v2sf) =	vpush v0, $0xE  }
0x12b: {  	s17 =	spop (v2sf);
	(v2sf) =	vpush v0, $0xF  }
0x12c: {  	s8 =	spop (v2sf)  }
0x12d: {  	s9 =	spop (v2sf);
	s7 =	smax.f32 s17, s8  }
0x12e: {  	s18 =	spop (v2sf);
	s7 =	smax.f32 s7, s9  }
0x12f: {  	s19 =	spop (v2sf);
	s7 =	smax.f32 s7, s18  }
0x130: {  	s20 =	spop (v2sf);
	s7 =	smax.f32 s7, s19  }
0x131: {  	s21 =	spop (v2sf);
	s7 =	smax.f32 s7, s20  }
0x132: {  	s22 =	spop (v2sf);
	s7 =	smax.f32 s7, s21  }
0x133: {  	s23 =	spop (v2sf);
	s7 =	smax.f32 s7, s22  }
0x134: {  	s24 =	spop (v2sf);
	s7 =	smax.f32 s7, s23  }
0x135: {  	s25 =	spop (v2sf);
	s7 =	smax.f32 s7, s24  }
0x136: {  	s26 =	spop (v2sf);
	s7 =	smax.f32 s7, s25  }
0x137: {  	s28 =	spop (v2sf);
	s7 =	smax.f32 s7, s26  }
0x138: {  	s29 =	spop (v2sf);
	s7 =	smax.f32 s7, s28  }
0x139: {  	s7 =	smax.f32 s7, s29;
	s30 =	spop (v2sf)  }
0x13a: {  	s7 =	smax.f32 s7, s30;
	s31 =	spop (v2sf)  }
0x13b: {  	s10 =	smov.u32 s3;
	s4 =	sadd.s32 s5, s15;
	s7 =	smax.f32 s7, s31  }
0x13c: {  	p1 =	slt.s32 s4, $0x7F0;
	s5 =	ssub.s32 $0x80000000, s7;
	p0 =	slt.s32 s7, $0x0  }
0x13d: {  	s8 =	smov.u32 s4;
	s4 =	sadd.s32 s4, s16;
	s7 =	smov.u32 @p0 s5  }
0x13e: {  	s8 =	simm.s32 @!p1 $0x7F0;
	p1 =	sgt.s32 s4, $0x1;
	s5 =	sadd.s32 $0x1, s7  }
0x13f: {  	s6 =	sxor.u32 $0x7FFFFFFF, s7;
	s7 =	smov.u32 s4;
	p0 =	slt.s32 s5, $0x0  }
0x140: {  	s15 =	simm.f32 $-1.000000000e+00;
	s7 =	simm.s32 @!p1 $0x1;
	s5 =	smov.u32 @p0 s6  }
0x141: {  	[tilespmem:s8+$0x8000] =	vst.msk vm15, v5;
	s13 =	scvt.s32.f32 s7;
	s6 =	simm.s32 $0x0;
	s12 =	smov.u32 s5  }
.LBB2_8:
0x142: {  	s7 =	ssub.s32 $0x80000000, s5  }
0x143: {  	p0 =	slt.s32 s5, $0x0;
	s9 =	smov.u32 s5;
	s8 =	ssub.s32 $0x80000000, s3  }
0x144: {  	p1 =	slt.s32 s3, $0x0;
	s11 =	smov.u32 s3;
	p2 =	sgt.u32 s6, $0xF  }
0x145: {  	s9 =	smov.u32 @p0 s7;
	s11 =	smov.u32 @p1 s8;
	p0 =	seq.s32 @!p2 s4, $0x40  }
0x146: {  	s14 =	ssub.s32 s9, s11;
	p0 =	por p2, p0  }
0x147: {  	p1 =	slt.s32 @!p0 s14, $0x2  }
0x148: {  	p0 =	por p0, p1  }
.Ltmp4:
0x149: {  	_ = 	snop;
	(pc) =	sbr.rel @p0 .LBB2_12-.Ltmp4, $1  }
0x14a: {  	_ =	sdelay $0x3  }
0x14b: {  	s8 =	sadd.s32 $0xC0800000, s13  }
0x14c: {  	s8 =	scvt.s32.f32 s8;
	_ =	sdelay $0x1  }
0x14d: {  	s8 =	smul.f32 $1.192092900e-07, s8;
	_ =	sdelay $0x1  }
0x14e: {  	s7 =	smov.u32 s10;
	s10 =	ssub.f32 s15, s8;
	_ =	sdelay $0x1  }
0x14f: {  	s23 =	sand.u32 $0x7FFFFFFF, s10  }
0x150: {  	p1 =	seq.f32 s12, s7;
	p0 =	slt.f32 s23, $9.999999970e-07  }
0x151: {  	_ = 	snop  }
0x152: {  	p0 =	por p1, p0  }
0x153: {  	s10 =	simm.s32 @p0 $0x3F800000  }
0x154: {  	s24 =	sand.u32 $0x7FFFFFFF, s10  }
0x155: {  	s25 =	ssub.s32 $0x7EF311C3, s24  }
0x156: {  	s16 =	smul.f32 s25, s24;
	_ =	sdelay $0x1  }
0x157: {  	s16 =	ssub.f32 $2.000000000e+00, s16;
	_ =	sdelay $0x1  }
0x158: {  	s15 =	smul.f32 s25, s16;
	_ =	sdelay $0x1  }
0x159: {  	s13 =	smul.f32 s15, s24;
	_ =	sdelay $0x1  }
0x15a: {  	s13 =	ssub.f32 $2.000000000e+00, s13  }
0x15b: {  	s28 =	ssub.f32 s12, s7  }
0x15c: {  	s26 =	ssub.f32 $6.000000000e+00, s8;
	s13 =	smul.f32 s13, s15  }
0x15d: {  	p1 =	slt.f32 s10, $0.0e+00  }
0x15e: {  	s29 =	smul.f32 s26, s28;
	s12 =	sxor.u32 $0x80000000, s13  }
0x15f: {  	s13 =	smov.u32 @p1 s12  }
0x160: {  	s10 =	smul.f32 s13, s29;
	_ =	sdelay $0x1  }
0x161: {  	s10 =	sadd.f32 s10, s7;
	_ =	sdelay $0x1  }
0x162: {  	s30 =	sshrl.u32 s14, $0x1;
	s13 =	ssub.s32 $0x80000000, s10;
	p1 =	slt.s32 s10, $0x0  }
0x163: {  	s31 =	simm.s32 $0x8040;
	s12 =	sadd.s32 s11, s30;
	s10 =	smov.u32 @p1 s13  }
0x164: {  	v0 =	vld [tilespmem:s31+$0x30];
	s11 =	sadd.s32 $0x1, s11;
	s10 =	smov.u32 @p0 s12  }
0x165: {  	v1 =	vld [tilespmem:s31+$0x20];
	p0 =	sgt.s32 s10, s11  }
0x166: {  	s9 =	sadd.s32 $0xFFFFFFFF, s9;
	v3 =	vld [tilespmem:s31+$0x10];
	s11 =	smov.u32 @p0 s10  }
0x167: {  	v2 =	vld [tilespmem:s31+$0x0];
	p0 =	slt.s32 s11, s9  }
0x168: {  	v6 =	vld [tilespmem:s31+$0xFFFFFFC0];
	s9 =	smov.u32 @p0 s11  }
0x169: {  	v4 =	vld [tilespmem:s31+$0xFFFFFFF0];
	s10 =	ssub.s32 $0x80000000, s9;
	p0 =	slt.s32 s9, $0x0  }
0x16a: {  	v11 =	vld [tilespmem:s31+$0xFFFFFFE0];
	s9 =	smov.u32 @p0 s10  }
0x16b: {  	v9 =	vld [tilespmem:s31+$0xFFFFFFD0];
	v5 =	vmov s9  }
0x16c: {  	v7 =	vimm.f32 $+Inf;
	v10 =	vimm.f32 $-Inf;
	v5 =	vbroadcast v5, $0x0  }
0x16d: {  	v8 =	vimm.s32 $0x0;
	v12 =	vmin.f32 v7, v6;
	v13 =	vmax.f32 v10, v6  }
0x16e: {  	vm1 =	vge.f32 v1, v5;
	vm0 =	vge.f32 v0, v5;
	vm4 =	vge.f32 v4, v5  }
0x16f: {  	vm3 =	vge.f32 v2, v5;
	vm2 =	vge.f32 v3, v5;
	vm6 =	vge.f32 v6, v5  }
0x170: {  	vm5 =	vge.f32 v9, v5;
	vm7 =	vge.f32 v11, v5;
	v6 =	vmpcnt.ones.xlane vm0  }
0x171: {  	v12 =	vsel vm6, v12, v7;
	v10 =	vsel vm6, v10, v13;
	v7 =	vmpcnt.ones.xlane vm1  }
0x172: {  	v13 =	vmin.f32 v12, v9;
	v14 =	vmax.f32 v10, v9;
	v9 =	vmpcnt.ones.xlane vm2  }
0x173: {  	v12 =	vsel vm5, v13, v12;
	v15 =	vsel vm5, v10, v14;
	v10 =	vmpcnt.ones.xlane vm3  }
0x174: {  	v13 =	vmpcnt.ones.xlane vm7;
	v14 =	vmin.f32 v12, v11;
	v16 =	vmax.f32 v15, v11  }
0x175: {  	s10 =	simm.s32 $0x80C0;
	s9 =	simm.s32 $0x0;
	v11 =	vmpcnt.ones.xlane vm4;
	v14 =	vsel vm7, v14, v12;
	v12 =	vsel vm7, v15, v16  }
.LBB2_10:
0x176: {  	v15 =	vld [tilespmem:s10+$0x30];
	v16 =	vmpcnt.ones.xlane vm6;
	v17 =	vmin.f32 v14, v4;
	v4 =	vmax.f32 v12, v4  }
0x177: {  	v19 =	vmpcnt.ones.xlane vm5;
	v18 =	vld [tilespmem:s10+$0x20];
	v14 =	vsel vm4, v17, v14;
	v4 =	vsel vm4, v12, v4  }
0x178: {  	v12 =	vld [tilespmem:s10+$0x10];
	v8 =	vadd.s32 v8, v16;
	v16 =	vmin.f32 v14, v2;
	v17 =	vmax.f32 v4, v2  }
0x179: {  	v2 =	vld [tilespmem:s10+$0x0];
	v8 =	vadd.s32 v19, v8;
	v14 =	vsel vm3, v16, v14;
	v16 =	vsel vm3, v4, v17  }
0x17a: {  	v4 =	vld [tilespmem:s10+$0xFFFFFFF0];
	v8 =	vadd.s32 v13, v8;
	v13 =	vmin.f32 v14, v3;
	v3 =	vmax.f32 v16, v3  }
0x17b: {  	v17 =	vld [tilespmem:s10+$0xFFFFFFE0];
	v8 =	vadd.s32 v11, v8;
	v11 =	vsel vm2, v13, v14;
	v19 =	vsel vm2, v16, v3  }
0x17c: {  	v13 =	vld [tilespmem:s10+$0xFFFFFFD0];
	v8 =	vadd.s32 v10, v8;
	v10 =	vmin.f32 v11, v1;
	v14 =	vmax.f32 v19, v1;
	v1 =	vmovc v18  }
0x17d: {  	v16 =	vld [tilespmem:s10+$0xFFFFFFC0];
	v8 =	vadd.s32 v9, v8;
	v9 =	vsel vm1, v10, v11;
	v10 =	vsel vm1, v19, v14;
	v3 =	vmovc v12  }
0x17e: {  	s9 =	sadd.s32 $0x8, s9;
	v7 =	vadd.s32 v7, v8;
	v11 =	vmin.f32 v9, v0;
	v12 =	vmax.f32 v10, v0;
	v0 =	vmovc v15  }
0x17f: {  	p0 =	slt.u32 s9, $0x78;
	v8 =	vadd.s32 v6, v7;
	v7 =	vsel vm0, v11, v9;
	v9 =	vsel vm0, v10, v12  }
0x180: {  	vm1 =	vge.f32 v1, v5;
	vm0 =	vge.f32 v0, v5  }
0x181: {  	vm3 =	vge.f32 v2, v5;
	vm2 =	vge.f32 v3, v5;
	vm4 =	vge.f32 v4, v5  }
0x182: {  	vm7 =	vge.f32 v17, v5;
	vm5 =	vge.f32 v13, v5;
	vm6 =	vge.f32 v16, v5  }
0x183: {  	v6 =	vmpcnt.ones.xlane vm0;
	v10 =	vmin.f32 v7, v16;
	v11 =	vmax.f32 v9, v16  }
.Ltmp5:
0x184: {  	v10 =	vsel vm6, v10, v7;
	v11 =	vsel vm6, v9, v11;
	v7 =	vmpcnt.ones.xlane vm1;
	(pc) =	sbr.rel @p0 .LBB2_10-.Ltmp5, $4  }
0x185: {  	v9 =	vmpcnt.ones.xlane vm2;
	v12 =	vmin.f32 v10, v13;
	v13 =	vmax.f32 v11, v13  }
0x186: {  	v12 =	vsel vm5, v12, v10;
	v15 =	vsel vm5, v11, v13;
	v10 =	vmpcnt.ones.xlane vm3  }
0x187: {  	v11 =	vmpcnt.ones.xlane vm4;
	v14 =	vmin.f32 v12, v17;
	v16 =	vmax.f32 v15, v17  }
0x188: {  	s10 =	sadd.s32 $0x80, s10;
	v13 =	vmpcnt.ones.xlane vm7;
	v14 =	vsel vm7, v14, v12;
	v12 =	vsel vm7, v15, v16  }
0x189: {  	v5 =	vmpcnt.ones.xlane vm6  }
0x18a: {  	v15 =	vmin.f32 v14, v4;
	v16 =	vmpcnt.ones.xlane vm5  }
0x18b: {  	v14 =	vsel vm4, v15, v14;
	v5 =	vadd.s32 v8, v5  }
0x18c: {  	v54 =	vmin.f32 v14, v2;
	v5 =	vadd.s32 v16, v5  }
0x18d: {  	v8 =	vsel vm3, v54, v14;
	v5 =	vadd.s32 v13, v5  }
0x18e: {  	v55 =	vmin.f32 v8, v3;
	v5 =	vadd.s32 v11, v5  }
0x18f: {  	v8 =	vsel vm2, v55, v8;
	v5 =	vadd.s32 v10, v5  }
0x190: {  	v56 =	vmin.f32 v8, v1;
	v5 =	vadd.s32 v9, v5  }
0x191: {  	v8 =	vsel vm1, v56, v8;
	v5 =	vadd.s32 v7, v5  }
0x192: {  	v57 =	vmin.f32 v8, v0;
	v5 =	vadd.s32 v6, v5  }
0x193: {  	v58 =	vsel vm0, v57, v8;
	(v2sf) =	vpush v5, $0x0  }
0x194: {  	(v2sf) =	vpush v58, $0x0  }
0x195: {  	(v2sf) =	vpush v58, $0x1  }
0x196: {  	(v2sf) =	vpush v58, $0x2  }
0x197: {  	(v2sf) =	vpush v58, $0x3  }
0x198: {  	(v2sf) =	vpush v58, $0x4  }
0x199: {  	(v2sf) =	vpush v58, $0x5  }
0x19a: {  	v59 =	vmax.f32 v12, v4;
	(v2sf) =	vpush v58, $0x6  }
0x19b: {  	v4 =	vsel vm4, v12, v59;
	(v2sf) =	vpush v58, $0x7  }
0x19c: {  	v60 =	vmax.f32 v4, v2;
	(v2sf) =	vpush v58, $0x8  }
0x19d: {  	v2 =	vsel vm3, v4, v60;
	(v2sf) =	vpush v58, $0x9  }
0x19e: {  	v61 =	vmax.f32 v2, v3;
	(v2sf) =	vpush v58, $0xA  }
0x19f: {  	v2 =	vsel vm2, v2, v61;
	(v2sf) =	vpush v58, $0xB  }
0x1a0: {  	v62 =	vmax.f32 v2, v1;
	(v2sf) =	vpush v58, $0xC  }
0x1a1: {  	v1 =	vsel vm1, v2, v62;
	(v2sf) =	vpush v58, $0xD  }
0x1a2: {  	v63 =	vmax.f32 v1, v0;
	s9 =	spop (v2sf);
	(v2sf) =	vpush v58, $0xE  }
0x1a3: {  	v0 =	vsel vm0, v1, v63;
	s10 =	spop (v2sf);
	(v2sf) =	vpush v58, $0xF  }
0x1a4: {  	s11 =	spop (v2sf);
	(v2sf) =	vpush v0, $0x0  }
0x1a5: {  	s12 =	spop (v2sf);
	(v2sf) =	vpush v0, $0x1  }
0x1a6: {  	s13 =	spop (v2sf);
	(v2sf) =	vpush v0, $0x2  }
0x1a7: {  	s10 =	smin.f32 s10, s11;
	s14 =	spop (v2sf);
	(v2sf) =	vpush v0, $0x3  }
0x1a8: {  	s10 =	smin.f32 s10, s12;
	s15 =	spop (v2sf);
	(v2sf) =	vpush v0, $0x4  }
0x1a9: {  	s10 =	smin.f32 s10, s13;
	s16 =	spop (v2sf);
	(v2sf) =	vpush v0, $0x5  }
0x1aa: {  	s10 =	smin.f32 s10, s14;
	s23 =	spop (v2sf);
	(v2sf) =	vpush v0, $0x6  }
0x1ab: {  	s10 =	smin.f32 s10, s15;
	s24 =	spop (v2sf);
	(v2sf) =	vpush v0, $0x7  }
0x1ac: {  	s10 =	smin.f32 s10, s16;
	s25 =	spop (v2sf);
	(v2sf) =	vpush v0, $0x8  }
0x1ad: {  	s10 =	smin.f32 s10, s23;
	s26 =	spop (v2sf);
	(v2sf) =	vpush v0, $0x9  }
0x1ae: {  	s10 =	smin.f32 s10, s24;
	s28 =	spop (v2sf);
	(v2sf) =	vpush v0, $0xA  }
0x1af: {  	s10 =	smin.f32 s10, s25;
	s16 =	spop (v2sf);
	(v2sf) =	vpush v0, $0xB  }
0x1b0: {  	s10 =	smin.f32 s10, s26;
	s11 =	spop (v2sf);
	(v2sf) =	vpush v0, $0xC  }
0x1b1: {  	s10 =	smin.f32 s10, s28;
	s12 =	spop (v2sf);
	(v2sf) =	vpush v0, $0xD  }
0x1b2: {  	s16 =	smin.f32 s10, s16;
	s13 =	spop (v2sf);
	(v2sf) =	vpush v0, $0xE  }
0x1b3: {  	s11 =	smin.f32 s16, s11;
	s29 =	spop (v2sf);
	(v2sf) =	vpush v0, $0xF  }
0x1b4: {  	s11 =	smin.f32 s11, s12;
	s30 =	spop (v2sf)  }
0x1b5: {  	s14 =	smax.f32 s29, s30;
	s31 =	spop (v2sf)  }
0x1b6: {  	s14 =	smax.f32 s14, s31;
	s17 =	spop (v2sf)  }
0x1b7: {  	s14 =	smax.f32 s14, s17;
	s18 =	spop (v2sf)  }
0x1b8: {  	s14 =	smax.f32 s14, s18;
	s19 =	spop (v2sf)  }
0x1b9: {  	s14 =	smax.f32 s14, s19;
	s20 =	spop (v2sf)  }
0x1ba: {  	s14 =	smax.f32 s14, s20;
	s21 =	spop (v2sf)  }
0x1bb: {  	s14 =	smax.f32 s14, s21;
	s22 =	spop (v2sf)  }
0x1bc: {  	s14 =	smax.f32 s14, s22;
	s23 =	spop (v2sf)  }
0x1bd: {  	s14 =	smax.f32 s14, s23;
	s24 =	spop (v2sf)  }
0x1be: {  	s14 =	smax.f32 s14, s24;
	s25 =	spop (v2sf)  }
0x1bf: {  	s14 =	smax.f32 s14, s25;
	s26 =	spop (v2sf)  }
0x1c0: {  	s6 =	sadd.s32 $0x1, s6;
	s14 =	smax.f32 s14, s26;
	s28 =	spop (v2sf)  }
0x1c1: {  	p1 =	sgt.s32 s9, $0x1;
	s14 =	smax.f32 s14, s28;
	s29 =	spop (v2sf)  }
0x1c2: {  	s12 =	smov.u32 s9;
	s14 =	smax.f32 s14, s29;
	s30 =	spop (v2sf)  }
0x1c3: {  	s11 =	smin.f32 s11, s13;
	s12 =	simm.s32 @!p1 $0x1;
	s10 =	smax.f32 s14, s30  }
0x1c4: {  	s14 =	ssub.s32 $0x80000000, s10;
	p0 =	slt.s32 s10, $0x0;
	s15 =	smov.u32 s10  }
0x1c5: {  	p1 =	sgt.s32 s9, $0x3F;
	s12 =	scvt.s32.f32 s12;
	s15 =	smov.u32 @p0 s14  }
.Ltmp6:
0x1c6: {  	s3 =	smov.u32 @p1 s11;
	s14 =	sadd.s32 $0x1, s15;
	(pc) =	sbr.rel .LBB2_8-.Ltmp6, $4  }
0x1c7: {  	s31 =	sadd.s32 $0x1, s9;
	s13 =	sxor.u32 $0x7FFFFFFF, s15;
	p0 =	slt.s32 s14, $0x0  }
0x1c8: {  	s4 =	smov.u32 @p1 s9;
	s14 =	smov.u32 @p0 s13;
	s13 =	scvt.s32.f32 s31  }
0x1c9: {  	s10 =	smov.u32 @p1 s11;
	s15 =	smov.u32 s8;
	s14 =	smov.u32 @p1 s5  }
0x1ca: {  	s13 =	smov.u32 @p1 s12;
	s5 =	smov.u32 s14;
	s12 =	smov.u32 s7  }
.LBB2_12:
0x1cb: {  	s4 =	simm.s32 $0x40  }
0x1cc: {  	v1 =	vld [tilespmem:s4+$0xFFFFFFC0]  }
0x1cd: {  	v6 =	vld [tilespmem:s4+$0xFFFFFFD0]  }
0x1ce: {  	v5 =	vld [tilespmem:s4+$0xFFFFFFE0]  }
0x1cf: {  	v4 =	vld [tilespmem:s4+$0x0]  }
0x1d0: {  	v0 =	vmov s3;
	v2 =	vld [tilespmem:s4+$0x10]  }
0x1d1: {  	v3 =	vld [tilespmem:s4+$0x20];
	vm0 =	vge.f32 v1, v0  }
0x1d2: {  	v7 =	vnsel vm0, $0x0, v1;
	vm0 =	vge.f32 v6, v0;
	v1 =	vld [tilespmem:s4+$0x30]  }
0x1d3: {  	s3 =	simm.s32 $0x0;
	s5 =	simm.s32 $0xC0;
	[tilespmem:s4+$0xFFFFFFC0] =	vst v7;
	v7 =	vnsel vm0, $0x0, v6;
	vm0 =	vge.f32 v5, v0;
	v6 =	vld [tilespmem:s4+$0xFFFFFFF0]  }
.LBB2_13:
0x1d4: {  	v8 =	vld [tilespmem:s5+$0xFFFFFFC0];
	[tilespmem:s4+$0xFFFFFFD0] =	vst v7;
	v5 =	vnsel vm0, $0x0, v5;
	vm0 =	vge.f32 v4, v0  }
0x1d5: {  	s3 =	sadd.s32 $0x8, s3;
	v7 =	vld [tilespmem:s5+$0xFFFFFFD0];
	[tilespmem:s4+$0xFFFFFFE0] =	vst v5;
	v4 =	vnsel vm0, $0x0, v4;
	vm0 =	vge.f32 v2, v0  }
0x1d6: {  	p0 =	slt.u32 s3, $0x7F8;
	v5 =	vld [tilespmem:s5+$0xFFFFFFE0];
	[tilespmem:s4+$0x0] =	vst v4;
	v2 =	vnsel vm0, $0x0, v2;
	vm0 =	vge.f32 v3, v0  }
.Ltmp7:
0x1d7: {  	v4 =	vld [tilespmem:s5+$0x0];
	[tilespmem:s4+$0x10] =	vst v2;
	v3 =	vnsel vm0, $0x0, v3;
	vm0 =	vge.f32 v1, v0;
	(pc) =	sbr.rel @p0 .LBB2_13-.Ltmp7, $4  }
0x1d8: {  	v2 =	vld [tilespmem:s5+$0x10];
	vm1 =	vge.f32 v6, v0;
	[tilespmem:s4+$0x20] =	vst v3;
	v1 =	vnsel vm0, $0x0, v1  }
0x1d9: {  	vm0 =	vge.f32 v8, v0;
	v3 =	vld [tilespmem:s5+$0x20];
	v6 =	vnsel vm1, $0x0, v6;
	[tilespmem:s4+$0x30] =	vst v1  }
0x1da: {  	v8 =	vnsel vm0, $0x0, v8;
	vm0 =	vge.f32 v7, v0;
	v1 =	vld [tilespmem:s5+$0x30];
	[tilespmem:s4+$0xFFFFFFF0] =	vst v6;
	s4 =	smov.u32 s5  }
0x1db: {  	s5 =	sadd.s32 $0x80, s5;
	[tilespmem:s4+$0xFFFFFFC0] =	vst v8;
	v7 =	vnsel vm0, $0x0, v7;
	vm0 =	vge.f32 v5, v0;
	v6 =	vld [tilespmem:s4+$0xFFFFFFF0]  }
0x1dc: {  	[tilespmem:s4+$0xFFFFFFD0] =	vst v7;
	v5 =	vnsel vm0, $0x0, v5;
	vm12 =	vge.f32 v4, v0  }
0x1dd: {  	[tilespmem:s4+$0xFFFFFFE0] =	vst v5;
	v4 =	vnsel vm12, $0x0, v4;
	vm13 =	vge.f32 v2, v0  }
0x1de: {  	[tilespmem:s4+$0x0] =	vst v4;
	v2 =	vnsel vm13, $0x0, v2;
	vm14 =	vge.f32 v3, v0  }
0x1df: {  	[tilespmem:s4+$0x10] =	vst v2;
	v61 =	vnsel vm14, $0x0, v3;
	vm15 =	vge.f32 v1, v0  }
0x1e0: {  	vm1 =	vge.f32 v6, v0;
	[tilespmem:s4+$0x20] =	vst v61;
	v62 =	vnsel vm15, $0x0, v1  }
0x1e1: {  	s3 =	simm.s32 $0x80;
	v63 =	vnsel vm1, $0x0, v6;
	[tilespmem:s4+$0x30] =	vst v62  }
0x1e2: {  	s30 =	simm.s32 $0x400;
	s5 =	simm.s32 $0x0;
	s31 =	simm.s32 $0x1;
	[tilespmem:s4+$0xFFFFFFF0] =	vst v63  }
0x1e3: {  	[hbm4b:s2+s3] =	stream.strided.scatter [tilespmem:s5], [sflag:$0x1], $0x8000, s30, s3, $0x38;
	[tilespmem:$0x8800] =	vst v63  }
0x1e4: {  	_ =	swait.ge [sflag:s31], $0x8000  }
0x1e5: {  	[sflag:s31] =	ssyncset.done $0x0  }
0x1e6: {  	[sflag:s31] =	ssyncadd.s32 $0xFFFF8000  }
.LBB2_15:
0x1e7: {  	_ =	sfence.sel $0x180000  }
0x1e8: {  	[bflag:$0x0] =	sbarrier.arrive $0xFFFF  }
0x1e9: {  	p0 =	sne.s32 s1, $0x0;
	_ =	strace $0x90000047  }
0x1ea: {  	s0 =	sadd.s32 @!p0 $0x100000, s0;
	[bflag:$0x2] =	sbarrier.arrive $0xFFFF  }
0x1eb: {  	[sflag:s0] =	ssyncadd.tile.s32 @!p0 $0x1;
	_ =	shalt  }
.Lfunc_end2:
_tile_overlayer_lowered:
.L_overlay_start_2:
0x1ec: {  	(tag) =	ssettag $0x2  }
0x1ed: {  	s0 =	rddreg [dreg:$0x0];
	s2 =	stileid.u32  }
0x1ee: {  	s1 =	rddreg [dreg:$0x1];
	p0 =	sne.s32 s2, $0x0  }
0x1ef: {  	s3 =	rddreg [dreg:$0x2];
	[bflag:$0x3] =	sbarrier.arrive $0xFFFF;
	s2 =	simm.s32 @!p0 $0x1C01  }
0x1f0: {  	[timem:s3], [sflag:s2] =	dma.local @!p0 [hbm:s0], s1  }
0x1f1: {  	s0 =	simm.s32 @!p0 $0x1  }
0x1f2: {  	_ =	swait.ge @!p0 [sflag:s0], s1  }
0x1f3: {  	s1 =	ssub.s32 @!p0 $0x0, s1;
	[sflag:s0] =	ssyncset.done @!p0 $0x0  }
0x1f4: {  	[sflag:s0] =	ssyncadd.s32 @!p0 s1  }
0x1f5: {  	[bflag:$0x3] =	sbarrier.arrive $0xFFFF  }
0x1f6: {  	_ =	shalt  }

</sc_bundles>
